<compile_context>
chip_gen: v7x
topology: tpu7x:2x2x1
jax: 0.10.2.dev20260603
libtpu: 0.0.44.dev20260713+nightly
codegen_flags: <defaults>
</compile_context>

<pallas_src>
import functools
import jax
import jax.numpy as jnp
from jax import lax
from jax.experimental import pallas as pl
from jax.experimental.pallas import tpu as pltpu, tpu_sc as plsc

_CHUNK = 4
_NCHUNK = 32


def _make_sc_kernel():
    mesh = plsc.VectorSubcoreMesh(core_axis_name="c", subcore_axis_name="s")

    @functools.partial(
        pl.kernel,
        mesh=mesh,
        out_type=jax.ShapeDtypeStruct((4, 1024, 12, 513), jnp.float32),
        scratch_types=[
            pltpu.VMEM((_CHUNK, 12, 513), jnp.float32),
            pltpu.VMEM((_CHUNK, 12, 513), jnp.float32),
            pltpu.VMEM((12, 8, 255), jnp.float32),
            pltpu.SemaphoreType.DMA,
            pltpu.SemaphoreType.DMA,
            pltpu.SemaphoreType.DMA,
            pltpu.SemaphoreType.DMA,
            pltpu.SemaphoreType.DMA,
        ],
    )
    def k(t8_hbm, g3_hbm, g3tail_hbm, out_hbm, vbuf0, vbuf1, gbuf,
          isem0, isem1, osem0, osem1, gsem):
        wid = lax.axis_index("s") * 2 + lax.axis_index("c")
        b = wid // 8
        jt = wid % 8
        w0 = 32 * jt
        bufs = (vbuf0, vbuf1)
        isems = (isem0, isem1)
        osems = (osem0, osem1)

        def row_of(i):
            p2 = i // 8
            c = i % 8
            return jnp.where(c < 6,
                             256 + 96 * jt + _CHUNK * (6 * p2 + c),
                             w0 + 8 * p2 + _CHUNK * (c - 6))

        def in_cp(i, slot):
            return pltpu.make_async_copy(
                t8_hbm.at[b, pl.ds(row_of(i), _CHUNK)], bufs[slot],
                isems[slot])

        def out_cp(i, slot):
            return pltpu.make_async_copy(
                bufs[slot], out_hbm.at[b, pl.ds(row_of(i), _CHUNK)],
                osems[slot])

        def stage_norm(srow):
            cps = [
                pltpu.make_async_copy(
                    g3_hbm.at[b * 12 + h, pl.ds(srow, 8)], gbuf.at[h], gsem)
                for h in range(12)
            ]
            for c in cps:
                c.start()
            for c in cps:
                c.wait()

        def stage_tail():
            cps = [
                pltpu.make_async_copy(
                    g3tail_hbm.at[b * 12 + h], gbuf.at[h], gsem)
                for h in range(12)
            ]
            for c in cps:
                c.start()
            for c in cps:
                c.wait()

        lane = lax.iota(jnp.int32, 16)
        k0_mask = lane > 0
        shift_idx = jnp.maximum(lane - 1, 0)

        def add_token(vb, s, grow):
            def h_body(h, __):
                a = gbuf[h, grow, pl.ds(0, 16)]
                gv = a.at[shift_idx].get(mode="promise_in_bounds")
                vb[s, h, pl.ds(0, 16)] += jnp.where(k0_mask, gv, 0.0)
                for g in range(1, 16):
                    vb[s, h, pl.ds(16 * g, 16)] += gbuf[h, grow, pl.ds(16 * g - 1, 16)]
                return __

            return lax.fori_loop(0, 12, h_body, 0)

        in_cp(0, 0).start()

        @pl.when(jt > 0)
        def _():
            stage_norm(pl.multiple_of(w0 - 8, 8))

        def body(p2, carry):
            T = w0 + 8 * p2
            is_tail = T == 248
            src0 = jnp.where(is_tail, 247, T)
            for c in range(8):
                i = 8 * p2 + c
                slot = c % 2
                in_cp(i, slot).wait()
                vb = bufs[slot]

                if c == 6:
                    @pl.when(T > 0)
                    def _():
                        add_token(vb, 0, 7)

                    @pl.when(jnp.logical_not(is_tail))
                    def _():
                        stage_norm(pl.multiple_of(T, 8))

                    @pl.when(is_tail)
                    def _():
                        stage_tail()

                    lax.fori_loop(
                        1, _CHUNK,
                        lambda s, _: add_token(vb, s, T + s - 1 - src0), 0)
                elif c == 7:
                    lax.fori_loop(
                        0, _CHUNK,
                        lambda s, _: add_token(vb, s, T + 4 + s - 1 - src0), 0)

                @pl.when(i >= 1)
                def _():
                    out_cp(i - 1, 1 - slot).wait()

                @pl.when(i + 1 < _NCHUNK)
                def _():
                    in_cp(i + 1, 1 - slot).start()

                out_cp(i, slot).start()
            return carry

        lax.fori_loop(0, _NCHUNK // 8, body, 0)
        out_cp(_NCHUNK - 1, 1).wait()

    return k


_sc_kernel = _make_sc_kernel()


def kernel(transpose_8, getitem_3, view_4):
    del view_4
    g3_tail = getitem_3[:, 247:, :]
    return (_sc_kernel(transpose_8, getitem_3, g3_tail),)

# --- scband reference (transcript-rebuilt; emitter-appended) ---
"""Pipeline reference for scband-my-model-61933428415212 (READ-ONLY COPY).

The authoritative reference and input builder live on the scoring server;
editing this copy changes nothing except your own understanding.
"""

import jax, jax.numpy as jnp
import numpy as np


def setup_inputs(seed: int = 0) -> dict:
    key = jax.random.key(seed)
    k1, k2, k3 = jax.random.split(key, 3)
    transpose_8 = jax.random.normal(k1, (4, 1024, 12, 513), dtype=jnp.float32)
    getitem_3 = jax.random.normal(k2, (48, 255, 255), dtype=jnp.float32)
    view_4 = jax.random.normal(k3, (48, 256, 513), dtype=jnp.float32)
    return {"transpose_8": transpose_8, "getitem_3": getitem_3, "view_4": view_4}


def reference(transpose_8, getitem_3, view_4):
    # div = 1024 // 256 = 4; sub = 3; add = 4
    div = 1024 // 256
    add = (div - 1) + 1
    new_zeros = jnp.zeros((48, add, 256, 513), dtype=view_4.dtype)
    # new_zeros[:, 0, 1:256, 1:256] = getitem_3  (scatter-overwrite into diagonal window buffer)
    new_zeros = new_zeros.at[:, 0, 1:256, 1:256].set(getitem_3)
    view_5 = new_zeros.reshape(4, 12, 1024, 513)
    transpose_5 = jnp.transpose(view_5, (0, 2, 1, 3))
    # in-place add on transposed view; functionally transpose_5 + transpose_8
    transpose_5 = transpose_5 + transpose_8
    return (transpose_5,)

if __name__ == "__main__":
    import jax
    _d = setup_inputs()
    print(jax.jit(kernel)(*tuple(_d.values())))

</pallas_src>

<mosaic_0001>
#map = affine_map<(d0, d1) -> (0, 0, 0, 0)>
#map1 = affine_map<(d0, d1) -> (0, 0, 0)>
module attributes {stable_mosaic.version = 14 : i64} {
  func.func @k(%arg0: i32, %arg1: i32, %arg2: memref<4x1024x12x513xf32, #tpu.memory_space<hbm>>, %arg3: memref<48x255x255xf32, #tpu.memory_space<hbm>>, %arg4: memref<48x8x255xf32, #tpu.memory_space<hbm>>, %arg5: memref<4x1024x12x513xf32, #tpu.memory_space<hbm>>, %arg6: memref<4x12x513xf32, #tpu.memory_space<vmem>>, %arg7: memref<4x12x513xf32, #tpu.memory_space<vmem>>, %arg8: memref<12x8x255xf32, #tpu.memory_space<vmem>>, %arg9: memref<!tpu.dma_semaphore, #tpu.memory_space<semaphore_mem>>, %arg10: memref<!tpu.dma_semaphore, #tpu.memory_space<semaphore_mem>>, %arg11: memref<!tpu.dma_semaphore, #tpu.memory_space<semaphore_mem>>, %arg12: memref<!tpu.dma_semaphore, #tpu.memory_space<semaphore_mem>>, %arg13: memref<!tpu.dma_semaphore, #tpu.memory_space<semaphore_mem>>) attributes {dimension_semantics = [#tpu.dimension_semantics<core_parallel>, #tpu.dimension_semantics<subcore_parallel>], iteration_bounds = array<i64: 2, 16>, scalar_prefetch = 0 : i64, scratch_operands = 8 : i64, tpu.core_type = #tpu.core_type<sc_vector_subcore>, window_params = [{transform_indices = #map}, {transform_indices = #map1}, {transform_indices = #map1}, {transform_indices = #map}]} {
    %mul3A = arith.constant 2 : i32
    %mul3A_0 = arith.muli %arg1, %mul3A : i32
    %add3A = arith.addi %mul3A_0, %arg0 : i32
    %jit3A = arith.constant 8 : i32
    %div3A = arith.divsi %add3A, %jit3A : i32
    %sign3A = arith.constant 0 : i32
    %sign3A_1 = arith.cmpi sgt, %add3A, %sign3A : i32
    %sign3A_2 = arith.extui %sign3A_1 : i1 to i32
    %sign3A_3 = arith.constant 0 : i32
    %sign3A_4 = arith.cmpi slt, %add3A, %sign3A_3 : i32
    %sign3A_5 = arith.extui %sign3A_4 : i1 to i32
    %sign3A_6 = arith.subi %sign3A_2, %sign3A_5 : i32
    %sign3A_7 = arith.constant 0 : i32
    %sign3A_8 = arith.cmpi sgt, %jit3A, %sign3A_7 : i32
    %sign3A_9 = arith.extui %sign3A_8 : i1 to i32
    %sign3A_10 = arith.constant 0 : i32
    %sign3A_11 = arith.cmpi slt, %jit3A, %sign3A_10 : i32
    %sign3A_12 = arith.extui %sign3A_11 : i1 to i32
    %sign3A_13 = arith.subi %sign3A_9, %sign3A_12 : i32
    %ne3A = arith.cmpi ne, %sign3A_6, %sign3A_13 : i32
    %rem3A = arith.remsi %add3A, %jit3A : i32
    %ne3A_14 = arith.constant 0 : i32
    %ne3A_15 = arith.cmpi ne, %rem3A, %ne3A_14 : i32
    %and3A = arith.andi %ne3A, %ne3A_15 : i1
    %sub3A = arith.constant 1 : i32
    %sub3A_16 = arith.subi %div3A, %sub3A : i32
    %select_n3A = arith.select %and3A, %sub3A_16, %div3A : i32
    %jit3A_17 = arith.constant 8 : i32
    %eq3A = arith.constant 0 : i32
    %eq3A_18 = arith.cmpi eq, %jit3A_17, %eq3A : i32
    %jit3A_19 = arith.constant 1 : i32
    %select_n3A_20 = arith.select %eq3A_18, %jit3A_19, %jit3A_17 : i32
    %rem3A_21 = arith.remsi %add3A, %select_n3A_20 : i32
    %ne3A_22 = arith.constant 0 : i32
    %ne3A_23 = arith.cmpi ne, %rem3A_21, %ne3A_22 : i32
    %lt3A = arith.constant 0 : i32
    %lt3A_24 = arith.cmpi slt, %rem3A_21, %lt3A : i32
    %lt3A_25 = arith.constant 0 : i32
    %lt3A_26 = arith.cmpi slt, %select_n3A_20, %lt3A_25 : i32
    %ne3A_27 = arith.xori %lt3A_24, %lt3A_26 : i1
    %and3A_28 = arith.andi %ne3A_27, %ne3A_23 : i1
    %add3A_29 = arith.addi %rem3A_21, %select_n3A_20 : i32
    %select_n3A_30 = arith.select %and3A_28, %add3A_29, %rem3A_21 : i32
    %mul3A_31 = arith.constant 32 : i32
    %mul3A_32 = arith.muli %mul3A_31, %select_n3A_30 : i32
    %iota3A = tpu.iota {dimensions = array<i32: 0>} : vector<16xi32>
    %gt3A = arith.constant 0 : i32
    %gt3A_33 = vector.broadcast %gt3A : i32 to vector<16xi32>
    %gt3A_34 = arith.cmpi sgt, %iota3A, %gt3A_33 : vector<16xi32>
    %sub3A_35 = arith.constant 1 : i32
    %sub3A_36 = vector.broadcast %sub3A_35 : i32 to vector<16xi32>
    %sub3A_37 = arith.subi %iota3A, %sub3A_36 : vector<16xi32>
    %max3A = arith.constant 0 : i32
    %max3A_38 = vector.broadcast %max3A : i32 to vector<16xi32>
    %max3A_39 = arith.maxsi %sub3A_37, %max3A_38 : vector<16xi32>
    %mul3A_40 = arith.constant 96 : i32
    %mul3A_41 = arith.muli %mul3A_40, %select_n3A_30 : i32
    %add3A_42 = arith.constant 256 : i32
    %add3A_43 = arith.addi %add3A_42, %mul3A_41 : i32
    %add3A_44 = arith.constant 0 : i32
    %add3A_45 = arith.addi %add3A_43, %add3A_44 : i32
    %add3A_46 = arith.constant 0 : i32
    %add3A_47 = arith.addi %mul3A_32, %add3A_46 : i32
    %add3A_48 = arith.constant -24 : i32
    %add3A_49 = arith.addi %add3A_47, %add3A_48 : i32
    %jit3A_50 = arith.constant true
    %select_n3A_51 = arith.select %jit3A_50, %add3A_45, %add3A_49 : i32
    %dma_start3A = arith.constant 0 : i32
    %dma_start3A_52 = arith.constant 0 : i32
    %dma_start3A_53 = tpu.memref_slice %arg2[%select_n3A, %select_n3A_51, %dma_start3A, %dma_start3A_52] : memref<4x1024x12x513xf32, #tpu.memory_space<hbm>> -> memref<1x4x12x513xf32, #tpu.memory_space<hbm>>
    %dma_start3A_54 = tpu.memref_squeeze %dma_start3A_53 : memref<1x4x12x513xf32, #tpu.memory_space<hbm>> -> memref<4x12x513xf32, #tpu.memory_space<hbm>>
    %dma_start3A_55 = arith.constant 0 : i32
    %dma_start3A_56 = arith.constant 0 : i32
    %dma_start3A_57 = tpu.memref_slice %arg2[%select_n3A, %select_n3A_51, %dma_start3A_55, %dma_start3A_56] : memref<4x1024x12x513xf32, #tpu.memory_space<hbm>> -> memref<1x4x12x513xf32, #tpu.memory_space<hbm>>
    %dma_start3A_58 = tpu.memref_squeeze %dma_start3A_57 : memref<1x4x12x513xf32, #tpu.memory_space<hbm>> -> memref<4x12x513xf32, #tpu.memory_space<hbm>>
    tpu.enqueue_dma source(%dma_start3A_58 : memref<4x12x513xf32, #tpu.memory_space<hbm>>) target(%arg6 : memref<4x12x513xf32, #tpu.memory_space<vmem>>) target_semaphore(%arg9 : memref<!tpu.dma_semaphore, #tpu.memory_space<semaphore_mem>>)
    %gt3A_59 = arith.constant 0 : i32
    %gt3A_60 = arith.cmpi sgt, %select_n3A_30, %gt3A_59 : i32
    %convert_element_type3A = arith.extui %gt3A_60 : i1 to i32
    %cond3A = arith.constant 0 : i32
    %cond3A_61 = arith.cmpi ne, %convert_element_type3A, %cond3A : i32
    scf.if %cond3A_61 {
      %sub3A_86 = arith.constant 8 : i32
      %sub3A_87 = arith.subi %mul3A_32, %sub3A_86 : i32
      %multiple_of3A = tpu.assume_multiple %sub3A_87, 8 : i32
      %mul3A_88 = arith.constant 12 : i32
      %mul3A_89 = arith.muli %select_n3A, %mul3A_88 : i32
      %add3A_90 = arith.constant 0 : i32
      %add3A_91 = arith.addi %mul3A_89, %add3A_90 : i32
      %mul3A_92 = arith.constant 12 : i32
      %mul3A_93 = arith.muli %select_n3A, %mul3A_92 : i32
      %add3A_94 = arith.constant 1 : i32
      %add3A_95 = arith.addi %mul3A_93, %add3A_94 : i32
      %mul3A_96 = arith.constant 12 : i32
      %mul3A_97 = arith.muli %select_n3A, %mul3A_96 : i32
      %add3A_98 = arith.constant 2 : i32
      %add3A_99 = arith.addi %mul3A_97, %add3A_98 : i32
      %mul3A_100 = arith.constant 12 : i32
      %mul3A_101 = arith.muli %select_n3A, %mul3A_100 : i32
      %add3A_102 = arith.constant 3 : i32
      %add3A_103 = arith.addi %mul3A_101, %add3A_102 : i32
      %mul3A_104 = arith.constant 12 : i32
      %mul3A_105 = arith.muli %select_n3A, %mul3A_104 : i32
      %add3A_106 = arith.constant 4 : i32
      %add3A_107 = arith.addi %mul3A_105, %add3A_106 : i32
      %mul3A_108 = arith.constant 12 : i32
      %mul3A_109 = arith.muli %select_n3A, %mul3A_108 : i32
      %add3A_110 = arith.constant 5 : i32
      %add3A_111 = arith.addi %mul3A_109, %add3A_110 : i32
      %mul3A_112 = arith.constant 12 : i32
      %mul3A_113 = arith.muli %select_n3A, %mul3A_112 : i32
      %add3A_114 = arith.constant 6 : i32
      %add3A_115 = arith.addi %mul3A_113, %add3A_114 : i32
      %mul3A_116 = arith.constant 12 : i32
      %mul3A_117 = arith.muli %select_n3A, %mul3A_116 : i32
      %add3A_118 = arith.constant 7 : i32
      %add3A_119 = arith.addi %mul3A_117, %add3A_118 : i32
      %mul3A_120 = arith.constant 12 : i32
      %mul3A_121 = arith.muli %select_n3A, %mul3A_120 : i32
      %add3A_122 = arith.constant 8 : i32
      %add3A_123 = arith.addi %mul3A_121, %add3A_122 : i32
      %mul3A_124 = arith.constant 12 : i32
      %mul3A_125 = arith.muli %select_n3A, %mul3A_124 : i32
      %add3A_126 = arith.constant 9 : i32
      %add3A_127 = arith.addi %mul3A_125, %add3A_126 : i32
      %mul3A_128 = arith.constant 12 : i32
      %mul3A_129 = arith.muli %select_n3A, %mul3A_128 : i32
      %add3A_130 = arith.constant 10 : i32
      %add3A_131 = arith.addi %mul3A_129, %add3A_130 : i32
      %mul3A_132 = arith.constant 12 : i32
      %mul3A_133 = arith.muli %select_n3A, %mul3A_132 : i32
      %add3A_134 = arith.constant 11 : i32
      %add3A_135 = arith.addi %mul3A_133, %add3A_134 : i32
      %dma_start3A_136 = arith.constant 0 : i32
      %dma_start3A_137 = arith.constant 0 : i32
      %dma_start3A_138 = arith.constant 0 : i32
      %dma_start3A_139 = tpu.memref_slice %arg8[%dma_start3A_136, %dma_start3A_137, %dma_start3A_138] : memref<12x8x255xf32, #tpu.memory_space<vmem>> -> memref<1x8x255xf32, #tpu.memory_space<vmem>>
      %dma_start3A_140 = tpu.memref_squeeze %dma_start3A_139 : memref<1x8x255xf32, #tpu.memory_space<vmem>> -> memref<8x255xf32, #tpu.memory_space<vmem>>
      %dma_start3A_141 = arith.constant 0 : i32
      %dma_start3A_142 = tpu.memref_slice %arg3[%add3A_91, %multiple_of3A, %dma_start3A_141] : memref<48x255x255xf32, #tpu.memory_space<hbm>> -> memref<1x8x255xf32, #tpu.memory_space<hbm>>
      %dma_start3A_143 = tpu.memref_squeeze %dma_start3A_142 : memref<1x8x255xf32, #tpu.memory_space<hbm>> -> memref<8x255xf32, #tpu.memory_space<hbm>>
      %dma_start3A_144 = arith.constant 0 : i32
      %dma_start3A_145 = arith.constant 0 : i32
      %dma_start3A_146 = tpu.memref_slice %arg8[%dma_start3A_136, %dma_start3A_144, %dma_start3A_145] : memref<12x8x255xf32, #tpu.memory_space<vmem>> -> memref<1x8x255xf32, #tpu.memory_space<vmem>>
      %dma_start3A_147 = tpu.memref_squeeze %dma_start3A_146 : memref<1x8x255xf32, #tpu.memory_space<vmem>> -> memref<8x255xf32, #tpu.memory_space<vmem>>
      %dma_start3A_148 = arith.constant 0 : i32
      %dma_start3A_149 = tpu.memref_slice %arg3[%add3A_91, %multiple_of3A, %dma_start3A_148] : memref<48x255x255xf32, #tpu.memory_space<hbm>> -> memref<1x8x255xf32, #tpu.memory_space<hbm>>
      %dma_start3A_150 = tpu.memref_squeeze %dma_start3A_149 : memref<1x8x255xf32, #tpu.memory_space<hbm>> -> memref<8x255xf32, #tpu.memory_space<hbm>>
      tpu.enqueue_dma source(%dma_start3A_150 : memref<8x255xf32, #tpu.memory_space<hbm>>) target(%dma_start3A_147 : memref<8x255xf32, #tpu.memory_space<vmem>>) target_semaphore(%arg13 : memref<!tpu.dma_semaphore, #tpu.memory_space<semaphore_mem>>)
      %dma_start3A_151 = arith.constant 1 : i32
      %dma_start3A_152 = arith.constant 0 : i32
      %dma_start3A_153 = arith.constant 0 : i32
      %dma_start3A_154 = tpu.memref_slice %arg8[%dma_start3A_151, %dma_start3A_152, %dma_start3A_153] : memref<12x8x255xf32, #tpu.memory_space<vmem>> -> memref<1x8x255xf32, #tpu.memory_space<vmem>>
      %dma_start3A_155 = tpu.memref_squeeze %dma_start3A_154 : memref<1x8x255xf32, #tpu.memory_space<vmem>> -> memref<8x255xf32, #tpu.memory_space<vmem>>
      %dma_start3A_156 = arith.constant 0 : i32
      %dma_start3A_157 = tpu.memref_slice %arg3[%add3A_95, %multiple_of3A, %dma_start3A_156] : memref<48x255x255xf32, #tpu.memory_space<hbm>> -> memref<1x8x255xf32, #tpu.memory_space<hbm>>
      %dma_start3A_158 = tpu.memref_squeeze %dma_start3A_157 : memref<1x8x255xf32, #tpu.memory_space<hbm>> -> memref<8x255xf32, #tpu.memory_space<hbm>>
      %dma_start3A_159 = arith.constant 0 : i32
      %dma_start3A_160 = arith.constant 0 : i32
      %dma_start3A_161 = tpu.memref_slice %arg8[%dma_start3A_151, %dma_start3A_159, %dma_start3A_160] : memref<12x8x255xf32, #tpu.memory_space<vmem>> -> memref<1x8x255xf32, #tpu.memory_space<vmem>>
      %dma_start3A_162 = tpu.memref_squeeze %dma_start3A_161 : memref<1x8x255xf32, #tpu.memory_space<vmem>> -> memref<8x255xf32, #tpu.memory_space<vmem>>
      %dma_start3A_163 = arith.constant 0 : i32
      %dma_start3A_164 = tpu.memref_slice %arg3[%add3A_95, %multiple_of3A, %dma_start3A_163] : memref<48x255x255xf32, #tpu.memory_space<hbm>> -> memref<1x8x255xf32, #tpu.memory_space<hbm>>
      %dma_start3A_165 = tpu.memref_squeeze %dma_start3A_164 : memref<1x8x255xf32, #tpu.memory_space<hbm>> -> memref<8x255xf32, #tpu.memory_space<hbm>>
      tpu.enqueue_dma source(%dma_start3A_165 : memref<8x255xf32, #tpu.memory_space<hbm>>) target(%dma_start3A_162 : memref<8x255xf32, #tpu.memory_space<vmem>>) target_semaphore(%arg13 : memref<!tpu.dma_semaphore, #tpu.memory_space<semaphore_mem>>)
      %dma_start3A_166 = arith.constant 2 : i32
      %dma_start3A_167 = arith.constant 0 : i32
      %dma_start3A_168 = arith.constant 0 : i32
      %dma_start3A_169 = tpu.memref_slice %arg8[%dma_start3A_166, %dma_start3A_167, %dma_start3A_168] : memref<12x8x255xf32, #tpu.memory_space<vmem>> -> memref<1x8x255xf32, #tpu.memory_space<vmem>>
      %dma_start3A_170 = tpu.memref_squeeze %dma_start3A_169 : memref<1x8x255xf32, #tpu.memory_space<vmem>> -> memref<8x255xf32, #tpu.memory_space<vmem>>
      %dma_start3A_171 = arith.constant 0 : i32
      %dma_start3A_172 = tpu.memref_slice %arg3[%add3A_99, %multiple_of3A, %dma_start3A_171] : memref<48x255x255xf32, #tpu.memory_space<hbm>> -> memref<1x8x255xf32, #tpu.memory_space<hbm>>
      %dma_start3A_173 = tpu.memref_squeeze %dma_start3A_172 : memref<1x8x255xf32, #tpu.memory_space<hbm>> -> memref<8x255xf32, #tpu.memory_space<hbm>>
      %dma_start3A_174 = arith.constant 0 : i32
      %dma_start3A_175 = arith.constant 0 : i32
      %dma_start3A_176 = tpu.memref_slice %arg8[%dma_start3A_166, %dma_start3A_174, %dma_start3A_175] : memref<12x8x255xf32, #tpu.memory_space<vmem>> -> memref<1x8x255xf32, #tpu.memory_space<vmem>>
      %dma_start3A_177 = tpu.memref_squeeze %dma_start3A_176 : memref<1x8x255xf32, #tpu.memory_space<vmem>> -> memref<8x255xf32, #tpu.memory_space<vmem>>
      %dma_start3A_178 = arith.constant 0 : i32
      %dma_start3A_179 = tpu.memref_slice %arg3[%add3A_99, %multiple_of3A, %dma_start3A_178] : memref<48x255x255xf32, #tpu.memory_space<hbm>> -> memref<1x8x255xf32, #tpu.memory_space<hbm>>
      %dma_start3A_180 = tpu.memref_squeeze %dma_start3A_179 : memref<1x8x255xf32, #tpu.memory_space<hbm>> -> memref<8x255xf32, #tpu.memory_space<hbm>>
      tpu.enqueue_dma source(%dma_start3A_180 : memref<8x255xf32, #tpu.memory_space<hbm>>) target(%dma_start3A_177 : memref<8x255xf32, #tpu.memory_space<vmem>>) target_semaphore(%arg13 : memref<!tpu.dma_semaphore, #tpu.memory_space<semaphore_mem>>)
      %dma_start3A_181 = arith.constant 3 : i32
      %dma_start3A_182 = arith.constant 0 : i32
      %dma_start3A_183 = arith.constant 0 : i32
      %dma_start3A_184 = tpu.memref_slice %arg8[%dma_start3A_181, %dma_start3A_182, %dma_start3A_183] : memref<12x8x255xf32, #tpu.memory_space<vmem>> -> memref<1x8x255xf32, #tpu.memory_space<vmem>>
      %dma_start3A_185 = tpu.memref_squeeze %dma_start3A_184 : memref<1x8x255xf32, #tpu.memory_space<vmem>> -> memref<8x255xf32, #tpu.memory_space<vmem>>
      %dma_start3A_186 = arith.constant 0 : i32
      %dma_start3A_187 = tpu.memref_slice %arg3[%add3A_103, %multiple_of3A, %dma_start3A_186] : memref<48x255x255xf32, #tpu.memory_space<hbm>> -> memref<1x8x255xf32, #tpu.memory_space<hbm>>
      %dma_start3A_188 = tpu.memref_squeeze %dma_start3A_187 : memref<1x8x255xf32, #tpu.memory_space<hbm>> -> memref<8x255xf32, #tpu.memory_space<hbm>>
      %dma_start3A_189 = arith.constant 0 : i32
      %dma_start3A_190 = arith.constant 0 : i32
      %dma_start3A_191 = tpu.memref_slice %arg8[%dma_start3A_181, %dma_start3A_189, %dma_start3A_190] : memref<12x8x255xf32, #tpu.memory_space<vmem>> -> memref<1x8x255xf32, #tpu.memory_space<vmem>>
      %dma_start3A_192 = tpu.memref_squeeze %dma_start3A_191 : memref<1x8x255xf32, #tpu.memory_space<vmem>> -> memref<8x255xf32, #tpu.memory_space<vmem>>
      %dma_start3A_193 = arith.constant 0 : i32
      %dma_start3A_194 = tpu.memref_slice %arg3[%add3A_103, %multiple_of3A, %dma_start3A_193] : memref<48x255x255xf32, #tpu.memory_space<hbm>> -> memref<1x8x255xf32, #tpu.memory_space<hbm>>
      %dma_start3A_195 = tpu.memref_squeeze %dma_start3A_194 : memref<1x8x255xf32, #tpu.memory_space<hbm>> -> memref<8x255xf32, #tpu.memory_space<hbm>>
      tpu.enqueue_dma source(%dma_start3A_195 : memref<8x255xf32, #tpu.memory_space<hbm>>) target(%dma_start3A_192 : memref<8x255xf32, #tpu.memory_space<vmem>>) target_semaphore(%arg13 : memref<!tpu.dma_semaphore, #tpu.memory_space<semaphore_mem>>)
      %dma_start3A_196 = arith.constant 4 : i32
      %dma_start3A_197 = arith.constant 0 : i32
      %dma_start3A_198 = arith.constant 0 : i32
      %dma_start3A_199 = tpu.memref_slice %arg8[%dma_start3A_196, %dma_start3A_197, %dma_start3A_198] : memref<12x8x255xf32, #tpu.memory_space<vmem>> -> memref<1x8x255xf32, #tpu.memory_space<vmem>>
      %dma_start3A_200 = tpu.memref_squeeze %dma_start3A_199 : memref<1x8x255xf32, #tpu.memory_space<vmem>> -> memref<8x255xf32, #tpu.memory_space<vmem>>
      %dma_start3A_201 = arith.constant 0 : i32
      %dma_start3A_202 = tpu.memref_slice %arg3[%add3A_107, %multiple_of3A, %dma_start3A_201] : memref<48x255x255xf32, #tpu.memory_space<hbm>> -> memref<1x8x255xf32, #tpu.memory_space<hbm>>
      %dma_start3A_203 = tpu.memref_squeeze %dma_start3A_202 : memref<1x8x255xf32, #tpu.memory_space<hbm>> -> memref<8x255xf32, #tpu.memory_space<hbm>>
      %dma_start3A_204 = arith.constant 0 : i32
      %dma_start3A_205 = arith.constant 0 : i32
      %dma_start3A_206 = tpu.memref_slice %arg8[%dma_start3A_196, %dma_start3A_204, %dma_start3A_205] : memref<12x8x255xf32, #tpu.memory_space<vmem>> -> memref<1x8x255xf32, #tpu.memory_space<vmem>>
      %dma_start3A_207 = tpu.memref_squeeze %dma_start3A_206 : memref<1x8x255xf32, #tpu.memory_space<vmem>> -> memref<8x255xf32, #tpu.memory_space<vmem>>
      %dma_start3A_208 = arith.constant 0 : i32
      %dma_start3A_209 = tpu.memref_slice %arg3[%add3A_107, %multiple_of3A, %dma_start3A_208] : memref<48x255x255xf32, #tpu.memory_space<hbm>> -> memref<1x8x255xf32, #tpu.memory_space<hbm>>
      %dma_start3A_210 = tpu.memref_squeeze %dma_start3A_209 : memref<1x8x255xf32, #tpu.memory_space<hbm>> -> memref<8x255xf32, #tpu.memory_space<hbm>>
      tpu.enqueue_dma source(%dma_start3A_210 : memref<8x255xf32, #tpu.memory_space<hbm>>) target(%dma_start3A_207 : memref<8x255xf32, #tpu.memory_space<vmem>>) target_semaphore(%arg13 : memref<!tpu.dma_semaphore, #tpu.memory_space<semaphore_mem>>)
      %dma_start3A_211 = arith.constant 5 : i32
      %dma_start3A_212 = arith.constant 0 : i32
      %dma_start3A_213 = arith.constant 0 : i32
      %dma_start3A_214 = tpu.memref_slice %arg8[%dma_start3A_211, %dma_start3A_212, %dma_start3A_213] : memref<12x8x255xf32, #tpu.memory_space<vmem>> -> memref<1x8x255xf32, #tpu.memory_space<vmem>>
      %dma_start3A_215 = tpu.memref_squeeze %dma_start3A_214 : memref<1x8x255xf32, #tpu.memory_space<vmem>> -> memref<8x255xf32, #tpu.memory_space<vmem>>
      %dma_start3A_216 = arith.constant 0 : i32
      %dma_start3A_217 = tpu.memref_slice %arg3[%add3A_111, %multiple_of3A, %dma_start3A_216] : memref<48x255x255xf32, #tpu.memory_space<hbm>> -> memref<1x8x255xf32, #tpu.memory_space<hbm>>
      %dma_start3A_218 = tpu.memref_squeeze %dma_start3A_217 : memref<1x8x255xf32, #tpu.memory_space<hbm>> -> memref<8x255xf32, #tpu.memory_space<hbm>>
      %dma_start3A_219 = arith.constant 0 : i32
      %dma_start3A_220 = arith.constant 0 : i32
      %dma_start3A_221 = tpu.memref_slice %arg8[%dma_start3A_211, %dma_start3A_219, %dma_start3A_220] : memref<12x8x255xf32, #tpu.memory_space<vmem>> -> memref<1x8x255xf32, #tpu.memory_space<vmem>>
      %dma_start3A_222 = tpu.memref_squeeze %dma_start3A_221 : memref<1x8x255xf32, #tpu.memory_space<vmem>> -> memref<8x255xf32, #tpu.memory_space<vmem>>
      %dma_start3A_223 = arith.constant 0 : i32
      %dma_start3A_224 = tpu.memref_slice %arg3[%add3A_111, %multiple_of3A, %dma_start3A_223] : memref<48x255x255xf32, #tpu.memory_space<hbm>> -> memref<1x8x255xf32, #tpu.memory_space<hbm>>
      %dma_start3A_225 = tpu.memref_squeeze %dma_start3A_224 : memref<1x8x255xf32, #tpu.memory_space<hbm>> -> memref<8x255xf32, #tpu.memory_space<hbm>>
      tpu.enqueue_dma source(%dma_start3A_225 : memref<8x255xf32, #tpu.memory_space<hbm>>) target(%dma_start3A_222 : memref<8x255xf32, #tpu.memory_space<vmem>>) target_semaphore(%arg13 : memref<!tpu.dma_semaphore, #tpu.memory_space<semaphore_mem>>)
      %dma_start3A_226 = arith.constant 6 : i32
      %dma_start3A_227 = arith.constant 0 : i32
      %dma_start3A_228 = arith.constant 0 : i32
      %dma_start3A_229 = tpu.memref_slice %arg8[%dma_start3A_226, %dma_start3A_227, %dma_start3A_228] : memref<12x8x255xf32, #tpu.memory_space<vmem>> -> memref<1x8x255xf32, #tpu.memory_space<vmem>>
      %dma_start3A_230 = tpu.memref_squeeze %dma_start3A_229 : memref<1x8x255xf32, #tpu.memory_space<vmem>> -> memref<8x255xf32, #tpu.memory_space<vmem>>
      %dma_start3A_231 = arith.constant 0 : i32
      %dma_start3A_232 = tpu.memref_slice %arg3[%add3A_115, %multiple_of3A, %dma_start3A_231] : memref<48x255x255xf32, #tpu.memory_space<hbm>> -> memref<1x8x255xf32, #tpu.memory_space<hbm>>
      %dma_start3A_233 = tpu.memref_squeeze %dma_start3A_232 : memref<1x8x255xf32, #tpu.memory_space<hbm>> -> memref<8x255xf32, #tpu.memory_space<hbm>>
      %dma_start3A_234 = arith.constant 0 : i32
      %dma_start3A_235 = arith.constant 0 : i32
      %dma_start3A_236 = tpu.memref_slice %arg8[%dma_start3A_226, %dma_start3A_234, %dma_start3A_235] : memref<12x8x255xf32, #tpu.memory_space<vmem>> -> memref<1x8x255xf32, #tpu.memory_space<vmem>>
      %dma_start3A_237 = tpu.memref_squeeze %dma_start3A_236 : memref<1x8x255xf32, #tpu.memory_space<vmem>> -> memref<8x255xf32, #tpu.memory_space<vmem>>
      %dma_start3A_238 = arith.constant 0 : i32
      %dma_start3A_239 = tpu.memref_slice %arg3[%add3A_115, %multiple_of3A, %dma_start3A_238] : memref<48x255x255xf32, #tpu.memory_space<hbm>> -> memref<1x8x255xf32, #tpu.memory_space<hbm>>
      %dma_start3A_240 = tpu.memref_squeeze %dma_start3A_239 : memref<1x8x255xf32, #tpu.memory_space<hbm>> -> memref<8x255xf32, #tpu.memory_space<hbm>>
      tpu.enqueue_dma source(%dma_start3A_240 : memref<8x255xf32, #tpu.memory_space<hbm>>) target(%dma_start3A_237 : memref<8x255xf32, #tpu.memory_space<vmem>>) target_semaphore(%arg13 : memref<!tpu.dma_semaphore, #tpu.memory_space<semaphore_mem>>)
      %dma_start3A_241 = arith.constant 7 : i32
      %dma_start3A_242 = arith.constant 0 : i32
      %dma_start3A_243 = arith.constant 0 : i32
      %dma_start3A_244 = tpu.memref_slice %arg8[%dma_start3A_241, %dma_start3A_242, %dma_start3A_243] : memref<12x8x255xf32, #tpu.memory_space<vmem>> -> memref<1x8x255xf32, #tpu.memory_space<vmem>>
      %dma_start3A_245 = tpu.memref_squeeze %dma_start3A_244 : memref<1x8x255xf32, #tpu.memory_space<vmem>> -> memref<8x255xf32, #tpu.memory_space<vmem>>
      %dma_start3A_246 = arith.constant 0 : i32
      %dma_start3A_247 = tpu.memref_slice %arg3[%add3A_119, %multiple_of3A, %dma_start3A_246] : memref<48x255x255xf32, #tpu.memory_space<hbm>> -> memref<1x8x255xf32, #tpu.memory_space<hbm>>
      %dma_start3A_248 = tpu.memref_squeeze %dma_start3A_247 : memref<1x8x255xf32, #tpu.memory_space<hbm>> -> memref<8x255xf32, #tpu.memory_space<hbm>>
      %dma_start3A_249 = arith.constant 0 : i32
      %dma_start3A_250 = arith.constant 0 : i32
      %dma_start3A_251 = tpu.memref_slice %arg8[%dma_start3A_241, %dma_start3A_249, %dma_start3A_250] : memref<12x8x255xf32, #tpu.memory_space<vmem>> -> memref<1x8x255xf32, #tpu.memory_space<vmem>>
      %dma_start3A_252 = tpu.memref_squeeze %dma_start3A_251 : memref<1x8x255xf32, #tpu.memory_space<vmem>> -> memref<8x255xf32, #tpu.memory_space<vmem>>
      %dma_start3A_253 = arith.constant 0 : i32
      %dma_start3A_254 = tpu.memref_slice %arg3[%add3A_119, %multiple_of3A, %dma_start3A_253] : memref<48x255x255xf32, #tpu.memory_space<hbm>> -> memref<1x8x255xf32, #tpu.memory_space<hbm>>
      %dma_start3A_255 = tpu.memref_squeeze %dma_start3A_254 : memref<1x8x255xf32, #tpu.memory_space<hbm>> -> memref<8x255xf32, #tpu.memory_space<hbm>>
      tpu.enqueue_dma source(%dma_start3A_255 : memref<8x255xf32, #tpu.memory_space<hbm>>) target(%dma_start3A_252 : memref<8x255xf32, #tpu.memory_space<vmem>>) target_semaphore(%arg13 : memref<!tpu.dma_semaphore, #tpu.memory_space<semaphore_mem>>)
      %dma_start3A_256 = arith.constant 8 : i32
      %dma_start3A_257 = arith.constant 0 : i32
      %dma_start3A_258 = arith.constant 0 : i32
      %dma_start3A_259 = tpu.memref_slice %arg8[%dma_start3A_256, %dma_start3A_257, %dma_start3A_258] : memref<12x8x255xf32, #tpu.memory_space<vmem>> -> memref<1x8x255xf32, #tpu.memory_space<vmem>>
      %dma_start3A_260 = tpu.memref_squeeze %dma_start3A_259 : memref<1x8x255xf32, #tpu.memory_space<vmem>> -> memref<8x255xf32, #tpu.memory_space<vmem>>
      %dma_start3A_261 = arith.constant 0 : i32
      %dma_start3A_262 = tpu.memref_slice %arg3[%add3A_123, %multiple_of3A, %dma_start3A_261] : memref<48x255x255xf32, #tpu.memory_space<hbm>> -> memref<1x8x255xf32, #tpu.memory_space<hbm>>
      %dma_start3A_263 = tpu.memref_squeeze %dma_start3A_262 : memref<1x8x255xf32, #tpu.memory_space<hbm>> -> memref<8x255xf32, #tpu.memory_space<hbm>>
      %dma_start3A_264 = arith.constant 0 : i32
      %dma_start3A_265 = arith.constant 0 : i32
      %dma_start3A_266 = tpu.memref_slice %arg8[%dma_start3A_256, %dma_start3A_264, %dma_start3A_265] : memref<12x8x255xf32, #tpu.memory_space<vmem>> -> memref<1x8x255xf32, #tpu.memory_space<vmem>>
      %dma_start3A_267 = tpu.memref_squeeze %dma_start3A_266 : memref<1x8x255xf32, #tpu.memory_space<vmem>> -> memref<8x255xf32, #tpu.memory_space<vmem>>
      %dma_start3A_268 = arith.constant 0 : i32
      %dma_start3A_269 = tpu.memref_slice %arg3[%add3A_123, %multiple_of3A, %dma_start3A_268] : memref<48x255x255xf32, #tpu.memory_space<hbm>> -> memref<1x8x255xf32, #tpu.memory_space<hbm>>
      %dma_start3A_270 = tpu.memref_squeeze %dma_start3A_269 : memref<1x8x255xf32, #tpu.memory_space<hbm>> -> memref<8x255xf32, #tpu.memory_space<hbm>>
      tpu.enqueue_dma source(%dma_start3A_270 : memref<8x255xf32, #tpu.memory_space<hbm>>) target(%dma_start3A_267 : memref<8x255xf32, #tpu.memory_space<vmem>>) target_semaphore(%arg13 : memref<!tpu.dma_semaphore, #tpu.memory_space<semaphore_mem>>)
      %dma_start3A_271 = arith.constant 9 : i32
      %dma_start3A_272 = arith.constant 0 : i32
      %dma_start3A_273 = arith.constant 0 : i32
      %dma_start3A_274 = tpu.memref_slice %arg8[%dma_start3A_271, %dma_start3A_272, %dma_start3A_273] : memref<12x8x255xf32, #tpu.memory_space<vmem>> -> memref<1x8x255xf32, #tpu.memory_space<vmem>>
      %dma_start3A_275 = tpu.memref_squeeze %dma_start3A_274 : memref<1x8x255xf32, #tpu.memory_space<vmem>> -> memref<8x255xf32, #tpu.memory_space<vmem>>
      %dma_start3A_276 = arith.constant 0 : i32
      %dma_start3A_277 = tpu.memref_slice %arg3[%add3A_127, %multiple_of3A, %dma_start3A_276] : memref<48x255x255xf32, #tpu.memory_space<hbm>> -> memref<1x8x255xf32, #tpu.memory_space<hbm>>
      %dma_start3A_278 = tpu.memref_squeeze %dma_start3A_277 : memref<1x8x255xf32, #tpu.memory_space<hbm>> -> memref<8x255xf32, #tpu.memory_space<hbm>>
      %dma_start3A_279 = arith.constant 0 : i32
      %dma_start3A_280 = arith.constant 0 : i32
      %dma_start3A_281 = tpu.memref_slice %arg8[%dma_start3A_271, %dma_start3A_279, %dma_start3A_280] : memref<12x8x255xf32, #tpu.memory_space<vmem>> -> memref<1x8x255xf32, #tpu.memory_space<vmem>>
      %dma_start3A_282 = tpu.memref_squeeze %dma_start3A_281 : memref<1x8x255xf32, #tpu.memory_space<vmem>> -> memref<8x255xf32, #tpu.memory_space<vmem>>
      %dma_start3A_283 = arith.constant 0 : i32
      %dma_start3A_284 = tpu.memref_slice %arg3[%add3A_127, %multiple_of3A, %dma_start3A_283] : memref<48x255x255xf32, #tpu.memory_space<hbm>> -> memref<1x8x255xf32, #tpu.memory_space<hbm>>
      %dma_start3A_285 = tpu.memref_squeeze %dma_start3A_284 : memref<1x8x255xf32, #tpu.memory_space<hbm>> -> memref<8x255xf32, #tpu.memory_space<hbm>>
      tpu.enqueue_dma source(%dma_start3A_285 : memref<8x255xf32, #tpu.memory_space<hbm>>) target(%dma_start3A_282 : memref<8x255xf32, #tpu.memory_space<vmem>>) target_semaphore(%arg13 : memref<!tpu.dma_semaphore, #tpu.memory_space<semaphore_mem>>)
      %dma_start3A_286 = arith.constant 10 : i32
      %dma_start3A_287 = arith.constant 0 : i32
      %dma_start3A_288 = arith.constant 0 : i32
      %dma_start3A_289 = tpu.memref_slice %arg8[%dma_start3A_286, %dma_start3A_287, %dma_start3A_288] : memref<12x8x255xf32, #tpu.memory_space<vmem>> -> memref<1x8x255xf32, #tpu.memory_space<vmem>>
      %dma_start3A_290 = tpu.memref_squeeze %dma_start3A_289 : memref<1x8x255xf32, #tpu.memory_space<vmem>> -> memref<8x255xf32, #tpu.memory_space<vmem>>
      %dma_start3A_291 = arith.constant 0 : i32
      %dma_start3A_292 = tpu.memref_slice %arg3[%add3A_131, %multiple_of3A, %dma_start3A_291] : memref<48x255x255xf32, #tpu.memory_space<hbm>> -> memref<1x8x255xf32, #tpu.memory_space<hbm>>
      %dma_start3A_293 = tpu.memref_squeeze %dma_start3A_292 : memref<1x8x255xf32, #tpu.memory_space<hbm>> -> memref<8x255xf32, #tpu.memory_space<hbm>>
      %dma_start3A_294 = arith.constant 0 : i32
      %dma_start3A_295 = arith.constant 0 : i32
      %dma_start3A_296 = tpu.memref_slice %arg8[%dma_start3A_286, %dma_start3A_294, %dma_start3A_295] : memref<12x8x255xf32, #tpu.memory_space<vmem>> -> memref<1x8x255xf32, #tpu.memory_space<vmem>>
      %dma_start3A_297 = tpu.memref_squeeze %dma_start3A_296 : memref<1x8x255xf32, #tpu.memory_space<vmem>> -> memref<8x255xf32, #tpu.memory_space<vmem>>
      %dma_start3A_298 = arith.constant 0 : i32
      %dma_start3A_299 = tpu.memref_slice %arg3[%add3A_131, %multiple_of3A, %dma_start3A_298] : memref<48x255x255xf32, #tpu.memory_space<hbm>> -> memref<1x8x255xf32, #tpu.memory_space<hbm>>
      %dma_start3A_300 = tpu.memref_squeeze %dma_start3A_299 : memref<1x8x255xf32, #tpu.memory_space<hbm>> -> memref<8x255xf32, #tpu.memory_space<hbm>>
      tpu.enqueue_dma source(%dma_start3A_300 : memref<8x255xf32, #tpu.memory_space<hbm>>) target(%dma_start3A_297 : memref<8x255xf32, #tpu.memory_space<vmem>>) target_semaphore(%arg13 : memref<!tpu.dma_semaphore, #tpu.memory_space<semaphore_mem>>)
      %dma_start3A_301 = arith.constant 11 : i32
      %dma_start3A_302 = arith.constant 0 : i32
      %dma_start3A_303 = arith.constant 0 : i32
      %dma_start3A_304 = tpu.memref_slice %arg8[%dma_start3A_301, %dma_start3A_302, %dma_start3A_303] : memref<12x8x255xf32, #tpu.memory_space<vmem>> -> memref<1x8x255xf32, #tpu.memory_space<vmem>>
      %dma_start3A_305 = tpu.memref_squeeze %dma_start3A_304 : memref<1x8x255xf32, #tpu.memory_space<vmem>> -> memref<8x255xf32, #tpu.memory_space<vmem>>
      %dma_start3A_306 = arith.constant 0 : i32
      %dma_start3A_307 = tpu.memref_slice %arg3[%add3A_135, %multiple_of3A, %dma_start3A_306] : memref<48x255x255xf32, #tpu.memory_space<hbm>> -> memref<1x8x255xf32, #tpu.memory_space<hbm>>
      %dma_start3A_308 = tpu.memref_squeeze %dma_start3A_307 : memref<1x8x255xf32, #tpu.memory_space<hbm>> -> memref<8x255xf32, #tpu.memory_space<hbm>>
      %dma_start3A_309 = arith.constant 0 : i32
      %dma_start3A_310 = arith.constant 0 : i32
      %dma_start3A_311 = tpu.memref_slice %arg8[%dma_start3A_301, %dma_start3A_309, %dma_start3A_310] : memref<12x8x255xf32, #tpu.memory_space<vmem>> -> memref<1x8x255xf32, #tpu.memory_space<vmem>>
      %dma_start3A_312 = tpu.memref_squeeze %dma_start3A_311 : memref<1x8x255xf32, #tpu.memory_space<vmem>> -> memref<8x255xf32, #tpu.memory_space<vmem>>
      %dma_start3A_313 = arith.constant 0 : i32
      %dma_start3A_314 = tpu.memref_slice %arg3[%add3A_135, %multiple_of3A, %dma_start3A_313] : memref<48x255x255xf32, #tpu.memory_space<hbm>> -> memref<1x8x255xf32, #tpu.memory_space<hbm>>
      %dma_start3A_315 = tpu.memref_squeeze %dma_start3A_314 : memref<1x8x255xf32, #tpu.memory_space<hbm>> -> memref<8x255xf32, #tpu.memory_space<hbm>>
      tpu.enqueue_dma source(%dma_start3A_315 : memref<8x255xf32, #tpu.memory_space<hbm>>) target(%dma_start3A_312 : memref<8x255xf32, #tpu.memory_space<vmem>>) target_semaphore(%arg13 : memref<!tpu.dma_semaphore, #tpu.memory_space<semaphore_mem>>)
      %dma_wait3A_316 = arith.constant 0 : i32
      %dma_wait3A_317 = arith.constant 0 : i32
      %dma_wait3A_318 = arith.constant 0 : i32
      %dma_wait3A_319 = tpu.memref_slice %arg8[%dma_wait3A_316, %dma_wait3A_317, %dma_wait3A_318] : memref<12x8x255xf32, #tpu.memory_space<vmem>> -> memref<1x8x255xf32, #tpu.memory_space<vmem>>
      %dma_wait3A_320 = tpu.memref_squeeze %dma_wait3A_319 : memref<1x8x255xf32, #tpu.memory_space<vmem>> -> memref<8x255xf32, #tpu.memory_space<vmem>>
      %dma_wait3A_321 = arith.constant 0 : i32
      %dma_wait3A_322 = tpu.memref_slice %arg3[%add3A_91, %multiple_of3A, %dma_wait3A_321] : memref<48x255x255xf32, #tpu.memory_space<hbm>> -> memref<1x8x255xf32, #tpu.memory_space<hbm>>
      %dma_wait3A_323 = tpu.memref_squeeze %dma_wait3A_322 : memref<1x8x255xf32, #tpu.memory_space<hbm>> -> memref<8x255xf32, #tpu.memory_space<hbm>>
      %dma_wait3A_324 = arith.constant 0 : i32
      %dma_wait3A_325 = arith.constant 0 : i32
      %dma_wait3A_326 = tpu.memref_slice %arg8[%dma_wait3A_316, %dma_wait3A_324, %dma_wait3A_325] : memref<12x8x255xf32, #tpu.memory_space<vmem>> -> memref<1x8x255xf32, #tpu.memory_space<vmem>>
      %dma_wait3A_327 = tpu.memref_squeeze %dma_wait3A_326 : memref<1x8x255xf32, #tpu.memory_space<vmem>> -> memref<8x255xf32, #tpu.memory_space<vmem>>
      %dma_wait3A_328 = arith.constant 0 : i32
      %dma_wait3A_329 = tpu.memref_slice %arg3[%add3A_91, %multiple_of3A, %dma_wait3A_328] : memref<48x255x255xf32, #tpu.memory_space<hbm>> -> memref<1x8x255xf32, #tpu.memory_space<hbm>>
      %dma_wait3A_330 = tpu.memref_squeeze %dma_wait3A_329 : memref<1x8x255xf32, #tpu.memory_space<hbm>> -> memref<8x255xf32, #tpu.memory_space<hbm>>
      tpu.wait_dma2 semaphore(%arg13 : memref<!tpu.dma_semaphore, #tpu.memory_space<semaphore_mem>>) src(%dma_wait3A_330 : memref<8x255xf32, #tpu.memory_space<hbm>>) dst(%dma_wait3A_327 : memref<8x255xf32, #tpu.memory_space<vmem>>)
      %dma_wait3A_331 = arith.constant 1 : i32
      %dma_wait3A_332 = arith.constant 0 : i32
      %dma_wait3A_333 = arith.constant 0 : i32
      %dma_wait3A_334 = tpu.memref_slice %arg8[%dma_wait3A_331, %dma_wait3A_332, %dma_wait3A_333] : memref<12x8x255xf32, #tpu.memory_space<vmem>> -> memref<1x8x255xf32, #tpu.memory_space<vmem>>
      %dma_wait3A_335 = tpu.memref_squeeze %dma_wait3A_334 : memref<1x8x255xf32, #tpu.memory_space<vmem>> -> memref<8x255xf32, #tpu.memory_space<vmem>>
      %dma_wait3A_336 = arith.constant 0 : i32
      %dma_wait3A_337 = tpu.memref_slice %arg3[%add3A_95, %multiple_of3A, %dma_wait3A_336] : memref<48x255x255xf32, #tpu.memory_space<hbm>> -> memref<1x8x255xf32, #tpu.memory_space<hbm>>
      %dma_wait3A_338 = tpu.memref_squeeze %dma_wait3A_337 : memref<1x8x255xf32, #tpu.memory_space<hbm>> -> memref<8x255xf32, #tpu.memory_space<hbm>>
      %dma_wait3A_339 = arith.constant 0 : i32
      %dma_wait3A_340 = arith.constant 0 : i32
      %dma_wait3A_341 = tpu.memref_slice %arg8[%dma_wait3A_331, %dma_wait3A_339, %dma_wait3A_340] : memref<12x8x255xf32, #tpu.memory_space<vmem>> -> memref<1x8x255xf32, #tpu.memory_space<vmem>>
      %dma_wait3A_342 = tpu.memref_squeeze %dma_wait3A_341 : memref<1x8x255xf32, #tpu.memory_space<vmem>> -> memref<8x255xf32, #tpu.memory_space<vmem>>
      %dma_wait3A_343 = arith.constant 0 : i32
      %dma_wait3A_344 = tpu.memref_slice %arg3[%add3A_95, %multiple_of3A, %dma_wait3A_343] : memref<48x255x255xf32, #tpu.memory_space<hbm>> -> memref<1x8x255xf32, #tpu.memory_space<hbm>>
      %dma_wait3A_345 = tpu.memref_squeeze %dma_wait3A_344 : memref<1x8x255xf32, #tpu.memory_space<hbm>> -> memref<8x255xf32, #tpu.memory_space<hbm>>
      tpu.wait_dma2 semaphore(%arg13 : memref<!tpu.dma_semaphore, #tpu.memory_space<semaphore_mem>>) src(%dma_wait3A_345 : memref<8x255xf32, #tpu.memory_space<hbm>>) dst(%dma_wait3A_342 : memref<8x255xf32, #tpu.memory_space<vmem>>)
      %dma_wait3A_346 = arith.constant 2 : i32
      %dma_wait3A_347 = arith.constant 0 : i32
      %dma_wait3A_348 = arith.constant 0 : i32
      %dma_wait3A_349 = tpu.memref_slice %arg8[%dma_wait3A_346, %dma_wait3A_347, %dma_wait3A_348] : memref<12x8x255xf32, #tpu.memory_space<vmem>> -> memref<1x8x255xf32, #tpu.memory_space<vmem>>
      %dma_wait3A_350 = tpu.memref_squeeze %dma_wait3A_349 : memref<1x8x255xf32, #tpu.memory_space<vmem>> -> memref<8x255xf32, #tpu.memory_space<vmem>>
      %dma_wait3A_351 = arith.constant 0 : i32
      %dma_wait3A_352 = tpu.memref_slice %arg3[%add3A_99, %multiple_of3A, %dma_wait3A_351] : memref<48x255x255xf32, #tpu.memory_space<hbm>> -> memref<1x8x255xf32, #tpu.memory_space<hbm>>
      %dma_wait3A_353 = tpu.memref_squeeze %dma_wait3A_352 : memref<1x8x255xf32, #tpu.memory_space<hbm>> -> memref<8x255xf32, #tpu.memory_space<hbm>>
      %dma_wait3A_354 = arith.constant 0 : i32
      %dma_wait3A_355 = arith.constant 0 : i32
      %dma_wait3A_356 = tpu.memref_slice %arg8[%dma_wait3A_346, %dma_wait3A_354, %dma_wait3A_355] : memref<12x8x255xf32, #tpu.memory_space<vmem>> -> memref<1x8x255xf32, #tpu.memory_space<vmem>>
      %dma_wait3A_357 = tpu.memref_squeeze %dma_wait3A_356 : memref<1x8x255xf32, #tpu.memory_space<vmem>> -> memref<8x255xf32, #tpu.memory_space<vmem>>
      %dma_wait3A_358 = arith.constant 0 : i32
      %dma_wait3A_359 = tpu.memref_slice %arg3[%add3A_99, %multiple_of3A, %dma_wait3A_358] : memref<48x255x255xf32, #tpu.memory_space<hbm>> -> memref<1x8x255xf32, #tpu.memory_space<hbm>>
      %dma_wait3A_360 = tpu.memref_squeeze %dma_wait3A_359 : memref<1x8x255xf32, #tpu.memory_space<hbm>> -> memref<8x255xf32, #tpu.memory_space<hbm>>
      tpu.wait_dma2 semaphore(%arg13 : memref<!tpu.dma_semaphore, #tpu.memory_space<semaphore_mem>>) src(%dma_wait3A_360 : memref<8x255xf32, #tpu.memory_space<hbm>>) dst(%dma_wait3A_357 : memref<8x255xf32, #tpu.memory_space<vmem>>)
      %dma_wait3A_361 = arith.constant 3 : i32
      %dma_wait3A_362 = arith.constant 0 : i32
      %dma_wait3A_363 = arith.constant 0 : i32
      %dma_wait3A_364 = tpu.memref_slice %arg8[%dma_wait3A_361, %dma_wait3A_362, %dma_wait3A_363] : memref<12x8x255xf32, #tpu.memory_space<vmem>> -> memref<1x8x255xf32, #tpu.memory_space<vmem>>
      %dma_wait3A_365 = tpu.memref_squeeze %dma_wait3A_364 : memref<1x8x255xf32, #tpu.memory_space<vmem>> -> memref<8x255xf32, #tpu.memory_space<vmem>>
      %dma_wait3A_366 = arith.constant 0 : i32
      %dma_wait3A_367 = tpu.memref_slice %arg3[%add3A_103, %multiple_of3A, %dma_wait3A_366] : memref<48x255x255xf32, #tpu.memory_space<hbm>> -> memref<1x8x255xf32, #tpu.memory_space<hbm>>
      %dma_wait3A_368 = tpu.memref_squeeze %dma_wait3A_367 : memref<1x8x255xf32, #tpu.memory_space<hbm>> -> memref<8x255xf32, #tpu.memory_space<hbm>>
      %dma_wait3A_369 = arith.constant 0 : i32
      %dma_wait3A_370 = arith.constant 0 : i32
      %dma_wait3A_371 = tpu.memref_slice %arg8[%dma_wait3A_361, %dma_wait3A_369, %dma_wait3A_370] : memref<12x8x255xf32, #tpu.memory_space<vmem>> -> memref<1x8x255xf32, #tpu.memory_space<vmem>>
      %dma_wait3A_372 = tpu.memref_squeeze %dma_wait3A_371 : memref<1x8x255xf32, #tpu.memory_space<vmem>> -> memref<8x255xf32, #tpu.memory_space<vmem>>
      %dma_wait3A_373 = arith.constant 0 : i32
      %dma_wait3A_374 = tpu.memref_slice %arg3[%add3A_103, %multiple_of3A, %dma_wait3A_373] : memref<48x255x255xf32, #tpu.memory_space<hbm>> -> memref<1x8x255xf32, #tpu.memory_space<hbm>>
      %dma_wait3A_375 = tpu.memref_squeeze %dma_wait3A_374 : memref<1x8x255xf32, #tpu.memory_space<hbm>> -> memref<8x255xf32, #tpu.memory_space<hbm>>
      tpu.wait_dma2 semaphore(%arg13 : memref<!tpu.dma_semaphore, #tpu.memory_space<semaphore_mem>>) src(%dma_wait3A_375 : memref<8x255xf32, #tpu.memory_space<hbm>>) dst(%dma_wait3A_372 : memref<8x255xf32, #tpu.memory_space<vmem>>)
      %dma_wait3A_376 = arith.constant 4 : i32
      %dma_wait3A_377 = arith.constant 0 : i32
      %dma_wait3A_378 = arith.constant 0 : i32
      %dma_wait3A_379 = tpu.memref_slice %arg8[%dma_wait3A_376, %dma_wait3A_377, %dma_wait3A_378] : memref<12x8x255xf32, #tpu.memory_space<vmem>> -> memref<1x8x255xf32, #tpu.memory_space<vmem>>
      %dma_wait3A_380 = tpu.memref_squeeze %dma_wait3A_379 : memref<1x8x255xf32, #tpu.memory_space<vmem>> -> memref<8x255xf32, #tpu.memory_space<vmem>>
      %dma_wait3A_381 = arith.constant 0 : i32
      %dma_wait3A_382 = tpu.memref_slice %arg3[%add3A_107, %multiple_of3A, %dma_wait3A_381] : memref<48x255x255xf32, #tpu.memory_space<hbm>> -> memref<1x8x255xf32, #tpu.memory_space<hbm>>
      %dma_wait3A_383 = tpu.memref_squeeze %dma_wait3A_382 : memref<1x8x255xf32, #tpu.memory_space<hbm>> -> memref<8x255xf32, #tpu.memory_space<hbm>>
      %dma_wait3A_384 = arith.constant 0 : i32
      %dma_wait3A_385 = arith.constant 0 : i32
      %dma_wait3A_386 = tpu.memref_slice %arg8[%dma_wait3A_376, %dma_wait3A_384, %dma_wait3A_385] : memref<12x8x255xf32, #tpu.memory_space<vmem>> -> memref<1x8x255xf32, #tpu.memory_space<vmem>>
      %dma_wait3A_387 = tpu.memref_squeeze %dma_wait3A_386 : memref<1x8x255xf32, #tpu.memory_space<vmem>> -> memref<8x255xf32, #tpu.memory_space<vmem>>
      %dma_wait3A_388 = arith.constant 0 : i32
      %dma_wait3A_389 = tpu.memref_slice %arg3[%add3A_107, %multiple_of3A, %dma_wait3A_388] : memref<48x255x255xf32, #tpu.memory_space<hbm>> -> memref<1x8x255xf32, #tpu.memory_space<hbm>>
      %dma_wait3A_390 = tpu.memref_squeeze %dma_wait3A_389 : memref<1x8x255xf32, #tpu.memory_space<hbm>> -> memref<8x255xf32, #tpu.memory_space<hbm>>
      tpu.wait_dma2 semaphore(%arg13 : memref<!tpu.dma_semaphore, #tpu.memory_space<semaphore_mem>>) src(%dma_wait3A_390 : memref<8x255xf32, #tpu.memory_space<hbm>>) dst(%dma_wait3A_387 : memref<8x255xf32, #tpu.memory_space<vmem>>)
      %dma_wait3A_391 = arith.constant 5 : i32
      %dma_wait3A_392 = arith.constant 0 : i32
      %dma_wait3A_393 = arith.constant 0 : i32
      %dma_wait3A_394 = tpu.memref_slice %arg8[%dma_wait3A_391, %dma_wait3A_392, %dma_wait3A_393] : memref<12x8x255xf32, #tpu.memory_space<vmem>> -> memref<1x8x255xf32, #tpu.memory_space<vmem>>
      %dma_wait3A_395 = tpu.memref_squeeze %dma_wait3A_394 : memref<1x8x255xf32, #tpu.memory_space<vmem>> -> memref<8x255xf32, #tpu.memory_space<vmem>>
      %dma_wait3A_396 = arith.constant 0 : i32
      %dma_wait3A_397 = tpu.memref_slice %arg3[%add3A_111, %multiple_of3A, %dma_wait3A_396] : memref<48x255x255xf32, #tpu.memory_space<hbm>> -> memref<1x8x255xf32, #tpu.memory_space<hbm>>
      %dma_wait3A_398 = tpu.memref_squeeze %dma_wait3A_397 : memref<1x8x255xf32, #tpu.memory_space<hbm>> -> memref<8x255xf32, #tpu.memory_space<hbm>>
      %dma_wait3A_399 = arith.constant 0 : i32
      %dma_wait3A_400 = arith.constant 0 : i32
      %dma_wait3A_401 = tpu.memref_slice %arg8[%dma_wait3A_391, %dma_wait3A_399, %dma_wait3A_400] : memref<12x8x255xf32, #tpu.memory_space<vmem>> -> memref<1x8x255xf32, #tpu.memory_space<vmem>>
      %dma_wait3A_402 = tpu.memref_squeeze %dma_wait3A_401 : memref<1x8x255xf32, #tpu.memory_space<vmem>> -> memref<8x255xf32, #tpu.memory_space<vmem>>
      %dma_wait3A_403 = arith.constant 0 : i32
      %dma_wait3A_404 = tpu.memref_slice %arg3[%add3A_111, %multiple_of3A, %dma_wait3A_403] : memref<48x255x255xf32, #tpu.memory_space<hbm>> -> memref<1x8x255xf32, #tpu.memory_space<hbm>>
      %dma_wait3A_405 = tpu.memref_squeeze %dma_wait3A_404 : memref<1x8x255xf32, #tpu.memory_space<hbm>> -> memref<8x255xf32, #tpu.memory_space<hbm>>
      tpu.wait_dma2 semaphore(%arg13 : memref<!tpu.dma_semaphore, #tpu.memory_space<semaphore_mem>>) src(%dma_wait3A_405 : memref<8x255xf32, #tpu.memory_space<hbm>>) dst(%dma_wait3A_402 : memref<8x255xf32, #tpu.memory_space<vmem>>)
      %dma_wait3A_406 = arith.constant 6 : i32
      %dma_wait3A_407 = arith.constant 0 : i32
      %dma_wait3A_408 = arith.constant 0 : i32
      %dma_wait3A_409 = tpu.memref_slice %arg8[%dma_wait3A_406, %dma_wait3A_407, %dma_wait3A_408] : memref<12x8x255xf32, #tpu.memory_space<vmem>> -> memref<1x8x255xf32, #tpu.memory_space<vmem>>
      %dma_wait3A_410 = tpu.memref_squeeze %dma_wait3A_409 : memref<1x8x255xf32, #tpu.memory_space<vmem>> -> memref<8x255xf32, #tpu.memory_space<vmem>>
      %dma_wait3A_411 = arith.constant 0 : i32
      %dma_wait3A_412 = tpu.memref_slice %arg3[%add3A_115, %multiple_of3A, %dma_wait3A_411] : memref<48x255x255xf32, #tpu.memory_space<hbm>> -> memref<1x8x255xf32, #tpu.memory_space<hbm>>
      %dma_wait3A_413 = tpu.memref_squeeze %dma_wait3A_412 : memref<1x8x255xf32, #tpu.memory_space<hbm>> -> memref<8x255xf32, #tpu.memory_space<hbm>>
      %dma_wait3A_414 = arith.constant 0 : i32
      %dma_wait3A_415 = arith.constant 0 : i32
      %dma_wait3A_416 = tpu.memref_slice %arg8[%dma_wait3A_406, %dma_wait3A_414, %dma_wait3A_415] : memref<12x8x255xf32, #tpu.memory_space<vmem>> -> memref<1x8x255xf32, #tpu.memory_space<vmem>>
      %dma_wait3A_417 = tpu.memref_squeeze %dma_wait3A_416 : memref<1x8x255xf32, #tpu.memory_space<vmem>> -> memref<8x255xf32, #tpu.memory_space<vmem>>
      %dma_wait3A_418 = arith.constant 0 : i32
      %dma_wait3A_419 = tpu.memref_slice %arg3[%add3A_115, %multiple_of3A, %dma_wait3A_418] : memref<48x255x255xf32, #tpu.memory_space<hbm>> -> memref<1x8x255xf32, #tpu.memory_space<hbm>>
      %dma_wait3A_420 = tpu.memref_squeeze %dma_wait3A_419 : memref<1x8x255xf32, #tpu.memory_space<hbm>> -> memref<8x255xf32, #tpu.memory_space<hbm>>
      tpu.wait_dma2 semaphore(%arg13 : memref<!tpu.dma_semaphore, #tpu.memory_space<semaphore_mem>>) src(%dma_wait3A_420 : memref<8x255xf32, #tpu.memory_space<hbm>>) dst(%dma_wait3A_417 : memref<8x255xf32, #tpu.memory_space<vmem>>)
      %dma_wait3A_421 = arith.constant 7 : i32
      %dma_wait3A_422 = arith.constant 0 : i32
      %dma_wait3A_423 = arith.constant 0 : i32
      %dma_wait3A_424 = tpu.memref_slice %arg8[%dma_wait3A_421, %dma_wait3A_422, %dma_wait3A_423] : memref<12x8x255xf32, #tpu.memory_space<vmem>> -> memref<1x8x255xf32, #tpu.memory_space<vmem>>
      %dma_wait3A_425 = tpu.memref_squeeze %dma_wait3A_424 : memref<1x8x255xf32, #tpu.memory_space<vmem>> -> memref<8x255xf32, #tpu.memory_space<vmem>>
      %dma_wait3A_426 = arith.constant 0 : i32
      %dma_wait3A_427 = tpu.memref_slice %arg3[%add3A_119, %multiple_of3A, %dma_wait3A_426] : memref<48x255x255xf32, #tpu.memory_space<hbm>> -> memref<1x8x255xf32, #tpu.memory_space<hbm>>
      %dma_wait3A_428 = tpu.memref_squeeze %dma_wait3A_427 : memref<1x8x255xf32, #tpu.memory_space<hbm>> -> memref<8x255xf32, #tpu.memory_space<hbm>>
      %dma_wait3A_429 = arith.constant 0 : i32
      %dma_wait3A_430 = arith.constant 0 : i32
      %dma_wait3A_431 = tpu.memref_slice %arg8[%dma_wait3A_421, %dma_wait3A_429, %dma_wait3A_430] : memref<12x8x255xf32, #tpu.memory_space<vmem>> -> memref<1x8x255xf32, #tpu.memory_space<vmem>>
      %dma_wait3A_432 = tpu.memref_squeeze %dma_wait3A_431 : memref<1x8x255xf32, #tpu.memory_space<vmem>> -> memref<8x255xf32, #tpu.memory_space<vmem>>
      %dma_wait3A_433 = arith.constant 0 : i32
      %dma_wait3A_434 = tpu.memref_slice %arg3[%add3A_119, %multiple_of3A, %dma_wait3A_433] : memref<48x255x255xf32, #tpu.memory_space<hbm>> -> memref<1x8x255xf32, #tpu.memory_space<hbm>>
      %dma_wait3A_435 = tpu.memref_squeeze %dma_wait3A_434 : memref<1x8x255xf32, #tpu.memory_space<hbm>> -> memref<8x255xf32, #tpu.memory_space<hbm>>
      tpu.wait_dma2 semaphore(%arg13 : memref<!tpu.dma_semaphore, #tpu.memory_space<semaphore_mem>>) src(%dma_wait3A_435 : memref<8x255xf32, #tpu.memory_space<hbm>>) dst(%dma_wait3A_432 : memref<8x255xf32, #tpu.memory_space<vmem>>)
      %dma_wait3A_436 = arith.constant 8 : i32
      %dma_wait3A_437 = arith.constant 0 : i32
      %dma_wait3A_438 = arith.constant 0 : i32
      %dma_wait3A_439 = tpu.memref_slice %arg8[%dma_wait3A_436, %dma_wait3A_437, %dma_wait3A_438] : memref<12x8x255xf32, #tpu.memory_space<vmem>> -> memref<1x8x255xf32, #tpu.memory_space<vmem>>
      %dma_wait3A_440 = tpu.memref_squeeze %dma_wait3A_439 : memref<1x8x255xf32, #tpu.memory_space<vmem>> -> memref<8x255xf32, #tpu.memory_space<vmem>>
      %dma_wait3A_441 = arith.constant 0 : i32
      %dma_wait3A_442 = tpu.memref_slice %arg3[%add3A_123, %multiple_of3A, %dma_wait3A_441] : memref<48x255x255xf32, #tpu.memory_space<hbm>> -> memref<1x8x255xf32, #tpu.memory_space<hbm>>
      %dma_wait3A_443 = tpu.memref_squeeze %dma_wait3A_442 : memref<1x8x255xf32, #tpu.memory_space<hbm>> -> memref<8x255xf32, #tpu.memory_space<hbm>>
      %dma_wait3A_444 = arith.constant 0 : i32
      %dma_wait3A_445 = arith.constant 0 : i32
      %dma_wait3A_446 = tpu.memref_slice %arg8[%dma_wait3A_436, %dma_wait3A_444, %dma_wait3A_445] : memref<12x8x255xf32, #tpu.memory_space<vmem>> -> memref<1x8x255xf32, #tpu.memory_space<vmem>>
      %dma_wait3A_447 = tpu.memref_squeeze %dma_wait3A_446 : memref<1x8x255xf32, #tpu.memory_space<vmem>> -> memref<8x255xf32, #tpu.memory_space<vmem>>
      %dma_wait3A_448 = arith.constant 0 : i32
      %dma_wait3A_449 = tpu.memref_slice %arg3[%add3A_123, %multiple_of3A, %dma_wait3A_448] : memref<48x255x255xf32, #tpu.memory_space<hbm>> -> memref<1x8x255xf32, #tpu.memory_space<hbm>>
      %dma_wait3A_450 = tpu.memref_squeeze %dma_wait3A_449 : memref<1x8x255xf32, #tpu.memory_space<hbm>> -> memref<8x255xf32, #tpu.memory_space<hbm>>
      tpu.wait_dma2 semaphore(%arg13 : memref<!tpu.dma_semaphore, #tpu.memory_space<semaphore_mem>>) src(%dma_wait3A_450 : memref<8x255xf32, #tpu.memory_space<hbm>>) dst(%dma_wait3A_447 : memref<8x255xf32, #tpu.memory_space<vmem>>)
      %dma_wait3A_451 = arith.constant 9 : i32
      %dma_wait3A_452 = arith.constant 0 : i32
      %dma_wait3A_453 = arith.constant 0 : i32
      %dma_wait3A_454 = tpu.memref_slice %arg8[%dma_wait3A_451, %dma_wait3A_452, %dma_wait3A_453] : memref<12x8x255xf32, #tpu.memory_space<vmem>> -> memref<1x8x255xf32, #tpu.memory_space<vmem>>
      %dma_wait3A_455 = tpu.memref_squeeze %dma_wait3A_454 : memref<1x8x255xf32, #tpu.memory_space<vmem>> -> memref<8x255xf32, #tpu.memory_space<vmem>>
      %dma_wait3A_456 = arith.constant 0 : i32
      %dma_wait3A_457 = tpu.memref_slice %arg3[%add3A_127, %multiple_of3A, %dma_wait3A_456] : memref<48x255x255xf32, #tpu.memory_space<hbm>> -> memref<1x8x255xf32, #tpu.memory_space<hbm>>
      %dma_wait3A_458 = tpu.memref_squeeze %dma_wait3A_457 : memref<1x8x255xf32, #tpu.memory_space<hbm>> -> memref<8x255xf32, #tpu.memory_space<hbm>>
      %dma_wait3A_459 = arith.constant 0 : i32
      %dma_wait3A_460 = arith.constant 0 : i32
      %dma_wait3A_461 = tpu.memref_slice %arg8[%dma_wait3A_451, %dma_wait3A_459, %dma_wait3A_460] : memref<12x8x255xf32, #tpu.memory_space<vmem>> -> memref<1x8x255xf32, #tpu.memory_space<vmem>>
      %dma_wait3A_462 = tpu.memref_squeeze %dma_wait3A_461 : memref<1x8x255xf32, #tpu.memory_space<vmem>> -> memref<8x255xf32, #tpu.memory_space<vmem>>
      %dma_wait3A_463 = arith.constant 0 : i32
      %dma_wait3A_464 = tpu.memref_slice %arg3[%add3A_127, %multiple_of3A, %dma_wait3A_463] : memref<48x255x255xf32, #tpu.memory_space<hbm>> -> memref<1x8x255xf32, #tpu.memory_space<hbm>>
      %dma_wait3A_465 = tpu.memref_squeeze %dma_wait3A_464 : memref<1x8x255xf32, #tpu.memory_space<hbm>> -> memref<8x255xf32, #tpu.memory_space<hbm>>
      tpu.wait_dma2 semaphore(%arg13 : memref<!tpu.dma_semaphore, #tpu.memory_space<semaphore_mem>>) src(%dma_wait3A_465 : memref<8x255xf32, #tpu.memory_space<hbm>>) dst(%dma_wait3A_462 : memref<8x255xf32, #tpu.memory_space<vmem>>)
      %dma_wait3A_466 = arith.constant 10 : i32
      %dma_wait3A_467 = arith.constant 0 : i32
      %dma_wait3A_468 = arith.constant 0 : i32
      %dma_wait3A_469 = tpu.memref_slice %arg8[%dma_wait3A_466, %dma_wait3A_467, %dma_wait3A_468] : memref<12x8x255xf32, #tpu.memory_space<vmem>> -> memref<1x8x255xf32, #tpu.memory_space<vmem>>
      %dma_wait3A_470 = tpu.memref_squeeze %dma_wait3A_469 : memref<1x8x255xf32, #tpu.memory_space<vmem>> -> memref<8x255xf32, #tpu.memory_space<vmem>>
      %dma_wait3A_471 = arith.constant 0 : i32
      %dma_wait3A_472 = tpu.memref_slice %arg3[%add3A_131, %multiple_of3A, %dma_wait3A_471] : memref<48x255x255xf32, #tpu.memory_space<hbm>> -> memref<1x8x255xf32, #tpu.memory_space<hbm>>
      %dma_wait3A_473 = tpu.memref_squeeze %dma_wait3A_472 : memref<1x8x255xf32, #tpu.memory_space<hbm>> -> memref<8x255xf32, #tpu.memory_space<hbm>>
      %dma_wait3A_474 = arith.constant 0 : i32
      %dma_wait3A_475 = arith.constant 0 : i32
      %dma_wait3A_476 = tpu.memref_slice %arg8[%dma_wait3A_466, %dma_wait3A_474, %dma_wait3A_475] : memref<12x8x255xf32, #tpu.memory_space<vmem>> -> memref<1x8x255xf32, #tpu.memory_space<vmem>>
      %dma_wait3A_477 = tpu.memref_squeeze %dma_wait3A_476 : memref<1x8x255xf32, #tpu.memory_space<vmem>> -> memref<8x255xf32, #tpu.memory_space<vmem>>
      %dma_wait3A_478 = arith.constant 0 : i32
      %dma_wait3A_479 = tpu.memref_slice %arg3[%add3A_131, %multiple_of3A, %dma_wait3A_478] : memref<48x255x255xf32, #tpu.memory_space<hbm>> -> memref<1x8x255xf32, #tpu.memory_space<hbm>>
      %dma_wait3A_480 = tpu.memref_squeeze %dma_wait3A_479 : memref<1x8x255xf32, #tpu.memory_space<hbm>> -> memref<8x255xf32, #tpu.memory_space<hbm>>
      tpu.wait_dma2 semaphore(%arg13 : memref<!tpu.dma_semaphore, #tpu.memory_space<semaphore_mem>>) src(%dma_wait3A_480 : memref<8x255xf32, #tpu.memory_space<hbm>>) dst(%dma_wait3A_477 : memref<8x255xf32, #tpu.memory_space<vmem>>)
      %dma_wait3A_481 = arith.constant 11 : i32
      %dma_wait3A_482 = arith.constant 0 : i32
      %dma_wait3A_483 = arith.constant 0 : i32
      %dma_wait3A_484 = tpu.memref_slice %arg8[%dma_wait3A_481, %dma_wait3A_482, %dma_wait3A_483] : memref<12x8x255xf32, #tpu.memory_space<vmem>> -> memref<1x8x255xf32, #tpu.memory_space<vmem>>
      %dma_wait3A_485 = tpu.memref_squeeze %dma_wait3A_484 : memref<1x8x255xf32, #tpu.memory_space<vmem>> -> memref<8x255xf32, #tpu.memory_space<vmem>>
      %dma_wait3A_486 = arith.constant 0 : i32
      %dma_wait3A_487 = tpu.memref_slice %arg3[%add3A_135, %multiple_of3A, %dma_wait3A_486] : memref<48x255x255xf32, #tpu.memory_space<hbm>> -> memref<1x8x255xf32, #tpu.memory_space<hbm>>
      %dma_wait3A_488 = tpu.memref_squeeze %dma_wait3A_487 : memref<1x8x255xf32, #tpu.memory_space<hbm>> -> memref<8x255xf32, #tpu.memory_space<hbm>>
      %dma_wait3A_489 = arith.constant 0 : i32
      %dma_wait3A_490 = arith.constant 0 : i32
      %dma_wait3A_491 = tpu.memref_slice %arg8[%dma_wait3A_481, %dma_wait3A_489, %dma_wait3A_490] : memref<12x8x255xf32, #tpu.memory_space<vmem>> -> memref<1x8x255xf32, #tpu.memory_space<vmem>>
      %dma_wait3A_492 = tpu.memref_squeeze %dma_wait3A_491 : memref<1x8x255xf32, #tpu.memory_space<vmem>> -> memref<8x255xf32, #tpu.memory_space<vmem>>
      %dma_wait3A_493 = arith.constant 0 : i32
      %dma_wait3A_494 = tpu.memref_slice %arg3[%add3A_135, %multiple_of3A, %dma_wait3A_493] : memref<48x255x255xf32, #tpu.memory_space<hbm>> -> memref<1x8x255xf32, #tpu.memory_space<hbm>>
      %dma_wait3A_495 = tpu.memref_squeeze %dma_wait3A_494 : memref<1x8x255xf32, #tpu.memory_space<hbm>> -> memref<8x255xf32, #tpu.memory_space<hbm>>
      tpu.wait_dma2 semaphore(%arg13 : memref<!tpu.dma_semaphore, #tpu.memory_space<semaphore_mem>>) src(%dma_wait3A_495 : memref<8x255xf32, #tpu.memory_space<hbm>>) dst(%dma_wait3A_492 : memref<8x255xf32, #tpu.memory_space<vmem>>)
    } else {
    }
    %scan3A = arith.constant 0 : i32
    %scan3A_62 = arith.constant 0 : i32
    %scan3A_63 = arith.constant 4 : i32
    %scan3A_64 = arith.addi %scan3A_62, %scan3A_63 : i32
    %scan3A_65 = arith.constant 1 : i32
    scf.for %scan3A_86 = %scan3A_62 to %scan3A_64 step %scan3A_65  : i32 {
      %mul3A_87 = arith.constant 8 : i32
      %mul3A_88 = arith.muli %mul3A_87, %scan3A_86 : i32
      %add3A_89 = arith.addi %mul3A_32, %mul3A_88 : i32
      %eq3A_90 = arith.constant 248 : i32
      %eq3A_91 = arith.cmpi eq, %add3A_89, %eq3A_90 : i32
      %jit3A_92 = arith.constant 247 : i32
      %select_n3A_93 = arith.select %eq3A_91, %jit3A_92, %add3A_89 : i32
      %mul3A_94 = arith.constant 8 : i32
      %mul3A_95 = arith.muli %mul3A_94, %scan3A_86 : i32
      %add3A_96 = arith.constant 0 : i32
      %add3A_97 = arith.addi %mul3A_95, %add3A_96 : i32
      %jit3A_98 = arith.constant 8 : i32
      %div3A_99 = arith.divsi %add3A_97, %jit3A_98 : i32
      %sign3A_100 = arith.constant 0 : i32
      %sign3A_101 = arith.cmpi sgt, %add3A_97, %sign3A_100 : i32
      %sign3A_102 = arith.extui %sign3A_101 : i1 to i32
      %sign3A_103 = arith.constant 0 : i32
      %sign3A_104 = arith.cmpi slt, %add3A_97, %sign3A_103 : i32
      %sign3A_105 = arith.extui %sign3A_104 : i1 to i32
      %sign3A_106 = arith.subi %sign3A_102, %sign3A_105 : i32
      %sign3A_107 = arith.constant 0 : i32
      %sign3A_108 = arith.cmpi sgt, %jit3A_98, %sign3A_107 : i32
      %sign3A_109 = arith.extui %sign3A_108 : i1 to i32
      %sign3A_110 = arith.constant 0 : i32
      %sign3A_111 = arith.cmpi slt, %jit3A_98, %sign3A_110 : i32
      %sign3A_112 = arith.extui %sign3A_111 : i1 to i32
      %sign3A_113 = arith.subi %sign3A_109, %sign3A_112 : i32
      %ne3A_114 = arith.cmpi ne, %sign3A_106, %sign3A_113 : i32
      %rem3A_115 = arith.remsi %add3A_97, %jit3A_98 : i32
      %ne3A_116 = arith.constant 0 : i32
      %ne3A_117 = arith.cmpi ne, %rem3A_115, %ne3A_116 : i32
      %and3A_118 = arith.andi %ne3A_114, %ne3A_117 : i1
      %sub3A_119 = arith.constant 1 : i32
      %sub3A_120 = arith.subi %div3A_99, %sub3A_119 : i32
      %select_n3A_121 = arith.select %and3A_118, %sub3A_120, %div3A_99 : i32
      %jit3A_122 = arith.constant 8 : i32
      %eq3A_123 = arith.constant 0 : i32
      %eq3A_124 = arith.cmpi eq, %jit3A_122, %eq3A_123 : i32
      %jit3A_125 = arith.constant 1 : i32
      %select_n3A_126 = arith.select %eq3A_124, %jit3A_125, %jit3A_122 : i32
      %rem3A_127 = arith.remsi %add3A_97, %select_n3A_126 : i32
      %ne3A_128 = arith.constant 0 : i32
      %ne3A_129 = arith.cmpi ne, %rem3A_127, %ne3A_128 : i32
      %lt3A_130 = arith.constant 0 : i32
      %lt3A_131 = arith.cmpi slt, %rem3A_127, %lt3A_130 : i32
      %lt3A_132 = arith.constant 0 : i32
      %lt3A_133 = arith.cmpi slt, %select_n3A_126, %lt3A_132 : i32
      %ne3A_134 = arith.xori %lt3A_131, %lt3A_133 : i1
      %and3A_135 = arith.andi %ne3A_134, %ne3A_129 : i1
      %add3A_136 = arith.addi %rem3A_127, %select_n3A_126 : i32
      %select_n3A_137 = arith.select %and3A_135, %add3A_136, %rem3A_127 : i32
      %lt3A_138 = arith.constant 6 : i32
      %lt3A_139 = arith.cmpi slt, %select_n3A_137, %lt3A_138 : i32
      %mul3A_140 = arith.constant 96 : i32
      %mul3A_141 = arith.muli %mul3A_140, %select_n3A_30 : i32
      %add3A_142 = arith.constant 256 : i32
      %add3A_143 = arith.addi %add3A_142, %mul3A_141 : i32
      %mul3A_144 = arith.constant 6 : i32
      %mul3A_145 = arith.muli %mul3A_144, %select_n3A_121 : i32
      %add3A_146 = arith.addi %mul3A_145, %select_n3A_137 : i32
      %mul3A_147 = arith.constant 4 : i32
      %mul3A_148 = arith.muli %mul3A_147, %add3A_146 : i32
      %add3A_149 = arith.addi %add3A_143, %mul3A_148 : i32
      %mul3A_150 = arith.constant 8 : i32
      %mul3A_151 = arith.muli %mul3A_150, %select_n3A_121 : i32
      %add3A_152 = arith.addi %mul3A_32, %mul3A_151 : i32
      %sub3A_153 = arith.constant 6 : i32
      %sub3A_154 = arith.subi %select_n3A_137, %sub3A_153 : i32
      %mul3A_155 = arith.constant 4 : i32
      %mul3A_156 = arith.muli %mul3A_155, %sub3A_154 : i32
      %add3A_157 = arith.addi %add3A_152, %mul3A_156 : i32
      %select_n3A_158 = arith.select %lt3A_139, %add3A_149, %add3A_157 : i32
      %dma_wait3A_159 = arith.constant 0 : i32
      %dma_wait3A_160 = arith.constant 0 : i32
      %dma_wait3A_161 = tpu.memref_slice %arg2[%select_n3A, %select_n3A_158, %dma_wait3A_159, %dma_wait3A_160] : memref<4x1024x12x513xf32, #tpu.memory_space<hbm>> -> memref<1x4x12x513xf32, #tpu.memory_space<hbm>>
      %dma_wait3A_162 = tpu.memref_squeeze %dma_wait3A_161 : memref<1x4x12x513xf32, #tpu.memory_space<hbm>> -> memref<4x12x513xf32, #tpu.memory_space<hbm>>
      %dma_wait3A_163 = arith.constant 0 : i32
      %dma_wait3A_164 = arith.constant 0 : i32
      %dma_wait3A_165 = tpu.memref_slice %arg2[%select_n3A, %select_n3A_158, %dma_wait3A_163, %dma_wait3A_164] : memref<4x1024x12x513xf32, #tpu.memory_space<hbm>> -> memref<1x4x12x513xf32, #tpu.memory_space<hbm>>
      %dma_wait3A_166 = tpu.memref_squeeze %dma_wait3A_165 : memref<1x4x12x513xf32, #tpu.memory_space<hbm>> -> memref<4x12x513xf32, #tpu.memory_space<hbm>>
      tpu.wait_dma2 semaphore(%arg9 : memref<!tpu.dma_semaphore, #tpu.memory_space<semaphore_mem>>) src(%dma_wait3A_166 : memref<4x12x513xf32, #tpu.memory_space<hbm>>) dst(%arg6 : memref<4x12x513xf32, #tpu.memory_space<vmem>>)
      %ge3A = arith.constant 1 : i32
      %ge3A_167 = arith.cmpi sge, %add3A_97, %ge3A : i32
      %convert_element_type3A_168 = arith.extui %ge3A_167 : i1 to i32
      %cond3A_169 = arith.constant 0 : i32
      %cond3A_170 = arith.cmpi ne, %convert_element_type3A_168, %cond3A_169 : i32
      scf.if %cond3A_170 {
        %sub3A_1351 = arith.constant 1 : i32
        %sub3A_1352 = arith.subi %add3A_97, %sub3A_1351 : i32
        %jit3A_1353 = arith.constant 8 : i32
        %div3A_1354 = arith.divsi %sub3A_1352, %jit3A_1353 : i32
        %sign3A_1355 = arith.constant 0 : i32
        %sign3A_1356 = arith.cmpi sgt, %sub3A_1352, %sign3A_1355 : i32
        %sign3A_1357 = arith.extui %sign3A_1356 : i1 to i32
        %sign3A_1358 = arith.constant 0 : i32
        %sign3A_1359 = arith.cmpi slt, %sub3A_1352, %sign3A_1358 : i32
        %sign3A_1360 = arith.extui %sign3A_1359 : i1 to i32
        %sign3A_1361 = arith.subi %sign3A_1357, %sign3A_1360 : i32
        %sign3A_1362 = arith.constant 0 : i32
        %sign3A_1363 = arith.cmpi sgt, %jit3A_1353, %sign3A_1362 : i32
        %sign3A_1364 = arith.extui %sign3A_1363 : i1 to i32
        %sign3A_1365 = arith.constant 0 : i32
        %sign3A_1366 = arith.cmpi slt, %jit3A_1353, %sign3A_1365 : i32
        %sign3A_1367 = arith.extui %sign3A_1366 : i1 to i32
        %sign3A_1368 = arith.subi %sign3A_1364, %sign3A_1367 : i32
        %ne3A_1369 = arith.cmpi ne, %sign3A_1361, %sign3A_1368 : i32
        %rem3A_1370 = arith.remsi %sub3A_1352, %jit3A_1353 : i32
        %ne3A_1371 = arith.constant 0 : i32
        %ne3A_1372 = arith.cmpi ne, %rem3A_1370, %ne3A_1371 : i32
        %and3A_1373 = arith.andi %ne3A_1369, %ne3A_1372 : i1
        %sub3A_1374 = arith.constant 1 : i32
        %sub3A_1375 = arith.subi %div3A_1354, %sub3A_1374 : i32
        %select_n3A_1376 = arith.select %and3A_1373, %sub3A_1375, %div3A_1354 : i32
        %jit3A_1377 = arith.constant 8 : i32
        %eq3A_1378 = arith.constant 0 : i32
        %eq3A_1379 = arith.cmpi eq, %jit3A_1377, %eq3A_1378 : i32
        %jit3A_1380 = arith.constant 1 : i32
        %select_n3A_1381 = arith.select %eq3A_1379, %jit3A_1380, %jit3A_1377 : i32
        %rem3A_1382 = arith.remsi %sub3A_1352, %select_n3A_1381 : i32
        %ne3A_1383 = arith.constant 0 : i32
        %ne3A_1384 = arith.cmpi ne, %rem3A_1382, %ne3A_1383 : i32
        %lt3A_1385 = arith.constant 0 : i32
        %lt3A_1386 = arith.cmpi slt, %rem3A_1382, %lt3A_1385 : i32
        %lt3A_1387 = arith.constant 0 : i32
        %lt3A_1388 = arith.cmpi slt, %select_n3A_1381, %lt3A_1387 : i32
        %ne3A_1389 = arith.xori %lt3A_1386, %lt3A_1388 : i1
        %and3A_1390 = arith.andi %ne3A_1389, %ne3A_1384 : i1
        %add3A_1391 = arith.addi %rem3A_1382, %select_n3A_1381 : i32
        %select_n3A_1392 = arith.select %and3A_1390, %add3A_1391, %rem3A_1382 : i32
        %lt3A_1393 = arith.constant 6 : i32
        %lt3A_1394 = arith.cmpi slt, %select_n3A_1392, %lt3A_1393 : i32
        %mul3A_1395 = arith.constant 96 : i32
        %mul3A_1396 = arith.muli %mul3A_1395, %select_n3A_30 : i32
        %add3A_1397 = arith.constant 256 : i32
        %add3A_1398 = arith.addi %add3A_1397, %mul3A_1396 : i32
        %mul3A_1399 = arith.constant 6 : i32
        %mul3A_1400 = arith.muli %mul3A_1399, %select_n3A_1376 : i32
        %add3A_1401 = arith.addi %mul3A_1400, %select_n3A_1392 : i32
        %mul3A_1402 = arith.constant 4 : i32
        %mul3A_1403 = arith.muli %mul3A_1402, %add3A_1401 : i32
        %add3A_1404 = arith.addi %add3A_1398, %mul3A_1403 : i32
        %mul3A_1405 = arith.constant 8 : i32
        %mul3A_1406 = arith.muli %mul3A_1405, %select_n3A_1376 : i32
        %add3A_1407 = arith.addi %mul3A_32, %mul3A_1406 : i32
        %sub3A_1408 = arith.constant 6 : i32
        %sub3A_1409 = arith.subi %select_n3A_1392, %sub3A_1408 : i32
        %mul3A_1410 = arith.constant 4 : i32
        %mul3A_1411 = arith.muli %mul3A_1410, %sub3A_1409 : i32
        %add3A_1412 = arith.addi %add3A_1407, %mul3A_1411 : i32
        %select_n3A_1413 = arith.select %lt3A_1394, %add3A_1404, %add3A_1412 : i32
        %dma_wait3A_1414 = arith.constant 0 : i32
        %dma_wait3A_1415 = arith.constant 0 : i32
        %dma_wait3A_1416 = tpu.memref_slice %arg5[%select_n3A, %select_n3A_1413, %dma_wait3A_1414, %dma_wait3A_1415] : memref<4x1024x12x513xf32, #tpu.memory_space<hbm>> -> memref<1x4x12x513xf32, #tpu.memory_space<hbm>>
        %dma_wait3A_1417 = tpu.memref_squeeze %dma_wait3A_1416 : memref<1x4x12x513xf32, #tpu.memory_space<hbm>> -> memref<4x12x513xf32, #tpu.memory_space<hbm>>
        %dma_wait3A_1418 = arith.constant 0 : i32
        %dma_wait3A_1419 = arith.constant 0 : i32
        %dma_wait3A_1420 = tpu.memref_slice %arg5[%select_n3A, %select_n3A_1413, %dma_wait3A_1418, %dma_wait3A_1419] : memref<4x1024x12x513xf32, #tpu.memory_space<hbm>> -> memref<1x4x12x513xf32, #tpu.memory_space<hbm>>
        %dma_wait3A_1421 = tpu.memref_squeeze %dma_wait3A_1420 : memref<1x4x12x513xf32, #tpu.memory_space<hbm>> -> memref<4x12x513xf32, #tpu.memory_space<hbm>>
        tpu.wait_dma2 semaphore(%arg12 : memref<!tpu.dma_semaphore, #tpu.memory_space<semaphore_mem>>) src(%arg7 : memref<4x12x513xf32, #tpu.memory_space<vmem>>) dst(%dma_wait3A_1421 : memref<4x12x513xf32, #tpu.memory_space<hbm>>)
      } else {
      }
      %add3A_171 = arith.constant 1 : i32
      %add3A_172 = arith.addi %add3A_97, %add3A_171 : i32
      %lt3A_173 = arith.constant 32 : i32
      %lt3A_174 = arith.cmpi slt, %add3A_172, %lt3A_173 : i32
      %convert_element_type3A_175 = arith.extui %lt3A_174 : i1 to i32
      %cond3A_176 = arith.constant 0 : i32
      %cond3A_177 = arith.cmpi ne, %convert_element_type3A_175, %cond3A_176 : i32
      scf.if %cond3A_177 {
        %add3A_1351 = arith.constant 1 : i32
        %add3A_1352 = arith.addi %add3A_97, %add3A_1351 : i32
        %jit3A_1353 = arith.constant 8 : i32
        %div3A_1354 = arith.divsi %add3A_1352, %jit3A_1353 : i32
        %sign3A_1355 = arith.constant 0 : i32
        %sign3A_1356 = arith.cmpi sgt, %add3A_1352, %sign3A_1355 : i32
        %sign3A_1357 = arith.extui %sign3A_1356 : i1 to i32
        %sign3A_1358 = arith.constant 0 : i32
        %sign3A_1359 = arith.cmpi slt, %add3A_1352, %sign3A_1358 : i32
        %sign3A_1360 = arith.extui %sign3A_1359 : i1 to i32
        %sign3A_1361 = arith.subi %sign3A_1357, %sign3A_1360 : i32
        %sign3A_1362 = arith.constant 0 : i32
        %sign3A_1363 = arith.cmpi sgt, %jit3A_1353, %sign3A_1362 : i32
        %sign3A_1364 = arith.extui %sign3A_1363 : i1 to i32
        %sign3A_1365 = arith.constant 0 : i32
        %sign3A_1366 = arith.cmpi slt, %jit3A_1353, %sign3A_1365 : i32
        %sign3A_1367 = arith.extui %sign3A_1366 : i1 to i32
        %sign3A_1368 = arith.subi %sign3A_1364, %sign3A_1367 : i32
        %ne3A_1369 = arith.cmpi ne, %sign3A_1361, %sign3A_1368 : i32
        %rem3A_1370 = arith.remsi %add3A_1352, %jit3A_1353 : i32
        %ne3A_1371 = arith.constant 0 : i32
        %ne3A_1372 = arith.cmpi ne, %rem3A_1370, %ne3A_1371 : i32
        %and3A_1373 = arith.andi %ne3A_1369, %ne3A_1372 : i1
        %sub3A_1374 = arith.constant 1 : i32
        %sub3A_1375 = arith.subi %div3A_1354, %sub3A_1374 : i32
        %select_n3A_1376 = arith.select %and3A_1373, %sub3A_1375, %div3A_1354 : i32
        %jit3A_1377 = arith.constant 8 : i32
        %eq3A_1378 = arith.constant 0 : i32
        %eq3A_1379 = arith.cmpi eq, %jit3A_1377, %eq3A_1378 : i32
        %jit3A_1380 = arith.constant 1 : i32
        %select_n3A_1381 = arith.select %eq3A_1379, %jit3A_1380, %jit3A_1377 : i32
        %rem3A_1382 = arith.remsi %add3A_1352, %select_n3A_1381 : i32
        %ne3A_1383 = arith.constant 0 : i32
        %ne3A_1384 = arith.cmpi ne, %rem3A_1382, %ne3A_1383 : i32
        %lt3A_1385 = arith.constant 0 : i32
        %lt3A_1386 = arith.cmpi slt, %rem3A_1382, %lt3A_1385 : i32
        %lt3A_1387 = arith.constant 0 : i32
        %lt3A_1388 = arith.cmpi slt, %select_n3A_1381, %lt3A_1387 : i32
        %ne3A_1389 = arith.xori %lt3A_1386, %lt3A_1388 : i1
        %and3A_1390 = arith.andi %ne3A_1389, %ne3A_1384 : i1
        %add3A_1391 = arith.addi %rem3A_1382, %select_n3A_1381 : i32
        %select_n3A_1392 = arith.select %and3A_1390, %add3A_1391, %rem3A_1382 : i32
        %lt3A_1393 = arith.constant 6 : i32
        %lt3A_1394 = arith.cmpi slt, %select_n3A_1392, %lt3A_1393 : i32
        %mul3A_1395 = arith.constant 96 : i32
        %mul3A_1396 = arith.muli %mul3A_1395, %select_n3A_30 : i32
        %add3A_1397 = arith.constant 256 : i32
        %add3A_1398 = arith.addi %add3A_1397, %mul3A_1396 : i32
        %mul3A_1399 = arith.constant 6 : i32
        %mul3A_1400 = arith.muli %mul3A_1399, %select_n3A_1376 : i32
        %add3A_1401 = arith.addi %mul3A_1400, %select_n3A_1392 : i32
        %mul3A_1402 = arith.constant 4 : i32
        %mul3A_1403 = arith.muli %mul3A_1402, %add3A_1401 : i32
        %add3A_1404 = arith.addi %add3A_1398, %mul3A_1403 : i32
        %mul3A_1405 = arith.constant 8 : i32
        %mul3A_1406 = arith.muli %mul3A_1405, %select_n3A_1376 : i32
        %add3A_1407 = arith.addi %mul3A_32, %mul3A_1406 : i32
        %sub3A_1408 = arith.constant 6 : i32
        %sub3A_1409 = arith.subi %select_n3A_1392, %sub3A_1408 : i32
        %mul3A_1410 = arith.constant 4 : i32
        %mul3A_1411 = arith.muli %mul3A_1410, %sub3A_1409 : i32
        %add3A_1412 = arith.addi %add3A_1407, %mul3A_1411 : i32
        %select_n3A_1413 = arith.select %lt3A_1394, %add3A_1404, %add3A_1412 : i32
        %dma_start3A_1414 = arith.constant 0 : i32
        %dma_start3A_1415 = arith.constant 0 : i32
        %dma_start3A_1416 = tpu.memref_slice %arg2[%select_n3A, %select_n3A_1413, %dma_start3A_1414, %dma_start3A_1415] : memref<4x1024x12x513xf32, #tpu.memory_space<hbm>> -> memref<1x4x12x513xf32, #tpu.memory_space<hbm>>
        %dma_start3A_1417 = tpu.memref_squeeze %dma_start3A_1416 : memref<1x4x12x513xf32, #tpu.memory_space<hbm>> -> memref<4x12x513xf32, #tpu.memory_space<hbm>>
        %dma_start3A_1418 = arith.constant 0 : i32
        %dma_start3A_1419 = arith.constant 0 : i32
        %dma_start3A_1420 = tpu.memref_slice %arg2[%select_n3A, %select_n3A_1413, %dma_start3A_1418, %dma_start3A_1419] : memref<4x1024x12x513xf32, #tpu.memory_space<hbm>> -> memref<1x4x12x513xf32, #tpu.memory_space<hbm>>
        %dma_start3A_1421 = tpu.memref_squeeze %dma_start3A_1420 : memref<1x4x12x513xf32, #tpu.memory_space<hbm>> -> memref<4x12x513xf32, #tpu.memory_space<hbm>>
        tpu.enqueue_dma source(%dma_start3A_1421 : memref<4x12x513xf32, #tpu.memory_space<hbm>>) target(%arg7 : memref<4x12x513xf32, #tpu.memory_space<vmem>>) target_semaphore(%arg10 : memref<!tpu.dma_semaphore, #tpu.memory_space<semaphore_mem>>)
      } else {
      }
      %jit3A_178 = arith.constant 8 : i32
      %div3A_179 = arith.divsi %add3A_97, %jit3A_178 : i32
      %sign3A_180 = arith.constant 0 : i32
      %sign3A_181 = arith.cmpi sgt, %add3A_97, %sign3A_180 : i32
      %sign3A_182 = arith.extui %sign3A_181 : i1 to i32
      %sign3A_183 = arith.constant 0 : i32
      %sign3A_184 = arith.cmpi slt, %add3A_97, %sign3A_183 : i32
      %sign3A_185 = arith.extui %sign3A_184 : i1 to i32
      %sign3A_186 = arith.subi %sign3A_182, %sign3A_185 : i32
      %sign3A_187 = arith.constant 0 : i32
      %sign3A_188 = arith.cmpi sgt, %jit3A_178, %sign3A_187 : i32
      %sign3A_189 = arith.extui %sign3A_188 : i1 to i32
      %sign3A_190 = arith.constant 0 : i32
      %sign3A_191 = arith.cmpi slt, %jit3A_178, %sign3A_190 : i32
      %sign3A_192 = arith.extui %sign3A_191 : i1 to i32
      %sign3A_193 = arith.subi %sign3A_189, %sign3A_192 : i32
      %ne3A_194 = arith.cmpi ne, %sign3A_186, %sign3A_193 : i32
      %rem3A_195 = arith.remsi %add3A_97, %jit3A_178 : i32
      %ne3A_196 = arith.constant 0 : i32
      %ne3A_197 = arith.cmpi ne, %rem3A_195, %ne3A_196 : i32
      %and3A_198 = arith.andi %ne3A_194, %ne3A_197 : i1
      %sub3A_199 = arith.constant 1 : i32
      %sub3A_200 = arith.subi %div3A_179, %sub3A_199 : i32
      %select_n3A_201 = arith.select %and3A_198, %sub3A_200, %div3A_179 : i32
      %jit3A_202 = arith.constant 8 : i32
      %eq3A_203 = arith.constant 0 : i32
      %eq3A_204 = arith.cmpi eq, %jit3A_202, %eq3A_203 : i32
      %jit3A_205 = arith.constant 1 : i32
      %select_n3A_206 = arith.select %eq3A_204, %jit3A_205, %jit3A_202 : i32
      %rem3A_207 = arith.remsi %add3A_97, %select_n3A_206 : i32
      %ne3A_208 = arith.constant 0 : i32
      %ne3A_209 = arith.cmpi ne, %rem3A_207, %ne3A_208 : i32
      %lt3A_210 = arith.constant 0 : i32
      %lt3A_211 = arith.cmpi slt, %rem3A_207, %lt3A_210 : i32
      %lt3A_212 = arith.constant 0 : i32
      %lt3A_213 = arith.cmpi slt, %select_n3A_206, %lt3A_212 : i32
      %ne3A_214 = arith.xori %lt3A_211, %lt3A_213 : i1
      %and3A_215 = arith.andi %ne3A_214, %ne3A_209 : i1
      %add3A_216 = arith.addi %rem3A_207, %select_n3A_206 : i32
      %select_n3A_217 = arith.select %and3A_215, %add3A_216, %rem3A_207 : i32
      %lt3A_218 = arith.constant 6 : i32
      %lt3A_219 = arith.cmpi slt, %select_n3A_217, %lt3A_218 : i32
      %mul3A_220 = arith.constant 96 : i32
      %mul3A_221 = arith.muli %mul3A_220, %select_n3A_30 : i32
      %add3A_222 = arith.constant 256 : i32
      %add3A_223 = arith.addi %add3A_222, %mul3A_221 : i32
      %mul3A_224 = arith.constant 6 : i32
      %mul3A_225 = arith.muli %mul3A_224, %select_n3A_201 : i32
      %add3A_226 = arith.addi %mul3A_225, %select_n3A_217 : i32
      %mul3A_227 = arith.constant 4 : i32
      %mul3A_228 = arith.muli %mul3A_227, %add3A_226 : i32
      %add3A_229 = arith.addi %add3A_223, %mul3A_228 : i32
      %mul3A_230 = arith.constant 8 : i32
      %mul3A_231 = arith.muli %mul3A_230, %select_n3A_201 : i32
      %add3A_232 = arith.addi %mul3A_32, %mul3A_231 : i32
      %sub3A_233 = arith.constant 6 : i32
      %sub3A_234 = arith.subi %select_n3A_217, %sub3A_233 : i32
      %mul3A_235 = arith.constant 4 : i32
      %mul3A_236 = arith.muli %mul3A_235, %sub3A_234 : i32
      %add3A_237 = arith.addi %add3A_232, %mul3A_236 : i32
      %select_n3A_238 = arith.select %lt3A_219, %add3A_229, %add3A_237 : i32
      %dma_start3A_239 = arith.constant 0 : i32
      %dma_start3A_240 = arith.constant 0 : i32
      %dma_start3A_241 = tpu.memref_slice %arg5[%select_n3A, %select_n3A_238, %dma_start3A_239, %dma_start3A_240] : memref<4x1024x12x513xf32, #tpu.memory_space<hbm>> -> memref<1x4x12x513xf32, #tpu.memory_space<hbm>>
      %dma_start3A_242 = tpu.memref_squeeze %dma_start3A_241 : memref<1x4x12x513xf32, #tpu.memory_space<hbm>> -> memref<4x12x513xf32, #tpu.memory_space<hbm>>
      %dma_start3A_243 = arith.constant 0 : i32
      %dma_start3A_244 = arith.constant 0 : i32
      %dma_start3A_245 = tpu.memref_slice %arg5[%select_n3A, %select_n3A_238, %dma_start3A_243, %dma_start3A_244] : memref<4x1024x12x513xf32, #tpu.memory_space<hbm>> -> memref<1x4x12x513xf32, #tpu.memory_space<hbm>>
      %dma_start3A_246 = tpu.memref_squeeze %dma_start3A_245 : memref<1x4x12x513xf32, #tpu.memory_space<hbm>> -> memref<4x12x513xf32, #tpu.memory_space<hbm>>
      tpu.enqueue_dma source(%arg6 : memref<4x12x513xf32, #tpu.memory_space<vmem>>) target(%dma_start3A_246 : memref<4x12x513xf32, #tpu.memory_space<hbm>>) target_semaphore(%arg11 : memref<!tpu.dma_semaphore, #tpu.memory_space<semaphore_mem>>)
      %mul3A_247 = arith.constant 8 : i32
      %mul3A_248 = arith.muli %mul3A_247, %scan3A_86 : i32
      %add3A_249 = arith.constant 1 : i32
      %add3A_250 = arith.addi %mul3A_248, %add3A_249 : i32
      %jit3A_251 = arith.constant 8 : i32
      %div3A_252 = arith.divsi %add3A_250, %jit3A_251 : i32
      %sign3A_253 = arith.constant 0 : i32
      %sign3A_254 = arith.cmpi sgt, %add3A_250, %sign3A_253 : i32
      %sign3A_255 = arith.extui %sign3A_254 : i1 to i32
      %sign3A_256 = arith.constant 0 : i32
      %sign3A_257 = arith.cmpi slt, %add3A_250, %sign3A_256 : i32
      %sign3A_258 = arith.extui %sign3A_257 : i1 to i32
      %sign3A_259 = arith.subi %sign3A_255, %sign3A_258 : i32
      %sign3A_260 = arith.constant 0 : i32
      %sign3A_261 = arith.cmpi sgt, %jit3A_251, %sign3A_260 : i32
      %sign3A_262 = arith.extui %sign3A_261 : i1 to i32
      %sign3A_263 = arith.constant 0 : i32
      %sign3A_264 = arith.cmpi slt, %jit3A_251, %sign3A_263 : i32
      %sign3A_265 = arith.extui %sign3A_264 : i1 to i32
      %sign3A_266 = arith.subi %sign3A_262, %sign3A_265 : i32
      %ne3A_267 = arith.cmpi ne, %sign3A_259, %sign3A_266 : i32
      %rem3A_268 = arith.remsi %add3A_250, %jit3A_251 : i32
      %ne3A_269 = arith.constant 0 : i32
      %ne3A_270 = arith.cmpi ne, %rem3A_268, %ne3A_269 : i32
      %and3A_271 = arith.andi %ne3A_267, %ne3A_270 : i1
      %sub3A_272 = arith.constant 1 : i32
      %sub3A_273 = arith.subi %div3A_252, %sub3A_272 : i32
      %select_n3A_274 = arith.select %and3A_271, %sub3A_273, %div3A_252 : i32
      %jit3A_275 = arith.constant 8 : i32
      %eq3A_276 = arith.constant 0 : i32
      %eq3A_277 = arith.cmpi eq, %jit3A_275, %eq3A_276 : i32
      %jit3A_278 = arith.constant 1 : i32
      %select_n3A_279 = arith.select %eq3A_277, %jit3A_278, %jit3A_275 : i32
      %rem3A_280 = arith.remsi %add3A_250, %select_n3A_279 : i32
      %ne3A_281 = arith.constant 0 : i32
      %ne3A_282 = arith.cmpi ne, %rem3A_280, %ne3A_281 : i32
      %lt3A_283 = arith.constant 0 : i32
      %lt3A_284 = arith.cmpi slt, %rem3A_280, %lt3A_283 : i32
      %lt3A_285 = arith.constant 0 : i32
      %lt3A_286 = arith.cmpi slt, %select_n3A_279, %lt3A_285 : i32
      %ne3A_287 = arith.xori %lt3A_284, %lt3A_286 : i1
      %and3A_288 = arith.andi %ne3A_287, %ne3A_282 : i1
      %add3A_289 = arith.addi %rem3A_280, %select_n3A_279 : i32
      %select_n3A_290 = arith.select %and3A_288, %add3A_289, %rem3A_280 : i32
      %lt3A_291 = arith.constant 6 : i32
      %lt3A_292 = arith.cmpi slt, %select_n3A_290, %lt3A_291 : i32
      %mul3A_293 = arith.constant 96 : i32
      %mul3A_294 = arith.muli %mul3A_293, %select_n3A_30 : i32
      %add3A_295 = arith.constant 256 : i32
      %add3A_296 = arith.addi %add3A_295, %mul3A_294 : i32
      %mul3A_297 = arith.constant 6 : i32
      %mul3A_298 = arith.muli %mul3A_297, %select_n3A_274 : i32
      %add3A_299 = arith.addi %mul3A_298, %select_n3A_290 : i32
      %mul3A_300 = arith.constant 4 : i32
      %mul3A_301 = arith.muli %mul3A_300, %add3A_299 : i32
      %add3A_302 = arith.addi %add3A_296, %mul3A_301 : i32
      %mul3A_303 = arith.constant 8 : i32
      %mul3A_304 = arith.muli %mul3A_303, %select_n3A_274 : i32
      %add3A_305 = arith.addi %mul3A_32, %mul3A_304 : i32
      %sub3A_306 = arith.constant 6 : i32
      %sub3A_307 = arith.subi %select_n3A_290, %sub3A_306 : i32
      %mul3A_308 = arith.constant 4 : i32
      %mul3A_309 = arith.muli %mul3A_308, %sub3A_307 : i32
      %add3A_310 = arith.addi %add3A_305, %mul3A_309 : i32
      %select_n3A_311 = arith.select %lt3A_292, %add3A_302, %add3A_310 : i32
      %dma_wait3A_312 = arith.constant 0 : i32
      %dma_wait3A_313 = arith.constant 0 : i32
      %dma_wait3A_314 = tpu.memref_slice %arg2[%select_n3A, %select_n3A_311, %dma_wait3A_312, %dma_wait3A_313] : memref<4x1024x12x513xf32, #tpu.memory_space<hbm>> -> memref<1x4x12x513xf32, #tpu.memory_space<hbm>>
      %dma_wait3A_315 = tpu.memref_squeeze %dma_wait3A_314 : memref<1x4x12x513xf32, #tpu.memory_space<hbm>> -> memref<4x12x513xf32, #tpu.memory_space<hbm>>
      %dma_wait3A_316 = arith.constant 0 : i32
      %dma_wait3A_317 = arith.constant 0 : i32
      %dma_wait3A_318 = tpu.memref_slice %arg2[%select_n3A, %select_n3A_311, %dma_wait3A_316, %dma_wait3A_317] : memref<4x1024x12x513xf32, #tpu.memory_space<hbm>> -> memref<1x4x12x513xf32, #tpu.memory_space<hbm>>
      %dma_wait3A_319 = tpu.memref_squeeze %dma_wait3A_318 : memref<1x4x12x513xf32, #tpu.memory_space<hbm>> -> memref<4x12x513xf32, #tpu.memory_space<hbm>>
      tpu.wait_dma2 semaphore(%arg10 : memref<!tpu.dma_semaphore, #tpu.memory_space<semaphore_mem>>) src(%dma_wait3A_319 : memref<4x12x513xf32, #tpu.memory_space<hbm>>) dst(%arg7 : memref<4x12x513xf32, #tpu.memory_space<vmem>>)
      %ge3A_320 = arith.constant 1 : i32
      %ge3A_321 = arith.cmpi sge, %add3A_250, %ge3A_320 : i32
      %convert_element_type3A_322 = arith.extui %ge3A_321 : i1 to i32
      %cond3A_323 = arith.constant 0 : i32
      %cond3A_324 = arith.cmpi ne, %convert_element_type3A_322, %cond3A_323 : i32
      scf.if %cond3A_324 {
        %sub3A_1351 = arith.constant 1 : i32
        %sub3A_1352 = arith.subi %add3A_250, %sub3A_1351 : i32
        %jit3A_1353 = arith.constant 8 : i32
        %div3A_1354 = arith.divsi %sub3A_1352, %jit3A_1353 : i32
        %sign3A_1355 = arith.constant 0 : i32
        %sign3A_1356 = arith.cmpi sgt, %sub3A_1352, %sign3A_1355 : i32
        %sign3A_1357 = arith.extui %sign3A_1356 : i1 to i32
        %sign3A_1358 = arith.constant 0 : i32
        %sign3A_1359 = arith.cmpi slt, %sub3A_1352, %sign3A_1358 : i32
        %sign3A_1360 = arith.extui %sign3A_1359 : i1 to i32
        %sign3A_1361 = arith.subi %sign3A_1357, %sign3A_1360 : i32
        %sign3A_1362 = arith.constant 0 : i32
        %sign3A_1363 = arith.cmpi sgt, %jit3A_1353, %sign3A_1362 : i32
        %sign3A_1364 = arith.extui %sign3A_1363 : i1 to i32
        %sign3A_1365 = arith.constant 0 : i32
        %sign3A_1366 = arith.cmpi slt, %jit3A_1353, %sign3A_1365 : i32
        %sign3A_1367 = arith.extui %sign3A_1366 : i1 to i32
        %sign3A_1368 = arith.subi %sign3A_1364, %sign3A_1367 : i32
        %ne3A_1369 = arith.cmpi ne, %sign3A_1361, %sign3A_1368 : i32
        %rem3A_1370 = arith.remsi %sub3A_1352, %jit3A_1353 : i32
        %ne3A_1371 = arith.constant 0 : i32
        %ne3A_1372 = arith.cmpi ne, %rem3A_1370, %ne3A_1371 : i32
        %and3A_1373 = arith.andi %ne3A_1369, %ne3A_1372 : i1
        %sub3A_1374 = arith.constant 1 : i32
        %sub3A_1375 = arith.subi %div3A_1354, %sub3A_1374 : i32
        %select_n3A_1376 = arith.select %and3A_1373, %sub3A_1375, %div3A_1354 : i32
        %jit3A_1377 = arith.constant 8 : i32
        %eq3A_1378 = arith.constant 0 : i32
        %eq3A_1379 = arith.cmpi eq, %jit3A_1377, %eq3A_1378 : i32
        %jit3A_1380 = arith.constant 1 : i32
        %select_n3A_1381 = arith.select %eq3A_1379, %jit3A_1380, %jit3A_1377 : i32
        %rem3A_1382 = arith.remsi %sub3A_1352, %select_n3A_1381 : i32
        %ne3A_1383 = arith.constant 0 : i32
        %ne3A_1384 = arith.cmpi ne, %rem3A_1382, %ne3A_1383 : i32
        %lt3A_1385 = arith.constant 0 : i32
        %lt3A_1386 = arith.cmpi slt, %rem3A_1382, %lt3A_1385 : i32
        %lt3A_1387 = arith.constant 0 : i32
        %lt3A_1388 = arith.cmpi slt, %select_n3A_1381, %lt3A_1387 : i32
        %ne3A_1389 = arith.xori %lt3A_1386, %lt3A_1388 : i1
        %and3A_1390 = arith.andi %ne3A_1389, %ne3A_1384 : i1
        %add3A_1391 = arith.addi %rem3A_1382, %select_n3A_1381 : i32
        %select_n3A_1392 = arith.select %and3A_1390, %add3A_1391, %rem3A_1382 : i32
        %lt3A_1393 = arith.constant 6 : i32
        %lt3A_1394 = arith.cmpi slt, %select_n3A_1392, %lt3A_1393 : i32
        %mul3A_1395 = arith.constant 96 : i32
        %mul3A_1396 = arith.muli %mul3A_1395, %select_n3A_30 : i32
        %add3A_1397 = arith.constant 256 : i32
        %add3A_1398 = arith.addi %add3A_1397, %mul3A_1396 : i32
        %mul3A_1399 = arith.constant 6 : i32
        %mul3A_1400 = arith.muli %mul3A_1399, %select_n3A_1376 : i32
        %add3A_1401 = arith.addi %mul3A_1400, %select_n3A_1392 : i32
        %mul3A_1402 = arith.constant 4 : i32
        %mul3A_1403 = arith.muli %mul3A_1402, %add3A_1401 : i32
        %add3A_1404 = arith.addi %add3A_1398, %mul3A_1403 : i32
        %mul3A_1405 = arith.constant 8 : i32
        %mul3A_1406 = arith.muli %mul3A_1405, %select_n3A_1376 : i32
        %add3A_1407 = arith.addi %mul3A_32, %mul3A_1406 : i32
        %sub3A_1408 = arith.constant 6 : i32
        %sub3A_1409 = arith.subi %select_n3A_1392, %sub3A_1408 : i32
        %mul3A_1410 = arith.constant 4 : i32
        %mul3A_1411 = arith.muli %mul3A_1410, %sub3A_1409 : i32
        %add3A_1412 = arith.addi %add3A_1407, %mul3A_1411 : i32
        %select_n3A_1413 = arith.select %lt3A_1394, %add3A_1404, %add3A_1412 : i32
        %dma_wait3A_1414 = arith.constant 0 : i32
        %dma_wait3A_1415 = arith.constant 0 : i32
        %dma_wait3A_1416 = tpu.memref_slice %arg5[%select_n3A, %select_n3A_1413, %dma_wait3A_1414, %dma_wait3A_1415] : memref<4x1024x12x513xf32, #tpu.memory_space<hbm>> -> memref<1x4x12x513xf32, #tpu.memory_space<hbm>>
        %dma_wait3A_1417 = tpu.memref_squeeze %dma_wait3A_1416 : memref<1x4x12x513xf32, #tpu.memory_space<hbm>> -> memref<4x12x513xf32, #tpu.memory_space<hbm>>
        %dma_wait3A_1418 = arith.constant 0 : i32
        %dma_wait3A_1419 = arith.constant 0 : i32
        %dma_wait3A_1420 = tpu.memref_slice %arg5[%select_n3A, %select_n3A_1413, %dma_wait3A_1418, %dma_wait3A_1419] : memref<4x1024x12x513xf32, #tpu.memory_space<hbm>> -> memref<1x4x12x513xf32, #tpu.memory_space<hbm>>
        %dma_wait3A_1421 = tpu.memref_squeeze %dma_wait3A_1420 : memref<1x4x12x513xf32, #tpu.memory_space<hbm>> -> memref<4x12x513xf32, #tpu.memory_space<hbm>>
        tpu.wait_dma2 semaphore(%arg11 : memref<!tpu.dma_semaphore, #tpu.memory_space<semaphore_mem>>) src(%arg6 : memref<4x12x513xf32, #tpu.memory_space<vmem>>) dst(%dma_wait3A_1421 : memref<4x12x513xf32, #tpu.memory_space<hbm>>)
      } else {
      }
      %add3A_325 = arith.constant 1 : i32
      %add3A_326 = arith.addi %add3A_250, %add3A_325 : i32
      %lt3A_327 = arith.constant 32 : i32
      %lt3A_328 = arith.cmpi slt, %add3A_326, %lt3A_327 : i32
      %convert_element_type3A_329 = arith.extui %lt3A_328 : i1 to i32
      %cond3A_330 = arith.constant 0 : i32
      %cond3A_331 = arith.cmpi ne, %convert_element_type3A_329, %cond3A_330 : i32
      scf.if %cond3A_331 {
        %add3A_1351 = arith.constant 1 : i32
        %add3A_1352 = arith.addi %add3A_250, %add3A_1351 : i32
        %jit3A_1353 = arith.constant 8 : i32
        %div3A_1354 = arith.divsi %add3A_1352, %jit3A_1353 : i32
        %sign3A_1355 = arith.constant 0 : i32
        %sign3A_1356 = arith.cmpi sgt, %add3A_1352, %sign3A_1355 : i32
        %sign3A_1357 = arith.extui %sign3A_1356 : i1 to i32
        %sign3A_1358 = arith.constant 0 : i32
        %sign3A_1359 = arith.cmpi slt, %add3A_1352, %sign3A_1358 : i32
        %sign3A_1360 = arith.extui %sign3A_1359 : i1 to i32
        %sign3A_1361 = arith.subi %sign3A_1357, %sign3A_1360 : i32
        %sign3A_1362 = arith.constant 0 : i32
        %sign3A_1363 = arith.cmpi sgt, %jit3A_1353, %sign3A_1362 : i32
        %sign3A_1364 = arith.extui %sign3A_1363 : i1 to i32
        %sign3A_1365 = arith.constant 0 : i32
        %sign3A_1366 = arith.cmpi slt, %jit3A_1353, %sign3A_1365 : i32
        %sign3A_1367 = arith.extui %sign3A_1366 : i1 to i32
        %sign3A_1368 = arith.subi %sign3A_1364, %sign3A_1367 : i32
        %ne3A_1369 = arith.cmpi ne, %sign3A_1361, %sign3A_1368 : i32
        %rem3A_1370 = arith.remsi %add3A_1352, %jit3A_1353 : i32
        %ne3A_1371 = arith.constant 0 : i32
        %ne3A_1372 = arith.cmpi ne, %rem3A_1370, %ne3A_1371 : i32
        %and3A_1373 = arith.andi %ne3A_1369, %ne3A_1372 : i1
        %sub3A_1374 = arith.constant 1 : i32
        %sub3A_1375 = arith.subi %div3A_1354, %sub3A_1374 : i32
        %select_n3A_1376 = arith.select %and3A_1373, %sub3A_1375, %div3A_1354 : i32
        %jit3A_1377 = arith.constant 8 : i32
        %eq3A_1378 = arith.constant 0 : i32
        %eq3A_1379 = arith.cmpi eq, %jit3A_1377, %eq3A_1378 : i32
        %jit3A_1380 = arith.constant 1 : i32
        %select_n3A_1381 = arith.select %eq3A_1379, %jit3A_1380, %jit3A_1377 : i32
        %rem3A_1382 = arith.remsi %add3A_1352, %select_n3A_1381 : i32
        %ne3A_1383 = arith.constant 0 : i32
        %ne3A_1384 = arith.cmpi ne, %rem3A_1382, %ne3A_1383 : i32
        %lt3A_1385 = arith.constant 0 : i32
        %lt3A_1386 = arith.cmpi slt, %rem3A_1382, %lt3A_1385 : i32
        %lt3A_1387 = arith.constant 0 : i32
        %lt3A_1388 = arith.cmpi slt, %select_n3A_1381, %lt3A_1387 : i32
        %ne3A_1389 = arith.xori %lt3A_1386, %lt3A_1388 : i1
        %and3A_1390 = arith.andi %ne3A_1389, %ne3A_1384 : i1
        %add3A_1391 = arith.addi %rem3A_1382, %select_n3A_1381 : i32
        %select_n3A_1392 = arith.select %and3A_1390, %add3A_1391, %rem3A_1382 : i32
        %lt3A_1393 = arith.constant 6 : i32
        %lt3A_1394 = arith.cmpi slt, %select_n3A_1392, %lt3A_1393 : i32
        %mul3A_1395 = arith.constant 96 : i32
        %mul3A_1396 = arith.muli %mul3A_1395, %select_n3A_30 : i32
        %add3A_1397 = arith.constant 256 : i32
        %add3A_1398 = arith.addi %add3A_1397, %mul3A_1396 : i32
        %mul3A_1399 = arith.constant 6 : i32
        %mul3A_1400 = arith.muli %mul3A_1399, %select_n3A_1376 : i32
        %add3A_1401 = arith.addi %mul3A_1400, %select_n3A_1392 : i32
        %mul3A_1402 = arith.constant 4 : i32
        %mul3A_1403 = arith.muli %mul3A_1402, %add3A_1401 : i32
        %add3A_1404 = arith.addi %add3A_1398, %mul3A_1403 : i32
        %mul3A_1405 = arith.constant 8 : i32
        %mul3A_1406 = arith.muli %mul3A_1405, %select_n3A_1376 : i32
        %add3A_1407 = arith.addi %mul3A_32, %mul3A_1406 : i32
        %sub3A_1408 = arith.constant 6 : i32
        %sub3A_1409 = arith.subi %select_n3A_1392, %sub3A_1408 : i32
        %mul3A_1410 = arith.constant 4 : i32
        %mul3A_1411 = arith.muli %mul3A_1410, %sub3A_1409 : i32
        %add3A_1412 = arith.addi %add3A_1407, %mul3A_1411 : i32
        %select_n3A_1413 = arith.select %lt3A_1394, %add3A_1404, %add3A_1412 : i32
        %dma_start3A_1414 = arith.constant 0 : i32
        %dma_start3A_1415 = arith.constant 0 : i32
        %dma_start3A_1416 = tpu.memref_slice %arg2[%select_n3A, %select_n3A_1413, %dma_start3A_1414, %dma_start3A_1415] : memref<4x1024x12x513xf32, #tpu.memory_space<hbm>> -> memref<1x4x12x513xf32, #tpu.memory_space<hbm>>
        %dma_start3A_1417 = tpu.memref_squeeze %dma_start3A_1416 : memref<1x4x12x513xf32, #tpu.memory_space<hbm>> -> memref<4x12x513xf32, #tpu.memory_space<hbm>>
        %dma_start3A_1418 = arith.constant 0 : i32
        %dma_start3A_1419 = arith.constant 0 : i32
        %dma_start3A_1420 = tpu.memref_slice %arg2[%select_n3A, %select_n3A_1413, %dma_start3A_1418, %dma_start3A_1419] : memref<4x1024x12x513xf32, #tpu.memory_space<hbm>> -> memref<1x4x12x513xf32, #tpu.memory_space<hbm>>
        %dma_start3A_1421 = tpu.memref_squeeze %dma_start3A_1420 : memref<1x4x12x513xf32, #tpu.memory_space<hbm>> -> memref<4x12x513xf32, #tpu.memory_space<hbm>>
        tpu.enqueue_dma source(%dma_start3A_1421 : memref<4x12x513xf32, #tpu.memory_space<hbm>>) target(%arg6 : memref<4x12x513xf32, #tpu.memory_space<vmem>>) target_semaphore(%arg9 : memref<!tpu.dma_semaphore, #tpu.memory_space<semaphore_mem>>)
      } else {
      }
      %jit3A_332 = arith.constant 8 : i32
      %div3A_333 = arith.divsi %add3A_250, %jit3A_332 : i32
      %sign3A_334 = arith.constant 0 : i32
      %sign3A_335 = arith.cmpi sgt, %add3A_250, %sign3A_334 : i32
      %sign3A_336 = arith.extui %sign3A_335 : i1 to i32
      %sign3A_337 = arith.constant 0 : i32
      %sign3A_338 = arith.cmpi slt, %add3A_250, %sign3A_337 : i32
      %sign3A_339 = arith.extui %sign3A_338 : i1 to i32
      %sign3A_340 = arith.subi %sign3A_336, %sign3A_339 : i32
      %sign3A_341 = arith.constant 0 : i32
      %sign3A_342 = arith.cmpi sgt, %jit3A_332, %sign3A_341 : i32
      %sign3A_343 = arith.extui %sign3A_342 : i1 to i32
      %sign3A_344 = arith.constant 0 : i32
      %sign3A_345 = arith.cmpi slt, %jit3A_332, %sign3A_344 : i32
      %sign3A_346 = arith.extui %sign3A_345 : i1 to i32
      %sign3A_347 = arith.subi %sign3A_343, %sign3A_346 : i32
      %ne3A_348 = arith.cmpi ne, %sign3A_340, %sign3A_347 : i32
      %rem3A_349 = arith.remsi %add3A_250, %jit3A_332 : i32
      %ne3A_350 = arith.constant 0 : i32
      %ne3A_351 = arith.cmpi ne, %rem3A_349, %ne3A_350 : i32
      %and3A_352 = arith.andi %ne3A_348, %ne3A_351 : i1
      %sub3A_353 = arith.constant 1 : i32
      %sub3A_354 = arith.subi %div3A_333, %sub3A_353 : i32
      %select_n3A_355 = arith.select %and3A_352, %sub3A_354, %div3A_333 : i32
      %jit3A_356 = arith.constant 8 : i32
      %eq3A_357 = arith.constant 0 : i32
      %eq3A_358 = arith.cmpi eq, %jit3A_356, %eq3A_357 : i32
      %jit3A_359 = arith.constant 1 : i32
      %select_n3A_360 = arith.select %eq3A_358, %jit3A_359, %jit3A_356 : i32
      %rem3A_361 = arith.remsi %add3A_250, %select_n3A_360 : i32
      %ne3A_362 = arith.constant 0 : i32
      %ne3A_363 = arith.cmpi ne, %rem3A_361, %ne3A_362 : i32
      %lt3A_364 = arith.constant 0 : i32
      %lt3A_365 = arith.cmpi slt, %rem3A_361, %lt3A_364 : i32
      %lt3A_366 = arith.constant 0 : i32
      %lt3A_367 = arith.cmpi slt, %select_n3A_360, %lt3A_366 : i32
      %ne3A_368 = arith.xori %lt3A_365, %lt3A_367 : i1
      %and3A_369 = arith.andi %ne3A_368, %ne3A_363 : i1
      %add3A_370 = arith.addi %rem3A_361, %select_n3A_360 : i32
      %select_n3A_371 = arith.select %and3A_369, %add3A_370, %rem3A_361 : i32
      %lt3A_372 = arith.constant 6 : i32
      %lt3A_373 = arith.cmpi slt, %select_n3A_371, %lt3A_372 : i32
      %mul3A_374 = arith.constant 96 : i32
      %mul3A_375 = arith.muli %mul3A_374, %select_n3A_30 : i32
      %add3A_376 = arith.constant 256 : i32
      %add3A_377 = arith.addi %add3A_376, %mul3A_375 : i32
      %mul3A_378 = arith.constant 6 : i32
      %mul3A_379 = arith.muli %mul3A_378, %select_n3A_355 : i32
      %add3A_380 = arith.addi %mul3A_379, %select_n3A_371 : i32
      %mul3A_381 = arith.constant 4 : i32
      %mul3A_382 = arith.muli %mul3A_381, %add3A_380 : i32
      %add3A_383 = arith.addi %add3A_377, %mul3A_382 : i32
      %mul3A_384 = arith.constant 8 : i32
      %mul3A_385 = arith.muli %mul3A_384, %select_n3A_355 : i32
      %add3A_386 = arith.addi %mul3A_32, %mul3A_385 : i32
      %sub3A_387 = arith.constant 6 : i32
      %sub3A_388 = arith.subi %select_n3A_371, %sub3A_387 : i32
      %mul3A_389 = arith.constant 4 : i32
      %mul3A_390 = arith.muli %mul3A_389, %sub3A_388 : i32
      %add3A_391 = arith.addi %add3A_386, %mul3A_390 : i32
      %select_n3A_392 = arith.select %lt3A_373, %add3A_383, %add3A_391 : i32
      %dma_start3A_393 = arith.constant 0 : i32
      %dma_start3A_394 = arith.constant 0 : i32
      %dma_start3A_395 = tpu.memref_slice %arg5[%select_n3A, %select_n3A_392, %dma_start3A_393, %dma_start3A_394] : memref<4x1024x12x513xf32, #tpu.memory_space<hbm>> -> memref<1x4x12x513xf32, #tpu.memory_space<hbm>>
      %dma_start3A_396 = tpu.memref_squeeze %dma_start3A_395 : memref<1x4x12x513xf32, #tpu.memory_space<hbm>> -> memref<4x12x513xf32, #tpu.memory_space<hbm>>
      %dma_start3A_397 = arith.constant 0 : i32
      %dma_start3A_398 = arith.constant 0 : i32
      %dma_start3A_399 = tpu.memref_slice %arg5[%select_n3A, %select_n3A_392, %dma_start3A_397, %dma_start3A_398] : memref<4x1024x12x513xf32, #tpu.memory_space<hbm>> -> memref<1x4x12x513xf32, #tpu.memory_space<hbm>>
      %dma_start3A_400 = tpu.memref_squeeze %dma_start3A_399 : memref<1x4x12x513xf32, #tpu.memory_space<hbm>> -> memref<4x12x513xf32, #tpu.memory_space<hbm>>
      tpu.enqueue_dma source(%arg7 : memref<4x12x513xf32, #tpu.memory_space<vmem>>) target(%dma_start3A_400 : memref<4x12x513xf32, #tpu.memory_space<hbm>>) target_semaphore(%arg12 : memref<!tpu.dma_semaphore, #tpu.memory_space<semaphore_mem>>)
      %mul3A_401 = arith.constant 8 : i32
      %mul3A_402 = arith.muli %mul3A_401, %scan3A_86 : i32
      %add3A_403 = arith.constant 2 : i32
      %add3A_404 = arith.addi %mul3A_402, %add3A_403 : i32
      %jit3A_405 = arith.constant 8 : i32
      %div3A_406 = arith.divsi %add3A_404, %jit3A_405 : i32
      %sign3A_407 = arith.constant 0 : i32
      %sign3A_408 = arith.cmpi sgt, %add3A_404, %sign3A_407 : i32
      %sign3A_409 = arith.extui %sign3A_408 : i1 to i32
      %sign3A_410 = arith.constant 0 : i32
      %sign3A_411 = arith.cmpi slt, %add3A_404, %sign3A_410 : i32
      %sign3A_412 = arith.extui %sign3A_411 : i1 to i32
      %sign3A_413 = arith.subi %sign3A_409, %sign3A_412 : i32
      %sign3A_414 = arith.constant 0 : i32
      %sign3A_415 = arith.cmpi sgt, %jit3A_405, %sign3A_414 : i32
      %sign3A_416 = arith.extui %sign3A_415 : i1 to i32
      %sign3A_417 = arith.constant 0 : i32
      %sign3A_418 = arith.cmpi slt, %jit3A_405, %sign3A_417 : i32
      %sign3A_419 = arith.extui %sign3A_418 : i1 to i32
      %sign3A_420 = arith.subi %sign3A_416, %sign3A_419 : i32
      %ne3A_421 = arith.cmpi ne, %sign3A_413, %sign3A_420 : i32
      %rem3A_422 = arith.remsi %add3A_404, %jit3A_405 : i32
      %ne3A_423 = arith.constant 0 : i32
      %ne3A_424 = arith.cmpi ne, %rem3A_422, %ne3A_423 : i32
      %and3A_425 = arith.andi %ne3A_421, %ne3A_424 : i1
      %sub3A_426 = arith.constant 1 : i32
      %sub3A_427 = arith.subi %div3A_406, %sub3A_426 : i32
      %select_n3A_428 = arith.select %and3A_425, %sub3A_427, %div3A_406 : i32
      %jit3A_429 = arith.constant 8 : i32
      %eq3A_430 = arith.constant 0 : i32
      %eq3A_431 = arith.cmpi eq, %jit3A_429, %eq3A_430 : i32
      %jit3A_432 = arith.constant 1 : i32
      %select_n3A_433 = arith.select %eq3A_431, %jit3A_432, %jit3A_429 : i32
      %rem3A_434 = arith.remsi %add3A_404, %select_n3A_433 : i32
      %ne3A_435 = arith.constant 0 : i32
      %ne3A_436 = arith.cmpi ne, %rem3A_434, %ne3A_435 : i32
      %lt3A_437 = arith.constant 0 : i32
      %lt3A_438 = arith.cmpi slt, %rem3A_434, %lt3A_437 : i32
      %lt3A_439 = arith.constant 0 : i32
      %lt3A_440 = arith.cmpi slt, %select_n3A_433, %lt3A_439 : i32
      %ne3A_441 = arith.xori %lt3A_438, %lt3A_440 : i1
      %and3A_442 = arith.andi %ne3A_441, %ne3A_436 : i1
      %add3A_443 = arith.addi %rem3A_434, %select_n3A_433 : i32
      %select_n3A_444 = arith.select %and3A_442, %add3A_443, %rem3A_434 : i32
      %lt3A_445 = arith.constant 6 : i32
      %lt3A_446 = arith.cmpi slt, %select_n3A_444, %lt3A_445 : i32
      %mul3A_447 = arith.constant 96 : i32
      %mul3A_448 = arith.muli %mul3A_447, %select_n3A_30 : i32
      %add3A_449 = arith.constant 256 : i32
      %add3A_450 = arith.addi %add3A_449, %mul3A_448 : i32
      %mul3A_451 = arith.constant 6 : i32
      %mul3A_452 = arith.muli %mul3A_451, %select_n3A_428 : i32
      %add3A_453 = arith.addi %mul3A_452, %select_n3A_444 : i32
      %mul3A_454 = arith.constant 4 : i32
      %mul3A_455 = arith.muli %mul3A_454, %add3A_453 : i32
      %add3A_456 = arith.addi %add3A_450, %mul3A_455 : i32
      %mul3A_457 = arith.constant 8 : i32
      %mul3A_458 = arith.muli %mul3A_457, %select_n3A_428 : i32
      %add3A_459 = arith.addi %mul3A_32, %mul3A_458 : i32
      %sub3A_460 = arith.constant 6 : i32
      %sub3A_461 = arith.subi %select_n3A_444, %sub3A_460 : i32
      %mul3A_462 = arith.constant 4 : i32
      %mul3A_463 = arith.muli %mul3A_462, %sub3A_461 : i32
      %add3A_464 = arith.addi %add3A_459, %mul3A_463 : i32
      %select_n3A_465 = arith.select %lt3A_446, %add3A_456, %add3A_464 : i32
      %dma_wait3A_466 = arith.constant 0 : i32
      %dma_wait3A_467 = arith.constant 0 : i32
      %dma_wait3A_468 = tpu.memref_slice %arg2[%select_n3A, %select_n3A_465, %dma_wait3A_466, %dma_wait3A_467] : memref<4x1024x12x513xf32, #tpu.memory_space<hbm>> -> memref<1x4x12x513xf32, #tpu.memory_space<hbm>>
      %dma_wait3A_469 = tpu.memref_squeeze %dma_wait3A_468 : memref<1x4x12x513xf32, #tpu.memory_space<hbm>> -> memref<4x12x513xf32, #tpu.memory_space<hbm>>
      %dma_wait3A_470 = arith.constant 0 : i32
      %dma_wait3A_471 = arith.constant 0 : i32
      %dma_wait3A_472 = tpu.memref_slice %arg2[%select_n3A, %select_n3A_465, %dma_wait3A_470, %dma_wait3A_471] : memref<4x1024x12x513xf32, #tpu.memory_space<hbm>> -> memref<1x4x12x513xf32, #tpu.memory_space<hbm>>
      %dma_wait3A_473 = tpu.memref_squeeze %dma_wait3A_472 : memref<1x4x12x513xf32, #tpu.memory_space<hbm>> -> memref<4x12x513xf32, #tpu.memory_space<hbm>>
      tpu.wait_dma2 semaphore(%arg9 : memref<!tpu.dma_semaphore, #tpu.memory_space<semaphore_mem>>) src(%dma_wait3A_473 : memref<4x12x513xf32, #tpu.memory_space<hbm>>) dst(%arg6 : memref<4x12x513xf32, #tpu.memory_space<vmem>>)
      %ge3A_474 = arith.constant 1 : i32
      %ge3A_475 = arith.cmpi sge, %add3A_404, %ge3A_474 : i32
      %convert_element_type3A_476 = arith.extui %ge3A_475 : i1 to i32
      %cond3A_477 = arith.constant 0 : i32
      %cond3A_478 = arith.cmpi ne, %convert_element_type3A_476, %cond3A_477 : i32
      scf.if %cond3A_478 {
        %sub3A_1351 = arith.constant 1 : i32
        %sub3A_1352 = arith.subi %add3A_404, %sub3A_1351 : i32
        %jit3A_1353 = arith.constant 8 : i32
        %div3A_1354 = arith.divsi %sub3A_1352, %jit3A_1353 : i32
        %sign3A_1355 = arith.constant 0 : i32
        %sign3A_1356 = arith.cmpi sgt, %sub3A_1352, %sign3A_1355 : i32
        %sign3A_1357 = arith.extui %sign3A_1356 : i1 to i32
        %sign3A_1358 = arith.constant 0 : i32
        %sign3A_1359 = arith.cmpi slt, %sub3A_1352, %sign3A_1358 : i32
        %sign3A_1360 = arith.extui %sign3A_1359 : i1 to i32
        %sign3A_1361 = arith.subi %sign3A_1357, %sign3A_1360 : i32
        %sign3A_1362 = arith.constant 0 : i32
        %sign3A_1363 = arith.cmpi sgt, %jit3A_1353, %sign3A_1362 : i32
        %sign3A_1364 = arith.extui %sign3A_1363 : i1 to i32
        %sign3A_1365 = arith.constant 0 : i32
        %sign3A_1366 = arith.cmpi slt, %jit3A_1353, %sign3A_1365 : i32
        %sign3A_1367 = arith.extui %sign3A_1366 : i1 to i32
        %sign3A_1368 = arith.subi %sign3A_1364, %sign3A_1367 : i32
        %ne3A_1369 = arith.cmpi ne, %sign3A_1361, %sign3A_1368 : i32
        %rem3A_1370 = arith.remsi %sub3A_1352, %jit3A_1353 : i32
        %ne3A_1371 = arith.constant 0 : i32
        %ne3A_1372 = arith.cmpi ne, %rem3A_1370, %ne3A_1371 : i32
        %and3A_1373 = arith.andi %ne3A_1369, %ne3A_1372 : i1
        %sub3A_1374 = arith.constant 1 : i32
        %sub3A_1375 = arith.subi %div3A_1354, %sub3A_1374 : i32
        %select_n3A_1376 = arith.select %and3A_1373, %sub3A_1375, %div3A_1354 : i32
        %jit3A_1377 = arith.constant 8 : i32
        %eq3A_1378 = arith.constant 0 : i32
        %eq3A_1379 = arith.cmpi eq, %jit3A_1377, %eq3A_1378 : i32
        %jit3A_1380 = arith.constant 1 : i32
        %select_n3A_1381 = arith.select %eq3A_1379, %jit3A_1380, %jit3A_1377 : i32
        %rem3A_1382 = arith.remsi %sub3A_1352, %select_n3A_1381 : i32
        %ne3A_1383 = arith.constant 0 : i32
        %ne3A_1384 = arith.cmpi ne, %rem3A_1382, %ne3A_1383 : i32
        %lt3A_1385 = arith.constant 0 : i32
        %lt3A_1386 = arith.cmpi slt, %rem3A_1382, %lt3A_1385 : i32
        %lt3A_1387 = arith.constant 0 : i32
        %lt3A_1388 = arith.cmpi slt, %select_n3A_1381, %lt3A_1387 : i32
        %ne3A_1389 = arith.xori %lt3A_1386, %lt3A_1388 : i1
        %and3A_1390 = arith.andi %ne3A_1389, %ne3A_1384 : i1
        %add3A_1391 = arith.addi %rem3A_1382, %select_n3A_1381 : i32
        %select_n3A_1392 = arith.select %and3A_1390, %add3A_1391, %rem3A_1382 : i32
        %lt3A_1393 = arith.constant 6 : i32
        %lt3A_1394 = arith.cmpi slt, %select_n3A_1392, %lt3A_1393 : i32
        %mul3A_1395 = arith.constant 96 : i32
        %mul3A_1396 = arith.muli %mul3A_1395, %select_n3A_30 : i32
        %add3A_1397 = arith.constant 256 : i32
        %add3A_1398 = arith.addi %add3A_1397, %mul3A_1396 : i32
        %mul3A_1399 = arith.constant 6 : i32
        %mul3A_1400 = arith.muli %mul3A_1399, %select_n3A_1376 : i32
        %add3A_1401 = arith.addi %mul3A_1400, %select_n3A_1392 : i32
        %mul3A_1402 = arith.constant 4 : i32
        %mul3A_1403 = arith.muli %mul3A_1402, %add3A_1401 : i32
        %add3A_1404 = arith.addi %add3A_1398, %mul3A_1403 : i32
        %mul3A_1405 = arith.constant 8 : i32
        %mul3A_1406 = arith.muli %mul3A_1405, %select_n3A_1376 : i32
        %add3A_1407 = arith.addi %mul3A_32, %mul3A_1406 : i32
        %sub3A_1408 = arith.constant 6 : i32
        %sub3A_1409 = arith.subi %select_n3A_1392, %sub3A_1408 : i32
        %mul3A_1410 = arith.constant 4 : i32
        %mul3A_1411 = arith.muli %mul3A_1410, %sub3A_1409 : i32
        %add3A_1412 = arith.addi %add3A_1407, %mul3A_1411 : i32
        %select_n3A_1413 = arith.select %lt3A_1394, %add3A_1404, %add3A_1412 : i32
        %dma_wait3A_1414 = arith.constant 0 : i32
        %dma_wait3A_1415 = arith.constant 0 : i32
        %dma_wait3A_1416 = tpu.memref_slice %arg5[%select_n3A, %select_n3A_1413, %dma_wait3A_1414, %dma_wait3A_1415] : memref<4x1024x12x513xf32, #tpu.memory_space<hbm>> -> memref<1x4x12x513xf32, #tpu.memory_space<hbm>>
        %dma_wait3A_1417 = tpu.memref_squeeze %dma_wait3A_1416 : memref<1x4x12x513xf32, #tpu.memory_space<hbm>> -> memref<4x12x513xf32, #tpu.memory_space<hbm>>
        %dma_wait3A_1418 = arith.constant 0 : i32
        %dma_wait3A_1419 = arith.constant 0 : i32
        %dma_wait3A_1420 = tpu.memref_slice %arg5[%select_n3A, %select_n3A_1413, %dma_wait3A_1418, %dma_wait3A_1419] : memref<4x1024x12x513xf32, #tpu.memory_space<hbm>> -> memref<1x4x12x513xf32, #tpu.memory_space<hbm>>
        %dma_wait3A_1421 = tpu.memref_squeeze %dma_wait3A_1420 : memref<1x4x12x513xf32, #tpu.memory_space<hbm>> -> memref<4x12x513xf32, #tpu.memory_space<hbm>>
        tpu.wait_dma2 semaphore(%arg12 : memref<!tpu.dma_semaphore, #tpu.memory_space<semaphore_mem>>) src(%arg7 : memref<4x12x513xf32, #tpu.memory_space<vmem>>) dst(%dma_wait3A_1421 : memref<4x12x513xf32, #tpu.memory_space<hbm>>)
      } else {
      }
      %add3A_479 = arith.constant 1 : i32
      %add3A_480 = arith.addi %add3A_404, %add3A_479 : i32
      %lt3A_481 = arith.constant 32 : i32
      %lt3A_482 = arith.cmpi slt, %add3A_480, %lt3A_481 : i32
      %convert_element_type3A_483 = arith.extui %lt3A_482 : i1 to i32
      %cond3A_484 = arith.constant 0 : i32
      %cond3A_485 = arith.cmpi ne, %convert_element_type3A_483, %cond3A_484 : i32
      scf.if %cond3A_485 {
        %add3A_1351 = arith.constant 1 : i32
        %add3A_1352 = arith.addi %add3A_404, %add3A_1351 : i32
        %jit3A_1353 = arith.constant 8 : i32
        %div3A_1354 = arith.divsi %add3A_1352, %jit3A_1353 : i32
        %sign3A_1355 = arith.constant 0 : i32
        %sign3A_1356 = arith.cmpi sgt, %add3A_1352, %sign3A_1355 : i32
        %sign3A_1357 = arith.extui %sign3A_1356 : i1 to i32
        %sign3A_1358 = arith.constant 0 : i32
        %sign3A_1359 = arith.cmpi slt, %add3A_1352, %sign3A_1358 : i32
        %sign3A_1360 = arith.extui %sign3A_1359 : i1 to i32
        %sign3A_1361 = arith.subi %sign3A_1357, %sign3A_1360 : i32
        %sign3A_1362 = arith.constant 0 : i32
        %sign3A_1363 = arith.cmpi sgt, %jit3A_1353, %sign3A_1362 : i32
        %sign3A_1364 = arith.extui %sign3A_1363 : i1 to i32
        %sign3A_1365 = arith.constant 0 : i32
        %sign3A_1366 = arith.cmpi slt, %jit3A_1353, %sign3A_1365 : i32
        %sign3A_1367 = arith.extui %sign3A_1366 : i1 to i32
        %sign3A_1368 = arith.subi %sign3A_1364, %sign3A_1367 : i32
        %ne3A_1369 = arith.cmpi ne, %sign3A_1361, %sign3A_1368 : i32
        %rem3A_1370 = arith.remsi %add3A_1352, %jit3A_1353 : i32
        %ne3A_1371 = arith.constant 0 : i32
        %ne3A_1372 = arith.cmpi ne, %rem3A_1370, %ne3A_1371 : i32
        %and3A_1373 = arith.andi %ne3A_1369, %ne3A_1372 : i1
        %sub3A_1374 = arith.constant 1 : i32
        %sub3A_1375 = arith.subi %div3A_1354, %sub3A_1374 : i32
        %select_n3A_1376 = arith.select %and3A_1373, %sub3A_1375, %div3A_1354 : i32
        %jit3A_1377 = arith.constant 8 : i32
        %eq3A_1378 = arith.constant 0 : i32
        %eq3A_1379 = arith.cmpi eq, %jit3A_1377, %eq3A_1378 : i32
        %jit3A_1380 = arith.constant 1 : i32
        %select_n3A_1381 = arith.select %eq3A_1379, %jit3A_1380, %jit3A_1377 : i32
        %rem3A_1382 = arith.remsi %add3A_1352, %select_n3A_1381 : i32
        %ne3A_1383 = arith.constant 0 : i32
        %ne3A_1384 = arith.cmpi ne, %rem3A_1382, %ne3A_1383 : i32
        %lt3A_1385 = arith.constant 0 : i32
        %lt3A_1386 = arith.cmpi slt, %rem3A_1382, %lt3A_1385 : i32
        %lt3A_1387 = arith.constant 0 : i32
        %lt3A_1388 = arith.cmpi slt, %select_n3A_1381, %lt3A_1387 : i32
        %ne3A_1389 = arith.xori %lt3A_1386, %lt3A_1388 : i1
        %and3A_1390 = arith.andi %ne3A_1389, %ne3A_1384 : i1
        %add3A_1391 = arith.addi %rem3A_1382, %select_n3A_1381 : i32
        %select_n3A_1392 = arith.select %and3A_1390, %add3A_1391, %rem3A_1382 : i32
        %lt3A_1393 = arith.constant 6 : i32
        %lt3A_1394 = arith.cmpi slt, %select_n3A_1392, %lt3A_1393 : i32
        %mul3A_1395 = arith.constant 96 : i32
        %mul3A_1396 = arith.muli %mul3A_1395, %select_n3A_30 : i32
        %add3A_1397 = arith.constant 256 : i32
        %add3A_1398 = arith.addi %add3A_1397, %mul3A_1396 : i32
        %mul3A_1399 = arith.constant 6 : i32
        %mul3A_1400 = arith.muli %mul3A_1399, %select_n3A_1376 : i32
        %add3A_1401 = arith.addi %mul3A_1400, %select_n3A_1392 : i32
        %mul3A_1402 = arith.constant 4 : i32
        %mul3A_1403 = arith.muli %mul3A_1402, %add3A_1401 : i32
        %add3A_1404 = arith.addi %add3A_1398, %mul3A_1403 : i32
        %mul3A_1405 = arith.constant 8 : i32
        %mul3A_1406 = arith.muli %mul3A_1405, %select_n3A_1376 : i32
        %add3A_1407 = arith.addi %mul3A_32, %mul3A_1406 : i32
        %sub3A_1408 = arith.constant 6 : i32
        %sub3A_1409 = arith.subi %select_n3A_1392, %sub3A_1408 : i32
        %mul3A_1410 = arith.constant 4 : i32
        %mul3A_1411 = arith.muli %mul3A_1410, %sub3A_1409 : i32
        %add3A_1412 = arith.addi %add3A_1407, %mul3A_1411 : i32
        %select_n3A_1413 = arith.select %lt3A_1394, %add3A_1404, %add3A_1412 : i32
        %dma_start3A_1414 = arith.constant 0 : i32
        %dma_start3A_1415 = arith.constant 0 : i32
        %dma_start3A_1416 = tpu.memref_slice %arg2[%select_n3A, %select_n3A_1413, %dma_start3A_1414, %dma_start3A_1415] : memref<4x1024x12x513xf32, #tpu.memory_space<hbm>> -> memref<1x4x12x513xf32, #tpu.memory_space<hbm>>
        %dma_start3A_1417 = tpu.memref_squeeze %dma_start3A_1416 : memref<1x4x12x513xf32, #tpu.memory_space<hbm>> -> memref<4x12x513xf32, #tpu.memory_space<hbm>>
        %dma_start3A_1418 = arith.constant 0 : i32
        %dma_start3A_1419 = arith.constant 0 : i32
        %dma_start3A_1420 = tpu.memref_slice %arg2[%select_n3A, %select_n3A_1413, %dma_start3A_1418, %dma_start3A_1419] : memref<4x1024x12x513xf32, #tpu.memory_space<hbm>> -> memref<1x4x12x513xf32, #tpu.memory_space<hbm>>
        %dma_start3A_1421 = tpu.memref_squeeze %dma_start3A_1420 : memref<1x4x12x513xf32, #tpu.memory_space<hbm>> -> memref<4x12x513xf32, #tpu.memory_space<hbm>>
        tpu.enqueue_dma source(%dma_start3A_1421 : memref<4x12x513xf32, #tpu.memory_space<hbm>>) target(%arg7 : memref<4x12x513xf32, #tpu.memory_space<vmem>>) target_semaphore(%arg10 : memref<!tpu.dma_semaphore, #tpu.memory_space<semaphore_mem>>)
      } else {
      }
      %jit3A_486 = arith.constant 8 : i32
      %div3A_487 = arith.divsi %add3A_404, %jit3A_486 : i32
      %sign3A_488 = arith.constant 0 : i32
      %sign3A_489 = arith.cmpi sgt, %add3A_404, %sign3A_488 : i32
      %sign3A_490 = arith.extui %sign3A_489 : i1 to i32
      %sign3A_491 = arith.constant 0 : i32
      %sign3A_492 = arith.cmpi slt, %add3A_404, %sign3A_491 : i32
      %sign3A_493 = arith.extui %sign3A_492 : i1 to i32
      %sign3A_494 = arith.subi %sign3A_490, %sign3A_493 : i32
      %sign3A_495 = arith.constant 0 : i32
      %sign3A_496 = arith.cmpi sgt, %jit3A_486, %sign3A_495 : i32
      %sign3A_497 = arith.extui %sign3A_496 : i1 to i32
      %sign3A_498 = arith.constant 0 : i32
      %sign3A_499 = arith.cmpi slt, %jit3A_486, %sign3A_498 : i32
      %sign3A_500 = arith.extui %sign3A_499 : i1 to i32
      %sign3A_501 = arith.subi %sign3A_497, %sign3A_500 : i32
      %ne3A_502 = arith.cmpi ne, %sign3A_494, %sign3A_501 : i32
      %rem3A_503 = arith.remsi %add3A_404, %jit3A_486 : i32
      %ne3A_504 = arith.constant 0 : i32
      %ne3A_505 = arith.cmpi ne, %rem3A_503, %ne3A_504 : i32
      %and3A_506 = arith.andi %ne3A_502, %ne3A_505 : i1
      %sub3A_507 = arith.constant 1 : i32
      %sub3A_508 = arith.subi %div3A_487, %sub3A_507 : i32
      %select_n3A_509 = arith.select %and3A_506, %sub3A_508, %div3A_487 : i32
      %jit3A_510 = arith.constant 8 : i32
      %eq3A_511 = arith.constant 0 : i32
      %eq3A_512 = arith.cmpi eq, %jit3A_510, %eq3A_511 : i32
      %jit3A_513 = arith.constant 1 : i32
      %select_n3A_514 = arith.select %eq3A_512, %jit3A_513, %jit3A_510 : i32
      %rem3A_515 = arith.remsi %add3A_404, %select_n3A_514 : i32
      %ne3A_516 = arith.constant 0 : i32
      %ne3A_517 = arith.cmpi ne, %rem3A_515, %ne3A_516 : i32
      %lt3A_518 = arith.constant 0 : i32
      %lt3A_519 = arith.cmpi slt, %rem3A_515, %lt3A_518 : i32
      %lt3A_520 = arith.constant 0 : i32
      %lt3A_521 = arith.cmpi slt, %select_n3A_514, %lt3A_520 : i32
      %ne3A_522 = arith.xori %lt3A_519, %lt3A_521 : i1
      %and3A_523 = arith.andi %ne3A_522, %ne3A_517 : i1
      %add3A_524 = arith.addi %rem3A_515, %select_n3A_514 : i32
      %select_n3A_525 = arith.select %and3A_523, %add3A_524, %rem3A_515 : i32
      %lt3A_526 = arith.constant 6 : i32
      %lt3A_527 = arith.cmpi slt, %select_n3A_525, %lt3A_526 : i32
      %mul3A_528 = arith.constant 96 : i32
      %mul3A_529 = arith.muli %mul3A_528, %select_n3A_30 : i32
      %add3A_530 = arith.constant 256 : i32
      %add3A_531 = arith.addi %add3A_530, %mul3A_529 : i32
      %mul3A_532 = arith.constant 6 : i32
      %mul3A_533 = arith.muli %mul3A_532, %select_n3A_509 : i32
      %add3A_534 = arith.addi %mul3A_533, %select_n3A_525 : i32
      %mul3A_535 = arith.constant 4 : i32
      %mul3A_536 = arith.muli %mul3A_535, %add3A_534 : i32
      %add3A_537 = arith.addi %add3A_531, %mul3A_536 : i32
      %mul3A_538 = arith.constant 8 : i32
      %mul3A_539 = arith.muli %mul3A_538, %select_n3A_509 : i32
      %add3A_540 = arith.addi %mul3A_32, %mul3A_539 : i32
      %sub3A_541 = arith.constant 6 : i32
      %sub3A_542 = arith.subi %select_n3A_525, %sub3A_541 : i32
      %mul3A_543 = arith.constant 4 : i32
      %mul3A_544 = arith.muli %mul3A_543, %sub3A_542 : i32
      %add3A_545 = arith.addi %add3A_540, %mul3A_544 : i32
      %select_n3A_546 = arith.select %lt3A_527, %add3A_537, %add3A_545 : i32
      %dma_start3A_547 = arith.constant 0 : i32
      %dma_start3A_548 = arith.constant 0 : i32
      %dma_start3A_549 = tpu.memref_slice %arg5[%select_n3A, %select_n3A_546, %dma_start3A_547, %dma_start3A_548] : memref<4x1024x12x513xf32, #tpu.memory_space<hbm>> -> memref<1x4x12x513xf32, #tpu.memory_space<hbm>>
      %dma_start3A_550 = tpu.memref_squeeze %dma_start3A_549 : memref<1x4x12x513xf32, #tpu.memory_space<hbm>> -> memref<4x12x513xf32, #tpu.memory_space<hbm>>
      %dma_start3A_551 = arith.constant 0 : i32
      %dma_start3A_552 = arith.constant 0 : i32
      %dma_start3A_553 = tpu.memref_slice %arg5[%select_n3A, %select_n3A_546, %dma_start3A_551, %dma_start3A_552] : memref<4x1024x12x513xf32, #tpu.memory_space<hbm>> -> memref<1x4x12x513xf32, #tpu.memory_space<hbm>>
      %dma_start3A_554 = tpu.memref_squeeze %dma_start3A_553 : memref<1x4x12x513xf32, #tpu.memory_space<hbm>> -> memref<4x12x513xf32, #tpu.memory_space<hbm>>
      tpu.enqueue_dma source(%arg6 : memref<4x12x513xf32, #tpu.memory_space<vmem>>) target(%dma_start3A_554 : memref<4x12x513xf32, #tpu.memory_space<hbm>>) target_semaphore(%arg11 : memref<!tpu.dma_semaphore, #tpu.memory_space<semaphore_mem>>)
      %mul3A_555 = arith.constant 8 : i32
      %mul3A_556 = arith.muli %mul3A_555, %scan3A_86 : i32
      %add3A_557 = arith.constant 3 : i32
      %add3A_558 = arith.addi %mul3A_556, %add3A_557 : i32
      %jit3A_559 = arith.constant 8 : i32
      %div3A_560 = arith.divsi %add3A_558, %jit3A_559 : i32
      %sign3A_561 = arith.constant 0 : i32
      %sign3A_562 = arith.cmpi sgt, %add3A_558, %sign3A_561 : i32
      %sign3A_563 = arith.extui %sign3A_562 : i1 to i32
      %sign3A_564 = arith.constant 0 : i32
      %sign3A_565 = arith.cmpi slt, %add3A_558, %sign3A_564 : i32
      %sign3A_566 = arith.extui %sign3A_565 : i1 to i32
      %sign3A_567 = arith.subi %sign3A_563, %sign3A_566 : i32
      %sign3A_568 = arith.constant 0 : i32
      %sign3A_569 = arith.cmpi sgt, %jit3A_559, %sign3A_568 : i32
      %sign3A_570 = arith.extui %sign3A_569 : i1 to i32
      %sign3A_571 = arith.constant 0 : i32
      %sign3A_572 = arith.cmpi slt, %jit3A_559, %sign3A_571 : i32
      %sign3A_573 = arith.extui %sign3A_572 : i1 to i32
      %sign3A_574 = arith.subi %sign3A_570, %sign3A_573 : i32
      %ne3A_575 = arith.cmpi ne, %sign3A_567, %sign3A_574 : i32
      %rem3A_576 = arith.remsi %add3A_558, %jit3A_559 : i32
      %ne3A_577 = arith.constant 0 : i32
      %ne3A_578 = arith.cmpi ne, %rem3A_576, %ne3A_577 : i32
      %and3A_579 = arith.andi %ne3A_575, %ne3A_578 : i1
      %sub3A_580 = arith.constant 1 : i32
      %sub3A_581 = arith.subi %div3A_560, %sub3A_580 : i32
      %select_n3A_582 = arith.select %and3A_579, %sub3A_581, %div3A_560 : i32
      %jit3A_583 = arith.constant 8 : i32
      %eq3A_584 = arith.constant 0 : i32
      %eq3A_585 = arith.cmpi eq, %jit3A_583, %eq3A_584 : i32
      %jit3A_586 = arith.constant 1 : i32
      %select_n3A_587 = arith.select %eq3A_585, %jit3A_586, %jit3A_583 : i32
      %rem3A_588 = arith.remsi %add3A_558, %select_n3A_587 : i32
      %ne3A_589 = arith.constant 0 : i32
      %ne3A_590 = arith.cmpi ne, %rem3A_588, %ne3A_589 : i32
      %lt3A_591 = arith.constant 0 : i32
      %lt3A_592 = arith.cmpi slt, %rem3A_588, %lt3A_591 : i32
      %lt3A_593 = arith.constant 0 : i32
      %lt3A_594 = arith.cmpi slt, %select_n3A_587, %lt3A_593 : i32
      %ne3A_595 = arith.xori %lt3A_592, %lt3A_594 : i1
      %and3A_596 = arith.andi %ne3A_595, %ne3A_590 : i1
      %add3A_597 = arith.addi %rem3A_588, %select_n3A_587 : i32
      %select_n3A_598 = arith.select %and3A_596, %add3A_597, %rem3A_588 : i32
      %lt3A_599 = arith.constant 6 : i32
      %lt3A_600 = arith.cmpi slt, %select_n3A_598, %lt3A_599 : i32
      %mul3A_601 = arith.constant 96 : i32
      %mul3A_602 = arith.muli %mul3A_601, %select_n3A_30 : i32
      %add3A_603 = arith.constant 256 : i32
      %add3A_604 = arith.addi %add3A_603, %mul3A_602 : i32
      %mul3A_605 = arith.constant 6 : i32
      %mul3A_606 = arith.muli %mul3A_605, %select_n3A_582 : i32
      %add3A_607 = arith.addi %mul3A_606, %select_n3A_598 : i32
      %mul3A_608 = arith.constant 4 : i32
      %mul3A_609 = arith.muli %mul3A_608, %add3A_607 : i32
      %add3A_610 = arith.addi %add3A_604, %mul3A_609 : i32
      %mul3A_611 = arith.constant 8 : i32
      %mul3A_612 = arith.muli %mul3A_611, %select_n3A_582 : i32
      %add3A_613 = arith.addi %mul3A_32, %mul3A_612 : i32
      %sub3A_614 = arith.constant 6 : i32
      %sub3A_615 = arith.subi %select_n3A_598, %sub3A_614 : i32
      %mul3A_616 = arith.constant 4 : i32
      %mul3A_617 = arith.muli %mul3A_616, %sub3A_615 : i32
      %add3A_618 = arith.addi %add3A_613, %mul3A_617 : i32
      %select_n3A_619 = arith.select %lt3A_600, %add3A_610, %add3A_618 : i32
      %dma_wait3A_620 = arith.constant 0 : i32
      %dma_wait3A_621 = arith.constant 0 : i32
      %dma_wait3A_622 = tpu.memref_slice %arg2[%select_n3A, %select_n3A_619, %dma_wait3A_620, %dma_wait3A_621] : memref<4x1024x12x513xf32, #tpu.memory_space<hbm>> -> memref<1x4x12x513xf32, #tpu.memory_space<hbm>>
      %dma_wait3A_623 = tpu.memref_squeeze %dma_wait3A_622 : memref<1x4x12x513xf32, #tpu.memory_space<hbm>> -> memref<4x12x513xf32, #tpu.memory_space<hbm>>
      %dma_wait3A_624 = arith.constant 0 : i32
      %dma_wait3A_625 = arith.constant 0 : i32
      %dma_wait3A_626 = tpu.memref_slice %arg2[%select_n3A, %select_n3A_619, %dma_wait3A_624, %dma_wait3A_625] : memref<4x1024x12x513xf32, #tpu.memory_space<hbm>> -> memref<1x4x12x513xf32, #tpu.memory_space<hbm>>
      %dma_wait3A_627 = tpu.memref_squeeze %dma_wait3A_626 : memref<1x4x12x513xf32, #tpu.memory_space<hbm>> -> memref<4x12x513xf32, #tpu.memory_space<hbm>>
      tpu.wait_dma2 semaphore(%arg10 : memref<!tpu.dma_semaphore, #tpu.memory_space<semaphore_mem>>) src(%dma_wait3A_627 : memref<4x12x513xf32, #tpu.memory_space<hbm>>) dst(%arg7 : memref<4x12x513xf32, #tpu.memory_space<vmem>>)
      %ge3A_628 = arith.constant 1 : i32
      %ge3A_629 = arith.cmpi sge, %add3A_558, %ge3A_628 : i32
      %convert_element_type3A_630 = arith.extui %ge3A_629 : i1 to i32
      %cond3A_631 = arith.constant 0 : i32
      %cond3A_632 = arith.cmpi ne, %convert_element_type3A_630, %cond3A_631 : i32
      scf.if %cond3A_632 {
        %sub3A_1351 = arith.constant 1 : i32
        %sub3A_1352 = arith.subi %add3A_558, %sub3A_1351 : i32
        %jit3A_1353 = arith.constant 8 : i32
        %div3A_1354 = arith.divsi %sub3A_1352, %jit3A_1353 : i32
        %sign3A_1355 = arith.constant 0 : i32
        %sign3A_1356 = arith.cmpi sgt, %sub3A_1352, %sign3A_1355 : i32
        %sign3A_1357 = arith.extui %sign3A_1356 : i1 to i32
        %sign3A_1358 = arith.constant 0 : i32
        %sign3A_1359 = arith.cmpi slt, %sub3A_1352, %sign3A_1358 : i32
        %sign3A_1360 = arith.extui %sign3A_1359 : i1 to i32
        %sign3A_1361 = arith.subi %sign3A_1357, %sign3A_1360 : i32
        %sign3A_1362 = arith.constant 0 : i32
        %sign3A_1363 = arith.cmpi sgt, %jit3A_1353, %sign3A_1362 : i32
        %sign3A_1364 = arith.extui %sign3A_1363 : i1 to i32
        %sign3A_1365 = arith.constant 0 : i32
        %sign3A_1366 = arith.cmpi slt, %jit3A_1353, %sign3A_1365 : i32
        %sign3A_1367 = arith.extui %sign3A_1366 : i1 to i32
        %sign3A_1368 = arith.subi %sign3A_1364, %sign3A_1367 : i32
        %ne3A_1369 = arith.cmpi ne, %sign3A_1361, %sign3A_1368 : i32
        %rem3A_1370 = arith.remsi %sub3A_1352, %jit3A_1353 : i32
        %ne3A_1371 = arith.constant 0 : i32
        %ne3A_1372 = arith.cmpi ne, %rem3A_1370, %ne3A_1371 : i32
        %and3A_1373 = arith.andi %ne3A_1369, %ne3A_1372 : i1
        %sub3A_1374 = arith.constant 1 : i32
        %sub3A_1375 = arith.subi %div3A_1354, %sub3A_1374 : i32
        %select_n3A_1376 = arith.select %and3A_1373, %sub3A_1375, %div3A_1354 : i32
        %jit3A_1377 = arith.constant 8 : i32
        %eq3A_1378 = arith.constant 0 : i32
        %eq3A_1379 = arith.cmpi eq, %jit3A_1377, %eq3A_1378 : i32
        %jit3A_1380 = arith.constant 1 : i32
        %select_n3A_1381 = arith.select %eq3A_1379, %jit3A_1380, %jit3A_1377 : i32
        %rem3A_1382 = arith.remsi %sub3A_1352, %select_n3A_1381 : i32
        %ne3A_1383 = arith.constant 0 : i32
        %ne3A_1384 = arith.cmpi ne, %rem3A_1382, %ne3A_1383 : i32
        %lt3A_1385 = arith.constant 0 : i32
        %lt3A_1386 = arith.cmpi slt, %rem3A_1382, %lt3A_1385 : i32
        %lt3A_1387 = arith.constant 0 : i32
        %lt3A_1388 = arith.cmpi slt, %select_n3A_1381, %lt3A_1387 : i32
        %ne3A_1389 = arith.xori %lt3A_1386, %lt3A_1388 : i1
        %and3A_1390 = arith.andi %ne3A_1389, %ne3A_1384 : i1
        %add3A_1391 = arith.addi %rem3A_1382, %select_n3A_1381 : i32
        %select_n3A_1392 = arith.select %and3A_1390, %add3A_1391, %rem3A_1382 : i32
        %lt3A_1393 = arith.constant 6 : i32
        %lt3A_1394 = arith.cmpi slt, %select_n3A_1392, %lt3A_1393 : i32
        %mul3A_1395 = arith.constant 96 : i32
        %mul3A_1396 = arith.muli %mul3A_1395, %select_n3A_30 : i32
        %add3A_1397 = arith.constant 256 : i32
        %add3A_1398 = arith.addi %add3A_1397, %mul3A_1396 : i32
        %mul3A_1399 = arith.constant 6 : i32
        %mul3A_1400 = arith.muli %mul3A_1399, %select_n3A_1376 : i32
        %add3A_1401 = arith.addi %mul3A_1400, %select_n3A_1392 : i32
        %mul3A_1402 = arith.constant 4 : i32
        %mul3A_1403 = arith.muli %mul3A_1402, %add3A_1401 : i32
        %add3A_1404 = arith.addi %add3A_1398, %mul3A_1403 : i32
        %mul3A_1405 = arith.constant 8 : i32
        %mul3A_1406 = arith.muli %mul3A_1405, %select_n3A_1376 : i32
        %add3A_1407 = arith.addi %mul3A_32, %mul3A_1406 : i32
        %sub3A_1408 = arith.constant 6 : i32
        %sub3A_1409 = arith.subi %select_n3A_1392, %sub3A_1408 : i32
        %mul3A_1410 = arith.constant 4 : i32
        %mul3A_1411 = arith.muli %mul3A_1410, %sub3A_1409 : i32
        %add3A_1412 = arith.addi %add3A_1407, %mul3A_1411 : i32
        %select_n3A_1413 = arith.select %lt3A_1394, %add3A_1404, %add3A_1412 : i32
        %dma_wait3A_1414 = arith.constant 0 : i32
        %dma_wait3A_1415 = arith.constant 0 : i32
        %dma_wait3A_1416 = tpu.memref_slice %arg5[%select_n3A, %select_n3A_1413, %dma_wait3A_1414, %dma_wait3A_1415] : memref<4x1024x12x513xf32, #tpu.memory_space<hbm>> -> memref<1x4x12x513xf32, #tpu.memory_space<hbm>>
        %dma_wait3A_1417 = tpu.memref_squeeze %dma_wait3A_1416 : memref<1x4x12x513xf32, #tpu.memory_space<hbm>> -> memref<4x12x513xf32, #tpu.memory_space<hbm>>
        %dma_wait3A_1418 = arith.constant 0 : i32
        %dma_wait3A_1419 = arith.constant 0 : i32
        %dma_wait3A_1420 = tpu.memref_slice %arg5[%select_n3A, %select_n3A_1413, %dma_wait3A_1418, %dma_wait3A_1419] : memref<4x1024x12x513xf32, #tpu.memory_space<hbm>> -> memref<1x4x12x513xf32, #tpu.memory_space<hbm>>
        %dma_wait3A_1421 = tpu.memref_squeeze %dma_wait3A_1420 : memref<1x4x12x513xf32, #tpu.memory_space<hbm>> -> memref<4x12x513xf32, #tpu.memory_space<hbm>>
        tpu.wait_dma2 semaphore(%arg11 : memref<!tpu.dma_semaphore, #tpu.memory_space<semaphore_mem>>) src(%arg6 : memref<4x12x513xf32, #tpu.memory_space<vmem>>) dst(%dma_wait3A_1421 : memref<4x12x513xf32, #tpu.memory_space<hbm>>)
      } else {
      }
      %add3A_633 = arith.constant 1 : i32
      %add3A_634 = arith.addi %add3A_558, %add3A_633 : i32
      %lt3A_635 = arith.constant 32 : i32
      %lt3A_636 = arith.cmpi slt, %add3A_634, %lt3A_635 : i32
      %convert_element_type3A_637 = arith.extui %lt3A_636 : i1 to i32
      %cond3A_638 = arith.constant 0 : i32
      %cond3A_639 = arith.cmpi ne, %convert_element_type3A_637, %cond3A_638 : i32
      scf.if %cond3A_639 {
        %add3A_1351 = arith.constant 1 : i32
        %add3A_1352 = arith.addi %add3A_558, %add3A_1351 : i32
        %jit3A_1353 = arith.constant 8 : i32
        %div3A_1354 = arith.divsi %add3A_1352, %jit3A_1353 : i32
        %sign3A_1355 = arith.constant 0 : i32
        %sign3A_1356 = arith.cmpi sgt, %add3A_1352, %sign3A_1355 : i32
        %sign3A_1357 = arith.extui %sign3A_1356 : i1 to i32
        %sign3A_1358 = arith.constant 0 : i32
        %sign3A_1359 = arith.cmpi slt, %add3A_1352, %sign3A_1358 : i32
        %sign3A_1360 = arith.extui %sign3A_1359 : i1 to i32
        %sign3A_1361 = arith.subi %sign3A_1357, %sign3A_1360 : i32
        %sign3A_1362 = arith.constant 0 : i32
        %sign3A_1363 = arith.cmpi sgt, %jit3A_1353, %sign3A_1362 : i32
        %sign3A_1364 = arith.extui %sign3A_1363 : i1 to i32
        %sign3A_1365 = arith.constant 0 : i32
        %sign3A_1366 = arith.cmpi slt, %jit3A_1353, %sign3A_1365 : i32
        %sign3A_1367 = arith.extui %sign3A_1366 : i1 to i32
        %sign3A_1368 = arith.subi %sign3A_1364, %sign3A_1367 : i32
        %ne3A_1369 = arith.cmpi ne, %sign3A_1361, %sign3A_1368 : i32
        %rem3A_1370 = arith.remsi %add3A_1352, %jit3A_1353 : i32
        %ne3A_1371 = arith.constant 0 : i32
        %ne3A_1372 = arith.cmpi ne, %rem3A_1370, %ne3A_1371 : i32
        %and3A_1373 = arith.andi %ne3A_1369, %ne3A_1372 : i1
        %sub3A_1374 = arith.constant 1 : i32
        %sub3A_1375 = arith.subi %div3A_1354, %sub3A_1374 : i32
        %select_n3A_1376 = arith.select %and3A_1373, %sub3A_1375, %div3A_1354 : i32
        %jit3A_1377 = arith.constant 8 : i32
        %eq3A_1378 = arith.constant 0 : i32
        %eq3A_1379 = arith.cmpi eq, %jit3A_1377, %eq3A_1378 : i32
        %jit3A_1380 = arith.constant 1 : i32
        %select_n3A_1381 = arith.select %eq3A_1379, %jit3A_1380, %jit3A_1377 : i32
        %rem3A_1382 = arith.remsi %add3A_1352, %select_n3A_1381 : i32
        %ne3A_1383 = arith.constant 0 : i32
        %ne3A_1384 = arith.cmpi ne, %rem3A_1382, %ne3A_1383 : i32
        %lt3A_1385 = arith.constant 0 : i32
        %lt3A_1386 = arith.cmpi slt, %rem3A_1382, %lt3A_1385 : i32
        %lt3A_1387 = arith.constant 0 : i32
        %lt3A_1388 = arith.cmpi slt, %select_n3A_1381, %lt3A_1387 : i32
        %ne3A_1389 = arith.xori %lt3A_1386, %lt3A_1388 : i1
        %and3A_1390 = arith.andi %ne3A_1389, %ne3A_1384 : i1
        %add3A_1391 = arith.addi %rem3A_1382, %select_n3A_1381 : i32
        %select_n3A_1392 = arith.select %and3A_1390, %add3A_1391, %rem3A_1382 : i32
        %lt3A_1393 = arith.constant 6 : i32
        %lt3A_1394 = arith.cmpi slt, %select_n3A_1392, %lt3A_1393 : i32
        %mul3A_1395 = arith.constant 96 : i32
        %mul3A_1396 = arith.muli %mul3A_1395, %select_n3A_30 : i32
        %add3A_1397 = arith.constant 256 : i32
        %add3A_1398 = arith.addi %add3A_1397, %mul3A_1396 : i32
        %mul3A_1399 = arith.constant 6 : i32
        %mul3A_1400 = arith.muli %mul3A_1399, %select_n3A_1376 : i32
        %add3A_1401 = arith.addi %mul3A_1400, %select_n3A_1392 : i32
        %mul3A_1402 = arith.constant 4 : i32
        %mul3A_1403 = arith.muli %mul3A_1402, %add3A_1401 : i32
        %add3A_1404 = arith.addi %add3A_1398, %mul3A_1403 : i32
        %mul3A_1405 = arith.constant 8 : i32
        %mul3A_1406 = arith.muli %mul3A_1405, %select_n3A_1376 : i32
        %add3A_1407 = arith.addi %mul3A_32, %mul3A_1406 : i32
        %sub3A_1408 = arith.constant 6 : i32
        %sub3A_1409 = arith.subi %select_n3A_1392, %sub3A_1408 : i32
        %mul3A_1410 = arith.constant 4 : i32
        %mul3A_1411 = arith.muli %mul3A_1410, %sub3A_1409 : i32
        %add3A_1412 = arith.addi %add3A_1407, %mul3A_1411 : i32
        %select_n3A_1413 = arith.select %lt3A_1394, %add3A_1404, %add3A_1412 : i32
        %dma_start3A_1414 = arith.constant 0 : i32
        %dma_start3A_1415 = arith.constant 0 : i32
        %dma_start3A_1416 = tpu.memref_slice %arg2[%select_n3A, %select_n3A_1413, %dma_start3A_1414, %dma_start3A_1415] : memref<4x1024x12x513xf32, #tpu.memory_space<hbm>> -> memref<1x4x12x513xf32, #tpu.memory_space<hbm>>
        %dma_start3A_1417 = tpu.memref_squeeze %dma_start3A_1416 : memref<1x4x12x513xf32, #tpu.memory_space<hbm>> -> memref<4x12x513xf32, #tpu.memory_space<hbm>>
        %dma_start3A_1418 = arith.constant 0 : i32
        %dma_start3A_1419 = arith.constant 0 : i32
        %dma_start3A_1420 = tpu.memref_slice %arg2[%select_n3A, %select_n3A_1413, %dma_start3A_1418, %dma_start3A_1419] : memref<4x1024x12x513xf32, #tpu.memory_space<hbm>> -> memref<1x4x12x513xf32, #tpu.memory_space<hbm>>
        %dma_start3A_1421 = tpu.memref_squeeze %dma_start3A_1420 : memref<1x4x12x513xf32, #tpu.memory_space<hbm>> -> memref<4x12x513xf32, #tpu.memory_space<hbm>>
        tpu.enqueue_dma source(%dma_start3A_1421 : memref<4x12x513xf32, #tpu.memory_space<hbm>>) target(%arg6 : memref<4x12x513xf32, #tpu.memory_space<vmem>>) target_semaphore(%arg9 : memref<!tpu.dma_semaphore, #tpu.memory_space<semaphore_mem>>)
      } else {
      }
      %jit3A_640 = arith.constant 8 : i32
      %div3A_641 = arith.divsi %add3A_558, %jit3A_640 : i32
      %sign3A_642 = arith.constant 0 : i32
      %sign3A_643 = arith.cmpi sgt, %add3A_558, %sign3A_642 : i32
      %sign3A_644 = arith.extui %sign3A_643 : i1 to i32
      %sign3A_645 = arith.constant 0 : i32
      %sign3A_646 = arith.cmpi slt, %add3A_558, %sign3A_645 : i32
      %sign3A_647 = arith.extui %sign3A_646 : i1 to i32
      %sign3A_648 = arith.subi %sign3A_644, %sign3A_647 : i32
      %sign3A_649 = arith.constant 0 : i32
      %sign3A_650 = arith.cmpi sgt, %jit3A_640, %sign3A_649 : i32
      %sign3A_651 = arith.extui %sign3A_650 : i1 to i32
      %sign3A_652 = arith.constant 0 : i32
      %sign3A_653 = arith.cmpi slt, %jit3A_640, %sign3A_652 : i32
      %sign3A_654 = arith.extui %sign3A_653 : i1 to i32
      %sign3A_655 = arith.subi %sign3A_651, %sign3A_654 : i32
      %ne3A_656 = arith.cmpi ne, %sign3A_648, %sign3A_655 : i32
      %rem3A_657 = arith.remsi %add3A_558, %jit3A_640 : i32
      %ne3A_658 = arith.constant 0 : i32
      %ne3A_659 = arith.cmpi ne, %rem3A_657, %ne3A_658 : i32
      %and3A_660 = arith.andi %ne3A_656, %ne3A_659 : i1
      %sub3A_661 = arith.constant 1 : i32
      %sub3A_662 = arith.subi %div3A_641, %sub3A_661 : i32
      %select_n3A_663 = arith.select %and3A_660, %sub3A_662, %div3A_641 : i32
      %jit3A_664 = arith.constant 8 : i32
      %eq3A_665 = arith.constant 0 : i32
      %eq3A_666 = arith.cmpi eq, %jit3A_664, %eq3A_665 : i32
      %jit3A_667 = arith.constant 1 : i32
      %select_n3A_668 = arith.select %eq3A_666, %jit3A_667, %jit3A_664 : i32
      %rem3A_669 = arith.remsi %add3A_558, %select_n3A_668 : i32
      %ne3A_670 = arith.constant 0 : i32
      %ne3A_671 = arith.cmpi ne, %rem3A_669, %ne3A_670 : i32
      %lt3A_672 = arith.constant 0 : i32
      %lt3A_673 = arith.cmpi slt, %rem3A_669, %lt3A_672 : i32
      %lt3A_674 = arith.constant 0 : i32
      %lt3A_675 = arith.cmpi slt, %select_n3A_668, %lt3A_674 : i32
      %ne3A_676 = arith.xori %lt3A_673, %lt3A_675 : i1
      %and3A_677 = arith.andi %ne3A_676, %ne3A_671 : i1
      %add3A_678 = arith.addi %rem3A_669, %select_n3A_668 : i32
      %select_n3A_679 = arith.select %and3A_677, %add3A_678, %rem3A_669 : i32
      %lt3A_680 = arith.constant 6 : i32
      %lt3A_681 = arith.cmpi slt, %select_n3A_679, %lt3A_680 : i32
      %mul3A_682 = arith.constant 96 : i32
      %mul3A_683 = arith.muli %mul3A_682, %select_n3A_30 : i32
      %add3A_684 = arith.constant 256 : i32
      %add3A_685 = arith.addi %add3A_684, %mul3A_683 : i32
      %mul3A_686 = arith.constant 6 : i32
      %mul3A_687 = arith.muli %mul3A_686, %select_n3A_663 : i32
      %add3A_688 = arith.addi %mul3A_687, %select_n3A_679 : i32
      %mul3A_689 = arith.constant 4 : i32
      %mul3A_690 = arith.muli %mul3A_689, %add3A_688 : i32
      %add3A_691 = arith.addi %add3A_685, %mul3A_690 : i32
      %mul3A_692 = arith.constant 8 : i32
      %mul3A_693 = arith.muli %mul3A_692, %select_n3A_663 : i32
      %add3A_694 = arith.addi %mul3A_32, %mul3A_693 : i32
      %sub3A_695 = arith.constant 6 : i32
      %sub3A_696 = arith.subi %select_n3A_679, %sub3A_695 : i32
      %mul3A_697 = arith.constant 4 : i32
      %mul3A_698 = arith.muli %mul3A_697, %sub3A_696 : i32
      %add3A_699 = arith.addi %add3A_694, %mul3A_698 : i32
      %select_n3A_700 = arith.select %lt3A_681, %add3A_691, %add3A_699 : i32
      %dma_start3A_701 = arith.constant 0 : i32
      %dma_start3A_702 = arith.constant 0 : i32
      %dma_start3A_703 = tpu.memref_slice %arg5[%select_n3A, %select_n3A_700, %dma_start3A_701, %dma_start3A_702] : memref<4x1024x12x513xf32, #tpu.memory_space<hbm>> -> memref<1x4x12x513xf32, #tpu.memory_space<hbm>>
      %dma_start3A_704 = tpu.memref_squeeze %dma_start3A_703 : memref<1x4x12x513xf32, #tpu.memory_space<hbm>> -> memref<4x12x513xf32, #tpu.memory_space<hbm>>
      %dma_start3A_705 = arith.constant 0 : i32
      %dma_start3A_706 = arith.constant 0 : i32
      %dma_start3A_707 = tpu.memref_slice %arg5[%select_n3A, %select_n3A_700, %dma_start3A_705, %dma_start3A_706] : memref<4x1024x12x513xf32, #tpu.memory_space<hbm>> -> memref<1x4x12x513xf32, #tpu.memory_space<hbm>>
      %dma_start3A_708 = tpu.memref_squeeze %dma_start3A_707 : memref<1x4x12x513xf32, #tpu.memory_space<hbm>> -> memref<4x12x513xf32, #tpu.memory_space<hbm>>
      tpu.enqueue_dma source(%arg7 : memref<4x12x513xf32, #tpu.memory_space<vmem>>) target(%dma_start3A_708 : memref<4x12x513xf32, #tpu.memory_space<hbm>>) target_semaphore(%arg12 : memref<!tpu.dma_semaphore, #tpu.memory_space<semaphore_mem>>)
      %mul3A_709 = arith.constant 8 : i32
      %mul3A_710 = arith.muli %mul3A_709, %scan3A_86 : i32
      %add3A_711 = arith.constant 4 : i32
      %add3A_712 = arith.addi %mul3A_710, %add3A_711 : i32
      %jit3A_713 = arith.constant 8 : i32
      %div3A_714 = arith.divsi %add3A_712, %jit3A_713 : i32
      %sign3A_715 = arith.constant 0 : i32
      %sign3A_716 = arith.cmpi sgt, %add3A_712, %sign3A_715 : i32
      %sign3A_717 = arith.extui %sign3A_716 : i1 to i32
      %sign3A_718 = arith.constant 0 : i32
      %sign3A_719 = arith.cmpi slt, %add3A_712, %sign3A_718 : i32
      %sign3A_720 = arith.extui %sign3A_719 : i1 to i32
      %sign3A_721 = arith.subi %sign3A_717, %sign3A_720 : i32
      %sign3A_722 = arith.constant 0 : i32
      %sign3A_723 = arith.cmpi sgt, %jit3A_713, %sign3A_722 : i32
      %sign3A_724 = arith.extui %sign3A_723 : i1 to i32
      %sign3A_725 = arith.constant 0 : i32
      %sign3A_726 = arith.cmpi slt, %jit3A_713, %sign3A_725 : i32
      %sign3A_727 = arith.extui %sign3A_726 : i1 to i32
      %sign3A_728 = arith.subi %sign3A_724, %sign3A_727 : i32
      %ne3A_729 = arith.cmpi ne, %sign3A_721, %sign3A_728 : i32
      %rem3A_730 = arith.remsi %add3A_712, %jit3A_713 : i32
      %ne3A_731 = arith.constant 0 : i32
      %ne3A_732 = arith.cmpi ne, %rem3A_730, %ne3A_731 : i32
      %and3A_733 = arith.andi %ne3A_729, %ne3A_732 : i1
      %sub3A_734 = arith.constant 1 : i32
      %sub3A_735 = arith.subi %div3A_714, %sub3A_734 : i32
      %select_n3A_736 = arith.select %and3A_733, %sub3A_735, %div3A_714 : i32
      %jit3A_737 = arith.constant 8 : i32
      %eq3A_738 = arith.constant 0 : i32
      %eq3A_739 = arith.cmpi eq, %jit3A_737, %eq3A_738 : i32
      %jit3A_740 = arith.constant 1 : i32
      %select_n3A_741 = arith.select %eq3A_739, %jit3A_740, %jit3A_737 : i32
      %rem3A_742 = arith.remsi %add3A_712, %select_n3A_741 : i32
      %ne3A_743 = arith.constant 0 : i32
      %ne3A_744 = arith.cmpi ne, %rem3A_742, %ne3A_743 : i32
      %lt3A_745 = arith.constant 0 : i32
      %lt3A_746 = arith.cmpi slt, %rem3A_742, %lt3A_745 : i32
      %lt3A_747 = arith.constant 0 : i32
      %lt3A_748 = arith.cmpi slt, %select_n3A_741, %lt3A_747 : i32
      %ne3A_749 = arith.xori %lt3A_746, %lt3A_748 : i1
      %and3A_750 = arith.andi %ne3A_749, %ne3A_744 : i1
      %add3A_751 = arith.addi %rem3A_742, %select_n3A_741 : i32
      %select_n3A_752 = arith.select %and3A_750, %add3A_751, %rem3A_742 : i32
      %lt3A_753 = arith.constant 6 : i32
      %lt3A_754 = arith.cmpi slt, %select_n3A_752, %lt3A_753 : i32
      %mul3A_755 = arith.constant 96 : i32
      %mul3A_756 = arith.muli %mul3A_755, %select_n3A_30 : i32
      %add3A_757 = arith.constant 256 : i32
      %add3A_758 = arith.addi %add3A_757, %mul3A_756 : i32
      %mul3A_759 = arith.constant 6 : i32
      %mul3A_760 = arith.muli %mul3A_759, %select_n3A_736 : i32
      %add3A_761 = arith.addi %mul3A_760, %select_n3A_752 : i32
      %mul3A_762 = arith.constant 4 : i32
      %mul3A_763 = arith.muli %mul3A_762, %add3A_761 : i32
      %add3A_764 = arith.addi %add3A_758, %mul3A_763 : i32
      %mul3A_765 = arith.constant 8 : i32
      %mul3A_766 = arith.muli %mul3A_765, %select_n3A_736 : i32
      %add3A_767 = arith.addi %mul3A_32, %mul3A_766 : i32
      %sub3A_768 = arith.constant 6 : i32
      %sub3A_769 = arith.subi %select_n3A_752, %sub3A_768 : i32
      %mul3A_770 = arith.constant 4 : i32
      %mul3A_771 = arith.muli %mul3A_770, %sub3A_769 : i32
      %add3A_772 = arith.addi %add3A_767, %mul3A_771 : i32
      %select_n3A_773 = arith.select %lt3A_754, %add3A_764, %add3A_772 : i32
      %dma_wait3A_774 = arith.constant 0 : i32
      %dma_wait3A_775 = arith.constant 0 : i32
      %dma_wait3A_776 = tpu.memref_slice %arg2[%select_n3A, %select_n3A_773, %dma_wait3A_774, %dma_wait3A_775] : memref<4x1024x12x513xf32, #tpu.memory_space<hbm>> -> memref<1x4x12x513xf32, #tpu.memory_space<hbm>>
      %dma_wait3A_777 = tpu.memref_squeeze %dma_wait3A_776 : memref<1x4x12x513xf32, #tpu.memory_space<hbm>> -> memref<4x12x513xf32, #tpu.memory_space<hbm>>
      %dma_wait3A_778 = arith.constant 0 : i32
      %dma_wait3A_779 = arith.constant 0 : i32
      %dma_wait3A_780 = tpu.memref_slice %arg2[%select_n3A, %select_n3A_773, %dma_wait3A_778, %dma_wait3A_779] : memref<4x1024x12x513xf32, #tpu.memory_space<hbm>> -> memref<1x4x12x513xf32, #tpu.memory_space<hbm>>
      %dma_wait3A_781 = tpu.memref_squeeze %dma_wait3A_780 : memref<1x4x12x513xf32, #tpu.memory_space<hbm>> -> memref<4x12x513xf32, #tpu.memory_space<hbm>>
      tpu.wait_dma2 semaphore(%arg9 : memref<!tpu.dma_semaphore, #tpu.memory_space<semaphore_mem>>) src(%dma_wait3A_781 : memref<4x12x513xf32, #tpu.memory_space<hbm>>) dst(%arg6 : memref<4x12x513xf32, #tpu.memory_space<vmem>>)
      %ge3A_782 = arith.constant 1 : i32
      %ge3A_783 = arith.cmpi sge, %add3A_712, %ge3A_782 : i32
      %convert_element_type3A_784 = arith.extui %ge3A_783 : i1 to i32
      %cond3A_785 = arith.constant 0 : i32
      %cond3A_786 = arith.cmpi ne, %convert_element_type3A_784, %cond3A_785 : i32
      scf.if %cond3A_786 {
        %sub3A_1351 = arith.constant 1 : i32
        %sub3A_1352 = arith.subi %add3A_712, %sub3A_1351 : i32
        %jit3A_1353 = arith.constant 8 : i32
        %div3A_1354 = arith.divsi %sub3A_1352, %jit3A_1353 : i32
        %sign3A_1355 = arith.constant 0 : i32
        %sign3A_1356 = arith.cmpi sgt, %sub3A_1352, %sign3A_1355 : i32
        %sign3A_1357 = arith.extui %sign3A_1356 : i1 to i32
        %sign3A_1358 = arith.constant 0 : i32
        %sign3A_1359 = arith.cmpi slt, %sub3A_1352, %sign3A_1358 : i32
        %sign3A_1360 = arith.extui %sign3A_1359 : i1 to i32
        %sign3A_1361 = arith.subi %sign3A_1357, %sign3A_1360 : i32
        %sign3A_1362 = arith.constant 0 : i32
        %sign3A_1363 = arith.cmpi sgt, %jit3A_1353, %sign3A_1362 : i32
        %sign3A_1364 = arith.extui %sign3A_1363 : i1 to i32
        %sign3A_1365 = arith.constant 0 : i32
        %sign3A_1366 = arith.cmpi slt, %jit3A_1353, %sign3A_1365 : i32
        %sign3A_1367 = arith.extui %sign3A_1366 : i1 to i32
        %sign3A_1368 = arith.subi %sign3A_1364, %sign3A_1367 : i32
        %ne3A_1369 = arith.cmpi ne, %sign3A_1361, %sign3A_1368 : i32
        %rem3A_1370 = arith.remsi %sub3A_1352, %jit3A_1353 : i32
        %ne3A_1371 = arith.constant 0 : i32
        %ne3A_1372 = arith.cmpi ne, %rem3A_1370, %ne3A_1371 : i32
        %and3A_1373 = arith.andi %ne3A_1369, %ne3A_1372 : i1
        %sub3A_1374 = arith.constant 1 : i32
        %sub3A_1375 = arith.subi %div3A_1354, %sub3A_1374 : i32
        %select_n3A_1376 = arith.select %and3A_1373, %sub3A_1375, %div3A_1354 : i32
        %jit3A_1377 = arith.constant 8 : i32
        %eq3A_1378 = arith.constant 0 : i32
        %eq3A_1379 = arith.cmpi eq, %jit3A_1377, %eq3A_1378 : i32
        %jit3A_1380 = arith.constant 1 : i32
        %select_n3A_1381 = arith.select %eq3A_1379, %jit3A_1380, %jit3A_1377 : i32
        %rem3A_1382 = arith.remsi %sub3A_1352, %select_n3A_1381 : i32
        %ne3A_1383 = arith.constant 0 : i32
        %ne3A_1384 = arith.cmpi ne, %rem3A_1382, %ne3A_1383 : i32
        %lt3A_1385 = arith.constant 0 : i32
        %lt3A_1386 = arith.cmpi slt, %rem3A_1382, %lt3A_1385 : i32
        %lt3A_1387 = arith.constant 0 : i32
        %lt3A_1388 = arith.cmpi slt, %select_n3A_1381, %lt3A_1387 : i32
        %ne3A_1389 = arith.xori %lt3A_1386, %lt3A_1388 : i1
        %and3A_1390 = arith.andi %ne3A_1389, %ne3A_1384 : i1
        %add3A_1391 = arith.addi %rem3A_1382, %select_n3A_1381 : i32
        %select_n3A_1392 = arith.select %and3A_1390, %add3A_1391, %rem3A_1382 : i32
        %lt3A_1393 = arith.constant 6 : i32
        %lt3A_1394 = arith.cmpi slt, %select_n3A_1392, %lt3A_1393 : i32
        %mul3A_1395 = arith.constant 96 : i32
        %mul3A_1396 = arith.muli %mul3A_1395, %select_n3A_30 : i32
        %add3A_1397 = arith.constant 256 : i32
        %add3A_1398 = arith.addi %add3A_1397, %mul3A_1396 : i32
        %mul3A_1399 = arith.constant 6 : i32
        %mul3A_1400 = arith.muli %mul3A_1399, %select_n3A_1376 : i32
        %add3A_1401 = arith.addi %mul3A_1400, %select_n3A_1392 : i32
        %mul3A_1402 = arith.constant 4 : i32
        %mul3A_1403 = arith.muli %mul3A_1402, %add3A_1401 : i32
        %add3A_1404 = arith.addi %add3A_1398, %mul3A_1403 : i32
        %mul3A_1405 = arith.constant 8 : i32
        %mul3A_1406 = arith.muli %mul3A_1405, %select_n3A_1376 : i32
        %add3A_1407 = arith.addi %mul3A_32, %mul3A_1406 : i32
        %sub3A_1408 = arith.constant 6 : i32
        %sub3A_1409 = arith.subi %select_n3A_1392, %sub3A_1408 : i32
        %mul3A_1410 = arith.constant 4 : i32
        %mul3A_1411 = arith.muli %mul3A_1410, %sub3A_1409 : i32
        %add3A_1412 = arith.addi %add3A_1407, %mul3A_1411 : i32
        %select_n3A_1413 = arith.select %lt3A_1394, %add3A_1404, %add3A_1412 : i32
        %dma_wait3A_1414 = arith.constant 0 : i32
        %dma_wait3A_1415 = arith.constant 0 : i32
        %dma_wait3A_1416 = tpu.memref_slice %arg5[%select_n3A, %select_n3A_1413, %dma_wait3A_1414, %dma_wait3A_1415] : memref<4x1024x12x513xf32, #tpu.memory_space<hbm>> -> memref<1x4x12x513xf32, #tpu.memory_space<hbm>>
        %dma_wait3A_1417 = tpu.memref_squeeze %dma_wait3A_1416 : memref<1x4x12x513xf32, #tpu.memory_space<hbm>> -> memref<4x12x513xf32, #tpu.memory_space<hbm>>
        %dma_wait3A_1418 = arith.constant 0 : i32
        %dma_wait3A_1419 = arith.constant 0 : i32
        %dma_wait3A_1420 = tpu.memref_slice %arg5[%select_n3A, %select_n3A_1413, %dma_wait3A_1418, %dma_wait3A_1419] : memref<4x1024x12x513xf32, #tpu.memory_space<hbm>> -> memref<1x4x12x513xf32, #tpu.memory_space<hbm>>
        %dma_wait3A_1421 = tpu.memref_squeeze %dma_wait3A_1420 : memref<1x4x12x513xf32, #tpu.memory_space<hbm>> -> memref<4x12x513xf32, #tpu.memory_space<hbm>>
        tpu.wait_dma2 semaphore(%arg12 : memref<!tpu.dma_semaphore, #tpu.memory_space<semaphore_mem>>) src(%arg7 : memref<4x12x513xf32, #tpu.memory_space<vmem>>) dst(%dma_wait3A_1421 : memref<4x12x513xf32, #tpu.memory_space<hbm>>)
      } else {
      }
      %add3A_787 = arith.constant 1 : i32
      %add3A_788 = arith.addi %add3A_712, %add3A_787 : i32
      %lt3A_789 = arith.constant 32 : i32
      %lt3A_790 = arith.cmpi slt, %add3A_788, %lt3A_789 : i32
      %convert_element_type3A_791 = arith.extui %lt3A_790 : i1 to i32
      %cond3A_792 = arith.constant 0 : i32
      %cond3A_793 = arith.cmpi ne, %convert_element_type3A_791, %cond3A_792 : i32
      scf.if %cond3A_793 {
        %add3A_1351 = arith.constant 1 : i32
        %add3A_1352 = arith.addi %add3A_712, %add3A_1351 : i32
        %jit3A_1353 = arith.constant 8 : i32
        %div3A_1354 = arith.divsi %add3A_1352, %jit3A_1353 : i32
        %sign3A_1355 = arith.constant 0 : i32
        %sign3A_1356 = arith.cmpi sgt, %add3A_1352, %sign3A_1355 : i32
        %sign3A_1357 = arith.extui %sign3A_1356 : i1 to i32
        %sign3A_1358 = arith.constant 0 : i32
        %sign3A_1359 = arith.cmpi slt, %add3A_1352, %sign3A_1358 : i32
        %sign3A_1360 = arith.extui %sign3A_1359 : i1 to i32
        %sign3A_1361 = arith.subi %sign3A_1357, %sign3A_1360 : i32
        %sign3A_1362 = arith.constant 0 : i32
        %sign3A_1363 = arith.cmpi sgt, %jit3A_1353, %sign3A_1362 : i32
        %sign3A_1364 = arith.extui %sign3A_1363 : i1 to i32
        %sign3A_1365 = arith.constant 0 : i32
        %sign3A_1366 = arith.cmpi slt, %jit3A_1353, %sign3A_1365 : i32
        %sign3A_1367 = arith.extui %sign3A_1366 : i1 to i32
        %sign3A_1368 = arith.subi %sign3A_1364, %sign3A_1367 : i32
        %ne3A_1369 = arith.cmpi ne, %sign3A_1361, %sign3A_1368 : i32
        %rem3A_1370 = arith.remsi %add3A_1352, %jit3A_1353 : i32
        %ne3A_1371 = arith.constant 0 : i32
        %ne3A_1372 = arith.cmpi ne, %rem3A_1370, %ne3A_1371 : i32
        %and3A_1373 = arith.andi %ne3A_1369, %ne3A_1372 : i1
        %sub3A_1374 = arith.constant 1 : i32
        %sub3A_1375 = arith.subi %div3A_1354, %sub3A_1374 : i32
        %select_n3A_1376 = arith.select %and3A_1373, %sub3A_1375, %div3A_1354 : i32
        %jit3A_1377 = arith.constant 8 : i32
        %eq3A_1378 = arith.constant 0 : i32
        %eq3A_1379 = arith.cmpi eq, %jit3A_1377, %eq3A_1378 : i32
        %jit3A_1380 = arith.constant 1 : i32
        %select_n3A_1381 = arith.select %eq3A_1379, %jit3A_1380, %jit3A_1377 : i32
        %rem3A_1382 = arith.remsi %add3A_1352, %select_n3A_1381 : i32
        %ne3A_1383 = arith.constant 0 : i32
        %ne3A_1384 = arith.cmpi ne, %rem3A_1382, %ne3A_1383 : i32
        %lt3A_1385 = arith.constant 0 : i32
        %lt3A_1386 = arith.cmpi slt, %rem3A_1382, %lt3A_1385 : i32
        %lt3A_1387 = arith.constant 0 : i32
        %lt3A_1388 = arith.cmpi slt, %select_n3A_1381, %lt3A_1387 : i32
        %ne3A_1389 = arith.xori %lt3A_1386, %lt3A_1388 : i1
        %and3A_1390 = arith.andi %ne3A_1389, %ne3A_1384 : i1
        %add3A_1391 = arith.addi %rem3A_1382, %select_n3A_1381 : i32
        %select_n3A_1392 = arith.select %and3A_1390, %add3A_1391, %rem3A_1382 : i32
        %lt3A_1393 = arith.constant 6 : i32
        %lt3A_1394 = arith.cmpi slt, %select_n3A_1392, %lt3A_1393 : i32
        %mul3A_1395 = arith.constant 96 : i32
        %mul3A_1396 = arith.muli %mul3A_1395, %select_n3A_30 : i32
        %add3A_1397 = arith.constant 256 : i32
        %add3A_1398 = arith.addi %add3A_1397, %mul3A_1396 : i32
        %mul3A_1399 = arith.constant 6 : i32
        %mul3A_1400 = arith.muli %mul3A_1399, %select_n3A_1376 : i32
        %add3A_1401 = arith.addi %mul3A_1400, %select_n3A_1392 : i32
        %mul3A_1402 = arith.constant 4 : i32
        %mul3A_1403 = arith.muli %mul3A_1402, %add3A_1401 : i32
        %add3A_1404 = arith.addi %add3A_1398, %mul3A_1403 : i32
        %mul3A_1405 = arith.constant 8 : i32
        %mul3A_1406 = arith.muli %mul3A_1405, %select_n3A_1376 : i32
        %add3A_1407 = arith.addi %mul3A_32, %mul3A_1406 : i32
        %sub3A_1408 = arith.constant 6 : i32
        %sub3A_1409 = arith.subi %select_n3A_1392, %sub3A_1408 : i32
        %mul3A_1410 = arith.constant 4 : i32
        %mul3A_1411 = arith.muli %mul3A_1410, %sub3A_1409 : i32
        %add3A_1412 = arith.addi %add3A_1407, %mul3A_1411 : i32
        %select_n3A_1413 = arith.select %lt3A_1394, %add3A_1404, %add3A_1412 : i32
        %dma_start3A_1414 = arith.constant 0 : i32
        %dma_start3A_1415 = arith.constant 0 : i32
        %dma_start3A_1416 = tpu.memref_slice %arg2[%select_n3A, %select_n3A_1413, %dma_start3A_1414, %dma_start3A_1415] : memref<4x1024x12x513xf32, #tpu.memory_space<hbm>> -> memref<1x4x12x513xf32, #tpu.memory_space<hbm>>
        %dma_start3A_1417 = tpu.memref_squeeze %dma_start3A_1416 : memref<1x4x12x513xf32, #tpu.memory_space<hbm>> -> memref<4x12x513xf32, #tpu.memory_space<hbm>>
        %dma_start3A_1418 = arith.constant 0 : i32
        %dma_start3A_1419 = arith.constant 0 : i32
        %dma_start3A_1420 = tpu.memref_slice %arg2[%select_n3A, %select_n3A_1413, %dma_start3A_1418, %dma_start3A_1419] : memref<4x1024x12x513xf32, #tpu.memory_space<hbm>> -> memref<1x4x12x513xf32, #tpu.memory_space<hbm>>
        %dma_start3A_1421 = tpu.memref_squeeze %dma_start3A_1420 : memref<1x4x12x513xf32, #tpu.memory_space<hbm>> -> memref<4x12x513xf32, #tpu.memory_space<hbm>>
        tpu.enqueue_dma source(%dma_start3A_1421 : memref<4x12x513xf32, #tpu.memory_space<hbm>>) target(%arg7 : memref<4x12x513xf32, #tpu.memory_space<vmem>>) target_semaphore(%arg10 : memref<!tpu.dma_semaphore, #tpu.memory_space<semaphore_mem>>)
      } else {
      }
      %jit3A_794 = arith.constant 8 : i32
      %div3A_795 = arith.divsi %add3A_712, %jit3A_794 : i32
      %sign3A_796 = arith.constant 0 : i32
      %sign3A_797 = arith.cmpi sgt, %add3A_712, %sign3A_796 : i32
      %sign3A_798 = arith.extui %sign3A_797 : i1 to i32
      %sign3A_799 = arith.constant 0 : i32
      %sign3A_800 = arith.cmpi slt, %add3A_712, %sign3A_799 : i32
      %sign3A_801 = arith.extui %sign3A_800 : i1 to i32
      %sign3A_802 = arith.subi %sign3A_798, %sign3A_801 : i32
      %sign3A_803 = arith.constant 0 : i32
      %sign3A_804 = arith.cmpi sgt, %jit3A_794, %sign3A_803 : i32
      %sign3A_805 = arith.extui %sign3A_804 : i1 to i32
      %sign3A_806 = arith.constant 0 : i32
      %sign3A_807 = arith.cmpi slt, %jit3A_794, %sign3A_806 : i32
      %sign3A_808 = arith.extui %sign3A_807 : i1 to i32
      %sign3A_809 = arith.subi %sign3A_805, %sign3A_808 : i32
      %ne3A_810 = arith.cmpi ne, %sign3A_802, %sign3A_809 : i32
      %rem3A_811 = arith.remsi %add3A_712, %jit3A_794 : i32
      %ne3A_812 = arith.constant 0 : i32
      %ne3A_813 = arith.cmpi ne, %rem3A_811, %ne3A_812 : i32
      %and3A_814 = arith.andi %ne3A_810, %ne3A_813 : i1
      %sub3A_815 = arith.constant 1 : i32
      %sub3A_816 = arith.subi %div3A_795, %sub3A_815 : i32
      %select_n3A_817 = arith.select %and3A_814, %sub3A_816, %div3A_795 : i32
      %jit3A_818 = arith.constant 8 : i32
      %eq3A_819 = arith.constant 0 : i32
      %eq3A_820 = arith.cmpi eq, %jit3A_818, %eq3A_819 : i32
      %jit3A_821 = arith.constant 1 : i32
      %select_n3A_822 = arith.select %eq3A_820, %jit3A_821, %jit3A_818 : i32
      %rem3A_823 = arith.remsi %add3A_712, %select_n3A_822 : i32
      %ne3A_824 = arith.constant 0 : i32
      %ne3A_825 = arith.cmpi ne, %rem3A_823, %ne3A_824 : i32
      %lt3A_826 = arith.constant 0 : i32
      %lt3A_827 = arith.cmpi slt, %rem3A_823, %lt3A_826 : i32
      %lt3A_828 = arith.constant 0 : i32
      %lt3A_829 = arith.cmpi slt, %select_n3A_822, %lt3A_828 : i32
      %ne3A_830 = arith.xori %lt3A_827, %lt3A_829 : i1
      %and3A_831 = arith.andi %ne3A_830, %ne3A_825 : i1
      %add3A_832 = arith.addi %rem3A_823, %select_n3A_822 : i32
      %select_n3A_833 = arith.select %and3A_831, %add3A_832, %rem3A_823 : i32
      %lt3A_834 = arith.constant 6 : i32
      %lt3A_835 = arith.cmpi slt, %select_n3A_833, %lt3A_834 : i32
      %mul3A_836 = arith.constant 96 : i32
      %mul3A_837 = arith.muli %mul3A_836, %select_n3A_30 : i32
      %add3A_838 = arith.constant 256 : i32
      %add3A_839 = arith.addi %add3A_838, %mul3A_837 : i32
      %mul3A_840 = arith.constant 6 : i32
      %mul3A_841 = arith.muli %mul3A_840, %select_n3A_817 : i32
      %add3A_842 = arith.addi %mul3A_841, %select_n3A_833 : i32
      %mul3A_843 = arith.constant 4 : i32
      %mul3A_844 = arith.muli %mul3A_843, %add3A_842 : i32
      %add3A_845 = arith.addi %add3A_839, %mul3A_844 : i32
      %mul3A_846 = arith.constant 8 : i32
      %mul3A_847 = arith.muli %mul3A_846, %select_n3A_817 : i32
      %add3A_848 = arith.addi %mul3A_32, %mul3A_847 : i32
      %sub3A_849 = arith.constant 6 : i32
      %sub3A_850 = arith.subi %select_n3A_833, %sub3A_849 : i32
      %mul3A_851 = arith.constant 4 : i32
      %mul3A_852 = arith.muli %mul3A_851, %sub3A_850 : i32
      %add3A_853 = arith.addi %add3A_848, %mul3A_852 : i32
      %select_n3A_854 = arith.select %lt3A_835, %add3A_845, %add3A_853 : i32
      %dma_start3A_855 = arith.constant 0 : i32
      %dma_start3A_856 = arith.constant 0 : i32
      %dma_start3A_857 = tpu.memref_slice %arg5[%select_n3A, %select_n3A_854, %dma_start3A_855, %dma_start3A_856] : memref<4x1024x12x513xf32, #tpu.memory_space<hbm>> -> memref<1x4x12x513xf32, #tpu.memory_space<hbm>>
      %dma_start3A_858 = tpu.memref_squeeze %dma_start3A_857 : memref<1x4x12x513xf32, #tpu.memory_space<hbm>> -> memref<4x12x513xf32, #tpu.memory_space<hbm>>
      %dma_start3A_859 = arith.constant 0 : i32
      %dma_start3A_860 = arith.constant 0 : i32
      %dma_start3A_861 = tpu.memref_slice %arg5[%select_n3A, %select_n3A_854, %dma_start3A_859, %dma_start3A_860] : memref<4x1024x12x513xf32, #tpu.memory_space<hbm>> -> memref<1x4x12x513xf32, #tpu.memory_space<hbm>>
      %dma_start3A_862 = tpu.memref_squeeze %dma_start3A_861 : memref<1x4x12x513xf32, #tpu.memory_space<hbm>> -> memref<4x12x513xf32, #tpu.memory_space<hbm>>
      tpu.enqueue_dma source(%arg6 : memref<4x12x513xf32, #tpu.memory_space<vmem>>) target(%dma_start3A_862 : memref<4x12x513xf32, #tpu.memory_space<hbm>>) target_semaphore(%arg11 : memref<!tpu.dma_semaphore, #tpu.memory_space<semaphore_mem>>)
      %mul3A_863 = arith.constant 8 : i32
      %mul3A_864 = arith.muli %mul3A_863, %scan3A_86 : i32
      %add3A_865 = arith.constant 5 : i32
      %add3A_866 = arith.addi %mul3A_864, %add3A_865 : i32
      %jit3A_867 = arith.constant 8 : i32
      %div3A_868 = arith.divsi %add3A_866, %jit3A_867 : i32
      %sign3A_869 = arith.constant 0 : i32
      %sign3A_870 = arith.cmpi sgt, %add3A_866, %sign3A_869 : i32
      %sign3A_871 = arith.extui %sign3A_870 : i1 to i32
      %sign3A_872 = arith.constant 0 : i32
      %sign3A_873 = arith.cmpi slt, %add3A_866, %sign3A_872 : i32
      %sign3A_874 = arith.extui %sign3A_873 : i1 to i32
      %sign3A_875 = arith.subi %sign3A_871, %sign3A_874 : i32
      %sign3A_876 = arith.constant 0 : i32
      %sign3A_877 = arith.cmpi sgt, %jit3A_867, %sign3A_876 : i32
      %sign3A_878 = arith.extui %sign3A_877 : i1 to i32
      %sign3A_879 = arith.constant 0 : i32
      %sign3A_880 = arith.cmpi slt, %jit3A_867, %sign3A_879 : i32
      %sign3A_881 = arith.extui %sign3A_880 : i1 to i32
      %sign3A_882 = arith.subi %sign3A_878, %sign3A_881 : i32
      %ne3A_883 = arith.cmpi ne, %sign3A_875, %sign3A_882 : i32
      %rem3A_884 = arith.remsi %add3A_866, %jit3A_867 : i32
      %ne3A_885 = arith.constant 0 : i32
      %ne3A_886 = arith.cmpi ne, %rem3A_884, %ne3A_885 : i32
      %and3A_887 = arith.andi %ne3A_883, %ne3A_886 : i1
      %sub3A_888 = arith.constant 1 : i32
      %sub3A_889 = arith.subi %div3A_868, %sub3A_888 : i32
      %select_n3A_890 = arith.select %and3A_887, %sub3A_889, %div3A_868 : i32
      %jit3A_891 = arith.constant 8 : i32
      %eq3A_892 = arith.constant 0 : i32
      %eq3A_893 = arith.cmpi eq, %jit3A_891, %eq3A_892 : i32
      %jit3A_894 = arith.constant 1 : i32
      %select_n3A_895 = arith.select %eq3A_893, %jit3A_894, %jit3A_891 : i32
      %rem3A_896 = arith.remsi %add3A_866, %select_n3A_895 : i32
      %ne3A_897 = arith.constant 0 : i32
      %ne3A_898 = arith.cmpi ne, %rem3A_896, %ne3A_897 : i32
      %lt3A_899 = arith.constant 0 : i32
      %lt3A_900 = arith.cmpi slt, %rem3A_896, %lt3A_899 : i32
      %lt3A_901 = arith.constant 0 : i32
      %lt3A_902 = arith.cmpi slt, %select_n3A_895, %lt3A_901 : i32
      %ne3A_903 = arith.xori %lt3A_900, %lt3A_902 : i1
      %and3A_904 = arith.andi %ne3A_903, %ne3A_898 : i1
      %add3A_905 = arith.addi %rem3A_896, %select_n3A_895 : i32
      %select_n3A_906 = arith.select %and3A_904, %add3A_905, %rem3A_896 : i32
      %lt3A_907 = arith.constant 6 : i32
      %lt3A_908 = arith.cmpi slt, %select_n3A_906, %lt3A_907 : i32
      %mul3A_909 = arith.constant 96 : i32
      %mul3A_910 = arith.muli %mul3A_909, %select_n3A_30 : i32
      %add3A_911 = arith.constant 256 : i32
      %add3A_912 = arith.addi %add3A_911, %mul3A_910 : i32
      %mul3A_913 = arith.constant 6 : i32
      %mul3A_914 = arith.muli %mul3A_913, %select_n3A_890 : i32
      %add3A_915 = arith.addi %mul3A_914, %select_n3A_906 : i32
      %mul3A_916 = arith.constant 4 : i32
      %mul3A_917 = arith.muli %mul3A_916, %add3A_915 : i32
      %add3A_918 = arith.addi %add3A_912, %mul3A_917 : i32
      %mul3A_919 = arith.constant 8 : i32
      %mul3A_920 = arith.muli %mul3A_919, %select_n3A_890 : i32
      %add3A_921 = arith.addi %mul3A_32, %mul3A_920 : i32
      %sub3A_922 = arith.constant 6 : i32
      %sub3A_923 = arith.subi %select_n3A_906, %sub3A_922 : i32
      %mul3A_924 = arith.constant 4 : i32
      %mul3A_925 = arith.muli %mul3A_924, %sub3A_923 : i32
      %add3A_926 = arith.addi %add3A_921, %mul3A_925 : i32
      %select_n3A_927 = arith.select %lt3A_908, %add3A_918, %add3A_926 : i32
      %dma_wait3A_928 = arith.constant 0 : i32
      %dma_wait3A_929 = arith.constant 0 : i32
      %dma_wait3A_930 = tpu.memref_slice %arg2[%select_n3A, %select_n3A_927, %dma_wait3A_928, %dma_wait3A_929] : memref<4x1024x12x513xf32, #tpu.memory_space<hbm>> -> memref<1x4x12x513xf32, #tpu.memory_space<hbm>>
      %dma_wait3A_931 = tpu.memref_squeeze %dma_wait3A_930 : memref<1x4x12x513xf32, #tpu.memory_space<hbm>> -> memref<4x12x513xf32, #tpu.memory_space<hbm>>
      %dma_wait3A_932 = arith.constant 0 : i32
      %dma_wait3A_933 = arith.constant 0 : i32
      %dma_wait3A_934 = tpu.memref_slice %arg2[%select_n3A, %select_n3A_927, %dma_wait3A_932, %dma_wait3A_933] : memref<4x1024x12x513xf32, #tpu.memory_space<hbm>> -> memref<1x4x12x513xf32, #tpu.memory_space<hbm>>
      %dma_wait3A_935 = tpu.memref_squeeze %dma_wait3A_934 : memref<1x4x12x513xf32, #tpu.memory_space<hbm>> -> memref<4x12x513xf32, #tpu.memory_space<hbm>>
      tpu.wait_dma2 semaphore(%arg10 : memref<!tpu.dma_semaphore, #tpu.memory_space<semaphore_mem>>) src(%dma_wait3A_935 : memref<4x12x513xf32, #tpu.memory_space<hbm>>) dst(%arg7 : memref<4x12x513xf32, #tpu.memory_space<vmem>>)
      %ge3A_936 = arith.constant 1 : i32
      %ge3A_937 = arith.cmpi sge, %add3A_866, %ge3A_936 : i32
      %convert_element_type3A_938 = arith.extui %ge3A_937 : i1 to i32
      %cond3A_939 = arith.constant 0 : i32
      %cond3A_940 = arith.cmpi ne, %convert_element_type3A_938, %cond3A_939 : i32
      scf.if %cond3A_940 {
        %sub3A_1351 = arith.constant 1 : i32
        %sub3A_1352 = arith.subi %add3A_866, %sub3A_1351 : i32
        %jit3A_1353 = arith.constant 8 : i32
        %div3A_1354 = arith.divsi %sub3A_1352, %jit3A_1353 : i32
        %sign3A_1355 = arith.constant 0 : i32
        %sign3A_1356 = arith.cmpi sgt, %sub3A_1352, %sign3A_1355 : i32
        %sign3A_1357 = arith.extui %sign3A_1356 : i1 to i32
        %sign3A_1358 = arith.constant 0 : i32
        %sign3A_1359 = arith.cmpi slt, %sub3A_1352, %sign3A_1358 : i32
        %sign3A_1360 = arith.extui %sign3A_1359 : i1 to i32
        %sign3A_1361 = arith.subi %sign3A_1357, %sign3A_1360 : i32
        %sign3A_1362 = arith.constant 0 : i32
        %sign3A_1363 = arith.cmpi sgt, %jit3A_1353, %sign3A_1362 : i32
        %sign3A_1364 = arith.extui %sign3A_1363 : i1 to i32
        %sign3A_1365 = arith.constant 0 : i32
        %sign3A_1366 = arith.cmpi slt, %jit3A_1353, %sign3A_1365 : i32
        %sign3A_1367 = arith.extui %sign3A_1366 : i1 to i32
        %sign3A_1368 = arith.subi %sign3A_1364, %sign3A_1367 : i32
        %ne3A_1369 = arith.cmpi ne, %sign3A_1361, %sign3A_1368 : i32
        %rem3A_1370 = arith.remsi %sub3A_1352, %jit3A_1353 : i32
        %ne3A_1371 = arith.constant 0 : i32
        %ne3A_1372 = arith.cmpi ne, %rem3A_1370, %ne3A_1371 : i32
        %and3A_1373 = arith.andi %ne3A_1369, %ne3A_1372 : i1
        %sub3A_1374 = arith.constant 1 : i32
        %sub3A_1375 = arith.subi %div3A_1354, %sub3A_1374 : i32
        %select_n3A_1376 = arith.select %and3A_1373, %sub3A_1375, %div3A_1354 : i32
        %jit3A_1377 = arith.constant 8 : i32
        %eq3A_1378 = arith.constant 0 : i32
        %eq3A_1379 = arith.cmpi eq, %jit3A_1377, %eq3A_1378 : i32
        %jit3A_1380 = arith.constant 1 : i32
        %select_n3A_1381 = arith.select %eq3A_1379, %jit3A_1380, %jit3A_1377 : i32
        %rem3A_1382 = arith.remsi %sub3A_1352, %select_n3A_1381 : i32
        %ne3A_1383 = arith.constant 0 : i32
        %ne3A_1384 = arith.cmpi ne, %rem3A_1382, %ne3A_1383 : i32
        %lt3A_1385 = arith.constant 0 : i32
        %lt3A_1386 = arith.cmpi slt, %rem3A_1382, %lt3A_1385 : i32
        %lt3A_1387 = arith.constant 0 : i32
        %lt3A_1388 = arith.cmpi slt, %select_n3A_1381, %lt3A_1387 : i32
        %ne3A_1389 = arith.xori %lt3A_1386, %lt3A_1388 : i1
        %and3A_1390 = arith.andi %ne3A_1389, %ne3A_1384 : i1
        %add3A_1391 = arith.addi %rem3A_1382, %select_n3A_1381 : i32
        %select_n3A_1392 = arith.select %and3A_1390, %add3A_1391, %rem3A_1382 : i32
        %lt3A_1393 = arith.constant 6 : i32
        %lt3A_1394 = arith.cmpi slt, %select_n3A_1392, %lt3A_1393 : i32
        %mul3A_1395 = arith.constant 96 : i32
        %mul3A_1396 = arith.muli %mul3A_1395, %select_n3A_30 : i32
        %add3A_1397 = arith.constant 256 : i32
        %add3A_1398 = arith.addi %add3A_1397, %mul3A_1396 : i32
        %mul3A_1399 = arith.constant 6 : i32
        %mul3A_1400 = arith.muli %mul3A_1399, %select_n3A_1376 : i32
        %add3A_1401 = arith.addi %mul3A_1400, %select_n3A_1392 : i32
        %mul3A_1402 = arith.constant 4 : i32
        %mul3A_1403 = arith.muli %mul3A_1402, %add3A_1401 : i32
        %add3A_1404 = arith.addi %add3A_1398, %mul3A_1403 : i32
        %mul3A_1405 = arith.constant 8 : i32
        %mul3A_1406 = arith.muli %mul3A_1405, %select_n3A_1376 : i32
        %add3A_1407 = arith.addi %mul3A_32, %mul3A_1406 : i32
        %sub3A_1408 = arith.constant 6 : i32
        %sub3A_1409 = arith.subi %select_n3A_1392, %sub3A_1408 : i32
        %mul3A_1410 = arith.constant 4 : i32
        %mul3A_1411 = arith.muli %mul3A_1410, %sub3A_1409 : i32
        %add3A_1412 = arith.addi %add3A_1407, %mul3A_1411 : i32
        %select_n3A_1413 = arith.select %lt3A_1394, %add3A_1404, %add3A_1412 : i32
        %dma_wait3A_1414 = arith.constant 0 : i32
        %dma_wait3A_1415 = arith.constant 0 : i32
        %dma_wait3A_1416 = tpu.memref_slice %arg5[%select_n3A, %select_n3A_1413, %dma_wait3A_1414, %dma_wait3A_1415] : memref<4x1024x12x513xf32, #tpu.memory_space<hbm>> -> memref<1x4x12x513xf32, #tpu.memory_space<hbm>>
        %dma_wait3A_1417 = tpu.memref_squeeze %dma_wait3A_1416 : memref<1x4x12x513xf32, #tpu.memory_space<hbm>> -> memref<4x12x513xf32, #tpu.memory_space<hbm>>
        %dma_wait3A_1418 = arith.constant 0 : i32
        %dma_wait3A_1419 = arith.constant 0 : i32
        %dma_wait3A_1420 = tpu.memref_slice %arg5[%select_n3A, %select_n3A_1413, %dma_wait3A_1418, %dma_wait3A_1419] : memref<4x1024x12x513xf32, #tpu.memory_space<hbm>> -> memref<1x4x12x513xf32, #tpu.memory_space<hbm>>
        %dma_wait3A_1421 = tpu.memref_squeeze %dma_wait3A_1420 : memref<1x4x12x513xf32, #tpu.memory_space<hbm>> -> memref<4x12x513xf32, #tpu.memory_space<hbm>>
        tpu.wait_dma2 semaphore(%arg11 : memref<!tpu.dma_semaphore, #tpu.memory_space<semaphore_mem>>) src(%arg6 : memref<4x12x513xf32, #tpu.memory_space<vmem>>) dst(%dma_wait3A_1421 : memref<4x12x513xf32, #tpu.memory_space<hbm>>)
      } else {
      }
      %add3A_941 = arith.constant 1 : i32
      %add3A_942 = arith.addi %add3A_866, %add3A_941 : i32
      %lt3A_943 = arith.constant 32 : i32
      %lt3A_944 = arith.cmpi slt, %add3A_942, %lt3A_943 : i32
      %convert_element_type3A_945 = arith.extui %lt3A_944 : i1 to i32
      %cond3A_946 = arith.constant 0 : i32
      %cond3A_947 = arith.cmpi ne, %convert_element_type3A_945, %cond3A_946 : i32
      scf.if %cond3A_947 {
        %add3A_1351 = arith.constant 1 : i32
        %add3A_1352 = arith.addi %add3A_866, %add3A_1351 : i32
        %jit3A_1353 = arith.constant 8 : i32
        %div3A_1354 = arith.divsi %add3A_1352, %jit3A_1353 : i32
        %sign3A_1355 = arith.constant 0 : i32
        %sign3A_1356 = arith.cmpi sgt, %add3A_1352, %sign3A_1355 : i32
        %sign3A_1357 = arith.extui %sign3A_1356 : i1 to i32
        %sign3A_1358 = arith.constant 0 : i32
        %sign3A_1359 = arith.cmpi slt, %add3A_1352, %sign3A_1358 : i32
        %sign3A_1360 = arith.extui %sign3A_1359 : i1 to i32
        %sign3A_1361 = arith.subi %sign3A_1357, %sign3A_1360 : i32
        %sign3A_1362 = arith.constant 0 : i32
        %sign3A_1363 = arith.cmpi sgt, %jit3A_1353, %sign3A_1362 : i32
        %sign3A_1364 = arith.extui %sign3A_1363 : i1 to i32
        %sign3A_1365 = arith.constant 0 : i32
        %sign3A_1366 = arith.cmpi slt, %jit3A_1353, %sign3A_1365 : i32
        %sign3A_1367 = arith.extui %sign3A_1366 : i1 to i32
        %sign3A_1368 = arith.subi %sign3A_1364, %sign3A_1367 : i32
        %ne3A_1369 = arith.cmpi ne, %sign3A_1361, %sign3A_1368 : i32
        %rem3A_1370 = arith.remsi %add3A_1352, %jit3A_1353 : i32
        %ne3A_1371 = arith.constant 0 : i32
        %ne3A_1372 = arith.cmpi ne, %rem3A_1370, %ne3A_1371 : i32
        %and3A_1373 = arith.andi %ne3A_1369, %ne3A_1372 : i1
        %sub3A_1374 = arith.constant 1 : i32
        %sub3A_1375 = arith.subi %div3A_1354, %sub3A_1374 : i32
        %select_n3A_1376 = arith.select %and3A_1373, %sub3A_1375, %div3A_1354 : i32
        %jit3A_1377 = arith.constant 8 : i32
        %eq3A_1378 = arith.constant 0 : i32
        %eq3A_1379 = arith.cmpi eq, %jit3A_1377, %eq3A_1378 : i32
        %jit3A_1380 = arith.constant 1 : i32
        %select_n3A_1381 = arith.select %eq3A_1379, %jit3A_1380, %jit3A_1377 : i32
        %rem3A_1382 = arith.remsi %add3A_1352, %select_n3A_1381 : i32
        %ne3A_1383 = arith.constant 0 : i32
        %ne3A_1384 = arith.cmpi ne, %rem3A_1382, %ne3A_1383 : i32
        %lt3A_1385 = arith.constant 0 : i32
        %lt3A_1386 = arith.cmpi slt, %rem3A_1382, %lt3A_1385 : i32
        %lt3A_1387 = arith.constant 0 : i32
        %lt3A_1388 = arith.cmpi slt, %select_n3A_1381, %lt3A_1387 : i32
        %ne3A_1389 = arith.xori %lt3A_1386, %lt3A_1388 : i1
        %and3A_1390 = arith.andi %ne3A_1389, %ne3A_1384 : i1
        %add3A_1391 = arith.addi %rem3A_1382, %select_n3A_1381 : i32
        %select_n3A_1392 = arith.select %and3A_1390, %add3A_1391, %rem3A_1382 : i32
        %lt3A_1393 = arith.constant 6 : i32
        %lt3A_1394 = arith.cmpi slt, %select_n3A_1392, %lt3A_1393 : i32
        %mul3A_1395 = arith.constant 96 : i32
        %mul3A_1396 = arith.muli %mul3A_1395, %select_n3A_30 : i32
        %add3A_1397 = arith.constant 256 : i32
        %add3A_1398 = arith.addi %add3A_1397, %mul3A_1396 : i32
        %mul3A_1399 = arith.constant 6 : i32
        %mul3A_1400 = arith.muli %mul3A_1399, %select_n3A_1376 : i32
        %add3A_1401 = arith.addi %mul3A_1400, %select_n3A_1392 : i32
        %mul3A_1402 = arith.constant 4 : i32
        %mul3A_1403 = arith.muli %mul3A_1402, %add3A_1401 : i32
        %add3A_1404 = arith.addi %add3A_1398, %mul3A_1403 : i32
        %mul3A_1405 = arith.constant 8 : i32
        %mul3A_1406 = arith.muli %mul3A_1405, %select_n3A_1376 : i32
        %add3A_1407 = arith.addi %mul3A_32, %mul3A_1406 : i32
        %sub3A_1408 = arith.constant 6 : i32
        %sub3A_1409 = arith.subi %select_n3A_1392, %sub3A_1408 : i32
        %mul3A_1410 = arith.constant 4 : i32
        %mul3A_1411 = arith.muli %mul3A_1410, %sub3A_1409 : i32
        %add3A_1412 = arith.addi %add3A_1407, %mul3A_1411 : i32
        %select_n3A_1413 = arith.select %lt3A_1394, %add3A_1404, %add3A_1412 : i32
        %dma_start3A_1414 = arith.constant 0 : i32
        %dma_start3A_1415 = arith.constant 0 : i32
        %dma_start3A_1416 = tpu.memref_slice %arg2[%select_n3A, %select_n3A_1413, %dma_start3A_1414, %dma_start3A_1415] : memref<4x1024x12x513xf32, #tpu.memory_space<hbm>> -> memref<1x4x12x513xf32, #tpu.memory_space<hbm>>
        %dma_start3A_1417 = tpu.memref_squeeze %dma_start3A_1416 : memref<1x4x12x513xf32, #tpu.memory_space<hbm>> -> memref<4x12x513xf32, #tpu.memory_space<hbm>>
        %dma_start3A_1418 = arith.constant 0 : i32
        %dma_start3A_1419 = arith.constant 0 : i32
        %dma_start3A_1420 = tpu.memref_slice %arg2[%select_n3A, %select_n3A_1413, %dma_start3A_1418, %dma_start3A_1419] : memref<4x1024x12x513xf32, #tpu.memory_space<hbm>> -> memref<1x4x12x513xf32, #tpu.memory_space<hbm>>
        %dma_start3A_1421 = tpu.memref_squeeze %dma_start3A_1420 : memref<1x4x12x513xf32, #tpu.memory_space<hbm>> -> memref<4x12x513xf32, #tpu.memory_space<hbm>>
        tpu.enqueue_dma source(%dma_start3A_1421 : memref<4x12x513xf32, #tpu.memory_space<hbm>>) target(%arg6 : memref<4x12x513xf32, #tpu.memory_space<vmem>>) target_semaphore(%arg9 : memref<!tpu.dma_semaphore, #tpu.memory_space<semaphore_mem>>)
      } else {
      }
      %jit3A_948 = arith.constant 8 : i32
      %div3A_949 = arith.divsi %add3A_866, %jit3A_948 : i32
      %sign3A_950 = arith.constant 0 : i32
      %sign3A_951 = arith.cmpi sgt, %add3A_866, %sign3A_950 : i32
      %sign3A_952 = arith.extui %sign3A_951 : i1 to i32
      %sign3A_953 = arith.constant 0 : i32
      %sign3A_954 = arith.cmpi slt, %add3A_866, %sign3A_953 : i32
      %sign3A_955 = arith.extui %sign3A_954 : i1 to i32
      %sign3A_956 = arith.subi %sign3A_952, %sign3A_955 : i32
      %sign3A_957 = arith.constant 0 : i32
      %sign3A_958 = arith.cmpi sgt, %jit3A_948, %sign3A_957 : i32
      %sign3A_959 = arith.extui %sign3A_958 : i1 to i32
      %sign3A_960 = arith.constant 0 : i32
      %sign3A_961 = arith.cmpi slt, %jit3A_948, %sign3A_960 : i32
      %sign3A_962 = arith.extui %sign3A_961 : i1 to i32
      %sign3A_963 = arith.subi %sign3A_959, %sign3A_962 : i32
      %ne3A_964 = arith.cmpi ne, %sign3A_956, %sign3A_963 : i32
      %rem3A_965 = arith.remsi %add3A_866, %jit3A_948 : i32
      %ne3A_966 = arith.constant 0 : i32
      %ne3A_967 = arith.cmpi ne, %rem3A_965, %ne3A_966 : i32
      %and3A_968 = arith.andi %ne3A_964, %ne3A_967 : i1
      %sub3A_969 = arith.constant 1 : i32
      %sub3A_970 = arith.subi %div3A_949, %sub3A_969 : i32
      %select_n3A_971 = arith.select %and3A_968, %sub3A_970, %div3A_949 : i32
      %jit3A_972 = arith.constant 8 : i32
      %eq3A_973 = arith.constant 0 : i32
      %eq3A_974 = arith.cmpi eq, %jit3A_972, %eq3A_973 : i32
      %jit3A_975 = arith.constant 1 : i32
      %select_n3A_976 = arith.select %eq3A_974, %jit3A_975, %jit3A_972 : i32
      %rem3A_977 = arith.remsi %add3A_866, %select_n3A_976 : i32
      %ne3A_978 = arith.constant 0 : i32
      %ne3A_979 = arith.cmpi ne, %rem3A_977, %ne3A_978 : i32
      %lt3A_980 = arith.constant 0 : i32
      %lt3A_981 = arith.cmpi slt, %rem3A_977, %lt3A_980 : i32
      %lt3A_982 = arith.constant 0 : i32
      %lt3A_983 = arith.cmpi slt, %select_n3A_976, %lt3A_982 : i32
      %ne3A_984 = arith.xori %lt3A_981, %lt3A_983 : i1
      %and3A_985 = arith.andi %ne3A_984, %ne3A_979 : i1
      %add3A_986 = arith.addi %rem3A_977, %select_n3A_976 : i32
      %select_n3A_987 = arith.select %and3A_985, %add3A_986, %rem3A_977 : i32
      %lt3A_988 = arith.constant 6 : i32
      %lt3A_989 = arith.cmpi slt, %select_n3A_987, %lt3A_988 : i32
      %mul3A_990 = arith.constant 96 : i32
      %mul3A_991 = arith.muli %mul3A_990, %select_n3A_30 : i32
      %add3A_992 = arith.constant 256 : i32
      %add3A_993 = arith.addi %add3A_992, %mul3A_991 : i32
      %mul3A_994 = arith.constant 6 : i32
      %mul3A_995 = arith.muli %mul3A_994, %select_n3A_971 : i32
      %add3A_996 = arith.addi %mul3A_995, %select_n3A_987 : i32
      %mul3A_997 = arith.constant 4 : i32
      %mul3A_998 = arith.muli %mul3A_997, %add3A_996 : i32
      %add3A_999 = arith.addi %add3A_993, %mul3A_998 : i32
      %mul3A_1000 = arith.constant 8 : i32
      %mul3A_1001 = arith.muli %mul3A_1000, %select_n3A_971 : i32
      %add3A_1002 = arith.addi %mul3A_32, %mul3A_1001 : i32
      %sub3A_1003 = arith.constant 6 : i32
      %sub3A_1004 = arith.subi %select_n3A_987, %sub3A_1003 : i32
      %mul3A_1005 = arith.constant 4 : i32
      %mul3A_1006 = arith.muli %mul3A_1005, %sub3A_1004 : i32
      %add3A_1007 = arith.addi %add3A_1002, %mul3A_1006 : i32
      %select_n3A_1008 = arith.select %lt3A_989, %add3A_999, %add3A_1007 : i32
      %dma_start3A_1009 = arith.constant 0 : i32
      %dma_start3A_1010 = arith.constant 0 : i32
      %dma_start3A_1011 = tpu.memref_slice %arg5[%select_n3A, %select_n3A_1008, %dma_start3A_1009, %dma_start3A_1010] : memref<4x1024x12x513xf32, #tpu.memory_space<hbm>> -> memref<1x4x12x513xf32, #tpu.memory_space<hbm>>
      %dma_start3A_1012 = tpu.memref_squeeze %dma_start3A_1011 : memref<1x4x12x513xf32, #tpu.memory_space<hbm>> -> memref<4x12x513xf32, #tpu.memory_space<hbm>>
      %dma_start3A_1013 = arith.constant 0 : i32
      %dma_start3A_1014 = arith.constant 0 : i32
      %dma_start3A_1015 = tpu.memref_slice %arg5[%select_n3A, %select_n3A_1008, %dma_start3A_1013, %dma_start3A_1014] : memref<4x1024x12x513xf32, #tpu.memory_space<hbm>> -> memref<1x4x12x513xf32, #tpu.memory_space<hbm>>
      %dma_start3A_1016 = tpu.memref_squeeze %dma_start3A_1015 : memref<1x4x12x513xf32, #tpu.memory_space<hbm>> -> memref<4x12x513xf32, #tpu.memory_space<hbm>>
      tpu.enqueue_dma source(%arg7 : memref<4x12x513xf32, #tpu.memory_space<vmem>>) target(%dma_start3A_1016 : memref<4x12x513xf32, #tpu.memory_space<hbm>>) target_semaphore(%arg12 : memref<!tpu.dma_semaphore, #tpu.memory_space<semaphore_mem>>)
      %mul3A_1017 = arith.constant 8 : i32
      %mul3A_1018 = arith.muli %mul3A_1017, %scan3A_86 : i32
      %add3A_1019 = arith.constant 6 : i32
      %add3A_1020 = arith.addi %mul3A_1018, %add3A_1019 : i32
      %jit3A_1021 = arith.constant 8 : i32
      %div3A_1022 = arith.divsi %add3A_1020, %jit3A_1021 : i32
      %sign3A_1023 = arith.constant 0 : i32
      %sign3A_1024 = arith.cmpi sgt, %add3A_1020, %sign3A_1023 : i32
      %sign3A_1025 = arith.extui %sign3A_1024 : i1 to i32
      %sign3A_1026 = arith.constant 0 : i32
      %sign3A_1027 = arith.cmpi slt, %add3A_1020, %sign3A_1026 : i32
      %sign3A_1028 = arith.extui %sign3A_1027 : i1 to i32
      %sign3A_1029 = arith.subi %sign3A_1025, %sign3A_1028 : i32
      %sign3A_1030 = arith.constant 0 : i32
      %sign3A_1031 = arith.cmpi sgt, %jit3A_1021, %sign3A_1030 : i32
      %sign3A_1032 = arith.extui %sign3A_1031 : i1 to i32
      %sign3A_1033 = arith.constant 0 : i32
      %sign3A_1034 = arith.cmpi slt, %jit3A_1021, %sign3A_1033 : i32
      %sign3A_1035 = arith.extui %sign3A_1034 : i1 to i32
      %sign3A_1036 = arith.subi %sign3A_1032, %sign3A_1035 : i32
      %ne3A_1037 = arith.cmpi ne, %sign3A_1029, %sign3A_1036 : i32
      %rem3A_1038 = arith.remsi %add3A_1020, %jit3A_1021 : i32
      %ne3A_1039 = arith.constant 0 : i32
      %ne3A_1040 = arith.cmpi ne, %rem3A_1038, %ne3A_1039 : i32
      %and3A_1041 = arith.andi %ne3A_1037, %ne3A_1040 : i1
      %sub3A_1042 = arith.constant 1 : i32
      %sub3A_1043 = arith.subi %div3A_1022, %sub3A_1042 : i32
      %select_n3A_1044 = arith.select %and3A_1041, %sub3A_1043, %div3A_1022 : i32
      %jit3A_1045 = arith.constant 8 : i32
      %eq3A_1046 = arith.constant 0 : i32
      %eq3A_1047 = arith.cmpi eq, %jit3A_1045, %eq3A_1046 : i32
      %jit3A_1048 = arith.constant 1 : i32
      %select_n3A_1049 = arith.select %eq3A_1047, %jit3A_1048, %jit3A_1045 : i32
      %rem3A_1050 = arith.remsi %add3A_1020, %select_n3A_1049 : i32
      %ne3A_1051 = arith.constant 0 : i32
      %ne3A_1052 = arith.cmpi ne, %rem3A_1050, %ne3A_1051 : i32
      %lt3A_1053 = arith.constant 0 : i32
      %lt3A_1054 = arith.cmpi slt, %rem3A_1050, %lt3A_1053 : i32
      %lt3A_1055 = arith.constant 0 : i32
      %lt3A_1056 = arith.cmpi slt, %select_n3A_1049, %lt3A_1055 : i32
      %ne3A_1057 = arith.xori %lt3A_1054, %lt3A_1056 : i1
      %and3A_1058 = arith.andi %ne3A_1057, %ne3A_1052 : i1
      %add3A_1059 = arith.addi %rem3A_1050, %select_n3A_1049 : i32
      %select_n3A_1060 = arith.select %and3A_1058, %add3A_1059, %rem3A_1050 : i32
      %lt3A_1061 = arith.constant 6 : i32
      %lt3A_1062 = arith.cmpi slt, %select_n3A_1060, %lt3A_1061 : i32
      %mul3A_1063 = arith.constant 96 : i32
      %mul3A_1064 = arith.muli %mul3A_1063, %select_n3A_30 : i32
      %add3A_1065 = arith.constant 256 : i32
      %add3A_1066 = arith.addi %add3A_1065, %mul3A_1064 : i32
      %mul3A_1067 = arith.constant 6 : i32
      %mul3A_1068 = arith.muli %mul3A_1067, %select_n3A_1044 : i32
      %add3A_1069 = arith.addi %mul3A_1068, %select_n3A_1060 : i32
      %mul3A_1070 = arith.constant 4 : i32
      %mul3A_1071 = arith.muli %mul3A_1070, %add3A_1069 : i32
      %add3A_1072 = arith.addi %add3A_1066, %mul3A_1071 : i32
      %mul3A_1073 = arith.constant 8 : i32
      %mul3A_1074 = arith.muli %mul3A_1073, %select_n3A_1044 : i32
      %add3A_1075 = arith.addi %mul3A_32, %mul3A_1074 : i32
      %sub3A_1076 = arith.constant 6 : i32
      %sub3A_1077 = arith.subi %select_n3A_1060, %sub3A_1076 : i32
      %mul3A_1078 = arith.constant 4 : i32
      %mul3A_1079 = arith.muli %mul3A_1078, %sub3A_1077 : i32
      %add3A_1080 = arith.addi %add3A_1075, %mul3A_1079 : i32
      %select_n3A_1081 = arith.select %lt3A_1062, %add3A_1072, %add3A_1080 : i32
      %dma_wait3A_1082 = arith.constant 0 : i32
      %dma_wait3A_1083 = arith.constant 0 : i32
      %dma_wait3A_1084 = tpu.memref_slice %arg2[%select_n3A, %select_n3A_1081, %dma_wait3A_1082, %dma_wait3A_1083] : memref<4x1024x12x513xf32, #tpu.memory_space<hbm>> -> memref<1x4x12x513xf32, #tpu.memory_space<hbm>>
      %dma_wait3A_1085 = tpu.memref_squeeze %dma_wait3A_1084 : memref<1x4x12x513xf32, #tpu.memory_space<hbm>> -> memref<4x12x513xf32, #tpu.memory_space<hbm>>
      %dma_wait3A_1086 = arith.constant 0 : i32
      %dma_wait3A_1087 = arith.constant 0 : i32
      %dma_wait3A_1088 = tpu.memref_slice %arg2[%select_n3A, %select_n3A_1081, %dma_wait3A_1086, %dma_wait3A_1087] : memref<4x1024x12x513xf32, #tpu.memory_space<hbm>> -> memref<1x4x12x513xf32, #tpu.memory_space<hbm>>
      %dma_wait3A_1089 = tpu.memref_squeeze %dma_wait3A_1088 : memref<1x4x12x513xf32, #tpu.memory_space<hbm>> -> memref<4x12x513xf32, #tpu.memory_space<hbm>>
      tpu.wait_dma2 semaphore(%arg9 : memref<!tpu.dma_semaphore, #tpu.memory_space<semaphore_mem>>) src(%dma_wait3A_1089 : memref<4x12x513xf32, #tpu.memory_space<hbm>>) dst(%arg6 : memref<4x12x513xf32, #tpu.memory_space<vmem>>)
      %gt3A_1090 = arith.constant 0 : i32
      %gt3A_1091 = arith.cmpi sgt, %add3A_89, %gt3A_1090 : i32
      %convert_element_type3A_1092 = arith.extui %gt3A_1091 : i1 to i32
      %cond3A_1093 = arith.constant 0 : i32
      %cond3A_1094 = arith.cmpi ne, %convert_element_type3A_1092, %cond3A_1093 : i32
      scf.if %cond3A_1094 {
        %scan3A_1351 = arith.constant 0 : i32
        %scan3A_1352 = arith.constant 0 : i32
        %scan3A_1353 = arith.constant 12 : i32
        %scan3A_1354 = arith.addi %scan3A_1352, %scan3A_1353 : i32
        %scan3A_1355 = arith.constant 1 : i32
        scf.for %scan3A_1357 = %scan3A_1352 to %scan3A_1354 step %scan3A_1355  : i32 {
          %get3A = arith.constant 7 : i32
          %get3A_1358 = arith.index_cast %scan3A_1357 : i32 to index
          %get3A_1359 = arith.index_cast %get3A : i32 to index
          %get3A_1360 = arith.constant 0 : index
          %get3A_1361 = tpu.vector_load %arg8[%get3A_1358, %get3A_1359, %get3A_1360] {strides = array<i32>} : memref<12x8x255xf32, #tpu.memory_space<vmem>>, vector<1x1x16xf32>,
          %get3A_1362 = vector.shape_cast %get3A_1361 : vector<1x1x16xf32> to vector<16xf32>
          %lt3A_1363 = arith.constant 0 : i32
          %lt3A_1364 = vector.broadcast %lt3A_1363 : i32 to vector<16xi32>
          %lt3A_1365 = arith.cmpi slt, %max3A_39, %lt3A_1364 : vector<16xi32>
          %add3A_1366 = arith.constant 16 : i32
          %add3A_1367 = vector.broadcast %add3A_1366 : i32 to vector<16xi32>
          %add3A_1368 = arith.addi %max3A_39, %add3A_1367 : vector<16xi32>
          %select_n3A_1369 = arith.select %lt3A_1365, %add3A_1368, %max3A_39 : vector<16xi1>, vector<16xi32>
          %broadcast_in_dim3A = vector.shape_cast %select_n3A_1369 : vector<16xi32> to vector<16x1xi32>
          %gather3A = vector.shape_cast %broadcast_in_dim3A : vector<16x1xi32> to vector<16xi32>
          %gather3A_1370 = tpu.dynamic_gather %get3A_1362[%gather3A] in [0] : vector<16xf32>, vector<16xi32> -> vector<16xf32>
          %get3A_1371 = arith.constant 0 : i32
          %get3A_1372 = arith.index_cast %get3A_1371 : i32 to index
          %get3A_1373 = arith.index_cast %scan3A_1357 : i32 to index
          %get3A_1374 = arith.constant 0 : index
          %get3A_1375 = tpu.vector_load %arg6[%get3A_1372, %get3A_1373, %get3A_1374] {strides = array<i32>} : memref<4x12x513xf32, #tpu.memory_space<vmem>>, vector<1x1x16xf32>,
          %get3A_1376 = vector.shape_cast %get3A_1375 : vector<1x1x16xf32> to vector<16xf32>
          %jit3A_1377 = arith.constant 0.000000e+00 : f32
          %broadcast_in_dim3A_1378 = vector.broadcast %jit3A_1377 : f32 to vector<16xf32>
          %select_n3A_1379 = arith.select %gt3A_34, %gather3A_1370, %broadcast_in_dim3A_1378 : vector<16xi1>, vector<16xf32>
          %add3A_1380 = arith.addf %get3A_1376, %select_n3A_1379 : vector<16xf32>
          %swap3A = arith.constant 0 : i32
          %swap3A_1381 = arith.index_cast %swap3A : i32 to index
          %swap3A_1382 = arith.index_cast %scan3A_1357 : i32 to index
          %swap3A_1383 = arith.constant 0 : index
          %swap3A_1384 = tpu.vector_load %arg6[%swap3A_1381, %swap3A_1382, %swap3A_1383] {strides = array<i32>} : memref<4x12x513xf32, #tpu.memory_space<vmem>>, vector<1x1x16xf32>,
          %swap3A_1385 = vector.shape_cast %swap3A_1384 : vector<1x1x16xf32> to vector<16xf32>
          %swap3A_1386 = vector.shape_cast %add3A_1380 : vector<16xf32> to vector<1x1x16xf32>
          tpu.vector_store %arg6[%swap3A_1381, %swap3A_1382, %swap3A_1383], %swap3A_1386 {strides = array<i32>} : memref<4x12x513xf32, #tpu.memory_space<vmem>>, vector<1x1x16xf32>,
          %get3A_1387 = arith.constant 0 : i32
          %get3A_1388 = arith.index_cast %get3A_1387 : i32 to index
          %get3A_1389 = arith.index_cast %scan3A_1357 : i32 to index
          %get3A_1390 = arith.constant 16 : index
          %get3A_1391 = tpu.vector_load %arg6[%get3A_1388, %get3A_1389, %get3A_1390] {strides = array<i32>} : memref<4x12x513xf32, #tpu.memory_space<vmem>>, vector<1x1x16xf32>,
          %get3A_1392 = vector.shape_cast %get3A_1391 : vector<1x1x16xf32> to vector<16xf32>
          %get3A_1393 = arith.constant 7 : i32
          %get3A_1394 = arith.index_cast %scan3A_1357 : i32 to index
          %get3A_1395 = arith.index_cast %get3A_1393 : i32 to index
          %get3A_1396 = arith.constant 15 : index
          %get3A_1397 = tpu.vector_load %arg8[%get3A_1394, %get3A_1395, %get3A_1396] {strides = array<i32>} : memref<12x8x255xf32, #tpu.memory_space<vmem>>, vector<1x1x16xf32>,
          %get3A_1398 = vector.shape_cast %get3A_1397 : vector<1x1x16xf32> to vector<16xf32>
          %add3A_1399 = arith.addf %get3A_1392, %get3A_1398 : vector<16xf32>
          %swap3A_1400 = arith.constant 0 : i32
          %swap3A_1401 = arith.index_cast %swap3A_1400 : i32 to index
          %swap3A_1402 = arith.index_cast %scan3A_1357 : i32 to index
          %swap3A_1403 = arith.constant 16 : index
          %swap3A_1404 = tpu.vector_load %arg6[%swap3A_1401, %swap3A_1402, %swap3A_1403] {strides = array<i32>} : memref<4x12x513xf32, #tpu.memory_space<vmem>>, vector<1x1x16xf32>,
          %swap3A_1405 = vector.shape_cast %swap3A_1404 : vector<1x1x16xf32> to vector<16xf32>
          %swap3A_1406 = vector.shape_cast %add3A_1399 : vector<16xf32> to vector<1x1x16xf32>
          tpu.vector_store %arg6[%swap3A_1401, %swap3A_1402, %swap3A_1403], %swap3A_1406 {strides = array<i32>} : memref<4x12x513xf32, #tpu.memory_space<vmem>>, vector<1x1x16xf32>,
          %get3A_1407 = arith.constant 0 : i32
          %get3A_1408 = arith.index_cast %get3A_1407 : i32 to index
          %get3A_1409 = arith.index_cast %scan3A_1357 : i32 to index
          %get3A_1410 = arith.constant 32 : index
          %get3A_1411 = tpu.vector_load %arg6[%get3A_1408, %get3A_1409, %get3A_1410] {strides = array<i32>} : memref<4x12x513xf32, #tpu.memory_space<vmem>>, vector<1x1x16xf32>,
          %get3A_1412 = vector.shape_cast %get3A_1411 : vector<1x1x16xf32> to vector<16xf32>
          %get3A_1413 = arith.constant 7 : i32
          %get3A_1414 = arith.index_cast %scan3A_1357 : i32 to index
          %get3A_1415 = arith.index_cast %get3A_1413 : i32 to index
          %get3A_1416 = arith.constant 31 : index
          %get3A_1417 = tpu.vector_load %arg8[%get3A_1414, %get3A_1415, %get3A_1416] {strides = array<i32>} : memref<12x8x255xf32, #tpu.memory_space<vmem>>, vector<1x1x16xf32>,
          %get3A_1418 = vector.shape_cast %get3A_1417 : vector<1x1x16xf32> to vector<16xf32>
          %add3A_1419 = arith.addf %get3A_1412, %get3A_1418 : vector<16xf32>
          %swap3A_1420 = arith.constant 0 : i32
          %swap3A_1421 = arith.index_cast %swap3A_1420 : i32 to index
          %swap3A_1422 = arith.index_cast %scan3A_1357 : i32 to index
          %swap3A_1423 = arith.constant 32 : index
          %swap3A_1424 = tpu.vector_load %arg6[%swap3A_1421, %swap3A_1422, %swap3A_1423] {strides = array<i32>} : memref<4x12x513xf32, #tpu.memory_space<vmem>>, vector<1x1x16xf32>,
          %swap3A_1425 = vector.shape_cast %swap3A_1424 : vector<1x1x16xf32> to vector<16xf32>
          %swap3A_1426 = vector.shape_cast %add3A_1419 : vector<16xf32> to vector<1x1x16xf32>
          tpu.vector_store %arg6[%swap3A_1421, %swap3A_1422, %swap3A_1423], %swap3A_1426 {strides = array<i32>} : memref<4x12x513xf32, #tpu.memory_space<vmem>>, vector<1x1x16xf32>,
          %get3A_1427 = arith.constant 0 : i32
          %get3A_1428 = arith.index_cast %get3A_1427 : i32 to index
          %get3A_1429 = arith.index_cast %scan3A_1357 : i32 to index
          %get3A_1430 = arith.constant 48 : index
          %get3A_1431 = tpu.vector_load %arg6[%get3A_1428, %get3A_1429, %get3A_1430] {strides = array<i32>} : memref<4x12x513xf32, #tpu.memory_space<vmem>>, vector<1x1x16xf32>,
          %get3A_1432 = vector.shape_cast %get3A_1431 : vector<1x1x16xf32> to vector<16xf32>
          %get3A_1433 = arith.constant 7 : i32
          %get3A_1434 = arith.index_cast %scan3A_1357 : i32 to index
          %get3A_1435 = arith.index_cast %get3A_1433 : i32 to index
          %get3A_1436 = arith.constant 47 : index
          %get3A_1437 = tpu.vector_load %arg8[%get3A_1434, %get3A_1435, %get3A_1436] {strides = array<i32>} : memref<12x8x255xf32, #tpu.memory_space<vmem>>, vector<1x1x16xf32>,
          %get3A_1438 = vector.shape_cast %get3A_1437 : vector<1x1x16xf32> to vector<16xf32>
          %add3A_1439 = arith.addf %get3A_1432, %get3A_1438 : vector<16xf32>
          %swap3A_1440 = arith.constant 0 : i32
          %swap3A_1441 = arith.index_cast %swap3A_1440 : i32 to index
          %swap3A_1442 = arith.index_cast %scan3A_1357 : i32 to index
          %swap3A_1443 = arith.constant 48 : index
          %swap3A_1444 = tpu.vector_load %arg6[%swap3A_1441, %swap3A_1442, %swap3A_1443] {strides = array<i32>} : memref<4x12x513xf32, #tpu.memory_space<vmem>>, vector<1x1x16xf32>,
          %swap3A_1445 = vector.shape_cast %swap3A_1444 : vector<1x1x16xf32> to vector<16xf32>
          %swap3A_1446 = vector.shape_cast %add3A_1439 : vector<16xf32> to vector<1x1x16xf32>
          tpu.vector_store %arg6[%swap3A_1441, %swap3A_1442, %swap3A_1443], %swap3A_1446 {strides = array<i32>} : memref<4x12x513xf32, #tpu.memory_space<vmem>>, vector<1x1x16xf32>,
          %get3A_1447 = arith.constant 0 : i32
          %get3A_1448 = arith.index_cast %get3A_1447 : i32 to index
          %get3A_1449 = arith.index_cast %scan3A_1357 : i32 to index
          %get3A_1450 = arith.constant 64 : index
          %get3A_1451 = tpu.vector_load %arg6[%get3A_1448, %get3A_1449, %get3A_1450] {strides = array<i32>} : memref<4x12x513xf32, #tpu.memory_space<vmem>>, vector<1x1x16xf32>,
          %get3A_1452 = vector.shape_cast %get3A_1451 : vector<1x1x16xf32> to vector<16xf32>
          %get3A_1453 = arith.constant 7 : i32
          %get3A_1454 = arith.index_cast %scan3A_1357 : i32 to index
          %get3A_1455 = arith.index_cast %get3A_1453 : i32 to index
          %get3A_1456 = arith.constant 63 : index
          %get3A_1457 = tpu.vector_load %arg8[%get3A_1454, %get3A_1455, %get3A_1456] {strides = array<i32>} : memref<12x8x255xf32, #tpu.memory_space<vmem>>, vector<1x1x16xf32>,
          %get3A_1458 = vector.shape_cast %get3A_1457 : vector<1x1x16xf32> to vector<16xf32>
          %add3A_1459 = arith.addf %get3A_1452, %get3A_1458 : vector<16xf32>
          %swap3A_1460 = arith.constant 0 : i32
          %swap3A_1461 = arith.index_cast %swap3A_1460 : i32 to index
          %swap3A_1462 = arith.index_cast %scan3A_1357 : i32 to index
          %swap3A_1463 = arith.constant 64 : index
          %swap3A_1464 = tpu.vector_load %arg6[%swap3A_1461, %swap3A_1462, %swap3A_1463] {strides = array<i32>} : memref<4x12x513xf32, #tpu.memory_space<vmem>>, vector<1x1x16xf32>,
          %swap3A_1465 = vector.shape_cast %swap3A_1464 : vector<1x1x16xf32> to vector<16xf32>
          %swap3A_1466 = vector.shape_cast %add3A_1459 : vector<16xf32> to vector<1x1x16xf32>
          tpu.vector_store %arg6[%swap3A_1461, %swap3A_1462, %swap3A_1463], %swap3A_1466 {strides = array<i32>} : memref<4x12x513xf32, #tpu.memory_space<vmem>>, vector<1x1x16xf32>,
          %get3A_1467 = arith.constant 0 : i32
          %get3A_1468 = arith.index_cast %get3A_1467 : i32 to index
          %get3A_1469 = arith.index_cast %scan3A_1357 : i32 to index
          %get3A_1470 = arith.constant 80 : index
          %get3A_1471 = tpu.vector_load %arg6[%get3A_1468, %get3A_1469, %get3A_1470] {strides = array<i32>} : memref<4x12x513xf32, #tpu.memory_space<vmem>>, vector<1x1x16xf32>,
          %get3A_1472 = vector.shape_cast %get3A_1471 : vector<1x1x16xf32> to vector<16xf32>
          %get3A_1473 = arith.constant 7 : i32
          %get3A_1474 = arith.index_cast %scan3A_1357 : i32 to index
          %get3A_1475 = arith.index_cast %get3A_1473 : i32 to index
          %get3A_1476 = arith.constant 79 : index
          %get3A_1477 = tpu.vector_load %arg8[%get3A_1474, %get3A_1475, %get3A_1476] {strides = array<i32>} : memref<12x8x255xf32, #tpu.memory_space<vmem>>, vector<1x1x16xf32>,
          %get3A_1478 = vector.shape_cast %get3A_1477 : vector<1x1x16xf32> to vector<16xf32>
          %add3A_1479 = arith.addf %get3A_1472, %get3A_1478 : vector<16xf32>
          %swap3A_1480 = arith.constant 0 : i32
          %swap3A_1481 = arith.index_cast %swap3A_1480 : i32 to index
          %swap3A_1482 = arith.index_cast %scan3A_1357 : i32 to index
          %swap3A_1483 = arith.constant 80 : index
          %swap3A_1484 = tpu.vector_load %arg6[%swap3A_1481, %swap3A_1482, %swap3A_1483] {strides = array<i32>} : memref<4x12x513xf32, #tpu.memory_space<vmem>>, vector<1x1x16xf32>,
          %swap3A_1485 = vector.shape_cast %swap3A_1484 : vector<1x1x16xf32> to vector<16xf32>
          %swap3A_1486 = vector.shape_cast %add3A_1479 : vector<16xf32> to vector<1x1x16xf32>
          tpu.vector_store %arg6[%swap3A_1481, %swap3A_1482, %swap3A_1483], %swap3A_1486 {strides = array<i32>} : memref<4x12x513xf32, #tpu.memory_space<vmem>>, vector<1x1x16xf32>,
          %get3A_1487 = arith.constant 0 : i32
          %get3A_1488 = arith.index_cast %get3A_1487 : i32 to index
          %get3A_1489 = arith.index_cast %scan3A_1357 : i32 to index
          %get3A_1490 = arith.constant 96 : index
          %get3A_1491 = tpu.vector_load %arg6[%get3A_1488, %get3A_1489, %get3A_1490] {strides = array<i32>} : memref<4x12x513xf32, #tpu.memory_space<vmem>>, vector<1x1x16xf32>,
          %get3A_1492 = vector.shape_cast %get3A_1491 : vector<1x1x16xf32> to vector<16xf32>
          %get3A_1493 = arith.constant 7 : i32
          %get3A_1494 = arith.index_cast %scan3A_1357 : i32 to index
          %get3A_1495 = arith.index_cast %get3A_1493 : i32 to index
          %get3A_1496 = arith.constant 95 : index
          %get3A_1497 = tpu.vector_load %arg8[%get3A_1494, %get3A_1495, %get3A_1496] {strides = array<i32>} : memref<12x8x255xf32, #tpu.memory_space<vmem>>, vector<1x1x16xf32>,
          %get3A_1498 = vector.shape_cast %get3A_1497 : vector<1x1x16xf32> to vector<16xf32>
          %add3A_1499 = arith.addf %get3A_1492, %get3A_1498 : vector<16xf32>
          %swap3A_1500 = arith.constant 0 : i32
          %swap3A_1501 = arith.index_cast %swap3A_1500 : i32 to index
          %swap3A_1502 = arith.index_cast %scan3A_1357 : i32 to index
          %swap3A_1503 = arith.constant 96 : index
          %swap3A_1504 = tpu.vector_load %arg6[%swap3A_1501, %swap3A_1502, %swap3A_1503] {strides = array<i32>} : memref<4x12x513xf32, #tpu.memory_space<vmem>>, vector<1x1x16xf32>,
          %swap3A_1505 = vector.shape_cast %swap3A_1504 : vector<1x1x16xf32> to vector<16xf32>
          %swap3A_1506 = vector.shape_cast %add3A_1499 : vector<16xf32> to vector<1x1x16xf32>
          tpu.vector_store %arg6[%swap3A_1501, %swap3A_1502, %swap3A_1503], %swap3A_1506 {strides = array<i32>} : memref<4x12x513xf32, #tpu.memory_space<vmem>>, vector<1x1x16xf32>,
          %get3A_1507 = arith.constant 0 : i32
          %get3A_1508 = arith.index_cast %get3A_1507 : i32 to index
          %get3A_1509 = arith.index_cast %scan3A_1357 : i32 to index
          %get3A_1510 = arith.constant 112 : index
          %get3A_1511 = tpu.vector_load %arg6[%get3A_1508, %get3A_1509, %get3A_1510] {strides = array<i32>} : memref<4x12x513xf32, #tpu.memory_space<vmem>>, vector<1x1x16xf32>,
          %get3A_1512 = vector.shape_cast %get3A_1511 : vector<1x1x16xf32> to vector<16xf32>
          %get3A_1513 = arith.constant 7 : i32
          %get3A_1514 = arith.index_cast %scan3A_1357 : i32 to index
          %get3A_1515 = arith.index_cast %get3A_1513 : i32 to index
          %get3A_1516 = arith.constant 111 : index
          %get3A_1517 = tpu.vector_load %arg8[%get3A_1514, %get3A_1515, %get3A_1516] {strides = array<i32>} : memref<12x8x255xf32, #tpu.memory_space<vmem>>, vector<1x1x16xf32>,
          %get3A_1518 = vector.shape_cast %get3A_1517 : vector<1x1x16xf32> to vector<16xf32>
          %add3A_1519 = arith.addf %get3A_1512, %get3A_1518 : vector<16xf32>
          %swap3A_1520 = arith.constant 0 : i32
          %swap3A_1521 = arith.index_cast %swap3A_1520 : i32 to index
          %swap3A_1522 = arith.index_cast %scan3A_1357 : i32 to index
          %swap3A_1523 = arith.constant 112 : index
          %swap3A_1524 = tpu.vector_load %arg6[%swap3A_1521, %swap3A_1522, %swap3A_1523] {strides = array<i32>} : memref<4x12x513xf32, #tpu.memory_space<vmem>>, vector<1x1x16xf32>,
          %swap3A_1525 = vector.shape_cast %swap3A_1524 : vector<1x1x16xf32> to vector<16xf32>
          %swap3A_1526 = vector.shape_cast %add3A_1519 : vector<16xf32> to vector<1x1x16xf32>
          tpu.vector_store %arg6[%swap3A_1521, %swap3A_1522, %swap3A_1523], %swap3A_1526 {strides = array<i32>} : memref<4x12x513xf32, #tpu.memory_space<vmem>>, vector<1x1x16xf32>,
          %get3A_1527 = arith.constant 0 : i32
          %get3A_1528 = arith.index_cast %get3A_1527 : i32 to index
          %get3A_1529 = arith.index_cast %scan3A_1357 : i32 to index
          %get3A_1530 = arith.constant 128 : index
          %get3A_1531 = tpu.vector_load %arg6[%get3A_1528, %get3A_1529, %get3A_1530] {strides = array<i32>} : memref<4x12x513xf32, #tpu.memory_space<vmem>>, vector<1x1x16xf32>,
          %get3A_1532 = vector.shape_cast %get3A_1531 : vector<1x1x16xf32> to vector<16xf32>
          %get3A_1533 = arith.constant 7 : i32
          %get3A_1534 = arith.index_cast %scan3A_1357 : i32 to index
          %get3A_1535 = arith.index_cast %get3A_1533 : i32 to index
          %get3A_1536 = arith.constant 127 : index
          %get3A_1537 = tpu.vector_load %arg8[%get3A_1534, %get3A_1535, %get3A_1536] {strides = array<i32>} : memref<12x8x255xf32, #tpu.memory_space<vmem>>, vector<1x1x16xf32>,
          %get3A_1538 = vector.shape_cast %get3A_1537 : vector<1x1x16xf32> to vector<16xf32>
          %add3A_1539 = arith.addf %get3A_1532, %get3A_1538 : vector<16xf32>
          %swap3A_1540 = arith.constant 0 : i32
          %swap3A_1541 = arith.index_cast %swap3A_1540 : i32 to index
          %swap3A_1542 = arith.index_cast %scan3A_1357 : i32 to index
          %swap3A_1543 = arith.constant 128 : index
          %swap3A_1544 = tpu.vector_load %arg6[%swap3A_1541, %swap3A_1542, %swap3A_1543] {strides = array<i32>} : memref<4x12x513xf32, #tpu.memory_space<vmem>>, vector<1x1x16xf32>,
          %swap3A_1545 = vector.shape_cast %swap3A_1544 : vector<1x1x16xf32> to vector<16xf32>
          %swap3A_1546 = vector.shape_cast %add3A_1539 : vector<16xf32> to vector<1x1x16xf32>
          tpu.vector_store %arg6[%swap3A_1541, %swap3A_1542, %swap3A_1543], %swap3A_1546 {strides = array<i32>} : memref<4x12x513xf32, #tpu.memory_space<vmem>>, vector<1x1x16xf32>,
          %get3A_1547 = arith.constant 0 : i32
          %get3A_1548 = arith.index_cast %get3A_1547 : i32 to index
          %get3A_1549 = arith.index_cast %scan3A_1357 : i32 to index
          %get3A_1550 = arith.constant 144 : index
          %get3A_1551 = tpu.vector_load %arg6[%get3A_1548, %get3A_1549, %get3A_1550] {strides = array<i32>} : memref<4x12x513xf32, #tpu.memory_space<vmem>>, vector<1x1x16xf32>,
          %get3A_1552 = vector.shape_cast %get3A_1551 : vector<1x1x16xf32> to vector<16xf32>
          %get3A_1553 = arith.constant 7 : i32
          %get3A_1554 = arith.index_cast %scan3A_1357 : i32 to index
          %get3A_1555 = arith.index_cast %get3A_1553 : i32 to index
          %get3A_1556 = arith.constant 143 : index
          %get3A_1557 = tpu.vector_load %arg8[%get3A_1554, %get3A_1555, %get3A_1556] {strides = array<i32>} : memref<12x8x255xf32, #tpu.memory_space<vmem>>, vector<1x1x16xf32>,
          %get3A_1558 = vector.shape_cast %get3A_1557 : vector<1x1x16xf32> to vector<16xf32>
          %add3A_1559 = arith.addf %get3A_1552, %get3A_1558 : vector<16xf32>
          %swap3A_1560 = arith.constant 0 : i32
          %swap3A_1561 = arith.index_cast %swap3A_1560 : i32 to index
          %swap3A_1562 = arith.index_cast %scan3A_1357 : i32 to index
          %swap3A_1563 = arith.constant 144 : index
          %swap3A_1564 = tpu.vector_load %arg6[%swap3A_1561, %swap3A_1562, %swap3A_1563] {strides = array<i32>} : memref<4x12x513xf32, #tpu.memory_space<vmem>>, vector<1x1x16xf32>,
          %swap3A_1565 = vector.shape_cast %swap3A_1564 : vector<1x1x16xf32> to vector<16xf32>
          %swap3A_1566 = vector.shape_cast %add3A_1559 : vector<16xf32> to vector<1x1x16xf32>
          tpu.vector_store %arg6[%swap3A_1561, %swap3A_1562, %swap3A_1563], %swap3A_1566 {strides = array<i32>} : memref<4x12x513xf32, #tpu.memory_space<vmem>>, vector<1x1x16xf32>,
          %get3A_1567 = arith.constant 0 : i32
          %get3A_1568 = arith.index_cast %get3A_1567 : i32 to index
          %get3A_1569 = arith.index_cast %scan3A_1357 : i32 to index
          %get3A_1570 = arith.constant 160 : index
          %get3A_1571 = tpu.vector_load %arg6[%get3A_1568, %get3A_1569, %get3A_1570] {strides = array<i32>} : memref<4x12x513xf32, #tpu.memory_space<vmem>>, vector<1x1x16xf32>,
          %get3A_1572 = vector.shape_cast %get3A_1571 : vector<1x1x16xf32> to vector<16xf32>
          %get3A_1573 = arith.constant 7 : i32
          %get3A_1574 = arith.index_cast %scan3A_1357 : i32 to index
          %get3A_1575 = arith.index_cast %get3A_1573 : i32 to index
          %get3A_1576 = arith.constant 159 : index
          %get3A_1577 = tpu.vector_load %arg8[%get3A_1574, %get3A_1575, %get3A_1576] {strides = array<i32>} : memref<12x8x255xf32, #tpu.memory_space<vmem>>, vector<1x1x16xf32>,
          %get3A_1578 = vector.shape_cast %get3A_1577 : vector<1x1x16xf32> to vector<16xf32>
          %add3A_1579 = arith.addf %get3A_1572, %get3A_1578 : vector<16xf32>
          %swap3A_1580 = arith.constant 0 : i32
          %swap3A_1581 = arith.index_cast %swap3A_1580 : i32 to index
          %swap3A_1582 = arith.index_cast %scan3A_1357 : i32 to index
          %swap3A_1583 = arith.constant 160 : index
          %swap3A_1584 = tpu.vector_load %arg6[%swap3A_1581, %swap3A_1582, %swap3A_1583] {strides = array<i32>} : memref<4x12x513xf32, #tpu.memory_space<vmem>>, vector<1x1x16xf32>,
          %swap3A_1585 = vector.shape_cast %swap3A_1584 : vector<1x1x16xf32> to vector<16xf32>
          %swap3A_1586 = vector.shape_cast %add3A_1579 : vector<16xf32> to vector<1x1x16xf32>
          tpu.vector_store %arg6[%swap3A_1581, %swap3A_1582, %swap3A_1583], %swap3A_1586 {strides = array<i32>} : memref<4x12x513xf32, #tpu.memory_space<vmem>>, vector<1x1x16xf32>,
          %get3A_1587 = arith.constant 0 : i32
          %get3A_1588 = arith.index_cast %get3A_1587 : i32 to index
          %get3A_1589 = arith.index_cast %scan3A_1357 : i32 to index
          %get3A_1590 = arith.constant 176 : index
          %get3A_1591 = tpu.vector_load %arg6[%get3A_1588, %get3A_1589, %get3A_1590] {strides = array<i32>} : memref<4x12x513xf32, #tpu.memory_space<vmem>>, vector<1x1x16xf32>,
          %get3A_1592 = vector.shape_cast %get3A_1591 : vector<1x1x16xf32> to vector<16xf32>
          %get3A_1593 = arith.constant 7 : i32
          %get3A_1594 = arith.index_cast %scan3A_1357 : i32 to index
          %get3A_1595 = arith.index_cast %get3A_1593 : i32 to index
          %get3A_1596 = arith.constant 175 : index
          %get3A_1597 = tpu.vector_load %arg8[%get3A_1594, %get3A_1595, %get3A_1596] {strides = array<i32>} : memref<12x8x255xf32, #tpu.memory_space<vmem>>, vector<1x1x16xf32>,
          %get3A_1598 = vector.shape_cast %get3A_1597 : vector<1x1x16xf32> to vector<16xf32>
          %add3A_1599 = arith.addf %get3A_1592, %get3A_1598 : vector<16xf32>
          %swap3A_1600 = arith.constant 0 : i32
          %swap3A_1601 = arith.index_cast %swap3A_1600 : i32 to index
          %swap3A_1602 = arith.index_cast %scan3A_1357 : i32 to index
          %swap3A_1603 = arith.constant 176 : index
          %swap3A_1604 = tpu.vector_load %arg6[%swap3A_1601, %swap3A_1602, %swap3A_1603] {strides = array<i32>} : memref<4x12x513xf32, #tpu.memory_space<vmem>>, vector<1x1x16xf32>,
          %swap3A_1605 = vector.shape_cast %swap3A_1604 : vector<1x1x16xf32> to vector<16xf32>
          %swap3A_1606 = vector.shape_cast %add3A_1599 : vector<16xf32> to vector<1x1x16xf32>
          tpu.vector_store %arg6[%swap3A_1601, %swap3A_1602, %swap3A_1603], %swap3A_1606 {strides = array<i32>} : memref<4x12x513xf32, #tpu.memory_space<vmem>>, vector<1x1x16xf32>,
          %get3A_1607 = arith.constant 0 : i32
          %get3A_1608 = arith.index_cast %get3A_1607 : i32 to index
          %get3A_1609 = arith.index_cast %scan3A_1357 : i32 to index
          %get3A_1610 = arith.constant 192 : index
          %get3A_1611 = tpu.vector_load %arg6[%get3A_1608, %get3A_1609, %get3A_1610] {strides = array<i32>} : memref<4x12x513xf32, #tpu.memory_space<vmem>>, vector<1x1x16xf32>,
          %get3A_1612 = vector.shape_cast %get3A_1611 : vector<1x1x16xf32> to vector<16xf32>
          %get3A_1613 = arith.constant 7 : i32
          %get3A_1614 = arith.index_cast %scan3A_1357 : i32 to index
          %get3A_1615 = arith.index_cast %get3A_1613 : i32 to index
          %get3A_1616 = arith.constant 191 : index
          %get3A_1617 = tpu.vector_load %arg8[%get3A_1614, %get3A_1615, %get3A_1616] {strides = array<i32>} : memref<12x8x255xf32, #tpu.memory_space<vmem>>, vector<1x1x16xf32>,
          %get3A_1618 = vector.shape_cast %get3A_1617 : vector<1x1x16xf32> to vector<16xf32>
          %add3A_1619 = arith.addf %get3A_1612, %get3A_1618 : vector<16xf32>
          %swap3A_1620 = arith.constant 0 : i32
          %swap3A_1621 = arith.index_cast %swap3A_1620 : i32 to index
          %swap3A_1622 = arith.index_cast %scan3A_1357 : i32 to index
          %swap3A_1623 = arith.constant 192 : index
          %swap3A_1624 = tpu.vector_load %arg6[%swap3A_1621, %swap3A_1622, %swap3A_1623] {strides = array<i32>} : memref<4x12x513xf32, #tpu.memory_space<vmem>>, vector<1x1x16xf32>,
          %swap3A_1625 = vector.shape_cast %swap3A_1624 : vector<1x1x16xf32> to vector<16xf32>
          %swap3A_1626 = vector.shape_cast %add3A_1619 : vector<16xf32> to vector<1x1x16xf32>
          tpu.vector_store %arg6[%swap3A_1621, %swap3A_1622, %swap3A_1623], %swap3A_1626 {strides = array<i32>} : memref<4x12x513xf32, #tpu.memory_space<vmem>>, vector<1x1x16xf32>,
          %get3A_1627 = arith.constant 0 : i32
          %get3A_1628 = arith.index_cast %get3A_1627 : i32 to index
          %get3A_1629 = arith.index_cast %scan3A_1357 : i32 to index
          %get3A_1630 = arith.constant 208 : index
          %get3A_1631 = tpu.vector_load %arg6[%get3A_1628, %get3A_1629, %get3A_1630] {strides = array<i32>} : memref<4x12x513xf32, #tpu.memory_space<vmem>>, vector<1x1x16xf32>,
          %get3A_1632 = vector.shape_cast %get3A_1631 : vector<1x1x16xf32> to vector<16xf32>
          %get3A_1633 = arith.constant 7 : i32
          %get3A_1634 = arith.index_cast %scan3A_1357 : i32 to index
          %get3A_1635 = arith.index_cast %get3A_1633 : i32 to index
          %get3A_1636 = arith.constant 207 : index
          %get3A_1637 = tpu.vector_load %arg8[%get3A_1634, %get3A_1635, %get3A_1636] {strides = array<i32>} : memref<12x8x255xf32, #tpu.memory_space<vmem>>, vector<1x1x16xf32>,
          %get3A_1638 = vector.shape_cast %get3A_1637 : vector<1x1x16xf32> to vector<16xf32>
          %add3A_1639 = arith.addf %get3A_1632, %get3A_1638 : vector<16xf32>
          %swap3A_1640 = arith.constant 0 : i32
          %swap3A_1641 = arith.index_cast %swap3A_1640 : i32 to index
          %swap3A_1642 = arith.index_cast %scan3A_1357 : i32 to index
          %swap3A_1643 = arith.constant 208 : index
          %swap3A_1644 = tpu.vector_load %arg6[%swap3A_1641, %swap3A_1642, %swap3A_1643] {strides = array<i32>} : memref<4x12x513xf32, #tpu.memory_space<vmem>>, vector<1x1x16xf32>,
          %swap3A_1645 = vector.shape_cast %swap3A_1644 : vector<1x1x16xf32> to vector<16xf32>
          %swap3A_1646 = vector.shape_cast %add3A_1639 : vector<16xf32> to vector<1x1x16xf32>
          tpu.vector_store %arg6[%swap3A_1641, %swap3A_1642, %swap3A_1643], %swap3A_1646 {strides = array<i32>} : memref<4x12x513xf32, #tpu.memory_space<vmem>>, vector<1x1x16xf32>,
          %get3A_1647 = arith.constant 0 : i32
          %get3A_1648 = arith.index_cast %get3A_1647 : i32 to index
          %get3A_1649 = arith.index_cast %scan3A_1357 : i32 to index
          %get3A_1650 = arith.constant 224 : index
          %get3A_1651 = tpu.vector_load %arg6[%get3A_1648, %get3A_1649, %get3A_1650] {strides = array<i32>} : memref<4x12x513xf32, #tpu.memory_space<vmem>>, vector<1x1x16xf32>,
          %get3A_1652 = vector.shape_cast %get3A_1651 : vector<1x1x16xf32> to vector<16xf32>
          %get3A_1653 = arith.constant 7 : i32
          %get3A_1654 = arith.index_cast %scan3A_1357 : i32 to index
          %get3A_1655 = arith.index_cast %get3A_1653 : i32 to index
          %get3A_1656 = arith.constant 223 : index
          %get3A_1657 = tpu.vector_load %arg8[%get3A_1654, %get3A_1655, %get3A_1656] {strides = array<i32>} : memref<12x8x255xf32, #tpu.memory_space<vmem>>, vector<1x1x16xf32>,
          %get3A_1658 = vector.shape_cast %get3A_1657 : vector<1x1x16xf32> to vector<16xf32>
          %add3A_1659 = arith.addf %get3A_1652, %get3A_1658 : vector<16xf32>
          %swap3A_1660 = arith.constant 0 : i32
          %swap3A_1661 = arith.index_cast %swap3A_1660 : i32 to index
          %swap3A_1662 = arith.index_cast %scan3A_1357 : i32 to index
          %swap3A_1663 = arith.constant 224 : index
          %swap3A_1664 = tpu.vector_load %arg6[%swap3A_1661, %swap3A_1662, %swap3A_1663] {strides = array<i32>} : memref<4x12x513xf32, #tpu.memory_space<vmem>>, vector<1x1x16xf32>,
          %swap3A_1665 = vector.shape_cast %swap3A_1664 : vector<1x1x16xf32> to vector<16xf32>
          %swap3A_1666 = vector.shape_cast %add3A_1659 : vector<16xf32> to vector<1x1x16xf32>
          tpu.vector_store %arg6[%swap3A_1661, %swap3A_1662, %swap3A_1663], %swap3A_1666 {strides = array<i32>} : memref<4x12x513xf32, #tpu.memory_space<vmem>>, vector<1x1x16xf32>,
          %get3A_1667 = arith.constant 0 : i32
          %get3A_1668 = arith.index_cast %get3A_1667 : i32 to index
          %get3A_1669 = arith.index_cast %scan3A_1357 : i32 to index
          %get3A_1670 = arith.constant 240 : index
          %get3A_1671 = tpu.vector_load %arg6[%get3A_1668, %get3A_1669, %get3A_1670] {strides = array<i32>} : memref<4x12x513xf32, #tpu.memory_space<vmem>>, vector<1x1x16xf32>,
          %get3A_1672 = vector.shape_cast %get3A_1671 : vector<1x1x16xf32> to vector<16xf32>
          %get3A_1673 = arith.constant 7 : i32
          %get3A_1674 = arith.index_cast %scan3A_1357 : i32 to index
          %get3A_1675 = arith.index_cast %get3A_1673 : i32 to index
          %get3A_1676 = arith.constant 239 : index
          %get3A_1677 = tpu.vector_load %arg8[%get3A_1674, %get3A_1675, %get3A_1676] {strides = array<i32>} : memref<12x8x255xf32, #tpu.memory_space<vmem>>, vector<1x1x16xf32>,
          %get3A_1678 = vector.shape_cast %get3A_1677 : vector<1x1x16xf32> to vector<16xf32>
          %add3A_1679 = arith.addf %get3A_1672, %get3A_1678 : vector<16xf32>
          %swap3A_1680 = arith.constant 0 : i32
          %swap3A_1681 = arith.index_cast %swap3A_1680 : i32 to index
          %swap3A_1682 = arith.index_cast %scan3A_1357 : i32 to index
          %swap3A_1683 = arith.constant 240 : index
          %swap3A_1684 = tpu.vector_load %arg6[%swap3A_1681, %swap3A_1682, %swap3A_1683] {strides = array<i32>} : memref<4x12x513xf32, #tpu.memory_space<vmem>>, vector<1x1x16xf32>,
          %swap3A_1685 = vector.shape_cast %swap3A_1684 : vector<1x1x16xf32> to vector<16xf32>
          %swap3A_1686 = vector.shape_cast %add3A_1679 : vector<16xf32> to vector<1x1x16xf32>
          tpu.vector_store %arg6[%swap3A_1681, %swap3A_1682, %swap3A_1683], %swap3A_1686 {strides = array<i32>} : memref<4x12x513xf32, #tpu.memory_space<vmem>>, vector<1x1x16xf32>,
        }
        %scan3A_1356 = arith.constant 12 : i32
      } else {
      }
      %not3A = arith.constant true
      %not3A_1095 = arith.xori %eq3A_91, %not3A : i1
      %convert_element_type3A_1096 = arith.extui %not3A_1095 : i1 to i32
      %cond3A_1097 = arith.constant 0 : i32
      %cond3A_1098 = arith.cmpi ne, %convert_element_type3A_1096, %cond3A_1097 : i32
      scf.if %cond3A_1098 {
        %multiple_of3A = tpu.assume_multiple %add3A_89, 8 : i32
        %mul3A_1351 = arith.constant 12 : i32
        %mul3A_1352 = arith.muli %select_n3A, %mul3A_1351 : i32
        %add3A_1353 = arith.constant 0 : i32
        %add3A_1354 = arith.addi %mul3A_1352, %add3A_1353 : i32
        %mul3A_1355 = arith.constant 12 : i32
        %mul3A_1356 = arith.muli %select_n3A, %mul3A_1355 : i32
        %add3A_1357 = arith.constant 1 : i32
        %add3A_1358 = arith.addi %mul3A_1356, %add3A_1357 : i32
        %mul3A_1359 = arith.constant 12 : i32
        %mul3A_1360 = arith.muli %select_n3A, %mul3A_1359 : i32
        %add3A_1361 = arith.constant 2 : i32
        %add3A_1362 = arith.addi %mul3A_1360, %add3A_1361 : i32
        %mul3A_1363 = arith.constant 12 : i32
        %mul3A_1364 = arith.muli %select_n3A, %mul3A_1363 : i32
        %add3A_1365 = arith.constant 3 : i32
        %add3A_1366 = arith.addi %mul3A_1364, %add3A_1365 : i32
        %mul3A_1367 = arith.constant 12 : i32
        %mul3A_1368 = arith.muli %select_n3A, %mul3A_1367 : i32
        %add3A_1369 = arith.constant 4 : i32
        %add3A_1370 = arith.addi %mul3A_1368, %add3A_1369 : i32
        %mul3A_1371 = arith.constant 12 : i32
        %mul3A_1372 = arith.muli %select_n3A, %mul3A_1371 : i32
        %add3A_1373 = arith.constant 5 : i32
        %add3A_1374 = arith.addi %mul3A_1372, %add3A_1373 : i32
        %mul3A_1375 = arith.constant 12 : i32
        %mul3A_1376 = arith.muli %select_n3A, %mul3A_1375 : i32
        %add3A_1377 = arith.constant 6 : i32
        %add3A_1378 = arith.addi %mul3A_1376, %add3A_1377 : i32
        %mul3A_1379 = arith.constant 12 : i32
        %mul3A_1380 = arith.muli %select_n3A, %mul3A_1379 : i32
        %add3A_1381 = arith.constant 7 : i32
        %add3A_1382 = arith.addi %mul3A_1380, %add3A_1381 : i32
        %mul3A_1383 = arith.constant 12 : i32
        %mul3A_1384 = arith.muli %select_n3A, %mul3A_1383 : i32
        %add3A_1385 = arith.constant 8 : i32
        %add3A_1386 = arith.addi %mul3A_1384, %add3A_1385 : i32
        %mul3A_1387 = arith.constant 12 : i32
        %mul3A_1388 = arith.muli %select_n3A, %mul3A_1387 : i32
        %add3A_1389 = arith.constant 9 : i32
        %add3A_1390 = arith.addi %mul3A_1388, %add3A_1389 : i32
        %mul3A_1391 = arith.constant 12 : i32
        %mul3A_1392 = arith.muli %select_n3A, %mul3A_1391 : i32
        %add3A_1393 = arith.constant 10 : i32
        %add3A_1394 = arith.addi %mul3A_1392, %add3A_1393 : i32
        %mul3A_1395 = arith.constant 12 : i32
        %mul3A_1396 = arith.muli %select_n3A, %mul3A_1395 : i32
        %add3A_1397 = arith.constant 11 : i32
        %add3A_1398 = arith.addi %mul3A_1396, %add3A_1397 : i32
        %dma_start3A_1399 = arith.constant 0 : i32
        %dma_start3A_1400 = arith.constant 0 : i32
        %dma_start3A_1401 = arith.constant 0 : i32
        %dma_start3A_1402 = tpu.memref_slice %arg8[%dma_start3A_1399, %dma_start3A_1400, %dma_start3A_1401] : memref<12x8x255xf32, #tpu.memory_space<vmem>> -> memref<1x8x255xf32, #tpu.memory_space<vmem>>
        %dma_start3A_1403 = tpu.memref_squeeze %dma_start3A_1402 : memref<1x8x255xf32, #tpu.memory_space<vmem>> -> memref<8x255xf32, #tpu.memory_space<vmem>>
        %dma_start3A_1404 = arith.constant 0 : i32
        %dma_start3A_1405 = tpu.memref_slice %arg3[%add3A_1354, %multiple_of3A, %dma_start3A_1404] : memref<48x255x255xf32, #tpu.memory_space<hbm>> -> memref<1x8x255xf32, #tpu.memory_space<hbm>>
        %dma_start3A_1406 = tpu.memref_squeeze %dma_start3A_1405 : memref<1x8x255xf32, #tpu.memory_space<hbm>> -> memref<8x255xf32, #tpu.memory_space<hbm>>
        %dma_start3A_1407 = arith.constant 0 : i32
        %dma_start3A_1408 = arith.constant 0 : i32
        %dma_start3A_1409 = tpu.memref_slice %arg8[%dma_start3A_1399, %dma_start3A_1407, %dma_start3A_1408] : memref<12x8x255xf32, #tpu.memory_space<vmem>> -> memref<1x8x255xf32, #tpu.memory_space<vmem>>
        %dma_start3A_1410 = tpu.memref_squeeze %dma_start3A_1409 : memref<1x8x255xf32, #tpu.memory_space<vmem>> -> memref<8x255xf32, #tpu.memory_space<vmem>>
        %dma_start3A_1411 = arith.constant 0 : i32
        %dma_start3A_1412 = tpu.memref_slice %arg3[%add3A_1354, %multiple_of3A, %dma_start3A_1411] : memref<48x255x255xf32, #tpu.memory_space<hbm>> -> memref<1x8x255xf32, #tpu.memory_space<hbm>>
        %dma_start3A_1413 = tpu.memref_squeeze %dma_start3A_1412 : memref<1x8x255xf32, #tpu.memory_space<hbm>> -> memref<8x255xf32, #tpu.memory_space<hbm>>
        tpu.enqueue_dma source(%dma_start3A_1413 : memref<8x255xf32, #tpu.memory_space<hbm>>) target(%dma_start3A_1410 : memref<8x255xf32, #tpu.memory_space<vmem>>) target_semaphore(%arg13 : memref<!tpu.dma_semaphore, #tpu.memory_space<semaphore_mem>>)
        %dma_start3A_1414 = arith.constant 1 : i32
        %dma_start3A_1415 = arith.constant 0 : i32
        %dma_start3A_1416 = arith.constant 0 : i32
        %dma_start3A_1417 = tpu.memref_slice %arg8[%dma_start3A_1414, %dma_start3A_1415, %dma_start3A_1416] : memref<12x8x255xf32, #tpu.memory_space<vmem>> -> memref<1x8x255xf32, #tpu.memory_space<vmem>>
        %dma_start3A_1418 = tpu.memref_squeeze %dma_start3A_1417 : memref<1x8x255xf32, #tpu.memory_space<vmem>> -> memref<8x255xf32, #tpu.memory_space<vmem>>
        %dma_start3A_1419 = arith.constant 0 : i32
        %dma_start3A_1420 = tpu.memref_slice %arg3[%add3A_1358, %multiple_of3A, %dma_start3A_1419] : memref<48x255x255xf32, #tpu.memory_space<hbm>> -> memref<1x8x255xf32, #tpu.memory_space<hbm>>
        %dma_start3A_1421 = tpu.memref_squeeze %dma_start3A_1420 : memref<1x8x255xf32, #tpu.memory_space<hbm>> -> memref<8x255xf32, #tpu.memory_space<hbm>>
        %dma_start3A_1422 = arith.constant 0 : i32
        %dma_start3A_1423 = arith.constant 0 : i32
        %dma_start3A_1424 = tpu.memref_slice %arg8[%dma_start3A_1414, %dma_start3A_1422, %dma_start3A_1423] : memref<12x8x255xf32, #tpu.memory_space<vmem>> -> memref<1x8x255xf32, #tpu.memory_space<vmem>>
        %dma_start3A_1425 = tpu.memref_squeeze %dma_start3A_1424 : memref<1x8x255xf32, #tpu.memory_space<vmem>> -> memref<8x255xf32, #tpu.memory_space<vmem>>
        %dma_start3A_1426 = arith.constant 0 : i32
        %dma_start3A_1427 = tpu.memref_slice %arg3[%add3A_1358, %multiple_of3A, %dma_start3A_1426] : memref<48x255x255xf32, #tpu.memory_space<hbm>> -> memref<1x8x255xf32, #tpu.memory_space<hbm>>
        %dma_start3A_1428 = tpu.memref_squeeze %dma_start3A_1427 : memref<1x8x255xf32, #tpu.memory_space<hbm>> -> memref<8x255xf32, #tpu.memory_space<hbm>>
        tpu.enqueue_dma source(%dma_start3A_1428 : memref<8x255xf32, #tpu.memory_space<hbm>>) target(%dma_start3A_1425 : memref<8x255xf32, #tpu.memory_space<vmem>>) target_semaphore(%arg13 : memref<!tpu.dma_semaphore, #tpu.memory_space<semaphore_mem>>)
        %dma_start3A_1429 = arith.constant 2 : i32
        %dma_start3A_1430 = arith.constant 0 : i32
        %dma_start3A_1431 = arith.constant 0 : i32
        %dma_start3A_1432 = tpu.memref_slice %arg8[%dma_start3A_1429, %dma_start3A_1430, %dma_start3A_1431] : memref<12x8x255xf32, #tpu.memory_space<vmem>> -> memref<1x8x255xf32, #tpu.memory_space<vmem>>
        %dma_start3A_1433 = tpu.memref_squeeze %dma_start3A_1432 : memref<1x8x255xf32, #tpu.memory_space<vmem>> -> memref<8x255xf32, #tpu.memory_space<vmem>>
        %dma_start3A_1434 = arith.constant 0 : i32
        %dma_start3A_1435 = tpu.memref_slice %arg3[%add3A_1362, %multiple_of3A, %dma_start3A_1434] : memref<48x255x255xf32, #tpu.memory_space<hbm>> -> memref<1x8x255xf32, #tpu.memory_space<hbm>>
        %dma_start3A_1436 = tpu.memref_squeeze %dma_start3A_1435 : memref<1x8x255xf32, #tpu.memory_space<hbm>> -> memref<8x255xf32, #tpu.memory_space<hbm>>
        %dma_start3A_1437 = arith.constant 0 : i32
        %dma_start3A_1438 = arith.constant 0 : i32
        %dma_start3A_1439 = tpu.memref_slice %arg8[%dma_start3A_1429, %dma_start3A_1437, %dma_start3A_1438] : memref<12x8x255xf32, #tpu.memory_space<vmem>> -> memref<1x8x255xf32, #tpu.memory_space<vmem>>
        %dma_start3A_1440 = tpu.memref_squeeze %dma_start3A_1439 : memref<1x8x255xf32, #tpu.memory_space<vmem>> -> memref<8x255xf32, #tpu.memory_space<vmem>>
        %dma_start3A_1441 = arith.constant 0 : i32
        %dma_start3A_1442 = tpu.memref_slice %arg3[%add3A_1362, %multiple_of3A, %dma_start3A_1441] : memref<48x255x255xf32, #tpu.memory_space<hbm>> -> memref<1x8x255xf32, #tpu.memory_space<hbm>>
        %dma_start3A_1443 = tpu.memref_squeeze %dma_start3A_1442 : memref<1x8x255xf32, #tpu.memory_space<hbm>> -> memref<8x255xf32, #tpu.memory_space<hbm>>
        tpu.enqueue_dma source(%dma_start3A_1443 : memref<8x255xf32, #tpu.memory_space<hbm>>) target(%dma_start3A_1440 : memref<8x255xf32, #tpu.memory_space<vmem>>) target_semaphore(%arg13 : memref<!tpu.dma_semaphore, #tpu.memory_space<semaphore_mem>>)
        %dma_start3A_1444 = arith.constant 3 : i32
        %dma_start3A_1445 = arith.constant 0 : i32
        %dma_start3A_1446 = arith.constant 0 : i32
        %dma_start3A_1447 = tpu.memref_slice %arg8[%dma_start3A_1444, %dma_start3A_1445, %dma_start3A_1446] : memref<12x8x255xf32, #tpu.memory_space<vmem>> -> memref<1x8x255xf32, #tpu.memory_space<vmem>>
        %dma_start3A_1448 = tpu.memref_squeeze %dma_start3A_1447 : memref<1x8x255xf32, #tpu.memory_space<vmem>> -> memref<8x255xf32, #tpu.memory_space<vmem>>
        %dma_start3A_1449 = arith.constant 0 : i32
        %dma_start3A_1450 = tpu.memref_slice %arg3[%add3A_1366, %multiple_of3A, %dma_start3A_1449] : memref<48x255x255xf32, #tpu.memory_space<hbm>> -> memref<1x8x255xf32, #tpu.memory_space<hbm>>
        %dma_start3A_1451 = tpu.memref_squeeze %dma_start3A_1450 : memref<1x8x255xf32, #tpu.memory_space<hbm>> -> memref<8x255xf32, #tpu.memory_space<hbm>>
        %dma_start3A_1452 = arith.constant 0 : i32
        %dma_start3A_1453 = arith.constant 0 : i32
        %dma_start3A_1454 = tpu.memref_slice %arg8[%dma_start3A_1444, %dma_start3A_1452, %dma_start3A_1453] : memref<12x8x255xf32, #tpu.memory_space<vmem>> -> memref<1x8x255xf32, #tpu.memory_space<vmem>>
        %dma_start3A_1455 = tpu.memref_squeeze %dma_start3A_1454 : memref<1x8x255xf32, #tpu.memory_space<vmem>> -> memref<8x255xf32, #tpu.memory_space<vmem>>
        %dma_start3A_1456 = arith.constant 0 : i32
        %dma_start3A_1457 = tpu.memref_slice %arg3[%add3A_1366, %multiple_of3A, %dma_start3A_1456] : memref<48x255x255xf32, #tpu.memory_space<hbm>> -> memref<1x8x255xf32, #tpu.memory_space<hbm>>
        %dma_start3A_1458 = tpu.memref_squeeze %dma_start3A_1457 : memref<1x8x255xf32, #tpu.memory_space<hbm>> -> memref<8x255xf32, #tpu.memory_space<hbm>>
        tpu.enqueue_dma source(%dma_start3A_1458 : memref<8x255xf32, #tpu.memory_space<hbm>>) target(%dma_start3A_1455 : memref<8x255xf32, #tpu.memory_space<vmem>>) target_semaphore(%arg13 : memref<!tpu.dma_semaphore, #tpu.memory_space<semaphore_mem>>)
        %dma_start3A_1459 = arith.constant 4 : i32
        %dma_start3A_1460 = arith.constant 0 : i32
        %dma_start3A_1461 = arith.constant 0 : i32
        %dma_start3A_1462 = tpu.memref_slice %arg8[%dma_start3A_1459, %dma_start3A_1460, %dma_start3A_1461] : memref<12x8x255xf32, #tpu.memory_space<vmem>> -> memref<1x8x255xf32, #tpu.memory_space<vmem>>
        %dma_start3A_1463 = tpu.memref_squeeze %dma_start3A_1462 : memref<1x8x255xf32, #tpu.memory_space<vmem>> -> memref<8x255xf32, #tpu.memory_space<vmem>>
        %dma_start3A_1464 = arith.constant 0 : i32
        %dma_start3A_1465 = tpu.memref_slice %arg3[%add3A_1370, %multiple_of3A, %dma_start3A_1464] : memref<48x255x255xf32, #tpu.memory_space<hbm>> -> memref<1x8x255xf32, #tpu.memory_space<hbm>>
        %dma_start3A_1466 = tpu.memref_squeeze %dma_start3A_1465 : memref<1x8x255xf32, #tpu.memory_space<hbm>> -> memref<8x255xf32, #tpu.memory_space<hbm>>
        %dma_start3A_1467 = arith.constant 0 : i32
        %dma_start3A_1468 = arith.constant 0 : i32
        %dma_start3A_1469 = tpu.memref_slice %arg8[%dma_start3A_1459, %dma_start3A_1467, %dma_start3A_1468] : memref<12x8x255xf32, #tpu.memory_space<vmem>> -> memref<1x8x255xf32, #tpu.memory_space<vmem>>
        %dma_start3A_1470 = tpu.memref_squeeze %dma_start3A_1469 : memref<1x8x255xf32, #tpu.memory_space<vmem>> -> memref<8x255xf32, #tpu.memory_space<vmem>>
        %dma_start3A_1471 = arith.constant 0 : i32
        %dma_start3A_1472 = tpu.memref_slice %arg3[%add3A_1370, %multiple_of3A, %dma_start3A_1471] : memref<48x255x255xf32, #tpu.memory_space<hbm>> -> memref<1x8x255xf32, #tpu.memory_space<hbm>>
        %dma_start3A_1473 = tpu.memref_squeeze %dma_start3A_1472 : memref<1x8x255xf32, #tpu.memory_space<hbm>> -> memref<8x255xf32, #tpu.memory_space<hbm>>
        tpu.enqueue_dma source(%dma_start3A_1473 : memref<8x255xf32, #tpu.memory_space<hbm>>) target(%dma_start3A_1470 : memref<8x255xf32, #tpu.memory_space<vmem>>) target_semaphore(%arg13 : memref<!tpu.dma_semaphore, #tpu.memory_space<semaphore_mem>>)
        %dma_start3A_1474 = arith.constant 5 : i32
        %dma_start3A_1475 = arith.constant 0 : i32
        %dma_start3A_1476 = arith.constant 0 : i32
        %dma_start3A_1477 = tpu.memref_slice %arg8[%dma_start3A_1474, %dma_start3A_1475, %dma_start3A_1476] : memref<12x8x255xf32, #tpu.memory_space<vmem>> -> memref<1x8x255xf32, #tpu.memory_space<vmem>>
        %dma_start3A_1478 = tpu.memref_squeeze %dma_start3A_1477 : memref<1x8x255xf32, #tpu.memory_space<vmem>> -> memref<8x255xf32, #tpu.memory_space<vmem>>
        %dma_start3A_1479 = arith.constant 0 : i32
        %dma_start3A_1480 = tpu.memref_slice %arg3[%add3A_1374, %multiple_of3A, %dma_start3A_1479] : memref<48x255x255xf32, #tpu.memory_space<hbm>> -> memref<1x8x255xf32, #tpu.memory_space<hbm>>
        %dma_start3A_1481 = tpu.memref_squeeze %dma_start3A_1480 : memref<1x8x255xf32, #tpu.memory_space<hbm>> -> memref<8x255xf32, #tpu.memory_space<hbm>>
        %dma_start3A_1482 = arith.constant 0 : i32
        %dma_start3A_1483 = arith.constant 0 : i32
        %dma_start3A_1484 = tpu.memref_slice %arg8[%dma_start3A_1474, %dma_start3A_1482, %dma_start3A_1483] : memref<12x8x255xf32, #tpu.memory_space<vmem>> -> memref<1x8x255xf32, #tpu.memory_space<vmem>>
        %dma_start3A_1485 = tpu.memref_squeeze %dma_start3A_1484 : memref<1x8x255xf32, #tpu.memory_space<vmem>> -> memref<8x255xf32, #tpu.memory_space<vmem>>
        %dma_start3A_1486 = arith.constant 0 : i32
        %dma_start3A_1487 = tpu.memref_slice %arg3[%add3A_1374, %multiple_of3A, %dma_start3A_1486] : memref<48x255x255xf32, #tpu.memory_space<hbm>> -> memref<1x8x255xf32, #tpu.memory_space<hbm>>
        %dma_start3A_1488 = tpu.memref_squeeze %dma_start3A_1487 : memref<1x8x255xf32, #tpu.memory_space<hbm>> -> memref<8x255xf32, #tpu.memory_space<hbm>>
        tpu.enqueue_dma source(%dma_start3A_1488 : memref<8x255xf32, #tpu.memory_space<hbm>>) target(%dma_start3A_1485 : memref<8x255xf32, #tpu.memory_space<vmem>>) target_semaphore(%arg13 : memref<!tpu.dma_semaphore, #tpu.memory_space<semaphore_mem>>)
        %dma_start3A_1489 = arith.constant 6 : i32
        %dma_start3A_1490 = arith.constant 0 : i32
        %dma_start3A_1491 = arith.constant 0 : i32
        %dma_start3A_1492 = tpu.memref_slice %arg8[%dma_start3A_1489, %dma_start3A_1490, %dma_start3A_1491] : memref<12x8x255xf32, #tpu.memory_space<vmem>> -> memref<1x8x255xf32, #tpu.memory_space<vmem>>
        %dma_start3A_1493 = tpu.memref_squeeze %dma_start3A_1492 : memref<1x8x255xf32, #tpu.memory_space<vmem>> -> memref<8x255xf32, #tpu.memory_space<vmem>>
        %dma_start3A_1494 = arith.constant 0 : i32
        %dma_start3A_1495 = tpu.memref_slice %arg3[%add3A_1378, %multiple_of3A, %dma_start3A_1494] : memref<48x255x255xf32, #tpu.memory_space<hbm>> -> memref<1x8x255xf32, #tpu.memory_space<hbm>>
        %dma_start3A_1496 = tpu.memref_squeeze %dma_start3A_1495 : memref<1x8x255xf32, #tpu.memory_space<hbm>> -> memref<8x255xf32, #tpu.memory_space<hbm>>
        %dma_start3A_1497 = arith.constant 0 : i32
        %dma_start3A_1498 = arith.constant 0 : i32
        %dma_start3A_1499 = tpu.memref_slice %arg8[%dma_start3A_1489, %dma_start3A_1497, %dma_start3A_1498] : memref<12x8x255xf32, #tpu.memory_space<vmem>> -> memref<1x8x255xf32, #tpu.memory_space<vmem>>
        %dma_start3A_1500 = tpu.memref_squeeze %dma_start3A_1499 : memref<1x8x255xf32, #tpu.memory_space<vmem>> -> memref<8x255xf32, #tpu.memory_space<vmem>>
        %dma_start3A_1501 = arith.constant 0 : i32
        %dma_start3A_1502 = tpu.memref_slice %arg3[%add3A_1378, %multiple_of3A, %dma_start3A_1501] : memref<48x255x255xf32, #tpu.memory_space<hbm>> -> memref<1x8x255xf32, #tpu.memory_space<hbm>>
        %dma_start3A_1503 = tpu.memref_squeeze %dma_start3A_1502 : memref<1x8x255xf32, #tpu.memory_space<hbm>> -> memref<8x255xf32, #tpu.memory_space<hbm>>
        tpu.enqueue_dma source(%dma_start3A_1503 : memref<8x255xf32, #tpu.memory_space<hbm>>) target(%dma_start3A_1500 : memref<8x255xf32, #tpu.memory_space<vmem>>) target_semaphore(%arg13 : memref<!tpu.dma_semaphore, #tpu.memory_space<semaphore_mem>>)
        %dma_start3A_1504 = arith.constant 7 : i32
        %dma_start3A_1505 = arith.constant 0 : i32
        %dma_start3A_1506 = arith.constant 0 : i32
        %dma_start3A_1507 = tpu.memref_slice %arg8[%dma_start3A_1504, %dma_start3A_1505, %dma_start3A_1506] : memref<12x8x255xf32, #tpu.memory_space<vmem>> -> memref<1x8x255xf32, #tpu.memory_space<vmem>>
        %dma_start3A_1508 = tpu.memref_squeeze %dma_start3A_1507 : memref<1x8x255xf32, #tpu.memory_space<vmem>> -> memref<8x255xf32, #tpu.memory_space<vmem>>
        %dma_start3A_1509 = arith.constant 0 : i32
        %dma_start3A_1510 = tpu.memref_slice %arg3[%add3A_1382, %multiple_of3A, %dma_start3A_1509] : memref<48x255x255xf32, #tpu.memory_space<hbm>> -> memref<1x8x255xf32, #tpu.memory_space<hbm>>
        %dma_start3A_1511 = tpu.memref_squeeze %dma_start3A_1510 : memref<1x8x255xf32, #tpu.memory_space<hbm>> -> memref<8x255xf32, #tpu.memory_space<hbm>>
        %dma_start3A_1512 = arith.constant 0 : i32
        %dma_start3A_1513 = arith.constant 0 : i32
        %dma_start3A_1514 = tpu.memref_slice %arg8[%dma_start3A_1504, %dma_start3A_1512, %dma_start3A_1513] : memref<12x8x255xf32, #tpu.memory_space<vmem>> -> memref<1x8x255xf32, #tpu.memory_space<vmem>>
        %dma_start3A_1515 = tpu.memref_squeeze %dma_start3A_1514 : memref<1x8x255xf32, #tpu.memory_space<vmem>> -> memref<8x255xf32, #tpu.memory_space<vmem>>
        %dma_start3A_1516 = arith.constant 0 : i32
        %dma_start3A_1517 = tpu.memref_slice %arg3[%add3A_1382, %multiple_of3A, %dma_start3A_1516] : memref<48x255x255xf32, #tpu.memory_space<hbm>> -> memref<1x8x255xf32, #tpu.memory_space<hbm>>
        %dma_start3A_1518 = tpu.memref_squeeze %dma_start3A_1517 : memref<1x8x255xf32, #tpu.memory_space<hbm>> -> memref<8x255xf32, #tpu.memory_space<hbm>>
        tpu.enqueue_dma source(%dma_start3A_1518 : memref<8x255xf32, #tpu.memory_space<hbm>>) target(%dma_start3A_1515 : memref<8x255xf32, #tpu.memory_space<vmem>>) target_semaphore(%arg13 : memref<!tpu.dma_semaphore, #tpu.memory_space<semaphore_mem>>)
        %dma_start3A_1519 = arith.constant 8 : i32
        %dma_start3A_1520 = arith.constant 0 : i32
        %dma_start3A_1521 = arith.constant 0 : i32
        %dma_start3A_1522 = tpu.memref_slice %arg8[%dma_start3A_1519, %dma_start3A_1520, %dma_start3A_1521] : memref<12x8x255xf32, #tpu.memory_space<vmem>> -> memref<1x8x255xf32, #tpu.memory_space<vmem>>
        %dma_start3A_1523 = tpu.memref_squeeze %dma_start3A_1522 : memref<1x8x255xf32, #tpu.memory_space<vmem>> -> memref<8x255xf32, #tpu.memory_space<vmem>>
        %dma_start3A_1524 = arith.constant 0 : i32
        %dma_start3A_1525 = tpu.memref_slice %arg3[%add3A_1386, %multiple_of3A, %dma_start3A_1524] : memref<48x255x255xf32, #tpu.memory_space<hbm>> -> memref<1x8x255xf32, #tpu.memory_space<hbm>>
        %dma_start3A_1526 = tpu.memref_squeeze %dma_start3A_1525 : memref<1x8x255xf32, #tpu.memory_space<hbm>> -> memref<8x255xf32, #tpu.memory_space<hbm>>
        %dma_start3A_1527 = arith.constant 0 : i32
        %dma_start3A_1528 = arith.constant 0 : i32
        %dma_start3A_1529 = tpu.memref_slice %arg8[%dma_start3A_1519, %dma_start3A_1527, %dma_start3A_1528] : memref<12x8x255xf32, #tpu.memory_space<vmem>> -> memref<1x8x255xf32, #tpu.memory_space<vmem>>
        %dma_start3A_1530 = tpu.memref_squeeze %dma_start3A_1529 : memref<1x8x255xf32, #tpu.memory_space<vmem>> -> memref<8x255xf32, #tpu.memory_space<vmem>>
        %dma_start3A_1531 = arith.constant 0 : i32
        %dma_start3A_1532 = tpu.memref_slice %arg3[%add3A_1386, %multiple_of3A, %dma_start3A_1531] : memref<48x255x255xf32, #tpu.memory_space<hbm>> -> memref<1x8x255xf32, #tpu.memory_space<hbm>>
        %dma_start3A_1533 = tpu.memref_squeeze %dma_start3A_1532 : memref<1x8x255xf32, #tpu.memory_space<hbm>> -> memref<8x255xf32, #tpu.memory_space<hbm>>
        tpu.enqueue_dma source(%dma_start3A_1533 : memref<8x255xf32, #tpu.memory_space<hbm>>) target(%dma_start3A_1530 : memref<8x255xf32, #tpu.memory_space<vmem>>) target_semaphore(%arg13 : memref<!tpu.dma_semaphore, #tpu.memory_space<semaphore_mem>>)
        %dma_start3A_1534 = arith.constant 9 : i32
        %dma_start3A_1535 = arith.constant 0 : i32
        %dma_start3A_1536 = arith.constant 0 : i32
        %dma_start3A_1537 = tpu.memref_slice %arg8[%dma_start3A_1534, %dma_start3A_1535, %dma_start3A_1536] : memref<12x8x255xf32, #tpu.memory_space<vmem>> -> memref<1x8x255xf32, #tpu.memory_space<vmem>>
        %dma_start3A_1538 = tpu.memref_squeeze %dma_start3A_1537 : memref<1x8x255xf32, #tpu.memory_space<vmem>> -> memref<8x255xf32, #tpu.memory_space<vmem>>
        %dma_start3A_1539 = arith.constant 0 : i32
        %dma_start3A_1540 = tpu.memref_slice %arg3[%add3A_1390, %multiple_of3A, %dma_start3A_1539] : memref<48x255x255xf32, #tpu.memory_space<hbm>> -> memref<1x8x255xf32, #tpu.memory_space<hbm>>
        %dma_start3A_1541 = tpu.memref_squeeze %dma_start3A_1540 : memref<1x8x255xf32, #tpu.memory_space<hbm>> -> memref<8x255xf32, #tpu.memory_space<hbm>>
        %dma_start3A_1542 = arith.constant 0 : i32
        %dma_start3A_1543 = arith.constant 0 : i32
        %dma_start3A_1544 = tpu.memref_slice %arg8[%dma_start3A_1534, %dma_start3A_1542, %dma_start3A_1543] : memref<12x8x255xf32, #tpu.memory_space<vmem>> -> memref<1x8x255xf32, #tpu.memory_space<vmem>>
        %dma_start3A_1545 = tpu.memref_squeeze %dma_start3A_1544 : memref<1x8x255xf32, #tpu.memory_space<vmem>> -> memref<8x255xf32, #tpu.memory_space<vmem>>
        %dma_start3A_1546 = arith.constant 0 : i32
        %dma_start3A_1547 = tpu.memref_slice %arg3[%add3A_1390, %multiple_of3A, %dma_start3A_1546] : memref<48x255x255xf32, #tpu.memory_space<hbm>> -> memref<1x8x255xf32, #tpu.memory_space<hbm>>
        %dma_start3A_1548 = tpu.memref_squeeze %dma_start3A_1547 : memref<1x8x255xf32, #tpu.memory_space<hbm>> -> memref<8x255xf32, #tpu.memory_space<hbm>>
        tpu.enqueue_dma source(%dma_start3A_1548 : memref<8x255xf32, #tpu.memory_space<hbm>>) target(%dma_start3A_1545 : memref<8x255xf32, #tpu.memory_space<vmem>>) target_semaphore(%arg13 : memref<!tpu.dma_semaphore, #tpu.memory_space<semaphore_mem>>)
        %dma_start3A_1549 = arith.constant 10 : i32
        %dma_start3A_1550 = arith.constant 0 : i32
        %dma_start3A_1551 = arith.constant 0 : i32
        %dma_start3A_1552 = tpu.memref_slice %arg8[%dma_start3A_1549, %dma_start3A_1550, %dma_start3A_1551] : memref<12x8x255xf32, #tpu.memory_space<vmem>> -> memref<1x8x255xf32, #tpu.memory_space<vmem>>
        %dma_start3A_1553 = tpu.memref_squeeze %dma_start3A_1552 : memref<1x8x255xf32, #tpu.memory_space<vmem>> -> memref<8x255xf32, #tpu.memory_space<vmem>>
        %dma_start3A_1554 = arith.constant 0 : i32
        %dma_start3A_1555 = tpu.memref_slice %arg3[%add3A_1394, %multiple_of3A, %dma_start3A_1554] : memref<48x255x255xf32, #tpu.memory_space<hbm>> -> memref<1x8x255xf32, #tpu.memory_space<hbm>>
        %dma_start3A_1556 = tpu.memref_squeeze %dma_start3A_1555 : memref<1x8x255xf32, #tpu.memory_space<hbm>> -> memref<8x255xf32, #tpu.memory_space<hbm>>
        %dma_start3A_1557 = arith.constant 0 : i32
        %dma_start3A_1558 = arith.constant 0 : i32
        %dma_start3A_1559 = tpu.memref_slice %arg8[%dma_start3A_1549, %dma_start3A_1557, %dma_start3A_1558] : memref<12x8x255xf32, #tpu.memory_space<vmem>> -> memref<1x8x255xf32, #tpu.memory_space<vmem>>
        %dma_start3A_1560 = tpu.memref_squeeze %dma_start3A_1559 : memref<1x8x255xf32, #tpu.memory_space<vmem>> -> memref<8x255xf32, #tpu.memory_space<vmem>>
        %dma_start3A_1561 = arith.constant 0 : i32
        %dma_start3A_1562 = tpu.memref_slice %arg3[%add3A_1394, %multiple_of3A, %dma_start3A_1561] : memref<48x255x255xf32, #tpu.memory_space<hbm>> -> memref<1x8x255xf32, #tpu.memory_space<hbm>>
        %dma_start3A_1563 = tpu.memref_squeeze %dma_start3A_1562 : memref<1x8x255xf32, #tpu.memory_space<hbm>> -> memref<8x255xf32, #tpu.memory_space<hbm>>
        tpu.enqueue_dma source(%dma_start3A_1563 : memref<8x255xf32, #tpu.memory_space<hbm>>) target(%dma_start3A_1560 : memref<8x255xf32, #tpu.memory_space<vmem>>) target_semaphore(%arg13 : memref<!tpu.dma_semaphore, #tpu.memory_space<semaphore_mem>>)
        %dma_start3A_1564 = arith.constant 11 : i32
        %dma_start3A_1565 = arith.constant 0 : i32
        %dma_start3A_1566 = arith.constant 0 : i32
        %dma_start3A_1567 = tpu.memref_slice %arg8[%dma_start3A_1564, %dma_start3A_1565, %dma_start3A_1566] : memref<12x8x255xf32, #tpu.memory_space<vmem>> -> memref<1x8x255xf32, #tpu.memory_space<vmem>>
        %dma_start3A_1568 = tpu.memref_squeeze %dma_start3A_1567 : memref<1x8x255xf32, #tpu.memory_space<vmem>> -> memref<8x255xf32, #tpu.memory_space<vmem>>
        %dma_start3A_1569 = arith.constant 0 : i32
        %dma_start3A_1570 = tpu.memref_slice %arg3[%add3A_1398, %multiple_of3A, %dma_start3A_1569] : memref<48x255x255xf32, #tpu.memory_space<hbm>> -> memref<1x8x255xf32, #tpu.memory_space<hbm>>
        %dma_start3A_1571 = tpu.memref_squeeze %dma_start3A_1570 : memref<1x8x255xf32, #tpu.memory_space<hbm>> -> memref<8x255xf32, #tpu.memory_space<hbm>>
        %dma_start3A_1572 = arith.constant 0 : i32
        %dma_start3A_1573 = arith.constant 0 : i32
        %dma_start3A_1574 = tpu.memref_slice %arg8[%dma_start3A_1564, %dma_start3A_1572, %dma_start3A_1573] : memref<12x8x255xf32, #tpu.memory_space<vmem>> -> memref<1x8x255xf32, #tpu.memory_space<vmem>>
        %dma_start3A_1575 = tpu.memref_squeeze %dma_start3A_1574 : memref<1x8x255xf32, #tpu.memory_space<vmem>> -> memref<8x255xf32, #tpu.memory_space<vmem>>
        %dma_start3A_1576 = arith.constant 0 : i32
        %dma_start3A_1577 = tpu.memref_slice %arg3[%add3A_1398, %multiple_of3A, %dma_start3A_1576] : memref<48x255x255xf32, #tpu.memory_space<hbm>> -> memref<1x8x255xf32, #tpu.memory_space<hbm>>
        %dma_start3A_1578 = tpu.memref_squeeze %dma_start3A_1577 : memref<1x8x255xf32, #tpu.memory_space<hbm>> -> memref<8x255xf32, #tpu.memory_space<hbm>>
        tpu.enqueue_dma source(%dma_start3A_1578 : memref<8x255xf32, #tpu.memory_space<hbm>>) target(%dma_start3A_1575 : memref<8x255xf32, #tpu.memory_space<vmem>>) target_semaphore(%arg13 : memref<!tpu.dma_semaphore, #tpu.memory_space<semaphore_mem>>)
        %dma_wait3A_1579 = arith.constant 0 : i32
        %dma_wait3A_1580 = arith.constant 0 : i32
        %dma_wait3A_1581 = arith.constant 0 : i32
        %dma_wait3A_1582 = tpu.memref_slice %arg8[%dma_wait3A_1579, %dma_wait3A_1580, %dma_wait3A_1581] : memref<12x8x255xf32, #tpu.memory_space<vmem>> -> memref<1x8x255xf32, #tpu.memory_space<vmem>>
        %dma_wait3A_1583 = tpu.memref_squeeze %dma_wait3A_1582 : memref<1x8x255xf32, #tpu.memory_space<vmem>> -> memref<8x255xf32, #tpu.memory_space<vmem>>
        %dma_wait3A_1584 = arith.constant 0 : i32
        %dma_wait3A_1585 = tpu.memref_slice %arg3[%add3A_1354, %multiple_of3A, %dma_wait3A_1584] : memref<48x255x255xf32, #tpu.memory_space<hbm>> -> memref<1x8x255xf32, #tpu.memory_space<hbm>>
        %dma_wait3A_1586 = tpu.memref_squeeze %dma_wait3A_1585 : memref<1x8x255xf32, #tpu.memory_space<hbm>> -> memref<8x255xf32, #tpu.memory_space<hbm>>
        %dma_wait3A_1587 = arith.constant 0 : i32
        %dma_wait3A_1588 = arith.constant 0 : i32
        %dma_wait3A_1589 = tpu.memref_slice %arg8[%dma_wait3A_1579, %dma_wait3A_1587, %dma_wait3A_1588] : memref<12x8x255xf32, #tpu.memory_space<vmem>> -> memref<1x8x255xf32, #tpu.memory_space<vmem>>
        %dma_wait3A_1590 = tpu.memref_squeeze %dma_wait3A_1589 : memref<1x8x255xf32, #tpu.memory_space<vmem>> -> memref<8x255xf32, #tpu.memory_space<vmem>>
        %dma_wait3A_1591 = arith.constant 0 : i32
        %dma_wait3A_1592 = tpu.memref_slice %arg3[%add3A_1354, %multiple_of3A, %dma_wait3A_1591] : memref<48x255x255xf32, #tpu.memory_space<hbm>> -> memref<1x8x255xf32, #tpu.memory_space<hbm>>
        %dma_wait3A_1593 = tpu.memref_squeeze %dma_wait3A_1592 : memref<1x8x255xf32, #tpu.memory_space<hbm>> -> memref<8x255xf32, #tpu.memory_space<hbm>>
        tpu.wait_dma2 semaphore(%arg13 : memref<!tpu.dma_semaphore, #tpu.memory_space<semaphore_mem>>) src(%dma_wait3A_1593 : memref<8x255xf32, #tpu.memory_space<hbm>>) dst(%dma_wait3A_1590 : memref<8x255xf32, #tpu.memory_space<vmem>>)
        %dma_wait3A_1594 = arith.constant 1 : i32
        %dma_wait3A_1595 = arith.constant 0 : i32
        %dma_wait3A_1596 = arith.constant 0 : i32
        %dma_wait3A_1597 = tpu.memref_slice %arg8[%dma_wait3A_1594, %dma_wait3A_1595, %dma_wait3A_1596] : memref<12x8x255xf32, #tpu.memory_space<vmem>> -> memref<1x8x255xf32, #tpu.memory_space<vmem>>
        %dma_wait3A_1598 = tpu.memref_squeeze %dma_wait3A_1597 : memref<1x8x255xf32, #tpu.memory_space<vmem>> -> memref<8x255xf32, #tpu.memory_space<vmem>>
        %dma_wait3A_1599 = arith.constant 0 : i32
        %dma_wait3A_1600 = tpu.memref_slice %arg3[%add3A_1358, %multiple_of3A, %dma_wait3A_1599] : memref<48x255x255xf32, #tpu.memory_space<hbm>> -> memref<1x8x255xf32, #tpu.memory_space<hbm>>
        %dma_wait3A_1601 = tpu.memref_squeeze %dma_wait3A_1600 : memref<1x8x255xf32, #tpu.memory_space<hbm>> -> memref<8x255xf32, #tpu.memory_space<hbm>>
        %dma_wait3A_1602 = arith.constant 0 : i32
        %dma_wait3A_1603 = arith.constant 0 : i32
        %dma_wait3A_1604 = tpu.memref_slice %arg8[%dma_wait3A_1594, %dma_wait3A_1602, %dma_wait3A_1603] : memref<12x8x255xf32, #tpu.memory_space<vmem>> -> memref<1x8x255xf32, #tpu.memory_space<vmem>>
        %dma_wait3A_1605 = tpu.memref_squeeze %dma_wait3A_1604 : memref<1x8x255xf32, #tpu.memory_space<vmem>> -> memref<8x255xf32, #tpu.memory_space<vmem>>
        %dma_wait3A_1606 = arith.constant 0 : i32
        %dma_wait3A_1607 = tpu.memref_slice %arg3[%add3A_1358, %multiple_of3A, %dma_wait3A_1606] : memref<48x255x255xf32, #tpu.memory_space<hbm>> -> memref<1x8x255xf32, #tpu.memory_space<hbm>>
        %dma_wait3A_1608 = tpu.memref_squeeze %dma_wait3A_1607 : memref<1x8x255xf32, #tpu.memory_space<hbm>> -> memref<8x255xf32, #tpu.memory_space<hbm>>
        tpu.wait_dma2 semaphore(%arg13 : memref<!tpu.dma_semaphore, #tpu.memory_space<semaphore_mem>>) src(%dma_wait3A_1608 : memref<8x255xf32, #tpu.memory_space<hbm>>) dst(%dma_wait3A_1605 : memref<8x255xf32, #tpu.memory_space<vmem>>)
        %dma_wait3A_1609 = arith.constant 2 : i32
        %dma_wait3A_1610 = arith.constant 0 : i32
        %dma_wait3A_1611 = arith.constant 0 : i32
        %dma_wait3A_1612 = tpu.memref_slice %arg8[%dma_wait3A_1609, %dma_wait3A_1610, %dma_wait3A_1611] : memref<12x8x255xf32, #tpu.memory_space<vmem>> -> memref<1x8x255xf32, #tpu.memory_space<vmem>>
        %dma_wait3A_1613 = tpu.memref_squeeze %dma_wait3A_1612 : memref<1x8x255xf32, #tpu.memory_space<vmem>> -> memref<8x255xf32, #tpu.memory_space<vmem>>
        %dma_wait3A_1614 = arith.constant 0 : i32
        %dma_wait3A_1615 = tpu.memref_slice %arg3[%add3A_1362, %multiple_of3A, %dma_wait3A_1614] : memref<48x255x255xf32, #tpu.memory_space<hbm>> -> memref<1x8x255xf32, #tpu.memory_space<hbm>>
        %dma_wait3A_1616 = tpu.memref_squeeze %dma_wait3A_1615 : memref<1x8x255xf32, #tpu.memory_space<hbm>> -> memref<8x255xf32, #tpu.memory_space<hbm>>
        %dma_wait3A_1617 = arith.constant 0 : i32
        %dma_wait3A_1618 = arith.constant 0 : i32
        %dma_wait3A_1619 = tpu.memref_slice %arg8[%dma_wait3A_1609, %dma_wait3A_1617, %dma_wait3A_1618] : memref<12x8x255xf32, #tpu.memory_space<vmem>> -> memref<1x8x255xf32, #tpu.memory_space<vmem>>
        %dma_wait3A_1620 = tpu.memref_squeeze %dma_wait3A_1619 : memref<1x8x255xf32, #tpu.memory_space<vmem>> -> memref<8x255xf32, #tpu.memory_space<vmem>>
        %dma_wait3A_1621 = arith.constant 0 : i32
        %dma_wait3A_1622 = tpu.memref_slice %arg3[%add3A_1362, %multiple_of3A, %dma_wait3A_1621] : memref<48x255x255xf32, #tpu.memory_space<hbm>> -> memref<1x8x255xf32, #tpu.memory_space<hbm>>
        %dma_wait3A_1623 = tpu.memref_squeeze %dma_wait3A_1622 : memref<1x8x255xf32, #tpu.memory_space<hbm>> -> memref<8x255xf32, #tpu.memory_space<hbm>>
        tpu.wait_dma2 semaphore(%arg13 : memref<!tpu.dma_semaphore, #tpu.memory_space<semaphore_mem>>) src(%dma_wait3A_1623 : memref<8x255xf32, #tpu.memory_space<hbm>>) dst(%dma_wait3A_1620 : memref<8x255xf32, #tpu.memory_space<vmem>>)
        %dma_wait3A_1624 = arith.constant 3 : i32
        %dma_wait3A_1625 = arith.constant 0 : i32
        %dma_wait3A_1626 = arith.constant 0 : i32
        %dma_wait3A_1627 = tpu.memref_slice %arg8[%dma_wait3A_1624, %dma_wait3A_1625, %dma_wait3A_1626] : memref<12x8x255xf32, #tpu.memory_space<vmem>> -> memref<1x8x255xf32, #tpu.memory_space<vmem>>
        %dma_wait3A_1628 = tpu.memref_squeeze %dma_wait3A_1627 : memref<1x8x255xf32, #tpu.memory_space<vmem>> -> memref<8x255xf32, #tpu.memory_space<vmem>>
        %dma_wait3A_1629 = arith.constant 0 : i32
        %dma_wait3A_1630 = tpu.memref_slice %arg3[%add3A_1366, %multiple_of3A, %dma_wait3A_1629] : memref<48x255x255xf32, #tpu.memory_space<hbm>> -> memref<1x8x255xf32, #tpu.memory_space<hbm>>
        %dma_wait3A_1631 = tpu.memref_squeeze %dma_wait3A_1630 : memref<1x8x255xf32, #tpu.memory_space<hbm>> -> memref<8x255xf32, #tpu.memory_space<hbm>>
        %dma_wait3A_1632 = arith.constant 0 : i32
        %dma_wait3A_1633 = arith.constant 0 : i32
        %dma_wait3A_1634 = tpu.memref_slice %arg8[%dma_wait3A_1624, %dma_wait3A_1632, %dma_wait3A_1633] : memref<12x8x255xf32, #tpu.memory_space<vmem>> -> memref<1x8x255xf32, #tpu.memory_space<vmem>>
        %dma_wait3A_1635 = tpu.memref_squeeze %dma_wait3A_1634 : memref<1x8x255xf32, #tpu.memory_space<vmem>> -> memref<8x255xf32, #tpu.memory_space<vmem>>
        %dma_wait3A_1636 = arith.constant 0 : i32
        %dma_wait3A_1637 = tpu.memref_slice %arg3[%add3A_1366, %multiple_of3A, %dma_wait3A_1636] : memref<48x255x255xf32, #tpu.memory_space<hbm>> -> memref<1x8x255xf32, #tpu.memory_space<hbm>>
        %dma_wait3A_1638 = tpu.memref_squeeze %dma_wait3A_1637 : memref<1x8x255xf32, #tpu.memory_space<hbm>> -> memref<8x255xf32, #tpu.memory_space<hbm>>
        tpu.wait_dma2 semaphore(%arg13 : memref<!tpu.dma_semaphore, #tpu.memory_space<semaphore_mem>>) src(%dma_wait3A_1638 : memref<8x255xf32, #tpu.memory_space<hbm>>) dst(%dma_wait3A_1635 : memref<8x255xf32, #tpu.memory_space<vmem>>)
        %dma_wait3A_1639 = arith.constant 4 : i32
        %dma_wait3A_1640 = arith.constant 0 : i32
        %dma_wait3A_1641 = arith.constant 0 : i32
        %dma_wait3A_1642 = tpu.memref_slice %arg8[%dma_wait3A_1639, %dma_wait3A_1640, %dma_wait3A_1641] : memref<12x8x255xf32, #tpu.memory_space<vmem>> -> memref<1x8x255xf32, #tpu.memory_space<vmem>>
        %dma_wait3A_1643 = tpu.memref_squeeze %dma_wait3A_1642 : memref<1x8x255xf32, #tpu.memory_space<vmem>> -> memref<8x255xf32, #tpu.memory_space<vmem>>
        %dma_wait3A_1644 = arith.constant 0 : i32
        %dma_wait3A_1645 = tpu.memref_slice %arg3[%add3A_1370, %multiple_of3A, %dma_wait3A_1644] : memref<48x255x255xf32, #tpu.memory_space<hbm>> -> memref<1x8x255xf32, #tpu.memory_space<hbm>>
        %dma_wait3A_1646 = tpu.memref_squeeze %dma_wait3A_1645 : memref<1x8x255xf32, #tpu.memory_space<hbm>> -> memref<8x255xf32, #tpu.memory_space<hbm>>
        %dma_wait3A_1647 = arith.constant 0 : i32
        %dma_wait3A_1648 = arith.constant 0 : i32
        %dma_wait3A_1649 = tpu.memref_slice %arg8[%dma_wait3A_1639, %dma_wait3A_1647, %dma_wait3A_1648] : memref<12x8x255xf32, #tpu.memory_space<vmem>> -> memref<1x8x255xf32, #tpu.memory_space<vmem>>
        %dma_wait3A_1650 = tpu.memref_squeeze %dma_wait3A_1649 : memref<1x8x255xf32, #tpu.memory_space<vmem>> -> memref<8x255xf32, #tpu.memory_space<vmem>>
        %dma_wait3A_1651 = arith.constant 0 : i32
        %dma_wait3A_1652 = tpu.memref_slice %arg3[%add3A_1370, %multiple_of3A, %dma_wait3A_1651] : memref<48x255x255xf32, #tpu.memory_space<hbm>> -> memref<1x8x255xf32, #tpu.memory_space<hbm>>
        %dma_wait3A_1653 = tpu.memref_squeeze %dma_wait3A_1652 : memref<1x8x255xf32, #tpu.memory_space<hbm>> -> memref<8x255xf32, #tpu.memory_space<hbm>>
        tpu.wait_dma2 semaphore(%arg13 : memref<!tpu.dma_semaphore, #tpu.memory_space<semaphore_mem>>) src(%dma_wait3A_1653 : memref<8x255xf32, #tpu.memory_space<hbm>>) dst(%dma_wait3A_1650 : memref<8x255xf32, #tpu.memory_space<vmem>>)
        %dma_wait3A_1654 = arith.constant 5 : i32
        %dma_wait3A_1655 = arith.constant 0 : i32
        %dma_wait3A_1656 = arith.constant 0 : i32
        %dma_wait3A_1657 = tpu.memref_slice %arg8[%dma_wait3A_1654, %dma_wait3A_1655, %dma_wait3A_1656] : memref<12x8x255xf32, #tpu.memory_space<vmem>> -> memref<1x8x255xf32, #tpu.memory_space<vmem>>
        %dma_wait3A_1658 = tpu.memref_squeeze %dma_wait3A_1657 : memref<1x8x255xf32, #tpu.memory_space<vmem>> -> memref<8x255xf32, #tpu.memory_space<vmem>>
        %dma_wait3A_1659 = arith.constant 0 : i32
        %dma_wait3A_1660 = tpu.memref_slice %arg3[%add3A_1374, %multiple_of3A, %dma_wait3A_1659] : memref<48x255x255xf32, #tpu.memory_space<hbm>> -> memref<1x8x255xf32, #tpu.memory_space<hbm>>
        %dma_wait3A_1661 = tpu.memref_squeeze %dma_wait3A_1660 : memref<1x8x255xf32, #tpu.memory_space<hbm>> -> memref<8x255xf32, #tpu.memory_space<hbm>>
        %dma_wait3A_1662 = arith.constant 0 : i32
        %dma_wait3A_1663 = arith.constant 0 : i32
        %dma_wait3A_1664 = tpu.memref_slice %arg8[%dma_wait3A_1654, %dma_wait3A_1662, %dma_wait3A_1663] : memref<12x8x255xf32, #tpu.memory_space<vmem>> -> memref<1x8x255xf32, #tpu.memory_space<vmem>>
        %dma_wait3A_1665 = tpu.memref_squeeze %dma_wait3A_1664 : memref<1x8x255xf32, #tpu.memory_space<vmem>> -> memref<8x255xf32, #tpu.memory_space<vmem>>
        %dma_wait3A_1666 = arith.constant 0 : i32
        %dma_wait3A_1667 = tpu.memref_slice %arg3[%add3A_1374, %multiple_of3A, %dma_wait3A_1666] : memref<48x255x255xf32, #tpu.memory_space<hbm>> -> memref<1x8x255xf32, #tpu.memory_space<hbm>>
        %dma_wait3A_1668 = tpu.memref_squeeze %dma_wait3A_1667 : memref<1x8x255xf32, #tpu.memory_space<hbm>> -> memref<8x255xf32, #tpu.memory_space<hbm>>
        tpu.wait_dma2 semaphore(%arg13 : memref<!tpu.dma_semaphore, #tpu.memory_space<semaphore_mem>>) src(%dma_wait3A_1668 : memref<8x255xf32, #tpu.memory_space<hbm>>) dst(%dma_wait3A_1665 : memref<8x255xf32, #tpu.memory_space<vmem>>)
        %dma_wait3A_1669 = arith.constant 6 : i32
        %dma_wait3A_1670 = arith.constant 0 : i32
        %dma_wait3A_1671 = arith.constant 0 : i32
        %dma_wait3A_1672 = tpu.memref_slice %arg8[%dma_wait3A_1669, %dma_wait3A_1670, %dma_wait3A_1671] : memref<12x8x255xf32, #tpu.memory_space<vmem>> -> memref<1x8x255xf32, #tpu.memory_space<vmem>>
        %dma_wait3A_1673 = tpu.memref_squeeze %dma_wait3A_1672 : memref<1x8x255xf32, #tpu.memory_space<vmem>> -> memref<8x255xf32, #tpu.memory_space<vmem>>
        %dma_wait3A_1674 = arith.constant 0 : i32
        %dma_wait3A_1675 = tpu.memref_slice %arg3[%add3A_1378, %multiple_of3A, %dma_wait3A_1674] : memref<48x255x255xf32, #tpu.memory_space<hbm>> -> memref<1x8x255xf32, #tpu.memory_space<hbm>>
        %dma_wait3A_1676 = tpu.memref_squeeze %dma_wait3A_1675 : memref<1x8x255xf32, #tpu.memory_space<hbm>> -> memref<8x255xf32, #tpu.memory_space<hbm>>
        %dma_wait3A_1677 = arith.constant 0 : i32
        %dma_wait3A_1678 = arith.constant 0 : i32
        %dma_wait3A_1679 = tpu.memref_slice %arg8[%dma_wait3A_1669, %dma_wait3A_1677, %dma_wait3A_1678] : memref<12x8x255xf32, #tpu.memory_space<vmem>> -> memref<1x8x255xf32, #tpu.memory_space<vmem>>
        %dma_wait3A_1680 = tpu.memref_squeeze %dma_wait3A_1679 : memref<1x8x255xf32, #tpu.memory_space<vmem>> -> memref<8x255xf32, #tpu.memory_space<vmem>>
        %dma_wait3A_1681 = arith.constant 0 : i32
        %dma_wait3A_1682 = tpu.memref_slice %arg3[%add3A_1378, %multiple_of3A, %dma_wait3A_1681] : memref<48x255x255xf32, #tpu.memory_space<hbm>> -> memref<1x8x255xf32, #tpu.memory_space<hbm>>
        %dma_wait3A_1683 = tpu.memref_squeeze %dma_wait3A_1682 : memref<1x8x255xf32, #tpu.memory_space<hbm>> -> memref<8x255xf32, #tpu.memory_space<hbm>>
        tpu.wait_dma2 semaphore(%arg13 : memref<!tpu.dma_semaphore, #tpu.memory_space<semaphore_mem>>) src(%dma_wait3A_1683 : memref<8x255xf32, #tpu.memory_space<hbm>>) dst(%dma_wait3A_1680 : memref<8x255xf32, #tpu.memory_space<vmem>>)
        %dma_wait3A_1684 = arith.constant 7 : i32
        %dma_wait3A_1685 = arith.constant 0 : i32
        %dma_wait3A_1686 = arith.constant 0 : i32
        %dma_wait3A_1687 = tpu.memref_slice %arg8[%dma_wait3A_1684, %dma_wait3A_1685, %dma_wait3A_1686] : memref<12x8x255xf32, #tpu.memory_space<vmem>> -> memref<1x8x255xf32, #tpu.memory_space<vmem>>
        %dma_wait3A_1688 = tpu.memref_squeeze %dma_wait3A_1687 : memref<1x8x255xf32, #tpu.memory_space<vmem>> -> memref<8x255xf32, #tpu.memory_space<vmem>>
        %dma_wait3A_1689 = arith.constant 0 : i32
        %dma_wait3A_1690 = tpu.memref_slice %arg3[%add3A_1382, %multiple_of3A, %dma_wait3A_1689] : memref<48x255x255xf32, #tpu.memory_space<hbm>> -> memref<1x8x255xf32, #tpu.memory_space<hbm>>
        %dma_wait3A_1691 = tpu.memref_squeeze %dma_wait3A_1690 : memref<1x8x255xf32, #tpu.memory_space<hbm>> -> memref<8x255xf32, #tpu.memory_space<hbm>>
        %dma_wait3A_1692 = arith.constant 0 : i32
        %dma_wait3A_1693 = arith.constant 0 : i32
        %dma_wait3A_1694 = tpu.memref_slice %arg8[%dma_wait3A_1684, %dma_wait3A_1692, %dma_wait3A_1693] : memref<12x8x255xf32, #tpu.memory_space<vmem>> -> memref<1x8x255xf32, #tpu.memory_space<vmem>>
        %dma_wait3A_1695 = tpu.memref_squeeze %dma_wait3A_1694 : memref<1x8x255xf32, #tpu.memory_space<vmem>> -> memref<8x255xf32, #tpu.memory_space<vmem>>
        %dma_wait3A_1696 = arith.constant 0 : i32
        %dma_wait3A_1697 = tpu.memref_slice %arg3[%add3A_1382, %multiple_of3A, %dma_wait3A_1696] : memref<48x255x255xf32, #tpu.memory_space<hbm>> -> memref<1x8x255xf32, #tpu.memory_space<hbm>>
        %dma_wait3A_1698 = tpu.memref_squeeze %dma_wait3A_1697 : memref<1x8x255xf32, #tpu.memory_space<hbm>> -> memref<8x255xf32, #tpu.memory_space<hbm>>
        tpu.wait_dma2 semaphore(%arg13 : memref<!tpu.dma_semaphore, #tpu.memory_space<semaphore_mem>>) src(%dma_wait3A_1698 : memref<8x255xf32, #tpu.memory_space<hbm>>) dst(%dma_wait3A_1695 : memref<8x255xf32, #tpu.memory_space<vmem>>)
        %dma_wait3A_1699 = arith.constant 8 : i32
        %dma_wait3A_1700 = arith.constant 0 : i32
        %dma_wait3A_1701 = arith.constant 0 : i32
        %dma_wait3A_1702 = tpu.memref_slice %arg8[%dma_wait3A_1699, %dma_wait3A_1700, %dma_wait3A_1701] : memref<12x8x255xf32, #tpu.memory_space<vmem>> -> memref<1x8x255xf32, #tpu.memory_space<vmem>>
        %dma_wait3A_1703 = tpu.memref_squeeze %dma_wait3A_1702 : memref<1x8x255xf32, #tpu.memory_space<vmem>> -> memref<8x255xf32, #tpu.memory_space<vmem>>
        %dma_wait3A_1704 = arith.constant 0 : i32
        %dma_wait3A_1705 = tpu.memref_slice %arg3[%add3A_1386, %multiple_of3A, %dma_wait3A_1704] : memref<48x255x255xf32, #tpu.memory_space<hbm>> -> memref<1x8x255xf32, #tpu.memory_space<hbm>>
        %dma_wait3A_1706 = tpu.memref_squeeze %dma_wait3A_1705 : memref<1x8x255xf32, #tpu.memory_space<hbm>> -> memref<8x255xf32, #tpu.memory_space<hbm>>
        %dma_wait3A_1707 = arith.constant 0 : i32
        %dma_wait3A_1708 = arith.constant 0 : i32
        %dma_wait3A_1709 = tpu.memref_slice %arg8[%dma_wait3A_1699, %dma_wait3A_1707, %dma_wait3A_1708] : memref<12x8x255xf32, #tpu.memory_space<vmem>> -> memref<1x8x255xf32, #tpu.memory_space<vmem>>
        %dma_wait3A_1710 = tpu.memref_squeeze %dma_wait3A_1709 : memref<1x8x255xf32, #tpu.memory_space<vmem>> -> memref<8x255xf32, #tpu.memory_space<vmem>>
        %dma_wait3A_1711 = arith.constant 0 : i32
        %dma_wait3A_1712 = tpu.memref_slice %arg3[%add3A_1386, %multiple_of3A, %dma_wait3A_1711] : memref<48x255x255xf32, #tpu.memory_space<hbm>> -> memref<1x8x255xf32, #tpu.memory_space<hbm>>
        %dma_wait3A_1713 = tpu.memref_squeeze %dma_wait3A_1712 : memref<1x8x255xf32, #tpu.memory_space<hbm>> -> memref<8x255xf32, #tpu.memory_space<hbm>>
        tpu.wait_dma2 semaphore(%arg13 : memref<!tpu.dma_semaphore, #tpu.memory_space<semaphore_mem>>) src(%dma_wait3A_1713 : memref<8x255xf32, #tpu.memory_space<hbm>>) dst(%dma_wait3A_1710 : memref<8x255xf32, #tpu.memory_space<vmem>>)
        %dma_wait3A_1714 = arith.constant 9 : i32
        %dma_wait3A_1715 = arith.constant 0 : i32
        %dma_wait3A_1716 = arith.constant 0 : i32
        %dma_wait3A_1717 = tpu.memref_slice %arg8[%dma_wait3A_1714, %dma_wait3A_1715, %dma_wait3A_1716] : memref<12x8x255xf32, #tpu.memory_space<vmem>> -> memref<1x8x255xf32, #tpu.memory_space<vmem>>
        %dma_wait3A_1718 = tpu.memref_squeeze %dma_wait3A_1717 : memref<1x8x255xf32, #tpu.memory_space<vmem>> -> memref<8x255xf32, #tpu.memory_space<vmem>>
        %dma_wait3A_1719 = arith.constant 0 : i32
        %dma_wait3A_1720 = tpu.memref_slice %arg3[%add3A_1390, %multiple_of3A, %dma_wait3A_1719] : memref<48x255x255xf32, #tpu.memory_space<hbm>> -> memref<1x8x255xf32, #tpu.memory_space<hbm>>
        %dma_wait3A_1721 = tpu.memref_squeeze %dma_wait3A_1720 : memref<1x8x255xf32, #tpu.memory_space<hbm>> -> memref<8x255xf32, #tpu.memory_space<hbm>>
        %dma_wait3A_1722 = arith.constant 0 : i32
        %dma_wait3A_1723 = arith.constant 0 : i32
        %dma_wait3A_1724 = tpu.memref_slice %arg8[%dma_wait3A_1714, %dma_wait3A_1722, %dma_wait3A_1723] : memref<12x8x255xf32, #tpu.memory_space<vmem>> -> memref<1x8x255xf32, #tpu.memory_space<vmem>>
        %dma_wait3A_1725 = tpu.memref_squeeze %dma_wait3A_1724 : memref<1x8x255xf32, #tpu.memory_space<vmem>> -> memref<8x255xf32, #tpu.memory_space<vmem>>
        %dma_wait3A_1726 = arith.constant 0 : i32
        %dma_wait3A_1727 = tpu.memref_slice %arg3[%add3A_1390, %multiple_of3A, %dma_wait3A_1726] : memref<48x255x255xf32, #tpu.memory_space<hbm>> -> memref<1x8x255xf32, #tpu.memory_space<hbm>>
        %dma_wait3A_1728 = tpu.memref_squeeze %dma_wait3A_1727 : memref<1x8x255xf32, #tpu.memory_space<hbm>> -> memref<8x255xf32, #tpu.memory_space<hbm>>
        tpu.wait_dma2 semaphore(%arg13 : memref<!tpu.dma_semaphore, #tpu.memory_space<semaphore_mem>>) src(%dma_wait3A_1728 : memref<8x255xf32, #tpu.memory_space<hbm>>) dst(%dma_wait3A_1725 : memref<8x255xf32, #tpu.memory_space<vmem>>)
        %dma_wait3A_1729 = arith.constant 10 : i32
        %dma_wait3A_1730 = arith.constant 0 : i32
        %dma_wait3A_1731 = arith.constant 0 : i32
        %dma_wait3A_1732 = tpu.memref_slice %arg8[%dma_wait3A_1729, %dma_wait3A_1730, %dma_wait3A_1731] : memref<12x8x255xf32, #tpu.memory_space<vmem>> -> memref<1x8x255xf32, #tpu.memory_space<vmem>>
        %dma_wait3A_1733 = tpu.memref_squeeze %dma_wait3A_1732 : memref<1x8x255xf32, #tpu.memory_space<vmem>> -> memref<8x255xf32, #tpu.memory_space<vmem>>
        %dma_wait3A_1734 = arith.constant 0 : i32
        %dma_wait3A_1735 = tpu.memref_slice %arg3[%add3A_1394, %multiple_of3A, %dma_wait3A_1734] : memref<48x255x255xf32, #tpu.memory_space<hbm>> -> memref<1x8x255xf32, #tpu.memory_space<hbm>>
        %dma_wait3A_1736 = tpu.memref_squeeze %dma_wait3A_1735 : memref<1x8x255xf32, #tpu.memory_space<hbm>> -> memref<8x255xf32, #tpu.memory_space<hbm>>
        %dma_wait3A_1737 = arith.constant 0 : i32
        %dma_wait3A_1738 = arith.constant 0 : i32
        %dma_wait3A_1739 = tpu.memref_slice %arg8[%dma_wait3A_1729, %dma_wait3A_1737, %dma_wait3A_1738] : memref<12x8x255xf32, #tpu.memory_space<vmem>> -> memref<1x8x255xf32, #tpu.memory_space<vmem>>
        %dma_wait3A_1740 = tpu.memref_squeeze %dma_wait3A_1739 : memref<1x8x255xf32, #tpu.memory_space<vmem>> -> memref<8x255xf32, #tpu.memory_space<vmem>>
        %dma_wait3A_1741 = arith.constant 0 : i32
        %dma_wait3A_1742 = tpu.memref_slice %arg3[%add3A_1394, %multiple_of3A, %dma_wait3A_1741] : memref<48x255x255xf32, #tpu.memory_space<hbm>> -> memref<1x8x255xf32, #tpu.memory_space<hbm>>
        %dma_wait3A_1743 = tpu.memref_squeeze %dma_wait3A_1742 : memref<1x8x255xf32, #tpu.memory_space<hbm>> -> memref<8x255xf32, #tpu.memory_space<hbm>>
        tpu.wait_dma2 semaphore(%arg13 : memref<!tpu.dma_semaphore, #tpu.memory_space<semaphore_mem>>) src(%dma_wait3A_1743 : memref<8x255xf32, #tpu.memory_space<hbm>>) dst(%dma_wait3A_1740 : memref<8x255xf32, #tpu.memory_space<vmem>>)
        %dma_wait3A_1744 = arith.constant 11 : i32
        %dma_wait3A_1745 = arith.constant 0 : i32
        %dma_wait3A_1746 = arith.constant 0 : i32
        %dma_wait3A_1747 = tpu.memref_slice %arg8[%dma_wait3A_1744, %dma_wait3A_1745, %dma_wait3A_1746] : memref<12x8x255xf32, #tpu.memory_space<vmem>> -> memref<1x8x255xf32, #tpu.memory_space<vmem>>
        %dma_wait3A_1748 = tpu.memref_squeeze %dma_wait3A_1747 : memref<1x8x255xf32, #tpu.memory_space<vmem>> -> memref<8x255xf32, #tpu.memory_space<vmem>>
        %dma_wait3A_1749 = arith.constant 0 : i32
        %dma_wait3A_1750 = tpu.memref_slice %arg3[%add3A_1398, %multiple_of3A, %dma_wait3A_1749] : memref<48x255x255xf32, #tpu.memory_space<hbm>> -> memref<1x8x255xf32, #tpu.memory_space<hbm>>
        %dma_wait3A_1751 = tpu.memref_squeeze %dma_wait3A_1750 : memref<1x8x255xf32, #tpu.memory_space<hbm>> -> memref<8x255xf32, #tpu.memory_space<hbm>>
        %dma_wait3A_1752 = arith.constant 0 : i32
        %dma_wait3A_1753 = arith.constant 0 : i32
        %dma_wait3A_1754 = tpu.memref_slice %arg8[%dma_wait3A_1744, %dma_wait3A_1752, %dma_wait3A_1753] : memref<12x8x255xf32, #tpu.memory_space<vmem>> -> memref<1x8x255xf32, #tpu.memory_space<vmem>>
        %dma_wait3A_1755 = tpu.memref_squeeze %dma_wait3A_1754 : memref<1x8x255xf32, #tpu.memory_space<vmem>> -> memref<8x255xf32, #tpu.memory_space<vmem>>
        %dma_wait3A_1756 = arith.constant 0 : i32
        %dma_wait3A_1757 = tpu.memref_slice %arg3[%add3A_1398, %multiple_of3A, %dma_wait3A_1756] : memref<48x255x255xf32, #tpu.memory_space<hbm>> -> memref<1x8x255xf32, #tpu.memory_space<hbm>>
        %dma_wait3A_1758 = tpu.memref_squeeze %dma_wait3A_1757 : memref<1x8x255xf32, #tpu.memory_space<hbm>> -> memref<8x255xf32, #tpu.memory_space<hbm>>
        tpu.wait_dma2 semaphore(%arg13 : memref<!tpu.dma_semaphore, #tpu.memory_space<semaphore_mem>>) src(%dma_wait3A_1758 : memref<8x255xf32, #tpu.memory_space<hbm>>) dst(%dma_wait3A_1755 : memref<8x255xf32, #tpu.memory_space<vmem>>)
      } else {
      }
      %convert_element_type3A_1099 = arith.extui %eq3A_91 : i1 to i32
      %cond3A_1100 = arith.constant 0 : i32
      %cond3A_1101 = arith.cmpi ne, %convert_element_type3A_1099, %cond3A_1100 : i32
      scf.if %cond3A_1101 {
        %mul3A_1351 = arith.constant 12 : i32
        %mul3A_1352 = arith.muli %select_n3A, %mul3A_1351 : i32
        %add3A_1353 = arith.constant 0 : i32
        %add3A_1354 = arith.addi %mul3A_1352, %add3A_1353 : i32
        %mul3A_1355 = arith.constant 12 : i32
        %mul3A_1356 = arith.muli %select_n3A, %mul3A_1355 : i32
        %add3A_1357 = arith.constant 1 : i32
        %add3A_1358 = arith.addi %mul3A_1356, %add3A_1357 : i32
        %mul3A_1359 = arith.constant 12 : i32
        %mul3A_1360 = arith.muli %select_n3A, %mul3A_1359 : i32
        %add3A_1361 = arith.constant 2 : i32
        %add3A_1362 = arith.addi %mul3A_1360, %add3A_1361 : i32
        %mul3A_1363 = arith.constant 12 : i32
        %mul3A_1364 = arith.muli %select_n3A, %mul3A_1363 : i32
        %add3A_1365 = arith.constant 3 : i32
        %add3A_1366 = arith.addi %mul3A_1364, %add3A_1365 : i32
        %mul3A_1367 = arith.constant 12 : i32
        %mul3A_1368 = arith.muli %select_n3A, %mul3A_1367 : i32
        %add3A_1369 = arith.constant 4 : i32
        %add3A_1370 = arith.addi %mul3A_1368, %add3A_1369 : i32
        %mul3A_1371 = arith.constant 12 : i32
        %mul3A_1372 = arith.muli %select_n3A, %mul3A_1371 : i32
        %add3A_1373 = arith.constant 5 : i32
        %add3A_1374 = arith.addi %mul3A_1372, %add3A_1373 : i32
        %mul3A_1375 = arith.constant 12 : i32
        %mul3A_1376 = arith.muli %select_n3A, %mul3A_1375 : i32
        %add3A_1377 = arith.constant 6 : i32
        %add3A_1378 = arith.addi %mul3A_1376, %add3A_1377 : i32
        %mul3A_1379 = arith.constant 12 : i32
        %mul3A_1380 = arith.muli %select_n3A, %mul3A_1379 : i32
        %add3A_1381 = arith.constant 7 : i32
        %add3A_1382 = arith.addi %mul3A_1380, %add3A_1381 : i32
        %mul3A_1383 = arith.constant 12 : i32
        %mul3A_1384 = arith.muli %select_n3A, %mul3A_1383 : i32
        %add3A_1385 = arith.constant 8 : i32
        %add3A_1386 = arith.addi %mul3A_1384, %add3A_1385 : i32
        %mul3A_1387 = arith.constant 12 : i32
        %mul3A_1388 = arith.muli %select_n3A, %mul3A_1387 : i32
        %add3A_1389 = arith.constant 9 : i32
        %add3A_1390 = arith.addi %mul3A_1388, %add3A_1389 : i32
        %mul3A_1391 = arith.constant 12 : i32
        %mul3A_1392 = arith.muli %select_n3A, %mul3A_1391 : i32
        %add3A_1393 = arith.constant 10 : i32
        %add3A_1394 = arith.addi %mul3A_1392, %add3A_1393 : i32
        %mul3A_1395 = arith.constant 12 : i32
        %mul3A_1396 = arith.muli %select_n3A, %mul3A_1395 : i32
        %add3A_1397 = arith.constant 11 : i32
        %add3A_1398 = arith.addi %mul3A_1396, %add3A_1397 : i32
        %dma_start3A_1399 = arith.constant 0 : i32
        %dma_start3A_1400 = arith.constant 0 : i32
        %dma_start3A_1401 = arith.constant 0 : i32
        %dma_start3A_1402 = tpu.memref_slice %arg8[%dma_start3A_1399, %dma_start3A_1400, %dma_start3A_1401] : memref<12x8x255xf32, #tpu.memory_space<vmem>> -> memref<1x8x255xf32, #tpu.memory_space<vmem>>
        %dma_start3A_1403 = tpu.memref_squeeze %dma_start3A_1402 : memref<1x8x255xf32, #tpu.memory_space<vmem>> -> memref<8x255xf32, #tpu.memory_space<vmem>>
        %dma_start3A_1404 = arith.constant 0 : i32
        %dma_start3A_1405 = arith.constant 0 : i32
        %dma_start3A_1406 = tpu.memref_slice %arg4[%add3A_1354, %dma_start3A_1404, %dma_start3A_1405] : memref<48x8x255xf32, #tpu.memory_space<hbm>> -> memref<1x8x255xf32, #tpu.memory_space<hbm>>
        %dma_start3A_1407 = tpu.memref_squeeze %dma_start3A_1406 : memref<1x8x255xf32, #tpu.memory_space<hbm>> -> memref<8x255xf32, #tpu.memory_space<hbm>>
        %dma_start3A_1408 = arith.constant 0 : i32
        %dma_start3A_1409 = arith.constant 0 : i32
        %dma_start3A_1410 = tpu.memref_slice %arg8[%dma_start3A_1399, %dma_start3A_1408, %dma_start3A_1409] : memref<12x8x255xf32, #tpu.memory_space<vmem>> -> memref<1x8x255xf32, #tpu.memory_space<vmem>>
        %dma_start3A_1411 = tpu.memref_squeeze %dma_start3A_1410 : memref<1x8x255xf32, #tpu.memory_space<vmem>> -> memref<8x255xf32, #tpu.memory_space<vmem>>
        %dma_start3A_1412 = arith.constant 0 : i32
        %dma_start3A_1413 = arith.constant 0 : i32
        %dma_start3A_1414 = tpu.memref_slice %arg4[%add3A_1354, %dma_start3A_1412, %dma_start3A_1413] : memref<48x8x255xf32, #tpu.memory_space<hbm>> -> memref<1x8x255xf32, #tpu.memory_space<hbm>>
        %dma_start3A_1415 = tpu.memref_squeeze %dma_start3A_1414 : memref<1x8x255xf32, #tpu.memory_space<hbm>> -> memref<8x255xf32, #tpu.memory_space<hbm>>
        tpu.enqueue_dma source(%dma_start3A_1415 : memref<8x255xf32, #tpu.memory_space<hbm>>) target(%dma_start3A_1411 : memref<8x255xf32, #tpu.memory_space<vmem>>) target_semaphore(%arg13 : memref<!tpu.dma_semaphore, #tpu.memory_space<semaphore_mem>>)
        %dma_start3A_1416 = arith.constant 1 : i32
        %dma_start3A_1417 = arith.constant 0 : i32
        %dma_start3A_1418 = arith.constant 0 : i32
        %dma_start3A_1419 = tpu.memref_slice %arg8[%dma_start3A_1416, %dma_start3A_1417, %dma_start3A_1418] : memref<12x8x255xf32, #tpu.memory_space<vmem>> -> memref<1x8x255xf32, #tpu.memory_space<vmem>>
        %dma_start3A_1420 = tpu.memref_squeeze %dma_start3A_1419 : memref<1x8x255xf32, #tpu.memory_space<vmem>> -> memref<8x255xf32, #tpu.memory_space<vmem>>
        %dma_start3A_1421 = arith.constant 0 : i32
        %dma_start3A_1422 = arith.constant 0 : i32
        %dma_start3A_1423 = tpu.memref_slice %arg4[%add3A_1358, %dma_start3A_1421, %dma_start3A_1422] : memref<48x8x255xf32, #tpu.memory_space<hbm>> -> memref<1x8x255xf32, #tpu.memory_space<hbm>>
        %dma_start3A_1424 = tpu.memref_squeeze %dma_start3A_1423 : memref<1x8x255xf32, #tpu.memory_space<hbm>> -> memref<8x255xf32, #tpu.memory_space<hbm>>
        %dma_start3A_1425 = arith.constant 0 : i32
        %dma_start3A_1426 = arith.constant 0 : i32
        %dma_start3A_1427 = tpu.memref_slice %arg8[%dma_start3A_1416, %dma_start3A_1425, %dma_start3A_1426] : memref<12x8x255xf32, #tpu.memory_space<vmem>> -> memref<1x8x255xf32, #tpu.memory_space<vmem>>
        %dma_start3A_1428 = tpu.memref_squeeze %dma_start3A_1427 : memref<1x8x255xf32, #tpu.memory_space<vmem>> -> memref<8x255xf32, #tpu.memory_space<vmem>>
        %dma_start3A_1429 = arith.constant 0 : i32
        %dma_start3A_1430 = arith.constant 0 : i32
        %dma_start3A_1431 = tpu.memref_slice %arg4[%add3A_1358, %dma_start3A_1429, %dma_start3A_1430] : memref<48x8x255xf32, #tpu.memory_space<hbm>> -> memref<1x8x255xf32, #tpu.memory_space<hbm>>
        %dma_start3A_1432 = tpu.memref_squeeze %dma_start3A_1431 : memref<1x8x255xf32, #tpu.memory_space<hbm>> -> memref<8x255xf32, #tpu.memory_space<hbm>>
        tpu.enqueue_dma source(%dma_start3A_1432 : memref<8x255xf32, #tpu.memory_space<hbm>>) target(%dma_start3A_1428 : memref<8x255xf32, #tpu.memory_space<vmem>>) target_semaphore(%arg13 : memref<!tpu.dma_semaphore, #tpu.memory_space<semaphore_mem>>)
        %dma_start3A_1433 = arith.constant 2 : i32
        %dma_start3A_1434 = arith.constant 0 : i32
        %dma_start3A_1435 = arith.constant 0 : i32
        %dma_start3A_1436 = tpu.memref_slice %arg8[%dma_start3A_1433, %dma_start3A_1434, %dma_start3A_1435] : memref<12x8x255xf32, #tpu.memory_space<vmem>> -> memref<1x8x255xf32, #tpu.memory_space<vmem>>
        %dma_start3A_1437 = tpu.memref_squeeze %dma_start3A_1436 : memref<1x8x255xf32, #tpu.memory_space<vmem>> -> memref<8x255xf32, #tpu.memory_space<vmem>>
        %dma_start3A_1438 = arith.constant 0 : i32
        %dma_start3A_1439 = arith.constant 0 : i32
        %dma_start3A_1440 = tpu.memref_slice %arg4[%add3A_1362, %dma_start3A_1438, %dma_start3A_1439] : memref<48x8x255xf32, #tpu.memory_space<hbm>> -> memref<1x8x255xf32, #tpu.memory_space<hbm>>
        %dma_start3A_1441 = tpu.memref_squeeze %dma_start3A_1440 : memref<1x8x255xf32, #tpu.memory_space<hbm>> -> memref<8x255xf32, #tpu.memory_space<hbm>>
        %dma_start3A_1442 = arith.constant 0 : i32
        %dma_start3A_1443 = arith.constant 0 : i32
        %dma_start3A_1444 = tpu.memref_slice %arg8[%dma_start3A_1433, %dma_start3A_1442, %dma_start3A_1443] : memref<12x8x255xf32, #tpu.memory_space<vmem>> -> memref<1x8x255xf32, #tpu.memory_space<vmem>>
        %dma_start3A_1445 = tpu.memref_squeeze %dma_start3A_1444 : memref<1x8x255xf32, #tpu.memory_space<vmem>> -> memref<8x255xf32, #tpu.memory_space<vmem>>
        %dma_start3A_1446 = arith.constant 0 : i32
        %dma_start3A_1447 = arith.constant 0 : i32
        %dma_start3A_1448 = tpu.memref_slice %arg4[%add3A_1362, %dma_start3A_1446, %dma_start3A_1447] : memref<48x8x255xf32, #tpu.memory_space<hbm>> -> memref<1x8x255xf32, #tpu.memory_space<hbm>>
        %dma_start3A_1449 = tpu.memref_squeeze %dma_start3A_1448 : memref<1x8x255xf32, #tpu.memory_space<hbm>> -> memref<8x255xf32, #tpu.memory_space<hbm>>
        tpu.enqueue_dma source(%dma_start3A_1449 : memref<8x255xf32, #tpu.memory_space<hbm>>) target(%dma_start3A_1445 : memref<8x255xf32, #tpu.memory_space<vmem>>) target_semaphore(%arg13 : memref<!tpu.dma_semaphore, #tpu.memory_space<semaphore_mem>>)
        %dma_start3A_1450 = arith.constant 3 : i32
        %dma_start3A_1451 = arith.constant 0 : i32
        %dma_start3A_1452 = arith.constant 0 : i32
        %dma_start3A_1453 = tpu.memref_slice %arg8[%dma_start3A_1450, %dma_start3A_1451, %dma_start3A_1452] : memref<12x8x255xf32, #tpu.memory_space<vmem>> -> memref<1x8x255xf32, #tpu.memory_space<vmem>>
        %dma_start3A_1454 = tpu.memref_squeeze %dma_start3A_1453 : memref<1x8x255xf32, #tpu.memory_space<vmem>> -> memref<8x255xf32, #tpu.memory_space<vmem>>
        %dma_start3A_1455 = arith.constant 0 : i32
        %dma_start3A_1456 = arith.constant 0 : i32
        %dma_start3A_1457 = tpu.memref_slice %arg4[%add3A_1366, %dma_start3A_1455, %dma_start3A_1456] : memref<48x8x255xf32, #tpu.memory_space<hbm>> -> memref<1x8x255xf32, #tpu.memory_space<hbm>>
        %dma_start3A_1458 = tpu.memref_squeeze %dma_start3A_1457 : memref<1x8x255xf32, #tpu.memory_space<hbm>> -> memref<8x255xf32, #tpu.memory_space<hbm>>
        %dma_start3A_1459 = arith.constant 0 : i32
        %dma_start3A_1460 = arith.constant 0 : i32
        %dma_start3A_1461 = tpu.memref_slice %arg8[%dma_start3A_1450, %dma_start3A_1459, %dma_start3A_1460] : memref<12x8x255xf32, #tpu.memory_space<vmem>> -> memref<1x8x255xf32, #tpu.memory_space<vmem>>
        %dma_start3A_1462 = tpu.memref_squeeze %dma_start3A_1461 : memref<1x8x255xf32, #tpu.memory_space<vmem>> -> memref<8x255xf32, #tpu.memory_space<vmem>>
        %dma_start3A_1463 = arith.constant 0 : i32
        %dma_start3A_1464 = arith.constant 0 : i32
        %dma_start3A_1465 = tpu.memref_slice %arg4[%add3A_1366, %dma_start3A_1463, %dma_start3A_1464] : memref<48x8x255xf32, #tpu.memory_space<hbm>> -> memref<1x8x255xf32, #tpu.memory_space<hbm>>
        %dma_start3A_1466 = tpu.memref_squeeze %dma_start3A_1465 : memref<1x8x255xf32, #tpu.memory_space<hbm>> -> memref<8x255xf32, #tpu.memory_space<hbm>>
        tpu.enqueue_dma source(%dma_start3A_1466 : memref<8x255xf32, #tpu.memory_space<hbm>>) target(%dma_start3A_1462 : memref<8x255xf32, #tpu.memory_space<vmem>>) target_semaphore(%arg13 : memref<!tpu.dma_semaphore, #tpu.memory_space<semaphore_mem>>)
        %dma_start3A_1467 = arith.constant 4 : i32
        %dma_start3A_1468 = arith.constant 0 : i32
        %dma_start3A_1469 = arith.constant 0 : i32
        %dma_start3A_1470 = tpu.memref_slice %arg8[%dma_start3A_1467, %dma_start3A_1468, %dma_start3A_1469] : memref<12x8x255xf32, #tpu.memory_space<vmem>> -> memref<1x8x255xf32, #tpu.memory_space<vmem>>
        %dma_start3A_1471 = tpu.memref_squeeze %dma_start3A_1470 : memref<1x8x255xf32, #tpu.memory_space<vmem>> -> memref<8x255xf32, #tpu.memory_space<vmem>>
        %dma_start3A_1472 = arith.constant 0 : i32
        %dma_start3A_1473 = arith.constant 0 : i32
        %dma_start3A_1474 = tpu.memref_slice %arg4[%add3A_1370, %dma_start3A_1472, %dma_start3A_1473] : memref<48x8x255xf32, #tpu.memory_space<hbm>> -> memref<1x8x255xf32, #tpu.memory_space<hbm>>
        %dma_start3A_1475 = tpu.memref_squeeze %dma_start3A_1474 : memref<1x8x255xf32, #tpu.memory_space<hbm>> -> memref<8x255xf32, #tpu.memory_space<hbm>>
        %dma_start3A_1476 = arith.constant 0 : i32
        %dma_start3A_1477 = arith.constant 0 : i32
        %dma_start3A_1478 = tpu.memref_slice %arg8[%dma_start3A_1467, %dma_start3A_1476, %dma_start3A_1477] : memref<12x8x255xf32, #tpu.memory_space<vmem>> -> memref<1x8x255xf32, #tpu.memory_space<vmem>>
        %dma_start3A_1479 = tpu.memref_squeeze %dma_start3A_1478 : memref<1x8x255xf32, #tpu.memory_space<vmem>> -> memref<8x255xf32, #tpu.memory_space<vmem>>
        %dma_start3A_1480 = arith.constant 0 : i32
        %dma_start3A_1481 = arith.constant 0 : i32
        %dma_start3A_1482 = tpu.memref_slice %arg4[%add3A_1370, %dma_start3A_1480, %dma_start3A_1481] : memref<48x8x255xf32, #tpu.memory_space<hbm>> -> memref<1x8x255xf32, #tpu.memory_space<hbm>>
        %dma_start3A_1483 = tpu.memref_squeeze %dma_start3A_1482 : memref<1x8x255xf32, #tpu.memory_space<hbm>> -> memref<8x255xf32, #tpu.memory_space<hbm>>
        tpu.enqueue_dma source(%dma_start3A_1483 : memref<8x255xf32, #tpu.memory_space<hbm>>) target(%dma_start3A_1479 : memref<8x255xf32, #tpu.memory_space<vmem>>) target_semaphore(%arg13 : memref<!tpu.dma_semaphore, #tpu.memory_space<semaphore_mem>>)
        %dma_start3A_1484 = arith.constant 5 : i32
        %dma_start3A_1485 = arith.constant 0 : i32
        %dma_start3A_1486 = arith.constant 0 : i32
        %dma_start3A_1487 = tpu.memref_slice %arg8[%dma_start3A_1484, %dma_start3A_1485, %dma_start3A_1486] : memref<12x8x255xf32, #tpu.memory_space<vmem>> -> memref<1x8x255xf32, #tpu.memory_space<vmem>>
        %dma_start3A_1488 = tpu.memref_squeeze %dma_start3A_1487 : memref<1x8x255xf32, #tpu.memory_space<vmem>> -> memref<8x255xf32, #tpu.memory_space<vmem>>
        %dma_start3A_1489 = arith.constant 0 : i32
        %dma_start3A_1490 = arith.constant 0 : i32
        %dma_start3A_1491 = tpu.memref_slice %arg4[%add3A_1374, %dma_start3A_1489, %dma_start3A_1490] : memref<48x8x255xf32, #tpu.memory_space<hbm>> -> memref<1x8x255xf32, #tpu.memory_space<hbm>>
        %dma_start3A_1492 = tpu.memref_squeeze %dma_start3A_1491 : memref<1x8x255xf32, #tpu.memory_space<hbm>> -> memref<8x255xf32, #tpu.memory_space<hbm>>
        %dma_start3A_1493 = arith.constant 0 : i32
        %dma_start3A_1494 = arith.constant 0 : i32
        %dma_start3A_1495 = tpu.memref_slice %arg8[%dma_start3A_1484, %dma_start3A_1493, %dma_start3A_1494] : memref<12x8x255xf32, #tpu.memory_space<vmem>> -> memref<1x8x255xf32, #tpu.memory_space<vmem>>
        %dma_start3A_1496 = tpu.memref_squeeze %dma_start3A_1495 : memref<1x8x255xf32, #tpu.memory_space<vmem>> -> memref<8x255xf32, #tpu.memory_space<vmem>>
        %dma_start3A_1497 = arith.constant 0 : i32
        %dma_start3A_1498 = arith.constant 0 : i32
        %dma_start3A_1499 = tpu.memref_slice %arg4[%add3A_1374, %dma_start3A_1497, %dma_start3A_1498] : memref<48x8x255xf32, #tpu.memory_space<hbm>> -> memref<1x8x255xf32, #tpu.memory_space<hbm>>
        %dma_start3A_1500 = tpu.memref_squeeze %dma_start3A_1499 : memref<1x8x255xf32, #tpu.memory_space<hbm>> -> memref<8x255xf32, #tpu.memory_space<hbm>>
        tpu.enqueue_dma source(%dma_start3A_1500 : memref<8x255xf32, #tpu.memory_space<hbm>>) target(%dma_start3A_1496 : memref<8x255xf32, #tpu.memory_space<vmem>>) target_semaphore(%arg13 : memref<!tpu.dma_semaphore, #tpu.memory_space<semaphore_mem>>)
        %dma_start3A_1501 = arith.constant 6 : i32
        %dma_start3A_1502 = arith.constant 0 : i32
        %dma_start3A_1503 = arith.constant 0 : i32
        %dma_start3A_1504 = tpu.memref_slice %arg8[%dma_start3A_1501, %dma_start3A_1502, %dma_start3A_1503] : memref<12x8x255xf32, #tpu.memory_space<vmem>> -> memref<1x8x255xf32, #tpu.memory_space<vmem>>
        %dma_start3A_1505 = tpu.memref_squeeze %dma_start3A_1504 : memref<1x8x255xf32, #tpu.memory_space<vmem>> -> memref<8x255xf32, #tpu.memory_space<vmem>>
        %dma_start3A_1506 = arith.constant 0 : i32
        %dma_start3A_1507 = arith.constant 0 : i32
        %dma_start3A_1508 = tpu.memref_slice %arg4[%add3A_1378, %dma_start3A_1506, %dma_start3A_1507] : memref<48x8x255xf32, #tpu.memory_space<hbm>> -> memref<1x8x255xf32, #tpu.memory_space<hbm>>
        %dma_start3A_1509 = tpu.memref_squeeze %dma_start3A_1508 : memref<1x8x255xf32, #tpu.memory_space<hbm>> -> memref<8x255xf32, #tpu.memory_space<hbm>>
        %dma_start3A_1510 = arith.constant 0 : i32
        %dma_start3A_1511 = arith.constant 0 : i32
        %dma_start3A_1512 = tpu.memref_slice %arg8[%dma_start3A_1501, %dma_start3A_1510, %dma_start3A_1511] : memref<12x8x255xf32, #tpu.memory_space<vmem>> -> memref<1x8x255xf32, #tpu.memory_space<vmem>>
        %dma_start3A_1513 = tpu.memref_squeeze %dma_start3A_1512 : memref<1x8x255xf32, #tpu.memory_space<vmem>> -> memref<8x255xf32, #tpu.memory_space<vmem>>
        %dma_start3A_1514 = arith.constant 0 : i32
        %dma_start3A_1515 = arith.constant 0 : i32
        %dma_start3A_1516 = tpu.memref_slice %arg4[%add3A_1378, %dma_start3A_1514, %dma_start3A_1515] : memref<48x8x255xf32, #tpu.memory_space<hbm>> -> memref<1x8x255xf32, #tpu.memory_space<hbm>>
        %dma_start3A_1517 = tpu.memref_squeeze %dma_start3A_1516 : memref<1x8x255xf32, #tpu.memory_space<hbm>> -> memref<8x255xf32, #tpu.memory_space<hbm>>
        tpu.enqueue_dma source(%dma_start3A_1517 : memref<8x255xf32, #tpu.memory_space<hbm>>) target(%dma_start3A_1513 : memref<8x255xf32, #tpu.memory_space<vmem>>) target_semaphore(%arg13 : memref<!tpu.dma_semaphore, #tpu.memory_space<semaphore_mem>>)
        %dma_start3A_1518 = arith.constant 7 : i32
        %dma_start3A_1519 = arith.constant 0 : i32
        %dma_start3A_1520 = arith.constant 0 : i32
        %dma_start3A_1521 = tpu.memref_slice %arg8[%dma_start3A_1518, %dma_start3A_1519, %dma_start3A_1520] : memref<12x8x255xf32, #tpu.memory_space<vmem>> -> memref<1x8x255xf32, #tpu.memory_space<vmem>>
        %dma_start3A_1522 = tpu.memref_squeeze %dma_start3A_1521 : memref<1x8x255xf32, #tpu.memory_space<vmem>> -> memref<8x255xf32, #tpu.memory_space<vmem>>
        %dma_start3A_1523 = arith.constant 0 : i32
        %dma_start3A_1524 = arith.constant 0 : i32
        %dma_start3A_1525 = tpu.memref_slice %arg4[%add3A_1382, %dma_start3A_1523, %dma_start3A_1524] : memref<48x8x255xf32, #tpu.memory_space<hbm>> -> memref<1x8x255xf32, #tpu.memory_space<hbm>>
        %dma_start3A_1526 = tpu.memref_squeeze %dma_start3A_1525 : memref<1x8x255xf32, #tpu.memory_space<hbm>> -> memref<8x255xf32, #tpu.memory_space<hbm>>
        %dma_start3A_1527 = arith.constant 0 : i32
        %dma_start3A_1528 = arith.constant 0 : i32
        %dma_start3A_1529 = tpu.memref_slice %arg8[%dma_start3A_1518, %dma_start3A_1527, %dma_start3A_1528] : memref<12x8x255xf32, #tpu.memory_space<vmem>> -> memref<1x8x255xf32, #tpu.memory_space<vmem>>
        %dma_start3A_1530 = tpu.memref_squeeze %dma_start3A_1529 : memref<1x8x255xf32, #tpu.memory_space<vmem>> -> memref<8x255xf32, #tpu.memory_space<vmem>>
        %dma_start3A_1531 = arith.constant 0 : i32
        %dma_start3A_1532 = arith.constant 0 : i32
        %dma_start3A_1533 = tpu.memref_slice %arg4[%add3A_1382, %dma_start3A_1531, %dma_start3A_1532] : memref<48x8x255xf32, #tpu.memory_space<hbm>> -> memref<1x8x255xf32, #tpu.memory_space<hbm>>
        %dma_start3A_1534 = tpu.memref_squeeze %dma_start3A_1533 : memref<1x8x255xf32, #tpu.memory_space<hbm>> -> memref<8x255xf32, #tpu.memory_space<hbm>>
        tpu.enqueue_dma source(%dma_start3A_1534 : memref<8x255xf32, #tpu.memory_space<hbm>>) target(%dma_start3A_1530 : memref<8x255xf32, #tpu.memory_space<vmem>>) target_semaphore(%arg13 : memref<!tpu.dma_semaphore, #tpu.memory_space<semaphore_mem>>)
        %dma_start3A_1535 = arith.constant 8 : i32
        %dma_start3A_1536 = arith.constant 0 : i32
        %dma_start3A_1537 = arith.constant 0 : i32
        %dma_start3A_1538 = tpu.memref_slice %arg8[%dma_start3A_1535, %dma_start3A_1536, %dma_start3A_1537] : memref<12x8x255xf32, #tpu.memory_space<vmem>> -> memref<1x8x255xf32, #tpu.memory_space<vmem>>
        %dma_start3A_1539 = tpu.memref_squeeze %dma_start3A_1538 : memref<1x8x255xf32, #tpu.memory_space<vmem>> -> memref<8x255xf32, #tpu.memory_space<vmem>>
        %dma_start3A_1540 = arith.constant 0 : i32
        %dma_start3A_1541 = arith.constant 0 : i32
        %dma_start3A_1542 = tpu.memref_slice %arg4[%add3A_1386, %dma_start3A_1540, %dma_start3A_1541] : memref<48x8x255xf32, #tpu.memory_space<hbm>> -> memref<1x8x255xf32, #tpu.memory_space<hbm>>
        %dma_start3A_1543 = tpu.memref_squeeze %dma_start3A_1542 : memref<1x8x255xf32, #tpu.memory_space<hbm>> -> memref<8x255xf32, #tpu.memory_space<hbm>>
        %dma_start3A_1544 = arith.constant 0 : i32
        %dma_start3A_1545 = arith.constant 0 : i32
        %dma_start3A_1546 = tpu.memref_slice %arg8[%dma_start3A_1535, %dma_start3A_1544, %dma_start3A_1545] : memref<12x8x255xf32, #tpu.memory_space<vmem>> -> memref<1x8x255xf32, #tpu.memory_space<vmem>>
        %dma_start3A_1547 = tpu.memref_squeeze %dma_start3A_1546 : memref<1x8x255xf32, #tpu.memory_space<vmem>> -> memref<8x255xf32, #tpu.memory_space<vmem>>
        %dma_start3A_1548 = arith.constant 0 : i32
        %dma_start3A_1549 = arith.constant 0 : i32
        %dma_start3A_1550 = tpu.memref_slice %arg4[%add3A_1386, %dma_start3A_1548, %dma_start3A_1549] : memref<48x8x255xf32, #tpu.memory_space<hbm>> -> memref<1x8x255xf32, #tpu.memory_space<hbm>>
        %dma_start3A_1551 = tpu.memref_squeeze %dma_start3A_1550 : memref<1x8x255xf32, #tpu.memory_space<hbm>> -> memref<8x255xf32, #tpu.memory_space<hbm>>
        tpu.enqueue_dma source(%dma_start3A_1551 : memref<8x255xf32, #tpu.memory_space<hbm>>) target(%dma_start3A_1547 : memref<8x255xf32, #tpu.memory_space<vmem>>) target_semaphore(%arg13 : memref<!tpu.dma_semaphore, #tpu.memory_space<semaphore_mem>>)
        %dma_start3A_1552 = arith.constant 9 : i32
        %dma_start3A_1553 = arith.constant 0 : i32
        %dma_start3A_1554 = arith.constant 0 : i32
        %dma_start3A_1555 = tpu.memref_slice %arg8[%dma_start3A_1552, %dma_start3A_1553, %dma_start3A_1554] : memref<12x8x255xf32, #tpu.memory_space<vmem>> -> memref<1x8x255xf32, #tpu.memory_space<vmem>>
        %dma_start3A_1556 = tpu.memref_squeeze %dma_start3A_1555 : memref<1x8x255xf32, #tpu.memory_space<vmem>> -> memref<8x255xf32, #tpu.memory_space<vmem>>
        %dma_start3A_1557 = arith.constant 0 : i32
        %dma_start3A_1558 = arith.constant 0 : i32
        %dma_start3A_1559 = tpu.memref_slice %arg4[%add3A_1390, %dma_start3A_1557, %dma_start3A_1558] : memref<48x8x255xf32, #tpu.memory_space<hbm>> -> memref<1x8x255xf32, #tpu.memory_space<hbm>>
        %dma_start3A_1560 = tpu.memref_squeeze %dma_start3A_1559 : memref<1x8x255xf32, #tpu.memory_space<hbm>> -> memref<8x255xf32, #tpu.memory_space<hbm>>
        %dma_start3A_1561 = arith.constant 0 : i32
        %dma_start3A_1562 = arith.constant 0 : i32
        %dma_start3A_1563 = tpu.memref_slice %arg8[%dma_start3A_1552, %dma_start3A_1561, %dma_start3A_1562] : memref<12x8x255xf32, #tpu.memory_space<vmem>> -> memref<1x8x255xf32, #tpu.memory_space<vmem>>
        %dma_start3A_1564 = tpu.memref_squeeze %dma_start3A_1563 : memref<1x8x255xf32, #tpu.memory_space<vmem>> -> memref<8x255xf32, #tpu.memory_space<vmem>>
        %dma_start3A_1565 = arith.constant 0 : i32
        %dma_start3A_1566 = arith.constant 0 : i32
        %dma_start3A_1567 = tpu.memref_slice %arg4[%add3A_1390, %dma_start3A_1565, %dma_start3A_1566] : memref<48x8x255xf32, #tpu.memory_space<hbm>> -> memref<1x8x255xf32, #tpu.memory_space<hbm>>
        %dma_start3A_1568 = tpu.memref_squeeze %dma_start3A_1567 : memref<1x8x255xf32, #tpu.memory_space<hbm>> -> memref<8x255xf32, #tpu.memory_space<hbm>>
        tpu.enqueue_dma source(%dma_start3A_1568 : memref<8x255xf32, #tpu.memory_space<hbm>>) target(%dma_start3A_1564 : memref<8x255xf32, #tpu.memory_space<vmem>>) target_semaphore(%arg13 : memref<!tpu.dma_semaphore, #tpu.memory_space<semaphore_mem>>)
        %dma_start3A_1569 = arith.constant 10 : i32
        %dma_start3A_1570 = arith.constant 0 : i32
        %dma_start3A_1571 = arith.constant 0 : i32
        %dma_start3A_1572 = tpu.memref_slice %arg8[%dma_start3A_1569, %dma_start3A_1570, %dma_start3A_1571] : memref<12x8x255xf32, #tpu.memory_space<vmem>> -> memref<1x8x255xf32, #tpu.memory_space<vmem>>
        %dma_start3A_1573 = tpu.memref_squeeze %dma_start3A_1572 : memref<1x8x255xf32, #tpu.memory_space<vmem>> -> memref<8x255xf32, #tpu.memory_space<vmem>>
        %dma_start3A_1574 = arith.constant 0 : i32
        %dma_start3A_1575 = arith.constant 0 : i32
        %dma_start3A_1576 = tpu.memref_slice %arg4[%add3A_1394, %dma_start3A_1574, %dma_start3A_1575] : memref<48x8x255xf32, #tpu.memory_space<hbm>> -> memref<1x8x255xf32, #tpu.memory_space<hbm>>
        %dma_start3A_1577 = tpu.memref_squeeze %dma_start3A_1576 : memref<1x8x255xf32, #tpu.memory_space<hbm>> -> memref<8x255xf32, #tpu.memory_space<hbm>>
        %dma_start3A_1578 = arith.constant 0 : i32
        %dma_start3A_1579 = arith.constant 0 : i32
        %dma_start3A_1580 = tpu.memref_slice %arg8[%dma_start3A_1569, %dma_start3A_1578, %dma_start3A_1579] : memref<12x8x255xf32, #tpu.memory_space<vmem>> -> memref<1x8x255xf32, #tpu.memory_space<vmem>>
        %dma_start3A_1581 = tpu.memref_squeeze %dma_start3A_1580 : memref<1x8x255xf32, #tpu.memory_space<vmem>> -> memref<8x255xf32, #tpu.memory_space<vmem>>
        %dma_start3A_1582 = arith.constant 0 : i32
        %dma_start3A_1583 = arith.constant 0 : i32
        %dma_start3A_1584 = tpu.memref_slice %arg4[%add3A_1394, %dma_start3A_1582, %dma_start3A_1583] : memref<48x8x255xf32, #tpu.memory_space<hbm>> -> memref<1x8x255xf32, #tpu.memory_space<hbm>>
        %dma_start3A_1585 = tpu.memref_squeeze %dma_start3A_1584 : memref<1x8x255xf32, #tpu.memory_space<hbm>> -> memref<8x255xf32, #tpu.memory_space<hbm>>
        tpu.enqueue_dma source(%dma_start3A_1585 : memref<8x255xf32, #tpu.memory_space<hbm>>) target(%dma_start3A_1581 : memref<8x255xf32, #tpu.memory_space<vmem>>) target_semaphore(%arg13 : memref<!tpu.dma_semaphore, #tpu.memory_space<semaphore_mem>>)
        %dma_start3A_1586 = arith.constant 11 : i32
        %dma_start3A_1587 = arith.constant 0 : i32
        %dma_start3A_1588 = arith.constant 0 : i32
        %dma_start3A_1589 = tpu.memref_slice %arg8[%dma_start3A_1586, %dma_start3A_1587, %dma_start3A_1588] : memref<12x8x255xf32, #tpu.memory_space<vmem>> -> memref<1x8x255xf32, #tpu.memory_space<vmem>>
        %dma_start3A_1590 = tpu.memref_squeeze %dma_start3A_1589 : memref<1x8x255xf32, #tpu.memory_space<vmem>> -> memref<8x255xf32, #tpu.memory_space<vmem>>
        %dma_start3A_1591 = arith.constant 0 : i32
        %dma_start3A_1592 = arith.constant 0 : i32
        %dma_start3A_1593 = tpu.memref_slice %arg4[%add3A_1398, %dma_start3A_1591, %dma_start3A_1592] : memref<48x8x255xf32, #tpu.memory_space<hbm>> -> memref<1x8x255xf32, #tpu.memory_space<hbm>>
        %dma_start3A_1594 = tpu.memref_squeeze %dma_start3A_1593 : memref<1x8x255xf32, #tpu.memory_space<hbm>> -> memref<8x255xf32, #tpu.memory_space<hbm>>
        %dma_start3A_1595 = arith.constant 0 : i32
        %dma_start3A_1596 = arith.constant 0 : i32
        %dma_start3A_1597 = tpu.memref_slice %arg8[%dma_start3A_1586, %dma_start3A_1595, %dma_start3A_1596] : memref<12x8x255xf32, #tpu.memory_space<vmem>> -> memref<1x8x255xf32, #tpu.memory_space<vmem>>
        %dma_start3A_1598 = tpu.memref_squeeze %dma_start3A_1597 : memref<1x8x255xf32, #tpu.memory_space<vmem>> -> memref<8x255xf32, #tpu.memory_space<vmem>>
        %dma_start3A_1599 = arith.constant 0 : i32
        %dma_start3A_1600 = arith.constant 0 : i32
        %dma_start3A_1601 = tpu.memref_slice %arg4[%add3A_1398, %dma_start3A_1599, %dma_start3A_1600] : memref<48x8x255xf32, #tpu.memory_space<hbm>> -> memref<1x8x255xf32, #tpu.memory_space<hbm>>
        %dma_start3A_1602 = tpu.memref_squeeze %dma_start3A_1601 : memref<1x8x255xf32, #tpu.memory_space<hbm>> -> memref<8x255xf32, #tpu.memory_space<hbm>>
        tpu.enqueue_dma source(%dma_start3A_1602 : memref<8x255xf32, #tpu.memory_space<hbm>>) target(%dma_start3A_1598 : memref<8x255xf32, #tpu.memory_space<vmem>>) target_semaphore(%arg13 : memref<!tpu.dma_semaphore, #tpu.memory_space<semaphore_mem>>)
        %dma_wait3A_1603 = arith.constant 0 : i32
        %dma_wait3A_1604 = arith.constant 0 : i32
        %dma_wait3A_1605 = arith.constant 0 : i32
        %dma_wait3A_1606 = tpu.memref_slice %arg8[%dma_wait3A_1603, %dma_wait3A_1604, %dma_wait3A_1605] : memref<12x8x255xf32, #tpu.memory_space<vmem>> -> memref<1x8x255xf32, #tpu.memory_space<vmem>>
        %dma_wait3A_1607 = tpu.memref_squeeze %dma_wait3A_1606 : memref<1x8x255xf32, #tpu.memory_space<vmem>> -> memref<8x255xf32, #tpu.memory_space<vmem>>
        %dma_wait3A_1608 = arith.constant 0 : i32
        %dma_wait3A_1609 = arith.constant 0 : i32
        %dma_wait3A_1610 = tpu.memref_slice %arg4[%add3A_1354, %dma_wait3A_1608, %dma_wait3A_1609] : memref<48x8x255xf32, #tpu.memory_space<hbm>> -> memref<1x8x255xf32, #tpu.memory_space<hbm>>
        %dma_wait3A_1611 = tpu.memref_squeeze %dma_wait3A_1610 : memref<1x8x255xf32, #tpu.memory_space<hbm>> -> memref<8x255xf32, #tpu.memory_space<hbm>>
        %dma_wait3A_1612 = arith.constant 0 : i32
        %dma_wait3A_1613 = arith.constant 0 : i32
        %dma_wait3A_1614 = tpu.memref_slice %arg8[%dma_wait3A_1603, %dma_wait3A_1612, %dma_wait3A_1613] : memref<12x8x255xf32, #tpu.memory_space<vmem>> -> memref<1x8x255xf32, #tpu.memory_space<vmem>>
        %dma_wait3A_1615 = tpu.memref_squeeze %dma_wait3A_1614 : memref<1x8x255xf32, #tpu.memory_space<vmem>> -> memref<8x255xf32, #tpu.memory_space<vmem>>
        %dma_wait3A_1616 = arith.constant 0 : i32
        %dma_wait3A_1617 = arith.constant 0 : i32
        %dma_wait3A_1618 = tpu.memref_slice %arg4[%add3A_1354, %dma_wait3A_1616, %dma_wait3A_1617] : memref<48x8x255xf32, #tpu.memory_space<hbm>> -> memref<1x8x255xf32, #tpu.memory_space<hbm>>
        %dma_wait3A_1619 = tpu.memref_squeeze %dma_wait3A_1618 : memref<1x8x255xf32, #tpu.memory_space<hbm>> -> memref<8x255xf32, #tpu.memory_space<hbm>>
        tpu.wait_dma2 semaphore(%arg13 : memref<!tpu.dma_semaphore, #tpu.memory_space<semaphore_mem>>) src(%dma_wait3A_1619 : memref<8x255xf32, #tpu.memory_space<hbm>>) dst(%dma_wait3A_1615 : memref<8x255xf32, #tpu.memory_space<vmem>>)
        %dma_wait3A_1620 = arith.constant 1 : i32
        %dma_wait3A_1621 = arith.constant 0 : i32
        %dma_wait3A_1622 = arith.constant 0 : i32
        %dma_wait3A_1623 = tpu.memref_slice %arg8[%dma_wait3A_1620, %dma_wait3A_1621, %dma_wait3A_1622] : memref<12x8x255xf32, #tpu.memory_space<vmem>> -> memref<1x8x255xf32, #tpu.memory_space<vmem>>
        %dma_wait3A_1624 = tpu.memref_squeeze %dma_wait3A_1623 : memref<1x8x255xf32, #tpu.memory_space<vmem>> -> memref<8x255xf32, #tpu.memory_space<vmem>>
        %dma_wait3A_1625 = arith.constant 0 : i32
        %dma_wait3A_1626 = arith.constant 0 : i32
        %dma_wait3A_1627 = tpu.memref_slice %arg4[%add3A_1358, %dma_wait3A_1625, %dma_wait3A_1626] : memref<48x8x255xf32, #tpu.memory_space<hbm>> -> memref<1x8x255xf32, #tpu.memory_space<hbm>>
        %dma_wait3A_1628 = tpu.memref_squeeze %dma_wait3A_1627 : memref<1x8x255xf32, #tpu.memory_space<hbm>> -> memref<8x255xf32, #tpu.memory_space<hbm>>
        %dma_wait3A_1629 = arith.constant 0 : i32
        %dma_wait3A_1630 = arith.constant 0 : i32
        %dma_wait3A_1631 = tpu.memref_slice %arg8[%dma_wait3A_1620, %dma_wait3A_1629, %dma_wait3A_1630] : memref<12x8x255xf32, #tpu.memory_space<vmem>> -> memref<1x8x255xf32, #tpu.memory_space<vmem>>
        %dma_wait3A_1632 = tpu.memref_squeeze %dma_wait3A_1631 : memref<1x8x255xf32, #tpu.memory_space<vmem>> -> memref<8x255xf32, #tpu.memory_space<vmem>>
        %dma_wait3A_1633 = arith.constant 0 : i32
        %dma_wait3A_1634 = arith.constant 0 : i32
        %dma_wait3A_1635 = tpu.memref_slice %arg4[%add3A_1358, %dma_wait3A_1633, %dma_wait3A_1634] : memref<48x8x255xf32, #tpu.memory_space<hbm>> -> memref<1x8x255xf32, #tpu.memory_space<hbm>>
        %dma_wait3A_1636 = tpu.memref_squeeze %dma_wait3A_1635 : memref<1x8x255xf32, #tpu.memory_space<hbm>> -> memref<8x255xf32, #tpu.memory_space<hbm>>
        tpu.wait_dma2 semaphore(%arg13 : memref<!tpu.dma_semaphore, #tpu.memory_space<semaphore_mem>>) src(%dma_wait3A_1636 : memref<8x255xf32, #tpu.memory_space<hbm>>) dst(%dma_wait3A_1632 : memref<8x255xf32, #tpu.memory_space<vmem>>)
        %dma_wait3A_1637 = arith.constant 2 : i32
        %dma_wait3A_1638 = arith.constant 0 : i32
        %dma_wait3A_1639 = arith.constant 0 : i32
        %dma_wait3A_1640 = tpu.memref_slice %arg8[%dma_wait3A_1637, %dma_wait3A_1638, %dma_wait3A_1639] : memref<12x8x255xf32, #tpu.memory_space<vmem>> -> memref<1x8x255xf32, #tpu.memory_space<vmem>>
        %dma_wait3A_1641 = tpu.memref_squeeze %dma_wait3A_1640 : memref<1x8x255xf32, #tpu.memory_space<vmem>> -> memref<8x255xf32, #tpu.memory_space<vmem>>
        %dma_wait3A_1642 = arith.constant 0 : i32
        %dma_wait3A_1643 = arith.constant 0 : i32
        %dma_wait3A_1644 = tpu.memref_slice %arg4[%add3A_1362, %dma_wait3A_1642, %dma_wait3A_1643] : memref<48x8x255xf32, #tpu.memory_space<hbm>> -> memref<1x8x255xf32, #tpu.memory_space<hbm>>
        %dma_wait3A_1645 = tpu.memref_squeeze %dma_wait3A_1644 : memref<1x8x255xf32, #tpu.memory_space<hbm>> -> memref<8x255xf32, #tpu.memory_space<hbm>>
        %dma_wait3A_1646 = arith.constant 0 : i32
        %dma_wait3A_1647 = arith.constant 0 : i32
        %dma_wait3A_1648 = tpu.memref_slice %arg8[%dma_wait3A_1637, %dma_wait3A_1646, %dma_wait3A_1647] : memref<12x8x255xf32, #tpu.memory_space<vmem>> -> memref<1x8x255xf32, #tpu.memory_space<vmem>>
        %dma_wait3A_1649 = tpu.memref_squeeze %dma_wait3A_1648 : memref<1x8x255xf32, #tpu.memory_space<vmem>> -> memref<8x255xf32, #tpu.memory_space<vmem>>
        %dma_wait3A_1650 = arith.constant 0 : i32
        %dma_wait3A_1651 = arith.constant 0 : i32
        %dma_wait3A_1652 = tpu.memref_slice %arg4[%add3A_1362, %dma_wait3A_1650, %dma_wait3A_1651] : memref<48x8x255xf32, #tpu.memory_space<hbm>> -> memref<1x8x255xf32, #tpu.memory_space<hbm>>
        %dma_wait3A_1653 = tpu.memref_squeeze %dma_wait3A_1652 : memref<1x8x255xf32, #tpu.memory_space<hbm>> -> memref<8x255xf32, #tpu.memory_space<hbm>>
        tpu.wait_dma2 semaphore(%arg13 : memref<!tpu.dma_semaphore, #tpu.memory_space<semaphore_mem>>) src(%dma_wait3A_1653 : memref<8x255xf32, #tpu.memory_space<hbm>>) dst(%dma_wait3A_1649 : memref<8x255xf32, #tpu.memory_space<vmem>>)
        %dma_wait3A_1654 = arith.constant 3 : i32
        %dma_wait3A_1655 = arith.constant 0 : i32
        %dma_wait3A_1656 = arith.constant 0 : i32
        %dma_wait3A_1657 = tpu.memref_slice %arg8[%dma_wait3A_1654, %dma_wait3A_1655, %dma_wait3A_1656] : memref<12x8x255xf32, #tpu.memory_space<vmem>> -> memref<1x8x255xf32, #tpu.memory_space<vmem>>
        %dma_wait3A_1658 = tpu.memref_squeeze %dma_wait3A_1657 : memref<1x8x255xf32, #tpu.memory_space<vmem>> -> memref<8x255xf32, #tpu.memory_space<vmem>>
        %dma_wait3A_1659 = arith.constant 0 : i32
        %dma_wait3A_1660 = arith.constant 0 : i32
        %dma_wait3A_1661 = tpu.memref_slice %arg4[%add3A_1366, %dma_wait3A_1659, %dma_wait3A_1660] : memref<48x8x255xf32, #tpu.memory_space<hbm>> -> memref<1x8x255xf32, #tpu.memory_space<hbm>>
        %dma_wait3A_1662 = tpu.memref_squeeze %dma_wait3A_1661 : memref<1x8x255xf32, #tpu.memory_space<hbm>> -> memref<8x255xf32, #tpu.memory_space<hbm>>
        %dma_wait3A_1663 = arith.constant 0 : i32
        %dma_wait3A_1664 = arith.constant 0 : i32
        %dma_wait3A_1665 = tpu.memref_slice %arg8[%dma_wait3A_1654, %dma_wait3A_1663, %dma_wait3A_1664] : memref<12x8x255xf32, #tpu.memory_space<vmem>> -> memref<1x8x255xf32, #tpu.memory_space<vmem>>
        %dma_wait3A_1666 = tpu.memref_squeeze %dma_wait3A_1665 : memref<1x8x255xf32, #tpu.memory_space<vmem>> -> memref<8x255xf32, #tpu.memory_space<vmem>>
        %dma_wait3A_1667 = arith.constant 0 : i32
        %dma_wait3A_1668 = arith.constant 0 : i32
        %dma_wait3A_1669 = tpu.memref_slice %arg4[%add3A_1366, %dma_wait3A_1667, %dma_wait3A_1668] : memref<48x8x255xf32, #tpu.memory_space<hbm>> -> memref<1x8x255xf32, #tpu.memory_space<hbm>>
        %dma_wait3A_1670 = tpu.memref_squeeze %dma_wait3A_1669 : memref<1x8x255xf32, #tpu.memory_space<hbm>> -> memref<8x255xf32, #tpu.memory_space<hbm>>
        tpu.wait_dma2 semaphore(%arg13 : memref<!tpu.dma_semaphore, #tpu.memory_space<semaphore_mem>>) src(%dma_wait3A_1670 : memref<8x255xf32, #tpu.memory_space<hbm>>) dst(%dma_wait3A_1666 : memref<8x255xf32, #tpu.memory_space<vmem>>)
        %dma_wait3A_1671 = arith.constant 4 : i32
        %dma_wait3A_1672 = arith.constant 0 : i32
        %dma_wait3A_1673 = arith.constant 0 : i32
        %dma_wait3A_1674 = tpu.memref_slice %arg8[%dma_wait3A_1671, %dma_wait3A_1672, %dma_wait3A_1673] : memref<12x8x255xf32, #tpu.memory_space<vmem>> -> memref<1x8x255xf32, #tpu.memory_space<vmem>>
        %dma_wait3A_1675 = tpu.memref_squeeze %dma_wait3A_1674 : memref<1x8x255xf32, #tpu.memory_space<vmem>> -> memref<8x255xf32, #tpu.memory_space<vmem>>
        %dma_wait3A_1676 = arith.constant 0 : i32
        %dma_wait3A_1677 = arith.constant 0 : i32
        %dma_wait3A_1678 = tpu.memref_slice %arg4[%add3A_1370, %dma_wait3A_1676, %dma_wait3A_1677] : memref<48x8x255xf32, #tpu.memory_space<hbm>> -> memref<1x8x255xf32, #tpu.memory_space<hbm>>
        %dma_wait3A_1679 = tpu.memref_squeeze %dma_wait3A_1678 : memref<1x8x255xf32, #tpu.memory_space<hbm>> -> memref<8x255xf32, #tpu.memory_space<hbm>>
        %dma_wait3A_1680 = arith.constant 0 : i32
        %dma_wait3A_1681 = arith.constant 0 : i32
        %dma_wait3A_1682 = tpu.memref_slice %arg8[%dma_wait3A_1671, %dma_wait3A_1680, %dma_wait3A_1681] : memref<12x8x255xf32, #tpu.memory_space<vmem>> -> memref<1x8x255xf32, #tpu.memory_space<vmem>>
        %dma_wait3A_1683 = tpu.memref_squeeze %dma_wait3A_1682 : memref<1x8x255xf32, #tpu.memory_space<vmem>> -> memref<8x255xf32, #tpu.memory_space<vmem>>
        %dma_wait3A_1684 = arith.constant 0 : i32
        %dma_wait3A_1685 = arith.constant 0 : i32
        %dma_wait3A_1686 = tpu.memref_slice %arg4[%add3A_1370, %dma_wait3A_1684, %dma_wait3A_1685] : memref<48x8x255xf32, #tpu.memory_space<hbm>> -> memref<1x8x255xf32, #tpu.memory_space<hbm>>
        %dma_wait3A_1687 = tpu.memref_squeeze %dma_wait3A_1686 : memref<1x8x255xf32, #tpu.memory_space<hbm>> -> memref<8x255xf32, #tpu.memory_space<hbm>>
        tpu.wait_dma2 semaphore(%arg13 : memref<!tpu.dma_semaphore, #tpu.memory_space<semaphore_mem>>) src(%dma_wait3A_1687 : memref<8x255xf32, #tpu.memory_space<hbm>>) dst(%dma_wait3A_1683 : memref<8x255xf32, #tpu.memory_space<vmem>>)
        %dma_wait3A_1688 = arith.constant 5 : i32
        %dma_wait3A_1689 = arith.constant 0 : i32
        %dma_wait3A_1690 = arith.constant 0 : i32
        %dma_wait3A_1691 = tpu.memref_slice %arg8[%dma_wait3A_1688, %dma_wait3A_1689, %dma_wait3A_1690] : memref<12x8x255xf32, #tpu.memory_space<vmem>> -> memref<1x8x255xf32, #tpu.memory_space<vmem>>
        %dma_wait3A_1692 = tpu.memref_squeeze %dma_wait3A_1691 : memref<1x8x255xf32, #tpu.memory_space<vmem>> -> memref<8x255xf32, #tpu.memory_space<vmem>>
        %dma_wait3A_1693 = arith.constant 0 : i32
        %dma_wait3A_1694 = arith.constant 0 : i32
        %dma_wait3A_1695 = tpu.memref_slice %arg4[%add3A_1374, %dma_wait3A_1693, %dma_wait3A_1694] : memref<48x8x255xf32, #tpu.memory_space<hbm>> -> memref<1x8x255xf32, #tpu.memory_space<hbm>>
        %dma_wait3A_1696 = tpu.memref_squeeze %dma_wait3A_1695 : memref<1x8x255xf32, #tpu.memory_space<hbm>> -> memref<8x255xf32, #tpu.memory_space<hbm>>
        %dma_wait3A_1697 = arith.constant 0 : i32
        %dma_wait3A_1698 = arith.constant 0 : i32
        %dma_wait3A_1699 = tpu.memref_slice %arg8[%dma_wait3A_1688, %dma_wait3A_1697, %dma_wait3A_1698] : memref<12x8x255xf32, #tpu.memory_space<vmem>> -> memref<1x8x255xf32, #tpu.memory_space<vmem>>
        %dma_wait3A_1700 = tpu.memref_squeeze %dma_wait3A_1699 : memref<1x8x255xf32, #tpu.memory_space<vmem>> -> memref<8x255xf32, #tpu.memory_space<vmem>>
        %dma_wait3A_1701 = arith.constant 0 : i32
        %dma_wait3A_1702 = arith.constant 0 : i32
        %dma_wait3A_1703 = tpu.memref_slice %arg4[%add3A_1374, %dma_wait3A_1701, %dma_wait3A_1702] : memref<48x8x255xf32, #tpu.memory_space<hbm>> -> memref<1x8x255xf32, #tpu.memory_space<hbm>>
        %dma_wait3A_1704 = tpu.memref_squeeze %dma_wait3A_1703 : memref<1x8x255xf32, #tpu.memory_space<hbm>> -> memref<8x255xf32, #tpu.memory_space<hbm>>
        tpu.wait_dma2 semaphore(%arg13 : memref<!tpu.dma_semaphore, #tpu.memory_space<semaphore_mem>>) src(%dma_wait3A_1704 : memref<8x255xf32, #tpu.memory_space<hbm>>) dst(%dma_wait3A_1700 : memref<8x255xf32, #tpu.memory_space<vmem>>)
        %dma_wait3A_1705 = arith.constant 6 : i32
        %dma_wait3A_1706 = arith.constant 0 : i32
        %dma_wait3A_1707 = arith.constant 0 : i32
        %dma_wait3A_1708 = tpu.memref_slice %arg8[%dma_wait3A_1705, %dma_wait3A_1706, %dma_wait3A_1707] : memref<12x8x255xf32, #tpu.memory_space<vmem>> -> memref<1x8x255xf32, #tpu.memory_space<vmem>>
        %dma_wait3A_1709 = tpu.memref_squeeze %dma_wait3A_1708 : memref<1x8x255xf32, #tpu.memory_space<vmem>> -> memref<8x255xf32, #tpu.memory_space<vmem>>
        %dma_wait3A_1710 = arith.constant 0 : i32
        %dma_wait3A_1711 = arith.constant 0 : i32
        %dma_wait3A_1712 = tpu.memref_slice %arg4[%add3A_1378, %dma_wait3A_1710, %dma_wait3A_1711] : memref<48x8x255xf32, #tpu.memory_space<hbm>> -> memref<1x8x255xf32, #tpu.memory_space<hbm>>
        %dma_wait3A_1713 = tpu.memref_squeeze %dma_wait3A_1712 : memref<1x8x255xf32, #tpu.memory_space<hbm>> -> memref<8x255xf32, #tpu.memory_space<hbm>>
        %dma_wait3A_1714 = arith.constant 0 : i32
        %dma_wait3A_1715 = arith.constant 0 : i32
        %dma_wait3A_1716 = tpu.memref_slice %arg8[%dma_wait3A_1705, %dma_wait3A_1714, %dma_wait3A_1715] : memref<12x8x255xf32, #tpu.memory_space<vmem>> -> memref<1x8x255xf32, #tpu.memory_space<vmem>>
        %dma_wait3A_1717 = tpu.memref_squeeze %dma_wait3A_1716 : memref<1x8x255xf32, #tpu.memory_space<vmem>> -> memref<8x255xf32, #tpu.memory_space<vmem>>
        %dma_wait3A_1718 = arith.constant 0 : i32
        %dma_wait3A_1719 = arith.constant 0 : i32
        %dma_wait3A_1720 = tpu.memref_slice %arg4[%add3A_1378, %dma_wait3A_1718, %dma_wait3A_1719] : memref<48x8x255xf32, #tpu.memory_space<hbm>> -> memref<1x8x255xf32, #tpu.memory_space<hbm>>
        %dma_wait3A_1721 = tpu.memref_squeeze %dma_wait3A_1720 : memref<1x8x255xf32, #tpu.memory_space<hbm>> -> memref<8x255xf32, #tpu.memory_space<hbm>>
        tpu.wait_dma2 semaphore(%arg13 : memref<!tpu.dma_semaphore, #tpu.memory_space<semaphore_mem>>) src(%dma_wait3A_1721 : memref<8x255xf32, #tpu.memory_space<hbm>>) dst(%dma_wait3A_1717 : memref<8x255xf32, #tpu.memory_space<vmem>>)
        %dma_wait3A_1722 = arith.constant 7 : i32
        %dma_wait3A_1723 = arith.constant 0 : i32
        %dma_wait3A_1724 = arith.constant 0 : i32
        %dma_wait3A_1725 = tpu.memref_slice %arg8[%dma_wait3A_1722, %dma_wait3A_1723, %dma_wait3A_1724] : memref<12x8x255xf32, #tpu.memory_space<vmem>> -> memref<1x8x255xf32, #tpu.memory_space<vmem>>
        %dma_wait3A_1726 = tpu.memref_squeeze %dma_wait3A_1725 : memref<1x8x255xf32, #tpu.memory_space<vmem>> -> memref<8x255xf32, #tpu.memory_space<vmem>>
        %dma_wait3A_1727 = arith.constant 0 : i32
        %dma_wait3A_1728 = arith.constant 0 : i32
        %dma_wait3A_1729 = tpu.memref_slice %arg4[%add3A_1382, %dma_wait3A_1727, %dma_wait3A_1728] : memref<48x8x255xf32, #tpu.memory_space<hbm>> -> memref<1x8x255xf32, #tpu.memory_space<hbm>>
        %dma_wait3A_1730 = tpu.memref_squeeze %dma_wait3A_1729 : memref<1x8x255xf32, #tpu.memory_space<hbm>> -> memref<8x255xf32, #tpu.memory_space<hbm>>
        %dma_wait3A_1731 = arith.constant 0 : i32
        %dma_wait3A_1732 = arith.constant 0 : i32
        %dma_wait3A_1733 = tpu.memref_slice %arg8[%dma_wait3A_1722, %dma_wait3A_1731, %dma_wait3A_1732] : memref<12x8x255xf32, #tpu.memory_space<vmem>> -> memref<1x8x255xf32, #tpu.memory_space<vmem>>
        %dma_wait3A_1734 = tpu.memref_squeeze %dma_wait3A_1733 : memref<1x8x255xf32, #tpu.memory_space<vmem>> -> memref<8x255xf32, #tpu.memory_space<vmem>>
        %dma_wait3A_1735 = arith.constant 0 : i32
        %dma_wait3A_1736 = arith.constant 0 : i32
        %dma_wait3A_1737 = tpu.memref_slice %arg4[%add3A_1382, %dma_wait3A_1735, %dma_wait3A_1736] : memref<48x8x255xf32, #tpu.memory_space<hbm>> -> memref<1x8x255xf32, #tpu.memory_space<hbm>>
        %dma_wait3A_1738 = tpu.memref_squeeze %dma_wait3A_1737 : memref<1x8x255xf32, #tpu.memory_space<hbm>> -> memref<8x255xf32, #tpu.memory_space<hbm>>
        tpu.wait_dma2 semaphore(%arg13 : memref<!tpu.dma_semaphore, #tpu.memory_space<semaphore_mem>>) src(%dma_wait3A_1738 : memref<8x255xf32, #tpu.memory_space<hbm>>) dst(%dma_wait3A_1734 : memref<8x255xf32, #tpu.memory_space<vmem>>)
        %dma_wait3A_1739 = arith.constant 8 : i32
        %dma_wait3A_1740 = arith.constant 0 : i32
        %dma_wait3A_1741 = arith.constant 0 : i32
        %dma_wait3A_1742 = tpu.memref_slice %arg8[%dma_wait3A_1739, %dma_wait3A_1740, %dma_wait3A_1741] : memref<12x8x255xf32, #tpu.memory_space<vmem>> -> memref<1x8x255xf32, #tpu.memory_space<vmem>>
        %dma_wait3A_1743 = tpu.memref_squeeze %dma_wait3A_1742 : memref<1x8x255xf32, #tpu.memory_space<vmem>> -> memref<8x255xf32, #tpu.memory_space<vmem>>
        %dma_wait3A_1744 = arith.constant 0 : i32
        %dma_wait3A_1745 = arith.constant 0 : i32
        %dma_wait3A_1746 = tpu.memref_slice %arg4[%add3A_1386, %dma_wait3A_1744, %dma_wait3A_1745] : memref<48x8x255xf32, #tpu.memory_space<hbm>> -> memref<1x8x255xf32, #tpu.memory_space<hbm>>
        %dma_wait3A_1747 = tpu.memref_squeeze %dma_wait3A_1746 : memref<1x8x255xf32, #tpu.memory_space<hbm>> -> memref<8x255xf32, #tpu.memory_space<hbm>>
        %dma_wait3A_1748 = arith.constant 0 : i32
        %dma_wait3A_1749 = arith.constant 0 : i32
        %dma_wait3A_1750 = tpu.memref_slice %arg8[%dma_wait3A_1739, %dma_wait3A_1748, %dma_wait3A_1749] : memref<12x8x255xf32, #tpu.memory_space<vmem>> -> memref<1x8x255xf32, #tpu.memory_space<vmem>>
        %dma_wait3A_1751 = tpu.memref_squeeze %dma_wait3A_1750 : memref<1x8x255xf32, #tpu.memory_space<vmem>> -> memref<8x255xf32, #tpu.memory_space<vmem>>
        %dma_wait3A_1752 = arith.constant 0 : i32
        %dma_wait3A_1753 = arith.constant 0 : i32
        %dma_wait3A_1754 = tpu.memref_slice %arg4[%add3A_1386, %dma_wait3A_1752, %dma_wait3A_1753] : memref<48x8x255xf32, #tpu.memory_space<hbm>> -> memref<1x8x255xf32, #tpu.memory_space<hbm>>
        %dma_wait3A_1755 = tpu.memref_squeeze %dma_wait3A_1754 : memref<1x8x255xf32, #tpu.memory_space<hbm>> -> memref<8x255xf32, #tpu.memory_space<hbm>>
        tpu.wait_dma2 semaphore(%arg13 : memref<!tpu.dma_semaphore, #tpu.memory_space<semaphore_mem>>) src(%dma_wait3A_1755 : memref<8x255xf32, #tpu.memory_space<hbm>>) dst(%dma_wait3A_1751 : memref<8x255xf32, #tpu.memory_space<vmem>>)
        %dma_wait3A_1756 = arith.constant 9 : i32
        %dma_wait3A_1757 = arith.constant 0 : i32
        %dma_wait3A_1758 = arith.constant 0 : i32
        %dma_wait3A_1759 = tpu.memref_slice %arg8[%dma_wait3A_1756, %dma_wait3A_1757, %dma_wait3A_1758] : memref<12x8x255xf32, #tpu.memory_space<vmem>> -> memref<1x8x255xf32, #tpu.memory_space<vmem>>
        %dma_wait3A_1760 = tpu.memref_squeeze %dma_wait3A_1759 : memref<1x8x255xf32, #tpu.memory_space<vmem>> -> memref<8x255xf32, #tpu.memory_space<vmem>>
        %dma_wait3A_1761 = arith.constant 0 : i32
        %dma_wait3A_1762 = arith.constant 0 : i32
        %dma_wait3A_1763 = tpu.memref_slice %arg4[%add3A_1390, %dma_wait3A_1761, %dma_wait3A_1762] : memref<48x8x255xf32, #tpu.memory_space<hbm>> -> memref<1x8x255xf32, #tpu.memory_space<hbm>>
        %dma_wait3A_1764 = tpu.memref_squeeze %dma_wait3A_1763 : memref<1x8x255xf32, #tpu.memory_space<hbm>> -> memref<8x255xf32, #tpu.memory_space<hbm>>
        %dma_wait3A_1765 = arith.constant 0 : i32
        %dma_wait3A_1766 = arith.constant 0 : i32
        %dma_wait3A_1767 = tpu.memref_slice %arg8[%dma_wait3A_1756, %dma_wait3A_1765, %dma_wait3A_1766] : memref<12x8x255xf32, #tpu.memory_space<vmem>> -> memref<1x8x255xf32, #tpu.memory_space<vmem>>
        %dma_wait3A_1768 = tpu.memref_squeeze %dma_wait3A_1767 : memref<1x8x255xf32, #tpu.memory_space<vmem>> -> memref<8x255xf32, #tpu.memory_space<vmem>>
        %dma_wait3A_1769 = arith.constant 0 : i32
        %dma_wait3A_1770 = arith.constant 0 : i32
        %dma_wait3A_1771 = tpu.memref_slice %arg4[%add3A_1390, %dma_wait3A_1769, %dma_wait3A_1770] : memref<48x8x255xf32, #tpu.memory_space<hbm>> -> memref<1x8x255xf32, #tpu.memory_space<hbm>>
        %dma_wait3A_1772 = tpu.memref_squeeze %dma_wait3A_1771 : memref<1x8x255xf32, #tpu.memory_space<hbm>> -> memref<8x255xf32, #tpu.memory_space<hbm>>
        tpu.wait_dma2 semaphore(%arg13 : memref<!tpu.dma_semaphore, #tpu.memory_space<semaphore_mem>>) src(%dma_wait3A_1772 : memref<8x255xf32, #tpu.memory_space<hbm>>) dst(%dma_wait3A_1768 : memref<8x255xf32, #tpu.memory_space<vmem>>)
        %dma_wait3A_1773 = arith.constant 10 : i32
        %dma_wait3A_1774 = arith.constant 0 : i32
        %dma_wait3A_1775 = arith.constant 0 : i32
        %dma_wait3A_1776 = tpu.memref_slice %arg8[%dma_wait3A_1773, %dma_wait3A_1774, %dma_wait3A_1775] : memref<12x8x255xf32, #tpu.memory_space<vmem>> -> memref<1x8x255xf32, #tpu.memory_space<vmem>>
        %dma_wait3A_1777 = tpu.memref_squeeze %dma_wait3A_1776 : memref<1x8x255xf32, #tpu.memory_space<vmem>> -> memref<8x255xf32, #tpu.memory_space<vmem>>
        %dma_wait3A_1778 = arith.constant 0 : i32
        %dma_wait3A_1779 = arith.constant 0 : i32
        %dma_wait3A_1780 = tpu.memref_slice %arg4[%add3A_1394, %dma_wait3A_1778, %dma_wait3A_1779] : memref<48x8x255xf32, #tpu.memory_space<hbm>> -> memref<1x8x255xf32, #tpu.memory_space<hbm>>
        %dma_wait3A_1781 = tpu.memref_squeeze %dma_wait3A_1780 : memref<1x8x255xf32, #tpu.memory_space<hbm>> -> memref<8x255xf32, #tpu.memory_space<hbm>>
        %dma_wait3A_1782 = arith.constant 0 : i32
        %dma_wait3A_1783 = arith.constant 0 : i32
        %dma_wait3A_1784 = tpu.memref_slice %arg8[%dma_wait3A_1773, %dma_wait3A_1782, %dma_wait3A_1783] : memref<12x8x255xf32, #tpu.memory_space<vmem>> -> memref<1x8x255xf32, #tpu.memory_space<vmem>>
        %dma_wait3A_1785 = tpu.memref_squeeze %dma_wait3A_1784 : memref<1x8x255xf32, #tpu.memory_space<vmem>> -> memref<8x255xf32, #tpu.memory_space<vmem>>
        %dma_wait3A_1786 = arith.constant 0 : i32
        %dma_wait3A_1787 = arith.constant 0 : i32
        %dma_wait3A_1788 = tpu.memref_slice %arg4[%add3A_1394, %dma_wait3A_1786, %dma_wait3A_1787] : memref<48x8x255xf32, #tpu.memory_space<hbm>> -> memref<1x8x255xf32, #tpu.memory_space<hbm>>
        %dma_wait3A_1789 = tpu.memref_squeeze %dma_wait3A_1788 : memref<1x8x255xf32, #tpu.memory_space<hbm>> -> memref<8x255xf32, #tpu.memory_space<hbm>>
        tpu.wait_dma2 semaphore(%arg13 : memref<!tpu.dma_semaphore, #tpu.memory_space<semaphore_mem>>) src(%dma_wait3A_1789 : memref<8x255xf32, #tpu.memory_space<hbm>>) dst(%dma_wait3A_1785 : memref<8x255xf32, #tpu.memory_space<vmem>>)
        %dma_wait3A_1790 = arith.constant 11 : i32
        %dma_wait3A_1791 = arith.constant 0 : i32
        %dma_wait3A_1792 = arith.constant 0 : i32
        %dma_wait3A_1793 = tpu.memref_slice %arg8[%dma_wait3A_1790, %dma_wait3A_1791, %dma_wait3A_1792] : memref<12x8x255xf32, #tpu.memory_space<vmem>> -> memref<1x8x255xf32, #tpu.memory_space<vmem>>
        %dma_wait3A_1794 = tpu.memref_squeeze %dma_wait3A_1793 : memref<1x8x255xf32, #tpu.memory_space<vmem>> -> memref<8x255xf32, #tpu.memory_space<vmem>>
        %dma_wait3A_1795 = arith.constant 0 : i32
        %dma_wait3A_1796 = arith.constant 0 : i32
        %dma_wait3A_1797 = tpu.memref_slice %arg4[%add3A_1398, %dma_wait3A_1795, %dma_wait3A_1796] : memref<48x8x255xf32, #tpu.memory_space<hbm>> -> memref<1x8x255xf32, #tpu.memory_space<hbm>>
        %dma_wait3A_1798 = tpu.memref_squeeze %dma_wait3A_1797 : memref<1x8x255xf32, #tpu.memory_space<hbm>> -> memref<8x255xf32, #tpu.memory_space<hbm>>
        %dma_wait3A_1799 = arith.constant 0 : i32
        %dma_wait3A_1800 = arith.constant 0 : i32
        %dma_wait3A_1801 = tpu.memref_slice %arg8[%dma_wait3A_1790, %dma_wait3A_1799, %dma_wait3A_1800] : memref<12x8x255xf32, #tpu.memory_space<vmem>> -> memref<1x8x255xf32, #tpu.memory_space<vmem>>
        %dma_wait3A_1802 = tpu.memref_squeeze %dma_wait3A_1801 : memref<1x8x255xf32, #tpu.memory_space<vmem>> -> memref<8x255xf32, #tpu.memory_space<vmem>>
        %dma_wait3A_1803 = arith.constant 0 : i32
        %dma_wait3A_1804 = arith.constant 0 : i32
        %dma_wait3A_1805 = tpu.memref_slice %arg4[%add3A_1398, %dma_wait3A_1803, %dma_wait3A_1804] : memref<48x8x255xf32, #tpu.memory_space<hbm>> -> memref<1x8x255xf32, #tpu.memory_space<hbm>>
        %dma_wait3A_1806 = tpu.memref_squeeze %dma_wait3A_1805 : memref<1x8x255xf32, #tpu.memory_space<hbm>> -> memref<8x255xf32, #tpu.memory_space<hbm>>
        tpu.wait_dma2 semaphore(%arg13 : memref<!tpu.dma_semaphore, #tpu.memory_space<semaphore_mem>>) src(%dma_wait3A_1806 : memref<8x255xf32, #tpu.memory_space<hbm>>) dst(%dma_wait3A_1802 : memref<8x255xf32, #tpu.memory_space<vmem>>)
      } else {
      }
      %scan3A_1102 = arith.constant 0 : i32
      %scan3A_1103 = arith.constant 1 : i32
      %scan3A_1104 = arith.constant 3 : i32
      %scan3A_1105 = arith.addi %scan3A_1103, %scan3A_1104 : i32
      %scan3A_1106 = arith.constant 1 : i32
      %scan3A_1107 = scf.for %scan3A_1351 = %scan3A_1103 to %scan3A_1105 step %scan3A_1106 iter_args(%scan3A_1352 = %scan3A_1102) -> (i32)  : i32 {
        %add3A_1353 = arith.addi %add3A_89, %scan3A_1351 : i32
        %sub3A_1354 = arith.constant 1 : i32
        %sub3A_1355 = arith.subi %add3A_1353, %sub3A_1354 : i32
        %sub3A_1356 = arith.subi %sub3A_1355, %select_n3A_93 : i32
        %scan3A_1357 = arith.constant 0 : i32
        %scan3A_1358 = arith.constant 0 : i32
        %scan3A_1359 = arith.constant 12 : i32
        %scan3A_1360 = arith.addi %scan3A_1358, %scan3A_1359 : i32
        %scan3A_1361 = arith.constant 1 : i32
        scf.for %scan3A_1364 = %scan3A_1358 to %scan3A_1360 step %scan3A_1361  : i32 {
          %get3A = arith.index_cast %scan3A_1364 : i32 to index
          %get3A_1365 = arith.index_cast %sub3A_1356 : i32 to index
          %get3A_1366 = arith.constant 0 : index
          %get3A_1367 = tpu.vector_load %arg8[%get3A, %get3A_1365, %get3A_1366] {strides = array<i32>} : memref<12x8x255xf32, #tpu.memory_space<vmem>>, vector<1x1x16xf32>,
          %get3A_1368 = vector.shape_cast %get3A_1367 : vector<1x1x16xf32> to vector<16xf32>
          %lt3A_1369 = arith.constant 0 : i32
          %lt3A_1370 = vector.broadcast %lt3A_1369 : i32 to vector<16xi32>
          %lt3A_1371 = arith.cmpi slt, %max3A_39, %lt3A_1370 : vector<16xi32>
          %add3A_1372 = arith.constant 16 : i32
          %add3A_1373 = vector.broadcast %add3A_1372 : i32 to vector<16xi32>
          %add3A_1374 = arith.addi %max3A_39, %add3A_1373 : vector<16xi32>
          %select_n3A_1375 = arith.select %lt3A_1371, %add3A_1374, %max3A_39 : vector<16xi1>, vector<16xi32>
          %broadcast_in_dim3A = vector.shape_cast %select_n3A_1375 : vector<16xi32> to vector<16x1xi32>
          %gather3A = vector.shape_cast %broadcast_in_dim3A : vector<16x1xi32> to vector<16xi32>
          %gather3A_1376 = tpu.dynamic_gather %get3A_1368[%gather3A] in [0] : vector<16xf32>, vector<16xi32> -> vector<16xf32>
          %get3A_1377 = arith.index_cast %scan3A_1351 : i32 to index
          %get3A_1378 = arith.index_cast %scan3A_1364 : i32 to index
          %get3A_1379 = arith.constant 0 : index
          %get3A_1380 = tpu.vector_load %arg6[%get3A_1377, %get3A_1378, %get3A_1379] {strides = array<i32>} : memref<4x12x513xf32, #tpu.memory_space<vmem>>, vector<1x1x16xf32>,
          %get3A_1381 = vector.shape_cast %get3A_1380 : vector<1x1x16xf32> to vector<16xf32>
          %jit3A_1382 = arith.constant 0.000000e+00 : f32
          %broadcast_in_dim3A_1383 = vector.broadcast %jit3A_1382 : f32 to vector<16xf32>
          %select_n3A_1384 = arith.select %gt3A_34, %gather3A_1376, %broadcast_in_dim3A_1383 : vector<16xi1>, vector<16xf32>
          %add3A_1385 = arith.addf %get3A_1381, %select_n3A_1384 : vector<16xf32>
          %swap3A = arith.index_cast %scan3A_1351 : i32 to index
          %swap3A_1386 = arith.index_cast %scan3A_1364 : i32 to index
          %swap3A_1387 = arith.constant 0 : index
          %swap3A_1388 = tpu.vector_load %arg6[%swap3A, %swap3A_1386, %swap3A_1387] {strides = array<i32>} : memref<4x12x513xf32, #tpu.memory_space<vmem>>, vector<1x1x16xf32>,
          %swap3A_1389 = vector.shape_cast %swap3A_1388 : vector<1x1x16xf32> to vector<16xf32>
          %swap3A_1390 = vector.shape_cast %add3A_1385 : vector<16xf32> to vector<1x1x16xf32>
          tpu.vector_store %arg6[%swap3A, %swap3A_1386, %swap3A_1387], %swap3A_1390 {strides = array<i32>} : memref<4x12x513xf32, #tpu.memory_space<vmem>>, vector<1x1x16xf32>,
          %get3A_1391 = arith.index_cast %scan3A_1351 : i32 to index
          %get3A_1392 = arith.index_cast %scan3A_1364 : i32 to index
          %get3A_1393 = arith.constant 16 : index
          %get3A_1394 = tpu.vector_load %arg6[%get3A_1391, %get3A_1392, %get3A_1393] {strides = array<i32>} : memref<4x12x513xf32, #tpu.memory_space<vmem>>, vector<1x1x16xf32>,
          %get3A_1395 = vector.shape_cast %get3A_1394 : vector<1x1x16xf32> to vector<16xf32>
          %get3A_1396 = arith.index_cast %scan3A_1364 : i32 to index
          %get3A_1397 = arith.index_cast %sub3A_1356 : i32 to index
          %get3A_1398 = arith.constant 15 : index
          %get3A_1399 = tpu.vector_load %arg8[%get3A_1396, %get3A_1397, %get3A_1398] {strides = array<i32>} : memref<12x8x255xf32, #tpu.memory_space<vmem>>, vector<1x1x16xf32>,
          %get3A_1400 = vector.shape_cast %get3A_1399 : vector<1x1x16xf32> to vector<16xf32>
          %add3A_1401 = arith.addf %get3A_1395, %get3A_1400 : vector<16xf32>
          %swap3A_1402 = arith.index_cast %scan3A_1351 : i32 to index
          %swap3A_1403 = arith.index_cast %scan3A_1364 : i32 to index
          %swap3A_1404 = arith.constant 16 : index
          %swap3A_1405 = tpu.vector_load %arg6[%swap3A_1402, %swap3A_1403, %swap3A_1404] {strides = array<i32>} : memref<4x12x513xf32, #tpu.memory_space<vmem>>, vector<1x1x16xf32>,
          %swap3A_1406 = vector.shape_cast %swap3A_1405 : vector<1x1x16xf32> to vector<16xf32>
          %swap3A_1407 = vector.shape_cast %add3A_1401 : vector<16xf32> to vector<1x1x16xf32>
          tpu.vector_store %arg6[%swap3A_1402, %swap3A_1403, %swap3A_1404], %swap3A_1407 {strides = array<i32>} : memref<4x12x513xf32, #tpu.memory_space<vmem>>, vector<1x1x16xf32>,
          %get3A_1408 = arith.index_cast %scan3A_1351 : i32 to index
          %get3A_1409 = arith.index_cast %scan3A_1364 : i32 to index
          %get3A_1410 = arith.constant 32 : index
          %get3A_1411 = tpu.vector_load %arg6[%get3A_1408, %get3A_1409, %get3A_1410] {strides = array<i32>} : memref<4x12x513xf32, #tpu.memory_space<vmem>>, vector<1x1x16xf32>,
          %get3A_1412 = vector.shape_cast %get3A_1411 : vector<1x1x16xf32> to vector<16xf32>
          %get3A_1413 = arith.index_cast %scan3A_1364 : i32 to index
          %get3A_1414 = arith.index_cast %sub3A_1356 : i32 to index
          %get3A_1415 = arith.constant 31 : index
          %get3A_1416 = tpu.vector_load %arg8[%get3A_1413, %get3A_1414, %get3A_1415] {strides = array<i32>} : memref<12x8x255xf32, #tpu.memory_space<vmem>>, vector<1x1x16xf32>,
          %get3A_1417 = vector.shape_cast %get3A_1416 : vector<1x1x16xf32> to vector<16xf32>
          %add3A_1418 = arith.addf %get3A_1412, %get3A_1417 : vector<16xf32>
          %swap3A_1419 = arith.index_cast %scan3A_1351 : i32 to index
          %swap3A_1420 = arith.index_cast %scan3A_1364 : i32 to index
          %swap3A_1421 = arith.constant 32 : index
          %swap3A_1422 = tpu.vector_load %arg6[%swap3A_1419, %swap3A_1420, %swap3A_1421] {strides = array<i32>} : memref<4x12x513xf32, #tpu.memory_space<vmem>>, vector<1x1x16xf32>,
          %swap3A_1423 = vector.shape_cast %swap3A_1422 : vector<1x1x16xf32> to vector<16xf32>
          %swap3A_1424 = vector.shape_cast %add3A_1418 : vector<16xf32> to vector<1x1x16xf32>
          tpu.vector_store %arg6[%swap3A_1419, %swap3A_1420, %swap3A_1421], %swap3A_1424 {strides = array<i32>} : memref<4x12x513xf32, #tpu.memory_space<vmem>>, vector<1x1x16xf32>,
          %get3A_1425 = arith.index_cast %scan3A_1351 : i32 to index
          %get3A_1426 = arith.index_cast %scan3A_1364 : i32 to index
          %get3A_1427 = arith.constant 48 : index
          %get3A_1428 = tpu.vector_load %arg6[%get3A_1425, %get3A_1426, %get3A_1427] {strides = array<i32>} : memref<4x12x513xf32, #tpu.memory_space<vmem>>, vector<1x1x16xf32>,
          %get3A_1429 = vector.shape_cast %get3A_1428 : vector<1x1x16xf32> to vector<16xf32>
          %get3A_1430 = arith.index_cast %scan3A_1364 : i32 to index
          %get3A_1431 = arith.index_cast %sub3A_1356 : i32 to index
          %get3A_1432 = arith.constant 47 : index
          %get3A_1433 = tpu.vector_load %arg8[%get3A_1430, %get3A_1431, %get3A_1432] {strides = array<i32>} : memref<12x8x255xf32, #tpu.memory_space<vmem>>, vector<1x1x16xf32>,
          %get3A_1434 = vector.shape_cast %get3A_1433 : vector<1x1x16xf32> to vector<16xf32>
          %add3A_1435 = arith.addf %get3A_1429, %get3A_1434 : vector<16xf32>
          %swap3A_1436 = arith.index_cast %scan3A_1351 : i32 to index
          %swap3A_1437 = arith.index_cast %scan3A_1364 : i32 to index
          %swap3A_1438 = arith.constant 48 : index
          %swap3A_1439 = tpu.vector_load %arg6[%swap3A_1436, %swap3A_1437, %swap3A_1438] {strides = array<i32>} : memref<4x12x513xf32, #tpu.memory_space<vmem>>, vector<1x1x16xf32>,
          %swap3A_1440 = vector.shape_cast %swap3A_1439 : vector<1x1x16xf32> to vector<16xf32>
          %swap3A_1441 = vector.shape_cast %add3A_1435 : vector<16xf32> to vector<1x1x16xf32>
          tpu.vector_store %arg6[%swap3A_1436, %swap3A_1437, %swap3A_1438], %swap3A_1441 {strides = array<i32>} : memref<4x12x513xf32, #tpu.memory_space<vmem>>, vector<1x1x16xf32>,
          %get3A_1442 = arith.index_cast %scan3A_1351 : i32 to index
          %get3A_1443 = arith.index_cast %scan3A_1364 : i32 to index
          %get3A_1444 = arith.constant 64 : index
          %get3A_1445 = tpu.vector_load %arg6[%get3A_1442, %get3A_1443, %get3A_1444] {strides = array<i32>} : memref<4x12x513xf32, #tpu.memory_space<vmem>>, vector<1x1x16xf32>,
          %get3A_1446 = vector.shape_cast %get3A_1445 : vector<1x1x16xf32> to vector<16xf32>
          %get3A_1447 = arith.index_cast %scan3A_1364 : i32 to index
          %get3A_1448 = arith.index_cast %sub3A_1356 : i32 to index
          %get3A_1449 = arith.constant 63 : index
          %get3A_1450 = tpu.vector_load %arg8[%get3A_1447, %get3A_1448, %get3A_1449] {strides = array<i32>} : memref<12x8x255xf32, #tpu.memory_space<vmem>>, vector<1x1x16xf32>,
          %get3A_1451 = vector.shape_cast %get3A_1450 : vector<1x1x16xf32> to vector<16xf32>
          %add3A_1452 = arith.addf %get3A_1446, %get3A_1451 : vector<16xf32>
          %swap3A_1453 = arith.index_cast %scan3A_1351 : i32 to index
          %swap3A_1454 = arith.index_cast %scan3A_1364 : i32 to index
          %swap3A_1455 = arith.constant 64 : index
          %swap3A_1456 = tpu.vector_load %arg6[%swap3A_1453, %swap3A_1454, %swap3A_1455] {strides = array<i32>} : memref<4x12x513xf32, #tpu.memory_space<vmem>>, vector<1x1x16xf32>,
          %swap3A_1457 = vector.shape_cast %swap3A_1456 : vector<1x1x16xf32> to vector<16xf32>
          %swap3A_1458 = vector.shape_cast %add3A_1452 : vector<16xf32> to vector<1x1x16xf32>
          tpu.vector_store %arg6[%swap3A_1453, %swap3A_1454, %swap3A_1455], %swap3A_1458 {strides = array<i32>} : memref<4x12x513xf32, #tpu.memory_space<vmem>>, vector<1x1x16xf32>,
          %get3A_1459 = arith.index_cast %scan3A_1351 : i32 to index
          %get3A_1460 = arith.index_cast %scan3A_1364 : i32 to index
          %get3A_1461 = arith.constant 80 : index
          %get3A_1462 = tpu.vector_load %arg6[%get3A_1459, %get3A_1460, %get3A_1461] {strides = array<i32>} : memref<4x12x513xf32, #tpu.memory_space<vmem>>, vector<1x1x16xf32>,
          %get3A_1463 = vector.shape_cast %get3A_1462 : vector<1x1x16xf32> to vector<16xf32>
          %get3A_1464 = arith.index_cast %scan3A_1364 : i32 to index
          %get3A_1465 = arith.index_cast %sub3A_1356 : i32 to index
          %get3A_1466 = arith.constant 79 : index
          %get3A_1467 = tpu.vector_load %arg8[%get3A_1464, %get3A_1465, %get3A_1466] {strides = array<i32>} : memref<12x8x255xf32, #tpu.memory_space<vmem>>, vector<1x1x16xf32>,
          %get3A_1468 = vector.shape_cast %get3A_1467 : vector<1x1x16xf32> to vector<16xf32>
          %add3A_1469 = arith.addf %get3A_1463, %get3A_1468 : vector<16xf32>
          %swap3A_1470 = arith.index_cast %scan3A_1351 : i32 to index
          %swap3A_1471 = arith.index_cast %scan3A_1364 : i32 to index
          %swap3A_1472 = arith.constant 80 : index
          %swap3A_1473 = tpu.vector_load %arg6[%swap3A_1470, %swap3A_1471, %swap3A_1472] {strides = array<i32>} : memref<4x12x513xf32, #tpu.memory_space<vmem>>, vector<1x1x16xf32>,
          %swap3A_1474 = vector.shape_cast %swap3A_1473 : vector<1x1x16xf32> to vector<16xf32>
          %swap3A_1475 = vector.shape_cast %add3A_1469 : vector<16xf32> to vector<1x1x16xf32>
          tpu.vector_store %arg6[%swap3A_1470, %swap3A_1471, %swap3A_1472], %swap3A_1475 {strides = array<i32>} : memref<4x12x513xf32, #tpu.memory_space<vmem>>, vector<1x1x16xf32>,
          %get3A_1476 = arith.index_cast %scan3A_1351 : i32 to index
          %get3A_1477 = arith.index_cast %scan3A_1364 : i32 to index
          %get3A_1478 = arith.constant 96 : index
          %get3A_1479 = tpu.vector_load %arg6[%get3A_1476, %get3A_1477, %get3A_1478] {strides = array<i32>} : memref<4x12x513xf32, #tpu.memory_space<vmem>>, vector<1x1x16xf32>,
          %get3A_1480 = vector.shape_cast %get3A_1479 : vector<1x1x16xf32> to vector<16xf32>
          %get3A_1481 = arith.index_cast %scan3A_1364 : i32 to index
          %get3A_1482 = arith.index_cast %sub3A_1356 : i32 to index
          %get3A_1483 = arith.constant 95 : index
          %get3A_1484 = tpu.vector_load %arg8[%get3A_1481, %get3A_1482, %get3A_1483] {strides = array<i32>} : memref<12x8x255xf32, #tpu.memory_space<vmem>>, vector<1x1x16xf32>,
          %get3A_1485 = vector.shape_cast %get3A_1484 : vector<1x1x16xf32> to vector<16xf32>
          %add3A_1486 = arith.addf %get3A_1480, %get3A_1485 : vector<16xf32>
          %swap3A_1487 = arith.index_cast %scan3A_1351 : i32 to index
          %swap3A_1488 = arith.index_cast %scan3A_1364 : i32 to index
          %swap3A_1489 = arith.constant 96 : index
          %swap3A_1490 = tpu.vector_load %arg6[%swap3A_1487, %swap3A_1488, %swap3A_1489] {strides = array<i32>} : memref<4x12x513xf32, #tpu.memory_space<vmem>>, vector<1x1x16xf32>,
          %swap3A_1491 = vector.shape_cast %swap3A_1490 : vector<1x1x16xf32> to vector<16xf32>
          %swap3A_1492 = vector.shape_cast %add3A_1486 : vector<16xf32> to vector<1x1x16xf32>
          tpu.vector_store %arg6[%swap3A_1487, %swap3A_1488, %swap3A_1489], %swap3A_1492 {strides = array<i32>} : memref<4x12x513xf32, #tpu.memory_space<vmem>>, vector<1x1x16xf32>,
          %get3A_1493 = arith.index_cast %scan3A_1351 : i32 to index
          %get3A_1494 = arith.index_cast %scan3A_1364 : i32 to index
          %get3A_1495 = arith.constant 112 : index
          %get3A_1496 = tpu.vector_load %arg6[%get3A_1493, %get3A_1494, %get3A_1495] {strides = array<i32>} : memref<4x12x513xf32, #tpu.memory_space<vmem>>, vector<1x1x16xf32>,
          %get3A_1497 = vector.shape_cast %get3A_1496 : vector<1x1x16xf32> to vector<16xf32>
          %get3A_1498 = arith.index_cast %scan3A_1364 : i32 to index
          %get3A_1499 = arith.index_cast %sub3A_1356 : i32 to index
          %get3A_1500 = arith.constant 111 : index
          %get3A_1501 = tpu.vector_load %arg8[%get3A_1498, %get3A_1499, %get3A_1500] {strides = array<i32>} : memref<12x8x255xf32, #tpu.memory_space<vmem>>, vector<1x1x16xf32>,
          %get3A_1502 = vector.shape_cast %get3A_1501 : vector<1x1x16xf32> to vector<16xf32>
          %add3A_1503 = arith.addf %get3A_1497, %get3A_1502 : vector<16xf32>
          %swap3A_1504 = arith.index_cast %scan3A_1351 : i32 to index
          %swap3A_1505 = arith.index_cast %scan3A_1364 : i32 to index
          %swap3A_1506 = arith.constant 112 : index
          %swap3A_1507 = tpu.vector_load %arg6[%swap3A_1504, %swap3A_1505, %swap3A_1506] {strides = array<i32>} : memref<4x12x513xf32, #tpu.memory_space<vmem>>, vector<1x1x16xf32>,
          %swap3A_1508 = vector.shape_cast %swap3A_1507 : vector<1x1x16xf32> to vector<16xf32>
          %swap3A_1509 = vector.shape_cast %add3A_1503 : vector<16xf32> to vector<1x1x16xf32>
          tpu.vector_store %arg6[%swap3A_1504, %swap3A_1505, %swap3A_1506], %swap3A_1509 {strides = array<i32>} : memref<4x12x513xf32, #tpu.memory_space<vmem>>, vector<1x1x16xf32>,
          %get3A_1510 = arith.index_cast %scan3A_1351 : i32 to index
          %get3A_1511 = arith.index_cast %scan3A_1364 : i32 to index
          %get3A_1512 = arith.constant 128 : index
          %get3A_1513 = tpu.vector_load %arg6[%get3A_1510, %get3A_1511, %get3A_1512] {strides = array<i32>} : memref<4x12x513xf32, #tpu.memory_space<vmem>>, vector<1x1x16xf32>,
          %get3A_1514 = vector.shape_cast %get3A_1513 : vector<1x1x16xf32> to vector<16xf32>
          %get3A_1515 = arith.index_cast %scan3A_1364 : i32 to index
          %get3A_1516 = arith.index_cast %sub3A_1356 : i32 to index
          %get3A_1517 = arith.constant 127 : index
          %get3A_1518 = tpu.vector_load %arg8[%get3A_1515, %get3A_1516, %get3A_1517] {strides = array<i32>} : memref<12x8x255xf32, #tpu.memory_space<vmem>>, vector<1x1x16xf32>,
          %get3A_1519 = vector.shape_cast %get3A_1518 : vector<1x1x16xf32> to vector<16xf32>
          %add3A_1520 = arith.addf %get3A_1514, %get3A_1519 : vector<16xf32>
          %swap3A_1521 = arith.index_cast %scan3A_1351 : i32 to index
          %swap3A_1522 = arith.index_cast %scan3A_1364 : i32 to index
          %swap3A_1523 = arith.constant 128 : index
          %swap3A_1524 = tpu.vector_load %arg6[%swap3A_1521, %swap3A_1522, %swap3A_1523] {strides = array<i32>} : memref<4x12x513xf32, #tpu.memory_space<vmem>>, vector<1x1x16xf32>,
          %swap3A_1525 = vector.shape_cast %swap3A_1524 : vector<1x1x16xf32> to vector<16xf32>
          %swap3A_1526 = vector.shape_cast %add3A_1520 : vector<16xf32> to vector<1x1x16xf32>
          tpu.vector_store %arg6[%swap3A_1521, %swap3A_1522, %swap3A_1523], %swap3A_1526 {strides = array<i32>} : memref<4x12x513xf32, #tpu.memory_space<vmem>>, vector<1x1x16xf32>,
          %get3A_1527 = arith.index_cast %scan3A_1351 : i32 to index
          %get3A_1528 = arith.index_cast %scan3A_1364 : i32 to index
          %get3A_1529 = arith.constant 144 : index
          %get3A_1530 = tpu.vector_load %arg6[%get3A_1527, %get3A_1528, %get3A_1529] {strides = array<i32>} : memref<4x12x513xf32, #tpu.memory_space<vmem>>, vector<1x1x16xf32>,
          %get3A_1531 = vector.shape_cast %get3A_1530 : vector<1x1x16xf32> to vector<16xf32>
          %get3A_1532 = arith.index_cast %scan3A_1364 : i32 to index
          %get3A_1533 = arith.index_cast %sub3A_1356 : i32 to index
          %get3A_1534 = arith.constant 143 : index
          %get3A_1535 = tpu.vector_load %arg8[%get3A_1532, %get3A_1533, %get3A_1534] {strides = array<i32>} : memref<12x8x255xf32, #tpu.memory_space<vmem>>, vector<1x1x16xf32>,
          %get3A_1536 = vector.shape_cast %get3A_1535 : vector<1x1x16xf32> to vector<16xf32>
          %add3A_1537 = arith.addf %get3A_1531, %get3A_1536 : vector<16xf32>
          %swap3A_1538 = arith.index_cast %scan3A_1351 : i32 to index
          %swap3A_1539 = arith.index_cast %scan3A_1364 : i32 to index
          %swap3A_1540 = arith.constant 144 : index
          %swap3A_1541 = tpu.vector_load %arg6[%swap3A_1538, %swap3A_1539, %swap3A_1540] {strides = array<i32>} : memref<4x12x513xf32, #tpu.memory_space<vmem>>, vector<1x1x16xf32>,
          %swap3A_1542 = vector.shape_cast %swap3A_1541 : vector<1x1x16xf32> to vector<16xf32>
          %swap3A_1543 = vector.shape_cast %add3A_1537 : vector<16xf32> to vector<1x1x16xf32>
          tpu.vector_store %arg6[%swap3A_1538, %swap3A_1539, %swap3A_1540], %swap3A_1543 {strides = array<i32>} : memref<4x12x513xf32, #tpu.memory_space<vmem>>, vector<1x1x16xf32>,
          %get3A_1544 = arith.index_cast %scan3A_1351 : i32 to index
          %get3A_1545 = arith.index_cast %scan3A_1364 : i32 to index
          %get3A_1546 = arith.constant 160 : index
          %get3A_1547 = tpu.vector_load %arg6[%get3A_1544, %get3A_1545, %get3A_1546] {strides = array<i32>} : memref<4x12x513xf32, #tpu.memory_space<vmem>>, vector<1x1x16xf32>,
          %get3A_1548 = vector.shape_cast %get3A_1547 : vector<1x1x16xf32> to vector<16xf32>
          %get3A_1549 = arith.index_cast %scan3A_1364 : i32 to index
          %get3A_1550 = arith.index_cast %sub3A_1356 : i32 to index
          %get3A_1551 = arith.constant 159 : index
          %get3A_1552 = tpu.vector_load %arg8[%get3A_1549, %get3A_1550, %get3A_1551] {strides = array<i32>} : memref<12x8x255xf32, #tpu.memory_space<vmem>>, vector<1x1x16xf32>,
          %get3A_1553 = vector.shape_cast %get3A_1552 : vector<1x1x16xf32> to vector<16xf32>
          %add3A_1554 = arith.addf %get3A_1548, %get3A_1553 : vector<16xf32>
          %swap3A_1555 = arith.index_cast %scan3A_1351 : i32 to index
          %swap3A_1556 = arith.index_cast %scan3A_1364 : i32 to index
          %swap3A_1557 = arith.constant 160 : index
          %swap3A_1558 = tpu.vector_load %arg6[%swap3A_1555, %swap3A_1556, %swap3A_1557] {strides = array<i32>} : memref<4x12x513xf32, #tpu.memory_space<vmem>>, vector<1x1x16xf32>,
          %swap3A_1559 = vector.shape_cast %swap3A_1558 : vector<1x1x16xf32> to vector<16xf32>
          %swap3A_1560 = vector.shape_cast %add3A_1554 : vector<16xf32> to vector<1x1x16xf32>
          tpu.vector_store %arg6[%swap3A_1555, %swap3A_1556, %swap3A_1557], %swap3A_1560 {strides = array<i32>} : memref<4x12x513xf32, #tpu.memory_space<vmem>>, vector<1x1x16xf32>,
          %get3A_1561 = arith.index_cast %scan3A_1351 : i32 to index
          %get3A_1562 = arith.index_cast %scan3A_1364 : i32 to index
          %get3A_1563 = arith.constant 176 : index
          %get3A_1564 = tpu.vector_load %arg6[%get3A_1561, %get3A_1562, %get3A_1563] {strides = array<i32>} : memref<4x12x513xf32, #tpu.memory_space<vmem>>, vector<1x1x16xf32>,
          %get3A_1565 = vector.shape_cast %get3A_1564 : vector<1x1x16xf32> to vector<16xf32>
          %get3A_1566 = arith.index_cast %scan3A_1364 : i32 to index
          %get3A_1567 = arith.index_cast %sub3A_1356 : i32 to index
          %get3A_1568 = arith.constant 175 : index
          %get3A_1569 = tpu.vector_load %arg8[%get3A_1566, %get3A_1567, %get3A_1568] {strides = array<i32>} : memref<12x8x255xf32, #tpu.memory_space<vmem>>, vector<1x1x16xf32>,
          %get3A_1570 = vector.shape_cast %get3A_1569 : vector<1x1x16xf32> to vector<16xf32>
          %add3A_1571 = arith.addf %get3A_1565, %get3A_1570 : vector<16xf32>
          %swap3A_1572 = arith.index_cast %scan3A_1351 : i32 to index
          %swap3A_1573 = arith.index_cast %scan3A_1364 : i32 to index
          %swap3A_1574 = arith.constant 176 : index
          %swap3A_1575 = tpu.vector_load %arg6[%swap3A_1572, %swap3A_1573, %swap3A_1574] {strides = array<i32>} : memref<4x12x513xf32, #tpu.memory_space<vmem>>, vector<1x1x16xf32>,
          %swap3A_1576 = vector.shape_cast %swap3A_1575 : vector<1x1x16xf32> to vector<16xf32>
          %swap3A_1577 = vector.shape_cast %add3A_1571 : vector<16xf32> to vector<1x1x16xf32>
          tpu.vector_store %arg6[%swap3A_1572, %swap3A_1573, %swap3A_1574], %swap3A_1577 {strides = array<i32>} : memref<4x12x513xf32, #tpu.memory_space<vmem>>, vector<1x1x16xf32>,
          %get3A_1578 = arith.index_cast %scan3A_1351 : i32 to index
          %get3A_1579 = arith.index_cast %scan3A_1364 : i32 to index
          %get3A_1580 = arith.constant 192 : index
          %get3A_1581 = tpu.vector_load %arg6[%get3A_1578, %get3A_1579, %get3A_1580] {strides = array<i32>} : memref<4x12x513xf32, #tpu.memory_space<vmem>>, vector<1x1x16xf32>,
          %get3A_1582 = vector.shape_cast %get3A_1581 : vector<1x1x16xf32> to vector<16xf32>
          %get3A_1583 = arith.index_cast %scan3A_1364 : i32 to index
          %get3A_1584 = arith.index_cast %sub3A_1356 : i32 to index
          %get3A_1585 = arith.constant 191 : index
          %get3A_1586 = tpu.vector_load %arg8[%get3A_1583, %get3A_1584, %get3A_1585] {strides = array<i32>} : memref<12x8x255xf32, #tpu.memory_space<vmem>>, vector<1x1x16xf32>,
          %get3A_1587 = vector.shape_cast %get3A_1586 : vector<1x1x16xf32> to vector<16xf32>
          %add3A_1588 = arith.addf %get3A_1582, %get3A_1587 : vector<16xf32>
          %swap3A_1589 = arith.index_cast %scan3A_1351 : i32 to index
          %swap3A_1590 = arith.index_cast %scan3A_1364 : i32 to index
          %swap3A_1591 = arith.constant 192 : index
          %swap3A_1592 = tpu.vector_load %arg6[%swap3A_1589, %swap3A_1590, %swap3A_1591] {strides = array<i32>} : memref<4x12x513xf32, #tpu.memory_space<vmem>>, vector<1x1x16xf32>,
          %swap3A_1593 = vector.shape_cast %swap3A_1592 : vector<1x1x16xf32> to vector<16xf32>
          %swap3A_1594 = vector.shape_cast %add3A_1588 : vector<16xf32> to vector<1x1x16xf32>
          tpu.vector_store %arg6[%swap3A_1589, %swap3A_1590, %swap3A_1591], %swap3A_1594 {strides = array<i32>} : memref<4x12x513xf32, #tpu.memory_space<vmem>>, vector<1x1x16xf32>,
          %get3A_1595 = arith.index_cast %scan3A_1351 : i32 to index
          %get3A_1596 = arith.index_cast %scan3A_1364 : i32 to index
          %get3A_1597 = arith.constant 208 : index
          %get3A_1598 = tpu.vector_load %arg6[%get3A_1595, %get3A_1596, %get3A_1597] {strides = array<i32>} : memref<4x12x513xf32, #tpu.memory_space<vmem>>, vector<1x1x16xf32>,
          %get3A_1599 = vector.shape_cast %get3A_1598 : vector<1x1x16xf32> to vector<16xf32>
          %get3A_1600 = arith.index_cast %scan3A_1364 : i32 to index
          %get3A_1601 = arith.index_cast %sub3A_1356 : i32 to index
          %get3A_1602 = arith.constant 207 : index
          %get3A_1603 = tpu.vector_load %arg8[%get3A_1600, %get3A_1601, %get3A_1602] {strides = array<i32>} : memref<12x8x255xf32, #tpu.memory_space<vmem>>, vector<1x1x16xf32>,
          %get3A_1604 = vector.shape_cast %get3A_1603 : vector<1x1x16xf32> to vector<16xf32>
          %add3A_1605 = arith.addf %get3A_1599, %get3A_1604 : vector<16xf32>
          %swap3A_1606 = arith.index_cast %scan3A_1351 : i32 to index
          %swap3A_1607 = arith.index_cast %scan3A_1364 : i32 to index
          %swap3A_1608 = arith.constant 208 : index
          %swap3A_1609 = tpu.vector_load %arg6[%swap3A_1606, %swap3A_1607, %swap3A_1608] {strides = array<i32>} : memref<4x12x513xf32, #tpu.memory_space<vmem>>, vector<1x1x16xf32>,
          %swap3A_1610 = vector.shape_cast %swap3A_1609 : vector<1x1x16xf32> to vector<16xf32>
          %swap3A_1611 = vector.shape_cast %add3A_1605 : vector<16xf32> to vector<1x1x16xf32>
          tpu.vector_store %arg6[%swap3A_1606, %swap3A_1607, %swap3A_1608], %swap3A_1611 {strides = array<i32>} : memref<4x12x513xf32, #tpu.memory_space<vmem>>, vector<1x1x16xf32>,
          %get3A_1612 = arith.index_cast %scan3A_1351 : i32 to index
          %get3A_1613 = arith.index_cast %scan3A_1364 : i32 to index
          %get3A_1614 = arith.constant 224 : index
          %get3A_1615 = tpu.vector_load %arg6[%get3A_1612, %get3A_1613, %get3A_1614] {strides = array<i32>} : memref<4x12x513xf32, #tpu.memory_space<vmem>>, vector<1x1x16xf32>,
          %get3A_1616 = vector.shape_cast %get3A_1615 : vector<1x1x16xf32> to vector<16xf32>
          %get3A_1617 = arith.index_cast %scan3A_1364 : i32 to index
          %get3A_1618 = arith.index_cast %sub3A_1356 : i32 to index
          %get3A_1619 = arith.constant 223 : index
          %get3A_1620 = tpu.vector_load %arg8[%get3A_1617, %get3A_1618, %get3A_1619] {strides = array<i32>} : memref<12x8x255xf32, #tpu.memory_space<vmem>>, vector<1x1x16xf32>,
          %get3A_1621 = vector.shape_cast %get3A_1620 : vector<1x1x16xf32> to vector<16xf32>
          %add3A_1622 = arith.addf %get3A_1616, %get3A_1621 : vector<16xf32>
          %swap3A_1623 = arith.index_cast %scan3A_1351 : i32 to index
          %swap3A_1624 = arith.index_cast %scan3A_1364 : i32 to index
          %swap3A_1625 = arith.constant 224 : index
          %swap3A_1626 = tpu.vector_load %arg6[%swap3A_1623, %swap3A_1624, %swap3A_1625] {strides = array<i32>} : memref<4x12x513xf32, #tpu.memory_space<vmem>>, vector<1x1x16xf32>,
          %swap3A_1627 = vector.shape_cast %swap3A_1626 : vector<1x1x16xf32> to vector<16xf32>
          %swap3A_1628 = vector.shape_cast %add3A_1622 : vector<16xf32> to vector<1x1x16xf32>
          tpu.vector_store %arg6[%swap3A_1623, %swap3A_1624, %swap3A_1625], %swap3A_1628 {strides = array<i32>} : memref<4x12x513xf32, #tpu.memory_space<vmem>>, vector<1x1x16xf32>,
          %get3A_1629 = arith.index_cast %scan3A_1351 : i32 to index
          %get3A_1630 = arith.index_cast %scan3A_1364 : i32 to index
          %get3A_1631 = arith.constant 240 : index
          %get3A_1632 = tpu.vector_load %arg6[%get3A_1629, %get3A_1630, %get3A_1631] {strides = array<i32>} : memref<4x12x513xf32, #tpu.memory_space<vmem>>, vector<1x1x16xf32>,
          %get3A_1633 = vector.shape_cast %get3A_1632 : vector<1x1x16xf32> to vector<16xf32>
          %get3A_1634 = arith.index_cast %scan3A_1364 : i32 to index
          %get3A_1635 = arith.index_cast %sub3A_1356 : i32 to index
          %get3A_1636 = arith.constant 239 : index
          %get3A_1637 = tpu.vector_load %arg8[%get3A_1634, %get3A_1635, %get3A_1636] {strides = array<i32>} : memref<12x8x255xf32, #tpu.memory_space<vmem>>, vector<1x1x16xf32>,
          %get3A_1638 = vector.shape_cast %get3A_1637 : vector<1x1x16xf32> to vector<16xf32>
          %add3A_1639 = arith.addf %get3A_1633, %get3A_1638 : vector<16xf32>
          %swap3A_1640 = arith.index_cast %scan3A_1351 : i32 to index
          %swap3A_1641 = arith.index_cast %scan3A_1364 : i32 to index
          %swap3A_1642 = arith.constant 240 : index
          %swap3A_1643 = tpu.vector_load %arg6[%swap3A_1640, %swap3A_1641, %swap3A_1642] {strides = array<i32>} : memref<4x12x513xf32, #tpu.memory_space<vmem>>, vector<1x1x16xf32>,
          %swap3A_1644 = vector.shape_cast %swap3A_1643 : vector<1x1x16xf32> to vector<16xf32>
          %swap3A_1645 = vector.shape_cast %add3A_1639 : vector<16xf32> to vector<1x1x16xf32>
          tpu.vector_store %arg6[%swap3A_1640, %swap3A_1641, %swap3A_1642], %swap3A_1645 {strides = array<i32>} : memref<4x12x513xf32, #tpu.memory_space<vmem>>, vector<1x1x16xf32>,
        }
        %scan3A_1362 = arith.constant 12 : i32
        %scan3A_1363 = arith.constant 0 : i32
        scf.yield %scan3A_1363 : i32
      }
      %scan3A_1108 = arith.constant 3 : i32
      %ge3A_1109 = arith.constant 1 : i32
      %ge3A_1110 = arith.cmpi sge, %add3A_1020, %ge3A_1109 : i32
      %convert_element_type3A_1111 = arith.extui %ge3A_1110 : i1 to i32
      %cond3A_1112 = arith.constant 0 : i32
      %cond3A_1113 = arith.cmpi ne, %convert_element_type3A_1111, %cond3A_1112 : i32
      scf.if %cond3A_1113 {
        %sub3A_1351 = arith.constant 1 : i32
        %sub3A_1352 = arith.subi %add3A_1020, %sub3A_1351 : i32
        %jit3A_1353 = arith.constant 8 : i32
        %div3A_1354 = arith.divsi %sub3A_1352, %jit3A_1353 : i32
        %sign3A_1355 = arith.constant 0 : i32
        %sign3A_1356 = arith.cmpi sgt, %sub3A_1352, %sign3A_1355 : i32
        %sign3A_1357 = arith.extui %sign3A_1356 : i1 to i32
        %sign3A_1358 = arith.constant 0 : i32
        %sign3A_1359 = arith.cmpi slt, %sub3A_1352, %sign3A_1358 : i32
        %sign3A_1360 = arith.extui %sign3A_1359 : i1 to i32
        %sign3A_1361 = arith.subi %sign3A_1357, %sign3A_1360 : i32
        %sign3A_1362 = arith.constant 0 : i32
        %sign3A_1363 = arith.cmpi sgt, %jit3A_1353, %sign3A_1362 : i32
        %sign3A_1364 = arith.extui %sign3A_1363 : i1 to i32
        %sign3A_1365 = arith.constant 0 : i32
        %sign3A_1366 = arith.cmpi slt, %jit3A_1353, %sign3A_1365 : i32
        %sign3A_1367 = arith.extui %sign3A_1366 : i1 to i32
        %sign3A_1368 = arith.subi %sign3A_1364, %sign3A_1367 : i32
        %ne3A_1369 = arith.cmpi ne, %sign3A_1361, %sign3A_1368 : i32
        %rem3A_1370 = arith.remsi %sub3A_1352, %jit3A_1353 : i32
        %ne3A_1371 = arith.constant 0 : i32
        %ne3A_1372 = arith.cmpi ne, %rem3A_1370, %ne3A_1371 : i32
        %and3A_1373 = arith.andi %ne3A_1369, %ne3A_1372 : i1
        %sub3A_1374 = arith.constant 1 : i32
        %sub3A_1375 = arith.subi %div3A_1354, %sub3A_1374 : i32
        %select_n3A_1376 = arith.select %and3A_1373, %sub3A_1375, %div3A_1354 : i32
        %jit3A_1377 = arith.constant 8 : i32
        %eq3A_1378 = arith.constant 0 : i32
        %eq3A_1379 = arith.cmpi eq, %jit3A_1377, %eq3A_1378 : i32
        %jit3A_1380 = arith.constant 1 : i32
        %select_n3A_1381 = arith.select %eq3A_1379, %jit3A_1380, %jit3A_1377 : i32
        %rem3A_1382 = arith.remsi %sub3A_1352, %select_n3A_1381 : i32
        %ne3A_1383 = arith.constant 0 : i32
        %ne3A_1384 = arith.cmpi ne, %rem3A_1382, %ne3A_1383 : i32
        %lt3A_1385 = arith.constant 0 : i32
        %lt3A_1386 = arith.cmpi slt, %rem3A_1382, %lt3A_1385 : i32
        %lt3A_1387 = arith.constant 0 : i32
        %lt3A_1388 = arith.cmpi slt, %select_n3A_1381, %lt3A_1387 : i32
        %ne3A_1389 = arith.xori %lt3A_1386, %lt3A_1388 : i1
        %and3A_1390 = arith.andi %ne3A_1389, %ne3A_1384 : i1
        %add3A_1391 = arith.addi %rem3A_1382, %select_n3A_1381 : i32
        %select_n3A_1392 = arith.select %and3A_1390, %add3A_1391, %rem3A_1382 : i32
        %lt3A_1393 = arith.constant 6 : i32
        %lt3A_1394 = arith.cmpi slt, %select_n3A_1392, %lt3A_1393 : i32
        %mul3A_1395 = arith.constant 96 : i32
        %mul3A_1396 = arith.muli %mul3A_1395, %select_n3A_30 : i32
        %add3A_1397 = arith.constant 256 : i32
        %add3A_1398 = arith.addi %add3A_1397, %mul3A_1396 : i32
        %mul3A_1399 = arith.constant 6 : i32
        %mul3A_1400 = arith.muli %mul3A_1399, %select_n3A_1376 : i32
        %add3A_1401 = arith.addi %mul3A_1400, %select_n3A_1392 : i32
        %mul3A_1402 = arith.constant 4 : i32
        %mul3A_1403 = arith.muli %mul3A_1402, %add3A_1401 : i32
        %add3A_1404 = arith.addi %add3A_1398, %mul3A_1403 : i32
        %mul3A_1405 = arith.constant 8 : i32
        %mul3A_1406 = arith.muli %mul3A_1405, %select_n3A_1376 : i32
        %add3A_1407 = arith.addi %mul3A_32, %mul3A_1406 : i32
        %sub3A_1408 = arith.constant 6 : i32
        %sub3A_1409 = arith.subi %select_n3A_1392, %sub3A_1408 : i32
        %mul3A_1410 = arith.constant 4 : i32
        %mul3A_1411 = arith.muli %mul3A_1410, %sub3A_1409 : i32
        %add3A_1412 = arith.addi %add3A_1407, %mul3A_1411 : i32
        %select_n3A_1413 = arith.select %lt3A_1394, %add3A_1404, %add3A_1412 : i32
        %dma_wait3A_1414 = arith.constant 0 : i32
        %dma_wait3A_1415 = arith.constant 0 : i32
        %dma_wait3A_1416 = tpu.memref_slice %arg5[%select_n3A, %select_n3A_1413, %dma_wait3A_1414, %dma_wait3A_1415] : memref<4x1024x12x513xf32, #tpu.memory_space<hbm>> -> memref<1x4x12x513xf32, #tpu.memory_space<hbm>>
        %dma_wait3A_1417 = tpu.memref_squeeze %dma_wait3A_1416 : memref<1x4x12x513xf32, #tpu.memory_space<hbm>> -> memref<4x12x513xf32, #tpu.memory_space<hbm>>
        %dma_wait3A_1418 = arith.constant 0 : i32
        %dma_wait3A_1419 = arith.constant 0 : i32
        %dma_wait3A_1420 = tpu.memref_slice %arg5[%select_n3A, %select_n3A_1413, %dma_wait3A_1418, %dma_wait3A_1419] : memref<4x1024x12x513xf32, #tpu.memory_space<hbm>> -> memref<1x4x12x513xf32, #tpu.memory_space<hbm>>
        %dma_wait3A_1421 = tpu.memref_squeeze %dma_wait3A_1420 : memref<1x4x12x513xf32, #tpu.memory_space<hbm>> -> memref<4x12x513xf32, #tpu.memory_space<hbm>>
        tpu.wait_dma2 semaphore(%arg12 : memref<!tpu.dma_semaphore, #tpu.memory_space<semaphore_mem>>) src(%arg7 : memref<4x12x513xf32, #tpu.memory_space<vmem>>) dst(%dma_wait3A_1421 : memref<4x12x513xf32, #tpu.memory_space<hbm>>)
      } else {
      }
      %add3A_1114 = arith.constant 1 : i32
      %add3A_1115 = arith.addi %add3A_1020, %add3A_1114 : i32
      %lt3A_1116 = arith.constant 32 : i32
      %lt3A_1117 = arith.cmpi slt, %add3A_1115, %lt3A_1116 : i32
      %convert_element_type3A_1118 = arith.extui %lt3A_1117 : i1 to i32
      %cond3A_1119 = arith.constant 0 : i32
      %cond3A_1120 = arith.cmpi ne, %convert_element_type3A_1118, %cond3A_1119 : i32
      scf.if %cond3A_1120 {
        %add3A_1351 = arith.constant 1 : i32
        %add3A_1352 = arith.addi %add3A_1020, %add3A_1351 : i32
        %jit3A_1353 = arith.constant 8 : i32
        %div3A_1354 = arith.divsi %add3A_1352, %jit3A_1353 : i32
        %sign3A_1355 = arith.constant 0 : i32
        %sign3A_1356 = arith.cmpi sgt, %add3A_1352, %sign3A_1355 : i32
        %sign3A_1357 = arith.extui %sign3A_1356 : i1 to i32
        %sign3A_1358 = arith.constant 0 : i32
        %sign3A_1359 = arith.cmpi slt, %add3A_1352, %sign3A_1358 : i32
        %sign3A_1360 = arith.extui %sign3A_1359 : i1 to i32
        %sign3A_1361 = arith.subi %sign3A_1357, %sign3A_1360 : i32
        %sign3A_1362 = arith.constant 0 : i32
        %sign3A_1363 = arith.cmpi sgt, %jit3A_1353, %sign3A_1362 : i32
        %sign3A_1364 = arith.extui %sign3A_1363 : i1 to i32
        %sign3A_1365 = arith.constant 0 : i32
        %sign3A_1366 = arith.cmpi slt, %jit3A_1353, %sign3A_1365 : i32
        %sign3A_1367 = arith.extui %sign3A_1366 : i1 to i32
        %sign3A_1368 = arith.subi %sign3A_1364, %sign3A_1367 : i32
        %ne3A_1369 = arith.cmpi ne, %sign3A_1361, %sign3A_1368 : i32
        %rem3A_1370 = arith.remsi %add3A_1352, %jit3A_1353 : i32
        %ne3A_1371 = arith.constant 0 : i32
        %ne3A_1372 = arith.cmpi ne, %rem3A_1370, %ne3A_1371 : i32
        %and3A_1373 = arith.andi %ne3A_1369, %ne3A_1372 : i1
        %sub3A_1374 = arith.constant 1 : i32
        %sub3A_1375 = arith.subi %div3A_1354, %sub3A_1374 : i32
        %select_n3A_1376 = arith.select %and3A_1373, %sub3A_1375, %div3A_1354 : i32
        %jit3A_1377 = arith.constant 8 : i32
        %eq3A_1378 = arith.constant 0 : i32
        %eq3A_1379 = arith.cmpi eq, %jit3A_1377, %eq3A_1378 : i32
        %jit3A_1380 = arith.constant 1 : i32
        %select_n3A_1381 = arith.select %eq3A_1379, %jit3A_1380, %jit3A_1377 : i32
        %rem3A_1382 = arith.remsi %add3A_1352, %select_n3A_1381 : i32
        %ne3A_1383 = arith.constant 0 : i32
        %ne3A_1384 = arith.cmpi ne, %rem3A_1382, %ne3A_1383 : i32
        %lt3A_1385 = arith.constant 0 : i32
        %lt3A_1386 = arith.cmpi slt, %rem3A_1382, %lt3A_1385 : i32
        %lt3A_1387 = arith.constant 0 : i32
        %lt3A_1388 = arith.cmpi slt, %select_n3A_1381, %lt3A_1387 : i32
        %ne3A_1389 = arith.xori %lt3A_1386, %lt3A_1388 : i1
        %and3A_1390 = arith.andi %ne3A_1389, %ne3A_1384 : i1
        %add3A_1391 = arith.addi %rem3A_1382, %select_n3A_1381 : i32
        %select_n3A_1392 = arith.select %and3A_1390, %add3A_1391, %rem3A_1382 : i32
        %lt3A_1393 = arith.constant 6 : i32
        %lt3A_1394 = arith.cmpi slt, %select_n3A_1392, %lt3A_1393 : i32
        %mul3A_1395 = arith.constant 96 : i32
        %mul3A_1396 = arith.muli %mul3A_1395, %select_n3A_30 : i32
        %add3A_1397 = arith.constant 256 : i32
        %add3A_1398 = arith.addi %add3A_1397, %mul3A_1396 : i32
        %mul3A_1399 = arith.constant 6 : i32
        %mul3A_1400 = arith.muli %mul3A_1399, %select_n3A_1376 : i32
        %add3A_1401 = arith.addi %mul3A_1400, %select_n3A_1392 : i32
        %mul3A_1402 = arith.constant 4 : i32
        %mul3A_1403 = arith.muli %mul3A_1402, %add3A_1401 : i32
        %add3A_1404 = arith.addi %add3A_1398, %mul3A_1403 : i32
        %mul3A_1405 = arith.constant 8 : i32
        %mul3A_1406 = arith.muli %mul3A_1405, %select_n3A_1376 : i32
        %add3A_1407 = arith.addi %mul3A_32, %mul3A_1406 : i32
        %sub3A_1408 = arith.constant 6 : i32
        %sub3A_1409 = arith.subi %select_n3A_1392, %sub3A_1408 : i32
        %mul3A_1410 = arith.constant 4 : i32
        %mul3A_1411 = arith.muli %mul3A_1410, %sub3A_1409 : i32
        %add3A_1412 = arith.addi %add3A_1407, %mul3A_1411 : i32
        %select_n3A_1413 = arith.select %lt3A_1394, %add3A_1404, %add3A_1412 : i32
        %dma_start3A_1414 = arith.constant 0 : i32
        %dma_start3A_1415 = arith.constant 0 : i32
        %dma_start3A_1416 = tpu.memref_slice %arg2[%select_n3A, %select_n3A_1413, %dma_start3A_1414, %dma_start3A_1415] : memref<4x1024x12x513xf32, #tpu.memory_space<hbm>> -> memref<1x4x12x513xf32, #tpu.memory_space<hbm>>
        %dma_start3A_1417 = tpu.memref_squeeze %dma_start3A_1416 : memref<1x4x12x513xf32, #tpu.memory_space<hbm>> -> memref<4x12x513xf32, #tpu.memory_space<hbm>>
        %dma_start3A_1418 = arith.constant 0 : i32
        %dma_start3A_1419 = arith.constant 0 : i32
        %dma_start3A_1420 = tpu.memref_slice %arg2[%select_n3A, %select_n3A_1413, %dma_start3A_1418, %dma_start3A_1419] : memref<4x1024x12x513xf32, #tpu.memory_space<hbm>> -> memref<1x4x12x513xf32, #tpu.memory_space<hbm>>
        %dma_start3A_1421 = tpu.memref_squeeze %dma_start3A_1420 : memref<1x4x12x513xf32, #tpu.memory_space<hbm>> -> memref<4x12x513xf32, #tpu.memory_space<hbm>>
        tpu.enqueue_dma source(%dma_start3A_1421 : memref<4x12x513xf32, #tpu.memory_space<hbm>>) target(%arg7 : memref<4x12x513xf32, #tpu.memory_space<vmem>>) target_semaphore(%arg10 : memref<!tpu.dma_semaphore, #tpu.memory_space<semaphore_mem>>)
      } else {
      }
      %jit3A_1121 = arith.constant 8 : i32
      %div3A_1122 = arith.divsi %add3A_1020, %jit3A_1121 : i32
      %sign3A_1123 = arith.constant 0 : i32
      %sign3A_1124 = arith.cmpi sgt, %add3A_1020, %sign3A_1123 : i32
      %sign3A_1125 = arith.extui %sign3A_1124 : i1 to i32
      %sign3A_1126 = arith.constant 0 : i32
      %sign3A_1127 = arith.cmpi slt, %add3A_1020, %sign3A_1126 : i32
      %sign3A_1128 = arith.extui %sign3A_1127 : i1 to i32
      %sign3A_1129 = arith.subi %sign3A_1125, %sign3A_1128 : i32
      %sign3A_1130 = arith.constant 0 : i32
      %sign3A_1131 = arith.cmpi sgt, %jit3A_1121, %sign3A_1130 : i32
      %sign3A_1132 = arith.extui %sign3A_1131 : i1 to i32
      %sign3A_1133 = arith.constant 0 : i32
      %sign3A_1134 = arith.cmpi slt, %jit3A_1121, %sign3A_1133 : i32
      %sign3A_1135 = arith.extui %sign3A_1134 : i1 to i32
      %sign3A_1136 = arith.subi %sign3A_1132, %sign3A_1135 : i32
      %ne3A_1137 = arith.cmpi ne, %sign3A_1129, %sign3A_1136 : i32
      %rem3A_1138 = arith.remsi %add3A_1020, %jit3A_1121 : i32
      %ne3A_1139 = arith.constant 0 : i32
      %ne3A_1140 = arith.cmpi ne, %rem3A_1138, %ne3A_1139 : i32
      %and3A_1141 = arith.andi %ne3A_1137, %ne3A_1140 : i1
      %sub3A_1142 = arith.constant 1 : i32
      %sub3A_1143 = arith.subi %div3A_1122, %sub3A_1142 : i32
      %select_n3A_1144 = arith.select %and3A_1141, %sub3A_1143, %div3A_1122 : i32
      %jit3A_1145 = arith.constant 8 : i32
      %eq3A_1146 = arith.constant 0 : i32
      %eq3A_1147 = arith.cmpi eq, %jit3A_1145, %eq3A_1146 : i32
      %jit3A_1148 = arith.constant 1 : i32
      %select_n3A_1149 = arith.select %eq3A_1147, %jit3A_1148, %jit3A_1145 : i32
      %rem3A_1150 = arith.remsi %add3A_1020, %select_n3A_1149 : i32
      %ne3A_1151 = arith.constant 0 : i32
      %ne3A_1152 = arith.cmpi ne, %rem3A_1150, %ne3A_1151 : i32
      %lt3A_1153 = arith.constant 0 : i32
      %lt3A_1154 = arith.cmpi slt, %rem3A_1150, %lt3A_1153 : i32
      %lt3A_1155 = arith.constant 0 : i32
      %lt3A_1156 = arith.cmpi slt, %select_n3A_1149, %lt3A_1155 : i32
      %ne3A_1157 = arith.xori %lt3A_1154, %lt3A_1156 : i1
      %and3A_1158 = arith.andi %ne3A_1157, %ne3A_1152 : i1
      %add3A_1159 = arith.addi %rem3A_1150, %select_n3A_1149 : i32
      %select_n3A_1160 = arith.select %and3A_1158, %add3A_1159, %rem3A_1150 : i32
      %lt3A_1161 = arith.constant 6 : i32
      %lt3A_1162 = arith.cmpi slt, %select_n3A_1160, %lt3A_1161 : i32
      %mul3A_1163 = arith.constant 96 : i32
      %mul3A_1164 = arith.muli %mul3A_1163, %select_n3A_30 : i32
      %add3A_1165 = arith.constant 256 : i32
      %add3A_1166 = arith.addi %add3A_1165, %mul3A_1164 : i32
      %mul3A_1167 = arith.constant 6 : i32
      %mul3A_1168 = arith.muli %mul3A_1167, %select_n3A_1144 : i32
      %add3A_1169 = arith.addi %mul3A_1168, %select_n3A_1160 : i32
      %mul3A_1170 = arith.constant 4 : i32
      %mul3A_1171 = arith.muli %mul3A_1170, %add3A_1169 : i32
      %add3A_1172 = arith.addi %add3A_1166, %mul3A_1171 : i32
      %mul3A_1173 = arith.constant 8 : i32
      %mul3A_1174 = arith.muli %mul3A_1173, %select_n3A_1144 : i32
      %add3A_1175 = arith.addi %mul3A_32, %mul3A_1174 : i32
      %sub3A_1176 = arith.constant 6 : i32
      %sub3A_1177 = arith.subi %select_n3A_1160, %sub3A_1176 : i32
      %mul3A_1178 = arith.constant 4 : i32
      %mul3A_1179 = arith.muli %mul3A_1178, %sub3A_1177 : i32
      %add3A_1180 = arith.addi %add3A_1175, %mul3A_1179 : i32
      %select_n3A_1181 = arith.select %lt3A_1162, %add3A_1172, %add3A_1180 : i32
      %dma_start3A_1182 = arith.constant 0 : i32
      %dma_start3A_1183 = arith.constant 0 : i32
      %dma_start3A_1184 = tpu.memref_slice %arg5[%select_n3A, %select_n3A_1181, %dma_start3A_1182, %dma_start3A_1183] : memref<4x1024x12x513xf32, #tpu.memory_space<hbm>> -> memref<1x4x12x513xf32, #tpu.memory_space<hbm>>
      %dma_start3A_1185 = tpu.memref_squeeze %dma_start3A_1184 : memref<1x4x12x513xf32, #tpu.memory_space<hbm>> -> memref<4x12x513xf32, #tpu.memory_space<hbm>>
      %dma_start3A_1186 = arith.constant 0 : i32
      %dma_start3A_1187 = arith.constant 0 : i32
      %dma_start3A_1188 = tpu.memref_slice %arg5[%select_n3A, %select_n3A_1181, %dma_start3A_1186, %dma_start3A_1187] : memref<4x1024x12x513xf32, #tpu.memory_space<hbm>> -> memref<1x4x12x513xf32, #tpu.memory_space<hbm>>
      %dma_start3A_1189 = tpu.memref_squeeze %dma_start3A_1188 : memref<1x4x12x513xf32, #tpu.memory_space<hbm>> -> memref<4x12x513xf32, #tpu.memory_space<hbm>>
      tpu.enqueue_dma source(%arg6 : memref<4x12x513xf32, #tpu.memory_space<vmem>>) target(%dma_start3A_1189 : memref<4x12x513xf32, #tpu.memory_space<hbm>>) target_semaphore(%arg11 : memref<!tpu.dma_semaphore, #tpu.memory_space<semaphore_mem>>)
      %mul3A_1190 = arith.constant 8 : i32
      %mul3A_1191 = arith.muli %mul3A_1190, %scan3A_86 : i32
      %add3A_1192 = arith.constant 7 : i32
      %add3A_1193 = arith.addi %mul3A_1191, %add3A_1192 : i32
      %jit3A_1194 = arith.constant 8 : i32
      %div3A_1195 = arith.divsi %add3A_1193, %jit3A_1194 : i32
      %sign3A_1196 = arith.constant 0 : i32
      %sign3A_1197 = arith.cmpi sgt, %add3A_1193, %sign3A_1196 : i32
      %sign3A_1198 = arith.extui %sign3A_1197 : i1 to i32
      %sign3A_1199 = arith.constant 0 : i32
      %sign3A_1200 = arith.cmpi slt, %add3A_1193, %sign3A_1199 : i32
      %sign3A_1201 = arith.extui %sign3A_1200 : i1 to i32
      %sign3A_1202 = arith.subi %sign3A_1198, %sign3A_1201 : i32
      %sign3A_1203 = arith.constant 0 : i32
      %sign3A_1204 = arith.cmpi sgt, %jit3A_1194, %sign3A_1203 : i32
      %sign3A_1205 = arith.extui %sign3A_1204 : i1 to i32
      %sign3A_1206 = arith.constant 0 : i32
      %sign3A_1207 = arith.cmpi slt, %jit3A_1194, %sign3A_1206 : i32
      %sign3A_1208 = arith.extui %sign3A_1207 : i1 to i32
      %sign3A_1209 = arith.subi %sign3A_1205, %sign3A_1208 : i32
      %ne3A_1210 = arith.cmpi ne, %sign3A_1202, %sign3A_1209 : i32
      %rem3A_1211 = arith.remsi %add3A_1193, %jit3A_1194 : i32
      %ne3A_1212 = arith.constant 0 : i32
      %ne3A_1213 = arith.cmpi ne, %rem3A_1211, %ne3A_1212 : i32
      %and3A_1214 = arith.andi %ne3A_1210, %ne3A_1213 : i1
      %sub3A_1215 = arith.constant 1 : i32
      %sub3A_1216 = arith.subi %div3A_1195, %sub3A_1215 : i32
      %select_n3A_1217 = arith.select %and3A_1214, %sub3A_1216, %div3A_1195 : i32
      %jit3A_1218 = arith.constant 8 : i32
      %eq3A_1219 = arith.constant 0 : i32
      %eq3A_1220 = arith.cmpi eq, %jit3A_1218, %eq3A_1219 : i32
      %jit3A_1221 = arith.constant 1 : i32
      %select_n3A_1222 = arith.select %eq3A_1220, %jit3A_1221, %jit3A_1218 : i32
      %rem3A_1223 = arith.remsi %add3A_1193, %select_n3A_1222 : i32
      %ne3A_1224 = arith.constant 0 : i32
      %ne3A_1225 = arith.cmpi ne, %rem3A_1223, %ne3A_1224 : i32
      %lt3A_1226 = arith.constant 0 : i32
      %lt3A_1227 = arith.cmpi slt, %rem3A_1223, %lt3A_1226 : i32
      %lt3A_1228 = arith.constant 0 : i32
      %lt3A_1229 = arith.cmpi slt, %select_n3A_1222, %lt3A_1228 : i32
      %ne3A_1230 = arith.xori %lt3A_1227, %lt3A_1229 : i1
      %and3A_1231 = arith.andi %ne3A_1230, %ne3A_1225 : i1
      %add3A_1232 = arith.addi %rem3A_1223, %select_n3A_1222 : i32
      %select_n3A_1233 = arith.select %and3A_1231, %add3A_1232, %rem3A_1223 : i32
      %lt3A_1234 = arith.constant 6 : i32
      %lt3A_1235 = arith.cmpi slt, %select_n3A_1233, %lt3A_1234 : i32
      %mul3A_1236 = arith.constant 96 : i32
      %mul3A_1237 = arith.muli %mul3A_1236, %select_n3A_30 : i32
      %add3A_1238 = arith.constant 256 : i32
      %add3A_1239 = arith.addi %add3A_1238, %mul3A_1237 : i32
      %mul3A_1240 = arith.constant 6 : i32
      %mul3A_1241 = arith.muli %mul3A_1240, %select_n3A_1217 : i32
      %add3A_1242 = arith.addi %mul3A_1241, %select_n3A_1233 : i32
      %mul3A_1243 = arith.constant 4 : i32
      %mul3A_1244 = arith.muli %mul3A_1243, %add3A_1242 : i32
      %add3A_1245 = arith.addi %add3A_1239, %mul3A_1244 : i32
      %mul3A_1246 = arith.constant 8 : i32
      %mul3A_1247 = arith.muli %mul3A_1246, %select_n3A_1217 : i32
      %add3A_1248 = arith.addi %mul3A_32, %mul3A_1247 : i32
      %sub3A_1249 = arith.constant 6 : i32
      %sub3A_1250 = arith.subi %select_n3A_1233, %sub3A_1249 : i32
      %mul3A_1251 = arith.constant 4 : i32
      %mul3A_1252 = arith.muli %mul3A_1251, %sub3A_1250 : i32
      %add3A_1253 = arith.addi %add3A_1248, %mul3A_1252 : i32
      %select_n3A_1254 = arith.select %lt3A_1235, %add3A_1245, %add3A_1253 : i32
      %dma_wait3A_1255 = arith.constant 0 : i32
      %dma_wait3A_1256 = arith.constant 0 : i32
      %dma_wait3A_1257 = tpu.memref_slice %arg2[%select_n3A, %select_n3A_1254, %dma_wait3A_1255, %dma_wait3A_1256] : memref<4x1024x12x513xf32, #tpu.memory_space<hbm>> -> memref<1x4x12x513xf32, #tpu.memory_space<hbm>>
      %dma_wait3A_1258 = tpu.memref_squeeze %dma_wait3A_1257 : memref<1x4x12x513xf32, #tpu.memory_space<hbm>> -> memref<4x12x513xf32, #tpu.memory_space<hbm>>
      %dma_wait3A_1259 = arith.constant 0 : i32
      %dma_wait3A_1260 = arith.constant 0 : i32
      %dma_wait3A_1261 = tpu.memref_slice %arg2[%select_n3A, %select_n3A_1254, %dma_wait3A_1259, %dma_wait3A_1260] : memref<4x1024x12x513xf32, #tpu.memory_space<hbm>> -> memref<1x4x12x513xf32, #tpu.memory_space<hbm>>
      %dma_wait3A_1262 = tpu.memref_squeeze %dma_wait3A_1261 : memref<1x4x12x513xf32, #tpu.memory_space<hbm>> -> memref<4x12x513xf32, #tpu.memory_space<hbm>>
      tpu.wait_dma2 semaphore(%arg10 : memref<!tpu.dma_semaphore, #tpu.memory_space<semaphore_mem>>) src(%dma_wait3A_1262 : memref<4x12x513xf32, #tpu.memory_space<hbm>>) dst(%arg7 : memref<4x12x513xf32, #tpu.memory_space<vmem>>)
      %scan3A_1263 = arith.constant 0 : i32
      %scan3A_1264 = arith.constant 0 : i32
      %scan3A_1265 = arith.constant 4 : i32
      %scan3A_1266 = arith.addi %scan3A_1264, %scan3A_1265 : i32
      %scan3A_1267 = arith.constant 1 : i32
      %scan3A_1268 = scf.for %scan3A_1351 = %scan3A_1264 to %scan3A_1266 step %scan3A_1267 iter_args(%scan3A_1352 = %scan3A_1263) -> (i32)  : i32 {
        %add3A_1353 = arith.constant 4 : i32
        %add3A_1354 = arith.addi %add3A_89, %add3A_1353 : i32
        %add3A_1355 = arith.addi %add3A_1354, %scan3A_1351 : i32
        %sub3A_1356 = arith.constant 1 : i32
        %sub3A_1357 = arith.subi %add3A_1355, %sub3A_1356 : i32
        %sub3A_1358 = arith.subi %sub3A_1357, %select_n3A_93 : i32
        %scan3A_1359 = arith.constant 0 : i32
        %scan3A_1360 = arith.constant 0 : i32
        %scan3A_1361 = arith.constant 12 : i32
        %scan3A_1362 = arith.addi %scan3A_1360, %scan3A_1361 : i32
        %scan3A_1363 = arith.constant 1 : i32
        scf.for %scan3A_1366 = %scan3A_1360 to %scan3A_1362 step %scan3A_1363  : i32 {
          %get3A = arith.index_cast %scan3A_1366 : i32 to index
          %get3A_1367 = arith.index_cast %sub3A_1358 : i32 to index
          %get3A_1368 = arith.constant 0 : index
          %get3A_1369 = tpu.vector_load %arg8[%get3A, %get3A_1367, %get3A_1368] {strides = array<i32>} : memref<12x8x255xf32, #tpu.memory_space<vmem>>, vector<1x1x16xf32>,
          %get3A_1370 = vector.shape_cast %get3A_1369 : vector<1x1x16xf32> to vector<16xf32>
          %lt3A_1371 = arith.constant 0 : i32
          %lt3A_1372 = vector.broadcast %lt3A_1371 : i32 to vector<16xi32>
          %lt3A_1373 = arith.cmpi slt, %max3A_39, %lt3A_1372 : vector<16xi32>
          %add3A_1374 = arith.constant 16 : i32
          %add3A_1375 = vector.broadcast %add3A_1374 : i32 to vector<16xi32>
          %add3A_1376 = arith.addi %max3A_39, %add3A_1375 : vector<16xi32>
          %select_n3A_1377 = arith.select %lt3A_1373, %add3A_1376, %max3A_39 : vector<16xi1>, vector<16xi32>
          %broadcast_in_dim3A = vector.shape_cast %select_n3A_1377 : vector<16xi32> to vector<16x1xi32>
          %gather3A = vector.shape_cast %broadcast_in_dim3A : vector<16x1xi32> to vector<16xi32>
          %gather3A_1378 = tpu.dynamic_gather %get3A_1370[%gather3A] in [0] : vector<16xf32>, vector<16xi32> -> vector<16xf32>
          %get3A_1379 = arith.index_cast %scan3A_1351 : i32 to index
          %get3A_1380 = arith.index_cast %scan3A_1366 : i32 to index
          %get3A_1381 = arith.constant 0 : index
          %get3A_1382 = tpu.vector_load %arg7[%get3A_1379, %get3A_1380, %get3A_1381] {strides = array<i32>} : memref<4x12x513xf32, #tpu.memory_space<vmem>>, vector<1x1x16xf32>,
          %get3A_1383 = vector.shape_cast %get3A_1382 : vector<1x1x16xf32> to vector<16xf32>
          %jit3A_1384 = arith.constant 0.000000e+00 : f32
          %broadcast_in_dim3A_1385 = vector.broadcast %jit3A_1384 : f32 to vector<16xf32>
          %select_n3A_1386 = arith.select %gt3A_34, %gather3A_1378, %broadcast_in_dim3A_1385 : vector<16xi1>, vector<16xf32>
          %add3A_1387 = arith.addf %get3A_1383, %select_n3A_1386 : vector<16xf32>
          %swap3A = arith.index_cast %scan3A_1351 : i32 to index
          %swap3A_1388 = arith.index_cast %scan3A_1366 : i32 to index
          %swap3A_1389 = arith.constant 0 : index
          %swap3A_1390 = tpu.vector_load %arg7[%swap3A, %swap3A_1388, %swap3A_1389] {strides = array<i32>} : memref<4x12x513xf32, #tpu.memory_space<vmem>>, vector<1x1x16xf32>,
          %swap3A_1391 = vector.shape_cast %swap3A_1390 : vector<1x1x16xf32> to vector<16xf32>
          %swap3A_1392 = vector.shape_cast %add3A_1387 : vector<16xf32> to vector<1x1x16xf32>
          tpu.vector_store %arg7[%swap3A, %swap3A_1388, %swap3A_1389], %swap3A_1392 {strides = array<i32>} : memref<4x12x513xf32, #tpu.memory_space<vmem>>, vector<1x1x16xf32>,
          %get3A_1393 = arith.index_cast %scan3A_1351 : i32 to index
          %get3A_1394 = arith.index_cast %scan3A_1366 : i32 to index
          %get3A_1395 = arith.constant 16 : index
          %get3A_1396 = tpu.vector_load %arg7[%get3A_1393, %get3A_1394, %get3A_1395] {strides = array<i32>} : memref<4x12x513xf32, #tpu.memory_space<vmem>>, vector<1x1x16xf32>,
          %get3A_1397 = vector.shape_cast %get3A_1396 : vector<1x1x16xf32> to vector<16xf32>
          %get3A_1398 = arith.index_cast %scan3A_1366 : i32 to index
          %get3A_1399 = arith.index_cast %sub3A_1358 : i32 to index
          %get3A_1400 = arith.constant 15 : index
          %get3A_1401 = tpu.vector_load %arg8[%get3A_1398, %get3A_1399, %get3A_1400] {strides = array<i32>} : memref<12x8x255xf32, #tpu.memory_space<vmem>>, vector<1x1x16xf32>,
          %get3A_1402 = vector.shape_cast %get3A_1401 : vector<1x1x16xf32> to vector<16xf32>
          %add3A_1403 = arith.addf %get3A_1397, %get3A_1402 : vector<16xf32>
          %swap3A_1404 = arith.index_cast %scan3A_1351 : i32 to index
          %swap3A_1405 = arith.index_cast %scan3A_1366 : i32 to index
          %swap3A_1406 = arith.constant 16 : index
          %swap3A_1407 = tpu.vector_load %arg7[%swap3A_1404, %swap3A_1405, %swap3A_1406] {strides = array<i32>} : memref<4x12x513xf32, #tpu.memory_space<vmem>>, vector<1x1x16xf32>,
          %swap3A_1408 = vector.shape_cast %swap3A_1407 : vector<1x1x16xf32> to vector<16xf32>
          %swap3A_1409 = vector.shape_cast %add3A_1403 : vector<16xf32> to vector<1x1x16xf32>
          tpu.vector_store %arg7[%swap3A_1404, %swap3A_1405, %swap3A_1406], %swap3A_1409 {strides = array<i32>} : memref<4x12x513xf32, #tpu.memory_space<vmem>>, vector<1x1x16xf32>,
          %get3A_1410 = arith.index_cast %scan3A_1351 : i32 to index
          %get3A_1411 = arith.index_cast %scan3A_1366 : i32 to index
          %get3A_1412 = arith.constant 32 : index
          %get3A_1413 = tpu.vector_load %arg7[%get3A_1410, %get3A_1411, %get3A_1412] {strides = array<i32>} : memref<4x12x513xf32, #tpu.memory_space<vmem>>, vector<1x1x16xf32>,
          %get3A_1414 = vector.shape_cast %get3A_1413 : vector<1x1x16xf32> to vector<16xf32>
          %get3A_1415 = arith.index_cast %scan3A_1366 : i32 to index
          %get3A_1416 = arith.index_cast %sub3A_1358 : i32 to index
          %get3A_1417 = arith.constant 31 : index
          %get3A_1418 = tpu.vector_load %arg8[%get3A_1415, %get3A_1416, %get3A_1417] {strides = array<i32>} : memref<12x8x255xf32, #tpu.memory_space<vmem>>, vector<1x1x16xf32>,
          %get3A_1419 = vector.shape_cast %get3A_1418 : vector<1x1x16xf32> to vector<16xf32>
          %add3A_1420 = arith.addf %get3A_1414, %get3A_1419 : vector<16xf32>
          %swap3A_1421 = arith.index_cast %scan3A_1351 : i32 to index
          %swap3A_1422 = arith.index_cast %scan3A_1366 : i32 to index
          %swap3A_1423 = arith.constant 32 : index
          %swap3A_1424 = tpu.vector_load %arg7[%swap3A_1421, %swap3A_1422, %swap3A_1423] {strides = array<i32>} : memref<4x12x513xf32, #tpu.memory_space<vmem>>, vector<1x1x16xf32>,
          %swap3A_1425 = vector.shape_cast %swap3A_1424 : vector<1x1x16xf32> to vector<16xf32>
          %swap3A_1426 = vector.shape_cast %add3A_1420 : vector<16xf32> to vector<1x1x16xf32>
          tpu.vector_store %arg7[%swap3A_1421, %swap3A_1422, %swap3A_1423], %swap3A_1426 {strides = array<i32>} : memref<4x12x513xf32, #tpu.memory_space<vmem>>, vector<1x1x16xf32>,
          %get3A_1427 = arith.index_cast %scan3A_1351 : i32 to index
          %get3A_1428 = arith.index_cast %scan3A_1366 : i32 to index
          %get3A_1429 = arith.constant 48 : index
          %get3A_1430 = tpu.vector_load %arg7[%get3A_1427, %get3A_1428, %get3A_1429] {strides = array<i32>} : memref<4x12x513xf32, #tpu.memory_space<vmem>>, vector<1x1x16xf32>,
          %get3A_1431 = vector.shape_cast %get3A_1430 : vector<1x1x16xf32> to vector<16xf32>
          %get3A_1432 = arith.index_cast %scan3A_1366 : i32 to index
          %get3A_1433 = arith.index_cast %sub3A_1358 : i32 to index
          %get3A_1434 = arith.constant 47 : index
          %get3A_1435 = tpu.vector_load %arg8[%get3A_1432, %get3A_1433, %get3A_1434] {strides = array<i32>} : memref<12x8x255xf32, #tpu.memory_space<vmem>>, vector<1x1x16xf32>,
          %get3A_1436 = vector.shape_cast %get3A_1435 : vector<1x1x16xf32> to vector<16xf32>
          %add3A_1437 = arith.addf %get3A_1431, %get3A_1436 : vector<16xf32>
          %swap3A_1438 = arith.index_cast %scan3A_1351 : i32 to index
          %swap3A_1439 = arith.index_cast %scan3A_1366 : i32 to index
          %swap3A_1440 = arith.constant 48 : index
          %swap3A_1441 = tpu.vector_load %arg7[%swap3A_1438, %swap3A_1439, %swap3A_1440] {strides = array<i32>} : memref<4x12x513xf32, #tpu.memory_space<vmem>>, vector<1x1x16xf32>,
          %swap3A_1442 = vector.shape_cast %swap3A_1441 : vector<1x1x16xf32> to vector<16xf32>
          %swap3A_1443 = vector.shape_cast %add3A_1437 : vector<16xf32> to vector<1x1x16xf32>
          tpu.vector_store %arg7[%swap3A_1438, %swap3A_1439, %swap3A_1440], %swap3A_1443 {strides = array<i32>} : memref<4x12x513xf32, #tpu.memory_space<vmem>>, vector<1x1x16xf32>,
          %get3A_1444 = arith.index_cast %scan3A_1351 : i32 to index
          %get3A_1445 = arith.index_cast %scan3A_1366 : i32 to index
          %get3A_1446 = arith.constant 64 : index
          %get3A_1447 = tpu.vector_load %arg7[%get3A_1444, %get3A_1445, %get3A_1446] {strides = array<i32>} : memref<4x12x513xf32, #tpu.memory_space<vmem>>, vector<1x1x16xf32>,
          %get3A_1448 = vector.shape_cast %get3A_1447 : vector<1x1x16xf32> to vector<16xf32>
          %get3A_1449 = arith.index_cast %scan3A_1366 : i32 to index
          %get3A_1450 = arith.index_cast %sub3A_1358 : i32 to index
          %get3A_1451 = arith.constant 63 : index
          %get3A_1452 = tpu.vector_load %arg8[%get3A_1449, %get3A_1450, %get3A_1451] {strides = array<i32>} : memref<12x8x255xf32, #tpu.memory_space<vmem>>, vector<1x1x16xf32>,
          %get3A_1453 = vector.shape_cast %get3A_1452 : vector<1x1x16xf32> to vector<16xf32>
          %add3A_1454 = arith.addf %get3A_1448, %get3A_1453 : vector<16xf32>
          %swap3A_1455 = arith.index_cast %scan3A_1351 : i32 to index
          %swap3A_1456 = arith.index_cast %scan3A_1366 : i32 to index
          %swap3A_1457 = arith.constant 64 : index
          %swap3A_1458 = tpu.vector_load %arg7[%swap3A_1455, %swap3A_1456, %swap3A_1457] {strides = array<i32>} : memref<4x12x513xf32, #tpu.memory_space<vmem>>, vector<1x1x16xf32>,
          %swap3A_1459 = vector.shape_cast %swap3A_1458 : vector<1x1x16xf32> to vector<16xf32>
          %swap3A_1460 = vector.shape_cast %add3A_1454 : vector<16xf32> to vector<1x1x16xf32>
          tpu.vector_store %arg7[%swap3A_1455, %swap3A_1456, %swap3A_1457], %swap3A_1460 {strides = array<i32>} : memref<4x12x513xf32, #tpu.memory_space<vmem>>, vector<1x1x16xf32>,
          %get3A_1461 = arith.index_cast %scan3A_1351 : i32 to index
          %get3A_1462 = arith.index_cast %scan3A_1366 : i32 to index
          %get3A_1463 = arith.constant 80 : index
          %get3A_1464 = tpu.vector_load %arg7[%get3A_1461, %get3A_1462, %get3A_1463] {strides = array<i32>} : memref<4x12x513xf32, #tpu.memory_space<vmem>>, vector<1x1x16xf32>,
          %get3A_1465 = vector.shape_cast %get3A_1464 : vector<1x1x16xf32> to vector<16xf32>
          %get3A_1466 = arith.index_cast %scan3A_1366 : i32 to index
          %get3A_1467 = arith.index_cast %sub3A_1358 : i32 to index
          %get3A_1468 = arith.constant 79 : index
          %get3A_1469 = tpu.vector_load %arg8[%get3A_1466, %get3A_1467, %get3A_1468] {strides = array<i32>} : memref<12x8x255xf32, #tpu.memory_space<vmem>>, vector<1x1x16xf32>,
          %get3A_1470 = vector.shape_cast %get3A_1469 : vector<1x1x16xf32> to vector<16xf32>
          %add3A_1471 = arith.addf %get3A_1465, %get3A_1470 : vector<16xf32>
          %swap3A_1472 = arith.index_cast %scan3A_1351 : i32 to index
          %swap3A_1473 = arith.index_cast %scan3A_1366 : i32 to index
          %swap3A_1474 = arith.constant 80 : index
          %swap3A_1475 = tpu.vector_load %arg7[%swap3A_1472, %swap3A_1473, %swap3A_1474] {strides = array<i32>} : memref<4x12x513xf32, #tpu.memory_space<vmem>>, vector<1x1x16xf32>,
          %swap3A_1476 = vector.shape_cast %swap3A_1475 : vector<1x1x16xf32> to vector<16xf32>
          %swap3A_1477 = vector.shape_cast %add3A_1471 : vector<16xf32> to vector<1x1x16xf32>
          tpu.vector_store %arg7[%swap3A_1472, %swap3A_1473, %swap3A_1474], %swap3A_1477 {strides = array<i32>} : memref<4x12x513xf32, #tpu.memory_space<vmem>>, vector<1x1x16xf32>,
          %get3A_1478 = arith.index_cast %scan3A_1351 : i32 to index
          %get3A_1479 = arith.index_cast %scan3A_1366 : i32 to index
          %get3A_1480 = arith.constant 96 : index
          %get3A_1481 = tpu.vector_load %arg7[%get3A_1478, %get3A_1479, %get3A_1480] {strides = array<i32>} : memref<4x12x513xf32, #tpu.memory_space<vmem>>, vector<1x1x16xf32>,
          %get3A_1482 = vector.shape_cast %get3A_1481 : vector<1x1x16xf32> to vector<16xf32>
          %get3A_1483 = arith.index_cast %scan3A_1366 : i32 to index
          %get3A_1484 = arith.index_cast %sub3A_1358 : i32 to index
          %get3A_1485 = arith.constant 95 : index
          %get3A_1486 = tpu.vector_load %arg8[%get3A_1483, %get3A_1484, %get3A_1485] {strides = array<i32>} : memref<12x8x255xf32, #tpu.memory_space<vmem>>, vector<1x1x16xf32>,
          %get3A_1487 = vector.shape_cast %get3A_1486 : vector<1x1x16xf32> to vector<16xf32>
          %add3A_1488 = arith.addf %get3A_1482, %get3A_1487 : vector<16xf32>
          %swap3A_1489 = arith.index_cast %scan3A_1351 : i32 to index
          %swap3A_1490 = arith.index_cast %scan3A_1366 : i32 to index
          %swap3A_1491 = arith.constant 96 : index
          %swap3A_1492 = tpu.vector_load %arg7[%swap3A_1489, %swap3A_1490, %swap3A_1491] {strides = array<i32>} : memref<4x12x513xf32, #tpu.memory_space<vmem>>, vector<1x1x16xf32>,
          %swap3A_1493 = vector.shape_cast %swap3A_1492 : vector<1x1x16xf32> to vector<16xf32>
          %swap3A_1494 = vector.shape_cast %add3A_1488 : vector<16xf32> to vector<1x1x16xf32>
          tpu.vector_store %arg7[%swap3A_1489, %swap3A_1490, %swap3A_1491], %swap3A_1494 {strides = array<i32>} : memref<4x12x513xf32, #tpu.memory_space<vmem>>, vector<1x1x16xf32>,
          %get3A_1495 = arith.index_cast %scan3A_1351 : i32 to index
          %get3A_1496 = arith.index_cast %scan3A_1366 : i32 to index
          %get3A_1497 = arith.constant 112 : index
          %get3A_1498 = tpu.vector_load %arg7[%get3A_1495, %get3A_1496, %get3A_1497] {strides = array<i32>} : memref<4x12x513xf32, #tpu.memory_space<vmem>>, vector<1x1x16xf32>,
          %get3A_1499 = vector.shape_cast %get3A_1498 : vector<1x1x16xf32> to vector<16xf32>
          %get3A_1500 = arith.index_cast %scan3A_1366 : i32 to index
          %get3A_1501 = arith.index_cast %sub3A_1358 : i32 to index
          %get3A_1502 = arith.constant 111 : index
          %get3A_1503 = tpu.vector_load %arg8[%get3A_1500, %get3A_1501, %get3A_1502] {strides = array<i32>} : memref<12x8x255xf32, #tpu.memory_space<vmem>>, vector<1x1x16xf32>,
          %get3A_1504 = vector.shape_cast %get3A_1503 : vector<1x1x16xf32> to vector<16xf32>
          %add3A_1505 = arith.addf %get3A_1499, %get3A_1504 : vector<16xf32>
          %swap3A_1506 = arith.index_cast %scan3A_1351 : i32 to index
          %swap3A_1507 = arith.index_cast %scan3A_1366 : i32 to index
          %swap3A_1508 = arith.constant 112 : index
          %swap3A_1509 = tpu.vector_load %arg7[%swap3A_1506, %swap3A_1507, %swap3A_1508] {strides = array<i32>} : memref<4x12x513xf32, #tpu.memory_space<vmem>>, vector<1x1x16xf32>,
          %swap3A_1510 = vector.shape_cast %swap3A_1509 : vector<1x1x16xf32> to vector<16xf32>
          %swap3A_1511 = vector.shape_cast %add3A_1505 : vector<16xf32> to vector<1x1x16xf32>
          tpu.vector_store %arg7[%swap3A_1506, %swap3A_1507, %swap3A_1508], %swap3A_1511 {strides = array<i32>} : memref<4x12x513xf32, #tpu.memory_space<vmem>>, vector<1x1x16xf32>,
          %get3A_1512 = arith.index_cast %scan3A_1351 : i32 to index
          %get3A_1513 = arith.index_cast %scan3A_1366 : i32 to index
          %get3A_1514 = arith.constant 128 : index
          %get3A_1515 = tpu.vector_load %arg7[%get3A_1512, %get3A_1513, %get3A_1514] {strides = array<i32>} : memref<4x12x513xf32, #tpu.memory_space<vmem>>, vector<1x1x16xf32>,
          %get3A_1516 = vector.shape_cast %get3A_1515 : vector<1x1x16xf32> to vector<16xf32>
          %get3A_1517 = arith.index_cast %scan3A_1366 : i32 to index
          %get3A_1518 = arith.index_cast %sub3A_1358 : i32 to index
          %get3A_1519 = arith.constant 127 : index
          %get3A_1520 = tpu.vector_load %arg8[%get3A_1517, %get3A_1518, %get3A_1519] {strides = array<i32>} : memref<12x8x255xf32, #tpu.memory_space<vmem>>, vector<1x1x16xf32>,
          %get3A_1521 = vector.shape_cast %get3A_1520 : vector<1x1x16xf32> to vector<16xf32>
          %add3A_1522 = arith.addf %get3A_1516, %get3A_1521 : vector<16xf32>
          %swap3A_1523 = arith.index_cast %scan3A_1351 : i32 to index
          %swap3A_1524 = arith.index_cast %scan3A_1366 : i32 to index
          %swap3A_1525 = arith.constant 128 : index
          %swap3A_1526 = tpu.vector_load %arg7[%swap3A_1523, %swap3A_1524, %swap3A_1525] {strides = array<i32>} : memref<4x12x513xf32, #tpu.memory_space<vmem>>, vector<1x1x16xf32>,
          %swap3A_1527 = vector.shape_cast %swap3A_1526 : vector<1x1x16xf32> to vector<16xf32>
          %swap3A_1528 = vector.shape_cast %add3A_1522 : vector<16xf32> to vector<1x1x16xf32>
          tpu.vector_store %arg7[%swap3A_1523, %swap3A_1524, %swap3A_1525], %swap3A_1528 {strides = array<i32>} : memref<4x12x513xf32, #tpu.memory_space<vmem>>, vector<1x1x16xf32>,
          %get3A_1529 = arith.index_cast %scan3A_1351 : i32 to index
          %get3A_1530 = arith.index_cast %scan3A_1366 : i32 to index
          %get3A_1531 = arith.constant 144 : index
          %get3A_1532 = tpu.vector_load %arg7[%get3A_1529, %get3A_1530, %get3A_1531] {strides = array<i32>} : memref<4x12x513xf32, #tpu.memory_space<vmem>>, vector<1x1x16xf32>,
          %get3A_1533 = vector.shape_cast %get3A_1532 : vector<1x1x16xf32> to vector<16xf32>
          %get3A_1534 = arith.index_cast %scan3A_1366 : i32 to index
          %get3A_1535 = arith.index_cast %sub3A_1358 : i32 to index
          %get3A_1536 = arith.constant 143 : index
          %get3A_1537 = tpu.vector_load %arg8[%get3A_1534, %get3A_1535, %get3A_1536] {strides = array<i32>} : memref<12x8x255xf32, #tpu.memory_space<vmem>>, vector<1x1x16xf32>,
          %get3A_1538 = vector.shape_cast %get3A_1537 : vector<1x1x16xf32> to vector<16xf32>
          %add3A_1539 = arith.addf %get3A_1533, %get3A_1538 : vector<16xf32>
          %swap3A_1540 = arith.index_cast %scan3A_1351 : i32 to index
          %swap3A_1541 = arith.index_cast %scan3A_1366 : i32 to index
          %swap3A_1542 = arith.constant 144 : index
          %swap3A_1543 = tpu.vector_load %arg7[%swap3A_1540, %swap3A_1541, %swap3A_1542] {strides = array<i32>} : memref<4x12x513xf32, #tpu.memory_space<vmem>>, vector<1x1x16xf32>,
          %swap3A_1544 = vector.shape_cast %swap3A_1543 : vector<1x1x16xf32> to vector<16xf32>
          %swap3A_1545 = vector.shape_cast %add3A_1539 : vector<16xf32> to vector<1x1x16xf32>
          tpu.vector_store %arg7[%swap3A_1540, %swap3A_1541, %swap3A_1542], %swap3A_1545 {strides = array<i32>} : memref<4x12x513xf32, #tpu.memory_space<vmem>>, vector<1x1x16xf32>,
          %get3A_1546 = arith.index_cast %scan3A_1351 : i32 to index
          %get3A_1547 = arith.index_cast %scan3A_1366 : i32 to index
          %get3A_1548 = arith.constant 160 : index
          %get3A_1549 = tpu.vector_load %arg7[%get3A_1546, %get3A_1547, %get3A_1548] {strides = array<i32>} : memref<4x12x513xf32, #tpu.memory_space<vmem>>, vector<1x1x16xf32>,
          %get3A_1550 = vector.shape_cast %get3A_1549 : vector<1x1x16xf32> to vector<16xf32>
          %get3A_1551 = arith.index_cast %scan3A_1366 : i32 to index
          %get3A_1552 = arith.index_cast %sub3A_1358 : i32 to index
          %get3A_1553 = arith.constant 159 : index
          %get3A_1554 = tpu.vector_load %arg8[%get3A_1551, %get3A_1552, %get3A_1553] {strides = array<i32>} : memref<12x8x255xf32, #tpu.memory_space<vmem>>, vector<1x1x16xf32>,
          %get3A_1555 = vector.shape_cast %get3A_1554 : vector<1x1x16xf32> to vector<16xf32>
          %add3A_1556 = arith.addf %get3A_1550, %get3A_1555 : vector<16xf32>
          %swap3A_1557 = arith.index_cast %scan3A_1351 : i32 to index
          %swap3A_1558 = arith.index_cast %scan3A_1366 : i32 to index
          %swap3A_1559 = arith.constant 160 : index
          %swap3A_1560 = tpu.vector_load %arg7[%swap3A_1557, %swap3A_1558, %swap3A_1559] {strides = array<i32>} : memref<4x12x513xf32, #tpu.memory_space<vmem>>, vector<1x1x16xf32>,
          %swap3A_1561 = vector.shape_cast %swap3A_1560 : vector<1x1x16xf32> to vector<16xf32>
          %swap3A_1562 = vector.shape_cast %add3A_1556 : vector<16xf32> to vector<1x1x16xf32>
          tpu.vector_store %arg7[%swap3A_1557, %swap3A_1558, %swap3A_1559], %swap3A_1562 {strides = array<i32>} : memref<4x12x513xf32, #tpu.memory_space<vmem>>, vector<1x1x16xf32>,
          %get3A_1563 = arith.index_cast %scan3A_1351 : i32 to index
          %get3A_1564 = arith.index_cast %scan3A_1366 : i32 to index
          %get3A_1565 = arith.constant 176 : index
          %get3A_1566 = tpu.vector_load %arg7[%get3A_1563, %get3A_1564, %get3A_1565] {strides = array<i32>} : memref<4x12x513xf32, #tpu.memory_space<vmem>>, vector<1x1x16xf32>,
          %get3A_1567 = vector.shape_cast %get3A_1566 : vector<1x1x16xf32> to vector<16xf32>
          %get3A_1568 = arith.index_cast %scan3A_1366 : i32 to index
          %get3A_1569 = arith.index_cast %sub3A_1358 : i32 to index
          %get3A_1570 = arith.constant 175 : index
          %get3A_1571 = tpu.vector_load %arg8[%get3A_1568, %get3A_1569, %get3A_1570] {strides = array<i32>} : memref<12x8x255xf32, #tpu.memory_space<vmem>>, vector<1x1x16xf32>,
          %get3A_1572 = vector.shape_cast %get3A_1571 : vector<1x1x16xf32> to vector<16xf32>
          %add3A_1573 = arith.addf %get3A_1567, %get3A_1572 : vector<16xf32>
          %swap3A_1574 = arith.index_cast %scan3A_1351 : i32 to index
          %swap3A_1575 = arith.index_cast %scan3A_1366 : i32 to index
          %swap3A_1576 = arith.constant 176 : index
          %swap3A_1577 = tpu.vector_load %arg7[%swap3A_1574, %swap3A_1575, %swap3A_1576] {strides = array<i32>} : memref<4x12x513xf32, #tpu.memory_space<vmem>>, vector<1x1x16xf32>,
          %swap3A_1578 = vector.shape_cast %swap3A_1577 : vector<1x1x16xf32> to vector<16xf32>
          %swap3A_1579 = vector.shape_cast %add3A_1573 : vector<16xf32> to vector<1x1x16xf32>
          tpu.vector_store %arg7[%swap3A_1574, %swap3A_1575, %swap3A_1576], %swap3A_1579 {strides = array<i32>} : memref<4x12x513xf32, #tpu.memory_space<vmem>>, vector<1x1x16xf32>,
          %get3A_1580 = arith.index_cast %scan3A_1351 : i32 to index
          %get3A_1581 = arith.index_cast %scan3A_1366 : i32 to index
          %get3A_1582 = arith.constant 192 : index
          %get3A_1583 = tpu.vector_load %arg7[%get3A_1580, %get3A_1581, %get3A_1582] {strides = array<i32>} : memref<4x12x513xf32, #tpu.memory_space<vmem>>, vector<1x1x16xf32>,
          %get3A_1584 = vector.shape_cast %get3A_1583 : vector<1x1x16xf32> to vector<16xf32>
          %get3A_1585 = arith.index_cast %scan3A_1366 : i32 to index
          %get3A_1586 = arith.index_cast %sub3A_1358 : i32 to index
          %get3A_1587 = arith.constant 191 : index
          %get3A_1588 = tpu.vector_load %arg8[%get3A_1585, %get3A_1586, %get3A_1587] {strides = array<i32>} : memref<12x8x255xf32, #tpu.memory_space<vmem>>, vector<1x1x16xf32>,
          %get3A_1589 = vector.shape_cast %get3A_1588 : vector<1x1x16xf32> to vector<16xf32>
          %add3A_1590 = arith.addf %get3A_1584, %get3A_1589 : vector<16xf32>
          %swap3A_1591 = arith.index_cast %scan3A_1351 : i32 to index
          %swap3A_1592 = arith.index_cast %scan3A_1366 : i32 to index
          %swap3A_1593 = arith.constant 192 : index
          %swap3A_1594 = tpu.vector_load %arg7[%swap3A_1591, %swap3A_1592, %swap3A_1593] {strides = array<i32>} : memref<4x12x513xf32, #tpu.memory_space<vmem>>, vector<1x1x16xf32>,
          %swap3A_1595 = vector.shape_cast %swap3A_1594 : vector<1x1x16xf32> to vector<16xf32>
          %swap3A_1596 = vector.shape_cast %add3A_1590 : vector<16xf32> to vector<1x1x16xf32>
          tpu.vector_store %arg7[%swap3A_1591, %swap3A_1592, %swap3A_1593], %swap3A_1596 {strides = array<i32>} : memref<4x12x513xf32, #tpu.memory_space<vmem>>, vector<1x1x16xf32>,
          %get3A_1597 = arith.index_cast %scan3A_1351 : i32 to index
          %get3A_1598 = arith.index_cast %scan3A_1366 : i32 to index
          %get3A_1599 = arith.constant 208 : index
          %get3A_1600 = tpu.vector_load %arg7[%get3A_1597, %get3A_1598, %get3A_1599] {strides = array<i32>} : memref<4x12x513xf32, #tpu.memory_space<vmem>>, vector<1x1x16xf32>,
          %get3A_1601 = vector.shape_cast %get3A_1600 : vector<1x1x16xf32> to vector<16xf32>
          %get3A_1602 = arith.index_cast %scan3A_1366 : i32 to index
          %get3A_1603 = arith.index_cast %sub3A_1358 : i32 to index
          %get3A_1604 = arith.constant 207 : index
          %get3A_1605 = tpu.vector_load %arg8[%get3A_1602, %get3A_1603, %get3A_1604] {strides = array<i32>} : memref<12x8x255xf32, #tpu.memory_space<vmem>>, vector<1x1x16xf32>,
          %get3A_1606 = vector.shape_cast %get3A_1605 : vector<1x1x16xf32> to vector<16xf32>
          %add3A_1607 = arith.addf %get3A_1601, %get3A_1606 : vector<16xf32>
          %swap3A_1608 = arith.index_cast %scan3A_1351 : i32 to index
          %swap3A_1609 = arith.index_cast %scan3A_1366 : i32 to index
          %swap3A_1610 = arith.constant 208 : index
          %swap3A_1611 = tpu.vector_load %arg7[%swap3A_1608, %swap3A_1609, %swap3A_1610] {strides = array<i32>} : memref<4x12x513xf32, #tpu.memory_space<vmem>>, vector<1x1x16xf32>,
          %swap3A_1612 = vector.shape_cast %swap3A_1611 : vector<1x1x16xf32> to vector<16xf32>
          %swap3A_1613 = vector.shape_cast %add3A_1607 : vector<16xf32> to vector<1x1x16xf32>
          tpu.vector_store %arg7[%swap3A_1608, %swap3A_1609, %swap3A_1610], %swap3A_1613 {strides = array<i32>} : memref<4x12x513xf32, #tpu.memory_space<vmem>>, vector<1x1x16xf32>,
          %get3A_1614 = arith.index_cast %scan3A_1351 : i32 to index
          %get3A_1615 = arith.index_cast %scan3A_1366 : i32 to index
          %get3A_1616 = arith.constant 224 : index
          %get3A_1617 = tpu.vector_load %arg7[%get3A_1614, %get3A_1615, %get3A_1616] {strides = array<i32>} : memref<4x12x513xf32, #tpu.memory_space<vmem>>, vector<1x1x16xf32>,
          %get3A_1618 = vector.shape_cast %get3A_1617 : vector<1x1x16xf32> to vector<16xf32>
          %get3A_1619 = arith.index_cast %scan3A_1366 : i32 to index
          %get3A_1620 = arith.index_cast %sub3A_1358 : i32 to index
          %get3A_1621 = arith.constant 223 : index
          %get3A_1622 = tpu.vector_load %arg8[%get3A_1619, %get3A_1620, %get3A_1621] {strides = array<i32>} : memref<12x8x255xf32, #tpu.memory_space<vmem>>, vector<1x1x16xf32>,
          %get3A_1623 = vector.shape_cast %get3A_1622 : vector<1x1x16xf32> to vector<16xf32>
          %add3A_1624 = arith.addf %get3A_1618, %get3A_1623 : vector<16xf32>
          %swap3A_1625 = arith.index_cast %scan3A_1351 : i32 to index
          %swap3A_1626 = arith.index_cast %scan3A_1366 : i32 to index
          %swap3A_1627 = arith.constant 224 : index
          %swap3A_1628 = tpu.vector_load %arg7[%swap3A_1625, %swap3A_1626, %swap3A_1627] {strides = array<i32>} : memref<4x12x513xf32, #tpu.memory_space<vmem>>, vector<1x1x16xf32>,
          %swap3A_1629 = vector.shape_cast %swap3A_1628 : vector<1x1x16xf32> to vector<16xf32>
          %swap3A_1630 = vector.shape_cast %add3A_1624 : vector<16xf32> to vector<1x1x16xf32>
          tpu.vector_store %arg7[%swap3A_1625, %swap3A_1626, %swap3A_1627], %swap3A_1630 {strides = array<i32>} : memref<4x12x513xf32, #tpu.memory_space<vmem>>, vector<1x1x16xf32>,
          %get3A_1631 = arith.index_cast %scan3A_1351 : i32 to index
          %get3A_1632 = arith.index_cast %scan3A_1366 : i32 to index
          %get3A_1633 = arith.constant 240 : index
          %get3A_1634 = tpu.vector_load %arg7[%get3A_1631, %get3A_1632, %get3A_1633] {strides = array<i32>} : memref<4x12x513xf32, #tpu.memory_space<vmem>>, vector<1x1x16xf32>,
          %get3A_1635 = vector.shape_cast %get3A_1634 : vector<1x1x16xf32> to vector<16xf32>
          %get3A_1636 = arith.index_cast %scan3A_1366 : i32 to index
          %get3A_1637 = arith.index_cast %sub3A_1358 : i32 to index
          %get3A_1638 = arith.constant 239 : index
          %get3A_1639 = tpu.vector_load %arg8[%get3A_1636, %get3A_1637, %get3A_1638] {strides = array<i32>} : memref<12x8x255xf32, #tpu.memory_space<vmem>>, vector<1x1x16xf32>,
          %get3A_1640 = vector.shape_cast %get3A_1639 : vector<1x1x16xf32> to vector<16xf32>
          %add3A_1641 = arith.addf %get3A_1635, %get3A_1640 : vector<16xf32>
          %swap3A_1642 = arith.index_cast %scan3A_1351 : i32 to index
          %swap3A_1643 = arith.index_cast %scan3A_1366 : i32 to index
          %swap3A_1644 = arith.constant 240 : index
          %swap3A_1645 = tpu.vector_load %arg7[%swap3A_1642, %swap3A_1643, %swap3A_1644] {strides = array<i32>} : memref<4x12x513xf32, #tpu.memory_space<vmem>>, vector<1x1x16xf32>,
          %swap3A_1646 = vector.shape_cast %swap3A_1645 : vector<1x1x16xf32> to vector<16xf32>
          %swap3A_1647 = vector.shape_cast %add3A_1641 : vector<16xf32> to vector<1x1x16xf32>
          tpu.vector_store %arg7[%swap3A_1642, %swap3A_1643, %swap3A_1644], %swap3A_1647 {strides = array<i32>} : memref<4x12x513xf32, #tpu.memory_space<vmem>>, vector<1x1x16xf32>,
        }
        %scan3A_1364 = arith.constant 12 : i32
        %scan3A_1365 = arith.constant 0 : i32
        scf.yield %scan3A_1365 : i32
      }
      %scan3A_1269 = arith.constant 4 : i32
      %ge3A_1270 = arith.constant 1 : i32
      %ge3A_1271 = arith.cmpi sge, %add3A_1193, %ge3A_1270 : i32
      %convert_element_type3A_1272 = arith.extui %ge3A_1271 : i1 to i32
      %cond3A_1273 = arith.constant 0 : i32
      %cond3A_1274 = arith.cmpi ne, %convert_element_type3A_1272, %cond3A_1273 : i32
      scf.if %cond3A_1274 {
        %sub3A_1351 = arith.constant 1 : i32
        %sub3A_1352 = arith.subi %add3A_1193, %sub3A_1351 : i32
        %jit3A_1353 = arith.constant 8 : i32
        %div3A_1354 = arith.divsi %sub3A_1352, %jit3A_1353 : i32
        %sign3A_1355 = arith.constant 0 : i32
        %sign3A_1356 = arith.cmpi sgt, %sub3A_1352, %sign3A_1355 : i32
        %sign3A_1357 = arith.extui %sign3A_1356 : i1 to i32
        %sign3A_1358 = arith.constant 0 : i32
        %sign3A_1359 = arith.cmpi slt, %sub3A_1352, %sign3A_1358 : i32
        %sign3A_1360 = arith.extui %sign3A_1359 : i1 to i32
        %sign3A_1361 = arith.subi %sign3A_1357, %sign3A_1360 : i32
        %sign3A_1362 = arith.constant 0 : i32
        %sign3A_1363 = arith.cmpi sgt, %jit3A_1353, %sign3A_1362 : i32
        %sign3A_1364 = arith.extui %sign3A_1363 : i1 to i32
        %sign3A_1365 = arith.constant 0 : i32
        %sign3A_1366 = arith.cmpi slt, %jit3A_1353, %sign3A_1365 : i32
        %sign3A_1367 = arith.extui %sign3A_1366 : i1 to i32
        %sign3A_1368 = arith.subi %sign3A_1364, %sign3A_1367 : i32
        %ne3A_1369 = arith.cmpi ne, %sign3A_1361, %sign3A_1368 : i32
        %rem3A_1370 = arith.remsi %sub3A_1352, %jit3A_1353 : i32
        %ne3A_1371 = arith.constant 0 : i32
        %ne3A_1372 = arith.cmpi ne, %rem3A_1370, %ne3A_1371 : i32
        %and3A_1373 = arith.andi %ne3A_1369, %ne3A_1372 : i1
        %sub3A_1374 = arith.constant 1 : i32
        %sub3A_1375 = arith.subi %div3A_1354, %sub3A_1374 : i32
        %select_n3A_1376 = arith.select %and3A_1373, %sub3A_1375, %div3A_1354 : i32
        %jit3A_1377 = arith.constant 8 : i32
        %eq3A_1378 = arith.constant 0 : i32
        %eq3A_1379 = arith.cmpi eq, %jit3A_1377, %eq3A_1378 : i32
        %jit3A_1380 = arith.constant 1 : i32
        %select_n3A_1381 = arith.select %eq3A_1379, %jit3A_1380, %jit3A_1377 : i32
        %rem3A_1382 = arith.remsi %sub3A_1352, %select_n3A_1381 : i32
        %ne3A_1383 = arith.constant 0 : i32
        %ne3A_1384 = arith.cmpi ne, %rem3A_1382, %ne3A_1383 : i32
        %lt3A_1385 = arith.constant 0 : i32
        %lt3A_1386 = arith.cmpi slt, %rem3A_1382, %lt3A_1385 : i32
        %lt3A_1387 = arith.constant 0 : i32
        %lt3A_1388 = arith.cmpi slt, %select_n3A_1381, %lt3A_1387 : i32
        %ne3A_1389 = arith.xori %lt3A_1386, %lt3A_1388 : i1
        %and3A_1390 = arith.andi %ne3A_1389, %ne3A_1384 : i1
        %add3A_1391 = arith.addi %rem3A_1382, %select_n3A_1381 : i32
        %select_n3A_1392 = arith.select %and3A_1390, %add3A_1391, %rem3A_1382 : i32
        %lt3A_1393 = arith.constant 6 : i32
        %lt3A_1394 = arith.cmpi slt, %select_n3A_1392, %lt3A_1393 : i32
        %mul3A_1395 = arith.constant 96 : i32
        %mul3A_1396 = arith.muli %mul3A_1395, %select_n3A_30 : i32
        %add3A_1397 = arith.constant 256 : i32
        %add3A_1398 = arith.addi %add3A_1397, %mul3A_1396 : i32
        %mul3A_1399 = arith.constant 6 : i32
        %mul3A_1400 = arith.muli %mul3A_1399, %select_n3A_1376 : i32
        %add3A_1401 = arith.addi %mul3A_1400, %select_n3A_1392 : i32
        %mul3A_1402 = arith.constant 4 : i32
        %mul3A_1403 = arith.muli %mul3A_1402, %add3A_1401 : i32
        %add3A_1404 = arith.addi %add3A_1398, %mul3A_1403 : i32
        %mul3A_1405 = arith.constant 8 : i32
        %mul3A_1406 = arith.muli %mul3A_1405, %select_n3A_1376 : i32
        %add3A_1407 = arith.addi %mul3A_32, %mul3A_1406 : i32
        %sub3A_1408 = arith.constant 6 : i32
        %sub3A_1409 = arith.subi %select_n3A_1392, %sub3A_1408 : i32
        %mul3A_1410 = arith.constant 4 : i32
        %mul3A_1411 = arith.muli %mul3A_1410, %sub3A_1409 : i32
        %add3A_1412 = arith.addi %add3A_1407, %mul3A_1411 : i32
        %select_n3A_1413 = arith.select %lt3A_1394, %add3A_1404, %add3A_1412 : i32
        %dma_wait3A_1414 = arith.constant 0 : i32
        %dma_wait3A_1415 = arith.constant 0 : i32
        %dma_wait3A_1416 = tpu.memref_slice %arg5[%select_n3A, %select_n3A_1413, %dma_wait3A_1414, %dma_wait3A_1415] : memref<4x1024x12x513xf32, #tpu.memory_space<hbm>> -> memref<1x4x12x513xf32, #tpu.memory_space<hbm>>
        %dma_wait3A_1417 = tpu.memref_squeeze %dma_wait3A_1416 : memref<1x4x12x513xf32, #tpu.memory_space<hbm>> -> memref<4x12x513xf32, #tpu.memory_space<hbm>>
        %dma_wait3A_1418 = arith.constant 0 : i32
        %dma_wait3A_1419 = arith.constant 0 : i32
        %dma_wait3A_1420 = tpu.memref_slice %arg5[%select_n3A, %select_n3A_1413, %dma_wait3A_1418, %dma_wait3A_1419] : memref<4x1024x12x513xf32, #tpu.memory_space<hbm>> -> memref<1x4x12x513xf32, #tpu.memory_space<hbm>>
        %dma_wait3A_1421 = tpu.memref_squeeze %dma_wait3A_1420 : memref<1x4x12x513xf32, #tpu.memory_space<hbm>> -> memref<4x12x513xf32, #tpu.memory_space<hbm>>
        tpu.wait_dma2 semaphore(%arg11 : memref<!tpu.dma_semaphore, #tpu.memory_space<semaphore_mem>>) src(%arg6 : memref<4x12x513xf32, #tpu.memory_space<vmem>>) dst(%dma_wait3A_1421 : memref<4x12x513xf32, #tpu.memory_space<hbm>>)
      } else {
      }
      %add3A_1275 = arith.constant 1 : i32
      %add3A_1276 = arith.addi %add3A_1193, %add3A_1275 : i32
      %lt3A_1277 = arith.constant 32 : i32
      %lt3A_1278 = arith.cmpi slt, %add3A_1276, %lt3A_1277 : i32
      %convert_element_type3A_1279 = arith.extui %lt3A_1278 : i1 to i32
      %cond3A_1280 = arith.constant 0 : i32
      %cond3A_1281 = arith.cmpi ne, %convert_element_type3A_1279, %cond3A_1280 : i32
      scf.if %cond3A_1281 {
        %add3A_1351 = arith.constant 1 : i32
        %add3A_1352 = arith.addi %add3A_1193, %add3A_1351 : i32
        %jit3A_1353 = arith.constant 8 : i32
        %div3A_1354 = arith.divsi %add3A_1352, %jit3A_1353 : i32
        %sign3A_1355 = arith.constant 0 : i32
        %sign3A_1356 = arith.cmpi sgt, %add3A_1352, %sign3A_1355 : i32
        %sign3A_1357 = arith.extui %sign3A_1356 : i1 to i32
        %sign3A_1358 = arith.constant 0 : i32
        %sign3A_1359 = arith.cmpi slt, %add3A_1352, %sign3A_1358 : i32
        %sign3A_1360 = arith.extui %sign3A_1359 : i1 to i32
        %sign3A_1361 = arith.subi %sign3A_1357, %sign3A_1360 : i32
        %sign3A_1362 = arith.constant 0 : i32
        %sign3A_1363 = arith.cmpi sgt, %jit3A_1353, %sign3A_1362 : i32
        %sign3A_1364 = arith.extui %sign3A_1363 : i1 to i32
        %sign3A_1365 = arith.constant 0 : i32
        %sign3A_1366 = arith.cmpi slt, %jit3A_1353, %sign3A_1365 : i32
        %sign3A_1367 = arith.extui %sign3A_1366 : i1 to i32
        %sign3A_1368 = arith.subi %sign3A_1364, %sign3A_1367 : i32
        %ne3A_1369 = arith.cmpi ne, %sign3A_1361, %sign3A_1368 : i32
        %rem3A_1370 = arith.remsi %add3A_1352, %jit3A_1353 : i32
        %ne3A_1371 = arith.constant 0 : i32
        %ne3A_1372 = arith.cmpi ne, %rem3A_1370, %ne3A_1371 : i32
        %and3A_1373 = arith.andi %ne3A_1369, %ne3A_1372 : i1
        %sub3A_1374 = arith.constant 1 : i32
        %sub3A_1375 = arith.subi %div3A_1354, %sub3A_1374 : i32
        %select_n3A_1376 = arith.select %and3A_1373, %sub3A_1375, %div3A_1354 : i32
        %jit3A_1377 = arith.constant 8 : i32
        %eq3A_1378 = arith.constant 0 : i32
        %eq3A_1379 = arith.cmpi eq, %jit3A_1377, %eq3A_1378 : i32
        %jit3A_1380 = arith.constant 1 : i32
        %select_n3A_1381 = arith.select %eq3A_1379, %jit3A_1380, %jit3A_1377 : i32
        %rem3A_1382 = arith.remsi %add3A_1352, %select_n3A_1381 : i32
        %ne3A_1383 = arith.constant 0 : i32
        %ne3A_1384 = arith.cmpi ne, %rem3A_1382, %ne3A_1383 : i32
        %lt3A_1385 = arith.constant 0 : i32
        %lt3A_1386 = arith.cmpi slt, %rem3A_1382, %lt3A_1385 : i32
        %lt3A_1387 = arith.constant 0 : i32
        %lt3A_1388 = arith.cmpi slt, %select_n3A_1381, %lt3A_1387 : i32
        %ne3A_1389 = arith.xori %lt3A_1386, %lt3A_1388 : i1
        %and3A_1390 = arith.andi %ne3A_1389, %ne3A_1384 : i1
        %add3A_1391 = arith.addi %rem3A_1382, %select_n3A_1381 : i32
        %select_n3A_1392 = arith.select %and3A_1390, %add3A_1391, %rem3A_1382 : i32
        %lt3A_1393 = arith.constant 6 : i32
        %lt3A_1394 = arith.cmpi slt, %select_n3A_1392, %lt3A_1393 : i32
        %mul3A_1395 = arith.constant 96 : i32
        %mul3A_1396 = arith.muli %mul3A_1395, %select_n3A_30 : i32
        %add3A_1397 = arith.constant 256 : i32
        %add3A_1398 = arith.addi %add3A_1397, %mul3A_1396 : i32
        %mul3A_1399 = arith.constant 6 : i32
        %mul3A_1400 = arith.muli %mul3A_1399, %select_n3A_1376 : i32
        %add3A_1401 = arith.addi %mul3A_1400, %select_n3A_1392 : i32
        %mul3A_1402 = arith.constant 4 : i32
        %mul3A_1403 = arith.muli %mul3A_1402, %add3A_1401 : i32
        %add3A_1404 = arith.addi %add3A_1398, %mul3A_1403 : i32
        %mul3A_1405 = arith.constant 8 : i32
        %mul3A_1406 = arith.muli %mul3A_1405, %select_n3A_1376 : i32
        %add3A_1407 = arith.addi %mul3A_32, %mul3A_1406 : i32
        %sub3A_1408 = arith.constant 6 : i32
        %sub3A_1409 = arith.subi %select_n3A_1392, %sub3A_1408 : i32
        %mul3A_1410 = arith.constant 4 : i32
        %mul3A_1411 = arith.muli %mul3A_1410, %sub3A_1409 : i32
        %add3A_1412 = arith.addi %add3A_1407, %mul3A_1411 : i32
        %select_n3A_1413 = arith.select %lt3A_1394, %add3A_1404, %add3A_1412 : i32
        %dma_start3A_1414 = arith.constant 0 : i32
        %dma_start3A_1415 = arith.constant 0 : i32
        %dma_start3A_1416 = tpu.memref_slice %arg2[%select_n3A, %select_n3A_1413, %dma_start3A_1414, %dma_start3A_1415] : memref<4x1024x12x513xf32, #tpu.memory_space<hbm>> -> memref<1x4x12x513xf32, #tpu.memory_space<hbm>>
        %dma_start3A_1417 = tpu.memref_squeeze %dma_start3A_1416 : memref<1x4x12x513xf32, #tpu.memory_space<hbm>> -> memref<4x12x513xf32, #tpu.memory_space<hbm>>
        %dma_start3A_1418 = arith.constant 0 : i32
        %dma_start3A_1419 = arith.constant 0 : i32
        %dma_start3A_1420 = tpu.memref_slice %arg2[%select_n3A, %select_n3A_1413, %dma_start3A_1418, %dma_start3A_1419] : memref<4x1024x12x513xf32, #tpu.memory_space<hbm>> -> memref<1x4x12x513xf32, #tpu.memory_space<hbm>>
        %dma_start3A_1421 = tpu.memref_squeeze %dma_start3A_1420 : memref<1x4x12x513xf32, #tpu.memory_space<hbm>> -> memref<4x12x513xf32, #tpu.memory_space<hbm>>
        tpu.enqueue_dma source(%dma_start3A_1421 : memref<4x12x513xf32, #tpu.memory_space<hbm>>) target(%arg6 : memref<4x12x513xf32, #tpu.memory_space<vmem>>) target_semaphore(%arg9 : memref<!tpu.dma_semaphore, #tpu.memory_space<semaphore_mem>>)
      } else {
      }
      %jit3A_1282 = arith.constant 8 : i32
      %div3A_1283 = arith.divsi %add3A_1193, %jit3A_1282 : i32
      %sign3A_1284 = arith.constant 0 : i32
      %sign3A_1285 = arith.cmpi sgt, %add3A_1193, %sign3A_1284 : i32
      %sign3A_1286 = arith.extui %sign3A_1285 : i1 to i32
      %sign3A_1287 = arith.constant 0 : i32
      %sign3A_1288 = arith.cmpi slt, %add3A_1193, %sign3A_1287 : i32
      %sign3A_1289 = arith.extui %sign3A_1288 : i1 to i32
      %sign3A_1290 = arith.subi %sign3A_1286, %sign3A_1289 : i32
      %sign3A_1291 = arith.constant 0 : i32
      %sign3A_1292 = arith.cmpi sgt, %jit3A_1282, %sign3A_1291 : i32
      %sign3A_1293 = arith.extui %sign3A_1292 : i1 to i32
      %sign3A_1294 = arith.constant 0 : i32
      %sign3A_1295 = arith.cmpi slt, %jit3A_1282, %sign3A_1294 : i32
      %sign3A_1296 = arith.extui %sign3A_1295 : i1 to i32
      %sign3A_1297 = arith.subi %sign3A_1293, %sign3A_1296 : i32
      %ne3A_1298 = arith.cmpi ne, %sign3A_1290, %sign3A_1297 : i32
      %rem3A_1299 = arith.remsi %add3A_1193, %jit3A_1282 : i32
      %ne3A_1300 = arith.constant 0 : i32
      %ne3A_1301 = arith.cmpi ne, %rem3A_1299, %ne3A_1300 : i32
      %and3A_1302 = arith.andi %ne3A_1298, %ne3A_1301 : i1
      %sub3A_1303 = arith.constant 1 : i32
      %sub3A_1304 = arith.subi %div3A_1283, %sub3A_1303 : i32
      %select_n3A_1305 = arith.select %and3A_1302, %sub3A_1304, %div3A_1283 : i32
      %jit3A_1306 = arith.constant 8 : i32
      %eq3A_1307 = arith.constant 0 : i32
      %eq3A_1308 = arith.cmpi eq, %jit3A_1306, %eq3A_1307 : i32
      %jit3A_1309 = arith.constant 1 : i32
      %select_n3A_1310 = arith.select %eq3A_1308, %jit3A_1309, %jit3A_1306 : i32
      %rem3A_1311 = arith.remsi %add3A_1193, %select_n3A_1310 : i32
      %ne3A_1312 = arith.constant 0 : i32
      %ne3A_1313 = arith.cmpi ne, %rem3A_1311, %ne3A_1312 : i32
      %lt3A_1314 = arith.constant 0 : i32
      %lt3A_1315 = arith.cmpi slt, %rem3A_1311, %lt3A_1314 : i32
      %lt3A_1316 = arith.constant 0 : i32
      %lt3A_1317 = arith.cmpi slt, %select_n3A_1310, %lt3A_1316 : i32
      %ne3A_1318 = arith.xori %lt3A_1315, %lt3A_1317 : i1
      %and3A_1319 = arith.andi %ne3A_1318, %ne3A_1313 : i1
      %add3A_1320 = arith.addi %rem3A_1311, %select_n3A_1310 : i32
      %select_n3A_1321 = arith.select %and3A_1319, %add3A_1320, %rem3A_1311 : i32
      %lt3A_1322 = arith.constant 6 : i32
      %lt3A_1323 = arith.cmpi slt, %select_n3A_1321, %lt3A_1322 : i32
      %mul3A_1324 = arith.constant 96 : i32
      %mul3A_1325 = arith.muli %mul3A_1324, %select_n3A_30 : i32
      %add3A_1326 = arith.constant 256 : i32
      %add3A_1327 = arith.addi %add3A_1326, %mul3A_1325 : i32
      %mul3A_1328 = arith.constant 6 : i32
      %mul3A_1329 = arith.muli %mul3A_1328, %select_n3A_1305 : i32
      %add3A_1330 = arith.addi %mul3A_1329, %select_n3A_1321 : i32
      %mul3A_1331 = arith.constant 4 : i32
      %mul3A_1332 = arith.muli %mul3A_1331, %add3A_1330 : i32
      %add3A_1333 = arith.addi %add3A_1327, %mul3A_1332 : i32
      %mul3A_1334 = arith.constant 8 : i32
      %mul3A_1335 = arith.muli %mul3A_1334, %select_n3A_1305 : i32
      %add3A_1336 = arith.addi %mul3A_32, %mul3A_1335 : i32
      %sub3A_1337 = arith.constant 6 : i32
      %sub3A_1338 = arith.subi %select_n3A_1321, %sub3A_1337 : i32
      %mul3A_1339 = arith.constant 4 : i32
      %mul3A_1340 = arith.muli %mul3A_1339, %sub3A_1338 : i32
      %add3A_1341 = arith.addi %add3A_1336, %mul3A_1340 : i32
      %select_n3A_1342 = arith.select %lt3A_1323, %add3A_1333, %add3A_1341 : i32
      %dma_start3A_1343 = arith.constant 0 : i32
      %dma_start3A_1344 = arith.constant 0 : i32
      %dma_start3A_1345 = tpu.memref_slice %arg5[%select_n3A, %select_n3A_1342, %dma_start3A_1343, %dma_start3A_1344] : memref<4x1024x12x513xf32, #tpu.memory_space<hbm>> -> memref<1x4x12x513xf32, #tpu.memory_space<hbm>>
      %dma_start3A_1346 = tpu.memref_squeeze %dma_start3A_1345 : memref<1x4x12x513xf32, #tpu.memory_space<hbm>> -> memref<4x12x513xf32, #tpu.memory_space<hbm>>
      %dma_start3A_1347 = arith.constant 0 : i32
      %dma_start3A_1348 = arith.constant 0 : i32
      %dma_start3A_1349 = tpu.memref_slice %arg5[%select_n3A, %select_n3A_1342, %dma_start3A_1347, %dma_start3A_1348] : memref<4x1024x12x513xf32, #tpu.memory_space<hbm>> -> memref<1x4x12x513xf32, #tpu.memory_space<hbm>>
      %dma_start3A_1350 = tpu.memref_squeeze %dma_start3A_1349 : memref<1x4x12x513xf32, #tpu.memory_space<hbm>> -> memref<4x12x513xf32, #tpu.memory_space<hbm>>
      tpu.enqueue_dma source(%arg7 : memref<4x12x513xf32, #tpu.memory_space<vmem>>) target(%dma_start3A_1350 : memref<4x12x513xf32, #tpu.memory_space<hbm>>) target_semaphore(%arg12 : memref<!tpu.dma_semaphore, #tpu.memory_space<semaphore_mem>>)
    }
    %scan3A_66 = arith.constant 4 : i32
    %mul3A_67 = arith.constant 96 : i32
    %mul3A_68 = arith.muli %mul3A_67, %select_n3A_30 : i32
    %add3A_69 = arith.constant 256 : i32
    %add3A_70 = arith.addi %add3A_69, %mul3A_68 : i32
    %add3A_71 = arith.constant 100 : i32
    %add3A_72 = arith.addi %add3A_70, %add3A_71 : i32
    %add3A_73 = arith.constant 24 : i32
    %add3A_74 = arith.addi %mul3A_32, %add3A_73 : i32
    %add3A_75 = arith.constant 4 : i32
    %add3A_76 = arith.addi %add3A_74, %add3A_75 : i32
    %jit3A_77 = arith.constant false
    %select_n3A_78 = arith.select %jit3A_77, %add3A_72, %add3A_76 : i32
    %dma_wait3A = arith.constant 0 : i32
    %dma_wait3A_79 = arith.constant 0 : i32
    %dma_wait3A_80 = tpu.memref_slice %arg5[%select_n3A, %select_n3A_78, %dma_wait3A, %dma_wait3A_79] : memref<4x1024x12x513xf32, #tpu.memory_space<hbm>> -> memref<1x4x12x513xf32, #tpu.memory_space<hbm>>
    %dma_wait3A_81 = tpu.memref_squeeze %dma_wait3A_80 : memref<1x4x12x513xf32, #tpu.memory_space<hbm>> -> memref<4x12x513xf32, #tpu.memory_space<hbm>>
    %dma_wait3A_82 = arith.constant 0 : i32
    %dma_wait3A_83 = arith.constant 0 : i32
    %dma_wait3A_84 = tpu.memref_slice %arg5[%select_n3A, %select_n3A_78, %dma_wait3A_82, %dma_wait3A_83] : memref<4x1024x12x513xf32, #tpu.memory_space<hbm>> -> memref<1x4x12x513xf32, #tpu.memory_space<hbm>>
    %dma_wait3A_85 = tpu.memref_squeeze %dma_wait3A_84 : memref<1x4x12x513xf32, #tpu.memory_space<hbm>> -> memref<4x12x513xf32, #tpu.memory_space<hbm>>
    tpu.wait_dma2 semaphore(%arg12 : memref<!tpu.dma_semaphore, #tpu.memory_space<semaphore_mem>>) src(%arg7 : memref<4x12x513xf32, #tpu.memory_space<vmem>>) dst(%dma_wait3A_85 : memref<4x12x513xf32, #tpu.memory_space<hbm>>)
    return
  }
}

</mosaic_0001>

<sc_bundles>
// kernel: kernel.3.cloned.1.call-start
scs
__scs_entry_jumppad:
0x0: {  	(pc) =	sbr.rel $0x88, $3  }
0x1: {  	(tag) =	ssettag $0x0;
	lr =	simm.s32 $0x1  }
0x2: {  	[smem:$0x3F9F] =	sst lr;
	_ =	strace $0xD0000000  }
0x3: {  	_ = 	snop  }
0x4: {  	_ = 	snop  }
0x5: {  	_ = 	snop  }
0x6: {  	_ = 	snop  }
0x7: {  	_ = 	snop  }
__scs_overlays_trampoline_lowered:
0x8: {  	[smem:$0x3FAE] =	sst s0  }
0x9: {  	[smem:$0x3FAF] =	sst s1  }
0xa: {  	[smem:$0x3FB0] =	sst s2  }
0xb: {  	[smem:$0x3FB1] =	sst s3  }
0xc: {  	[smem:$0x3FB2] =	sst s4  }
0xd: {  	[smem:$0x3FB3] =	sst s5  }
0xe: {  	[smem:$0x3FB4] =	sst s6  }
0xf: {  	[smem:$0x3FB5] =	sst s7  }
0x10: {  	[smem:$0x3FB6] =	sst s8  }
0x11: {  	[smem:$0x3FB7] =	sst s9;
	s0 =	simm.s32 @!p0 $0x0  }
0x12: {  	s1 =	sld [smem:$0x3F9D];
	s0 =	simm.s32 @p0 $0x1  }
0x13: {  	[smem:$0x3FB8] =	sst s0;
	s0 =	simm.s32 @!p1 $0x0  }
0x14: {  	s2 =	sld [smem:$0x3F9C];
	s0 =	simm.s32 @p1 $0x1  }
0x15: {  	[smem:$0x3FB9] =	sst s0;
	s0 =	simm.s32 @!p2 $0x0  }
0x16: {  	s3 =	sld [smem:$0x3FDB];
	s0 =	simm.s32 @p2 $0x1  }
0x17: {  	s4 =	simm.s32 $0x1BF5;
	[smem:$0x3FBB] =	sst s0  }
0x18: {  	s0 =	sld [smem:$0x3F9E];
	_ =	swait.ge [sflag:s4], $0x0  }
0x19: {  	s7 =	sld [smem:$0x3F9F]  }
0x1a: {  	s8 =	sadd.s32 $0xFFFFE003, lr  }
0x1b: {  	s9 =	sadd.s32 $0xFFFFFEF7, lr;
	s5 =	simm.s32 $0xFFFFFFFF;
	p2 =	slt.u32 s8, $0xFFFFF086  }
0x1c: {  	p1 =	slt.u32 s9, $0xF7A;
	s5 =	simm.s32 @!p2 $0x0  }
0x1d: {  	s5 =	simm.s32 @p1 $0x1;
	p0 =	seq.s32 s7, s2  }
0x1e: {  	s7 =	smul.u32 @!p0 $0xF7A, s2;
	p2 =	seq.s32 @!p0 s5, $0x0  }
0x1f: {  	s9 =	smul.u32 $0xF7A, s1;
	s8 =	simm.s32 @!p0 $0x1BF5;
	p2 =	por !p2, p0  }
0x20: {  	[sflag:s8] =	ssyncset.s32 @!p0 $0xFFFFF086;
	s6 =	sadd.s32 @!p0 s3, s7;
	s7 =	simm.s32 @!p0 $0x108  }
0x21: {  	s3 =	sadd.s32 s3, s9;
	s6 =	sadd.s32 @!p0 $0x88, s6;
	s7 =	simm.s32 @p2 $0x1082  }
0x22: {  	[simem:s7], [sflag:s8] =	dma.local @!p0 [hbm:s6], $0xF7A  }
0x23: {  	s9 =	sor.u32 $0xD0000000, s2;
	s6 =	simm.s32 $0x108;
	_ =	swait.ge @!p0 [sflag:s8], $0x0  }
0x24: {  	s3 =	sadd.s32 $0x88, s3;
	s6 =	simm.s32 @!p1 $0x1082;
	[sflag:s4] =	ssyncset.s32 $0xFFFFF086  }
0x25: {  	[simem:s6], [sflag:s4] =	dma.local [hbm:s3], $0xF7A  }
0x26: {  	[smem:$0x3F9F] =	sst s1;
	(tag) =	ssettag s2;
	_ =	strace s9  }
0x27: {  	s1 =	sld [smem:$0x3FAF]  }
0x28: {  	s2 =	sld [smem:$0x3FB0]  }
0x29: {  	s4 =	sld [smem:$0x3FB2]  }
0x2a: {  	p0 =	seq.s32 s5, $0x0;
	s5 =	sld [smem:$0x3FB3]  }
0x2b: {  	s6 =	sld [smem:$0x3FB4]  }
0x2c: {  	s7 =	sld [smem:$0x3FB5]  }
0x2d: {  	s3 =	simm.s32 $0x108;
	s8 =	sld [smem:$0x3FB6]  }
0x2e: {  	s3 =	simm.s32 @!p0 $0x1082;
	s9 =	sld [smem:$0x3FB7]  }
0x2f: {  	lr =	sadd.s32 s0, s3;
	s0 =	sld [smem:$0x3FAE]  }
0x30: {  	s3 =	sld [smem:$0x3FB1]  }
0x31: {  	[smem:$0x3FBA] =	sst s10  }
0x32: {  	s10 =	sld [smem:$0x3FB8];
	_ =	sdelay $0x3  }
0x33: {  	p0 =	seq.s32 s10, $0x1;
	s10 =	sld [smem:$0x3FBA];
	_ =	sdelay $0x3  }
0x34: {  	[smem:$0x3FBA] =	sst s10  }
0x35: {  	s10 =	sld [smem:$0x3FB9];
	_ =	sdelay $0x3  }
0x36: {  	p1 =	seq.s32 s10, $0x1;
	s10 =	sld [smem:$0x3FBA];
	_ =	sdelay $0x3  }
0x37: {  	[smem:$0x3FBA] =	sst s10  }
0x38: {  	s10 =	sld [smem:$0x3FBB]  }
0x39: {  	_ = 	snop;
	(pc) =	sbr.ind lr, $3  }
0x3a: {  	_ = 	snop  }
0x3b: {  	_ = 	snop  }
0x3c: {  	p2 =	seq.s32 s10, $0x1;
	s10 =	sld [smem:$0x3FBA]  }
0x3d: {  	_ =	shalt  }
0x3e: {  	_ =	shalt  }
0x3f: {  	_ =	shalt  }
0x40: {  	_ =	shalt  }
0x41: {  	_ =	shalt  }
0x42: {  	_ =	shalt  }
0x43: {  	_ =	shalt  }
0x44: {  	_ =	shalt  }
0x45: {  	_ =	shalt  }
0x46: {  	_ =	shalt  }
0x47: {  	_ =	shalt  }
0x48: {  	_ =	shalt  }
0x49: {  	_ =	shalt  }
0x4a: {  	_ =	shalt  }
0x4b: {  	_ =	shalt  }
0x4c: {  	_ =	shalt  }
0x4d: {  	_ =	shalt  }
0x4e: {  	_ =	shalt  }
0x4f: {  	_ =	shalt  }
0x50: {  	_ =	shalt  }
0x51: {  	_ =	shalt  }
0x52: {  	_ =	shalt  }
0x53: {  	_ =	shalt  }
0x54: {  	_ =	shalt  }
0x55: {  	_ =	shalt  }
0x56: {  	_ =	shalt  }
0x57: {  	_ =	shalt  }
0x58: {  	_ =	shalt  }
0x59: {  	_ =	shalt  }
0x5a: {  	_ =	shalt  }
0x5b: {  	_ =	shalt  }
0x5c: {  	_ =	shalt  }
0x5d: {  	_ =	shalt  }
0x5e: {  	_ =	shalt  }
0x5f: {  	_ =	shalt  }
0x60: {  	_ =	shalt  }
0x61: {  	_ =	shalt  }
0x62: {  	_ =	shalt  }
0x63: {  	_ =	shalt  }
0x64: {  	_ =	shalt  }
0x65: {  	_ =	shalt  }
0x66: {  	_ =	shalt  }
0x67: {  	_ =	shalt  }
0x68: {  	_ =	shalt  }
0x69: {  	_ =	shalt  }
0x6a: {  	_ =	shalt  }
0x6b: {  	_ =	shalt  }
0x6c: {  	_ =	shalt  }
0x6d: {  	_ =	shalt  }
0x6e: {  	_ =	shalt  }
0x6f: {  	_ =	shalt  }
0x70: {  	_ =	shalt  }
0x71: {  	_ =	shalt  }
0x72: {  	_ =	shalt  }
0x73: {  	_ =	shalt  }
0x74: {  	_ =	shalt  }
0x75: {  	_ =	shalt  }
0x76: {  	_ =	shalt  }
0x77: {  	_ =	shalt  }
0x78: {  	_ =	shalt  }
0x79: {  	_ =	shalt  }
0x7a: {  	_ =	shalt  }
0x7b: {  	_ =	shalt  }
0x7c: {  	_ =	shalt  }
0x7d: {  	_ =	shalt  }
0x7e: {  	_ =	shalt  }
0x7f: {  	_ =	shalt  }
0x80: {  	_ =	shalt  }
0x81: {  	_ =	shalt  }
0x82: {  	_ =	shalt  }
0x83: {  	_ =	shalt  }
0x84: {  	_ =	shalt  }
0x85: {  	_ =	shalt  }
0x86: {  	_ =	shalt  }
0x87: {  	_ =	shalt  }
.Lfunc_end0:
.L_simem_size_0:
called_computation_lowered:
.L_overlay_start_0:
0x88: {  	s2 =	sld [smem:$0x3FD9]  }
0x89: {  	s3 =	sld [smem:$0x3FFE];
	_ =	sdelay $0x1  }
0x8a: {  	s1 =	srdreg.scid  }
0x8b: {  	s0 =	sand.u32 $0x1, s1  }
0x8c: {  	s17 =	sshll.u32 s0, $0xA;
	s2 =	sadd.s32 s3, s2  }
0x8d: {  	s2 =	sadd.s32 s2, s17  }
0x8e: {  	[smem:$0x3FC6] =	sst s2  }
0x8f: {  	_ = 	snop  }
0x90: {  	s2 =	sld [smem:$0x3FD0];
	(tm) =	ssettm $0x1  }
0x91: {  	s18 =	sld [smem:$0x3FFB];
	_ =	sdelay $0x3  }
0x92: {  	_ =	strace s18  }
0x93: {  	s3 =	sld [smem:$0x3FFC];
	_ =	sdelay $0x3  }
0x94: {  	_ =	strace s3  }
0x95: {  	s3 =	sld [smem:$0x3FFD];
	_ =	sdelay $0x3  }
0x96: {  	_ =	strace s3  }
0x97: {  	_ =	strace $0x8FFFFFFF  }
0x98: {  	s19 =	sld [smem:$0x3FDB];
	_ =	sdelay $0x1  }
0x99: {  	s4 =	simm.s32 $_scs_section_size  }
0x9a: {  	s5 =	simm.s32 $_size__tile_overlayer_lowered;
	s6 =	simm.s32 $_tile_overlayer_lowered  }
0x9b: {  	s22 =	simm.s32 $0x1BFF;
	s21 =	sshll.u32 s6, $0x1;
	s3 =	sadd.s32 s4, s19  }
0x9c: {  	s7 =	simm.s32 $0x0;
	s20 =	sshll.u32 s5, $0x1;
	s5 =	sadd.s32 s21, s3  }
0x9d: {  	[timem:s7], [sflag:s22] =	dma.local [hbm:s5], s20  }
0x9e: {  	_ =	swait.ge [sflag:s22], s20  }
0x9f: {  	s4 =	ssub.s32 $0x0, s20;
	[sflag:s22] =	ssyncset.done $0x0  }
0xa0: {  	[sflag:s22] =	ssyncadd.s32 s4;
	_ =	sdelay $0x1  }
0xa1: {  	s23 =	simm.s32 $0x1B8B  }
0xa2: {  	_ =	swait.ge [sflag:s23], $0x1  }
0xa3: {  	[sflag:s23] =	ssyncset.done $0x0  }
0xa4: {  	s25 =	simm.s32 $0x1B8E;
	s24 =	sld [smem:$0x3FFE];
	[sflag:s23] =	ssyncadd.s32 $0xFFFFFFFF  }
0xa5: {  	s26 =	simm.s32 $execute0_lowered;
	[smem:$0x3FD2] =	sst s25  }
0xa6: {  	s5 =	sshll.u32 s26, $0x1;
	_ =	strace $0x80000046;
	[dreg:$0x1] =	wrdreg $0xFFFFFFFF  }
0xa7: {  	s28 =	simm.s32 $_size_execute0_lowered;
	s3 =	sadd.s32 s3, s5;
	[dreg:$0x0] =	wrdreg $0x0  }
0xa8: {  	s5 =	sshll.u32 s28, $0x1;
	[dreg:$0x2] =	wrdreg s3  }
0xa9: {  	[dreg:$0x3] =	wrdreg s5  }
0xaa: {  	[dreg:$0x4] =	wrdreg $0xC0  }
0xab: {  	_ =	task [dreg:s7], $0x5FFFF  }
0xac: {  	[dreg:$0x1] =	wrdreg $0xFFFFFFFF  }
0xad: {  	[dreg:$0x0] =	wrdreg $0x60  }
0xae: {  	[dreg:$0x2] =	wrdreg s24  }
0xaf: {  	[dreg:$0x3] =	wrdreg s2  }
0xb0: {  	[dreg:$0x4] =	wrdreg $0x9  }
0xb1: {  	_ =	task.clear_ibuf [dreg:s7], $0x5FFFF;
	_ =	strace $0x90000046  }
0xb2: {  	s29 =	simm.s32 $0x9;
	_ =	strace $0x80000048  }
0xb3: {  	_ =	swait.ge [sflag:s29], $0x1  }
0xb4: {  	[sflag:s29] =	ssyncadd.s32 $0xFFFFFFFF  }
0xb5: {  	_ =	strace $0x90000048  }
0xb6: {  	_ =	sfence  }
0xb7: {  	s30 =	sld [smem:$0x0];
	_ =	sdelay $0x2  }
0xb8: {  	s31 =	sshll.u32 s1, $0xD;
	s1 =	sshrl.u32 s1, $0x2  }
0xb9: {  	s3 =	sand.u32 $0x4000, s31;
	s1 =	sadd.s32 s1, s30  }
0xba: {  	s0 =	sor.u32 s3, s0;
	s1 =	sshll.u32 s1, $0x11  }
0xbb: {  	s0 =	sor.u32 s1, s0  }
0xbc: {  	s0 =	sadd.s32 $0x8F2B, s0  }
0xbd: {  	[sflag:s0] =	ssyncadd.remote.s32 $0x1  }
0xbe: {  	_ =	sfence.sel $0xFFFF  }
0xbf: {  	[dreg:$0x0] =	wrdreg $0xFFFFFFFF;
	(pc) =	sbr.abs _section_cstart, $3  }
0xc0: {  	[dreg:$0x1] =	wrdreg $0xFFFFFFFF  }
0xc1: {  	_ =	task.clear_ibuf [dreg:s7], $0x2FFFF;
	_ =	strace $0x9FFFFFFF  }
0xc2: {  	(tm) =	ssettm $0x7FFFFFFF  }
0xc3: {  	_ =	shalt  }
tec
execute0_lowered:
.L_overlay_start_1:
0x0: {  	(tag) =	ssettag $0x1  }
0x1: {  	s15 =	stileid.u32;
	s1 =	rddreg [dreg:$0x0]  }
0x2: {  	s0 =	srdreg.scid;
	s2 =	rddreg [dreg:$0x1]  }
0x3: {  	s3 =	sshll.u32 s15, $0x1;
	s6 =	sand.u32 $0x1, s0;
	s9 =	sshrl.u32 s15, $0x2  }
0x4: {  	s4 =	sadd.s32 $0x3600, s1;
	s10 =	sadd.s32 $0x600, s1;
	s16 =	sand.u32 $0x6, s3  }
0x5: {  	s3 =	simm.s32 $0x0;
	s5 =	smul.u32 $0xA00000, s9;
	s11 =	ssub.s32 $0x2, s6  }
0x6: {  	s7 =	sor.u32 s6, s16;
	[smem:$0x7FF] =	sst s3;
	s16 =	smul.u32 $0xC0000, s9  }
0x7: {  	s17 =	sshrl.u32 s11, $0x1;
	s0 =	smul.u32 $0x60, s7;
	s14 =	sshll.u32 s7, $0x5  }
0x8: {  	_ =	strace $0x80000047;
	s13 =	sshll.u32 s7, $0xD;
	[dreg:$0x5] =	wrdreg s14  }
0x9: {  	p0 =	seq.s32 s7, $0x0;
	s13 =	sor.u32 s16, s13;
	[dreg:$0x4] =	wrdreg s16  }
0xa: {  	s8 =	sadd.s32 $0x100, s0;
	s19 =	sadd.s32 $0xFFFFF800, s13;
	s22 =	sadd.s32 $0x1F800, s13  }
0xb: {  	s23 =	sadd.s32 $0x2F800, s13;
	s14 =	sadd.s32 $0x4F800, s13;
	[dreg:$0x3] =	wrdreg s8  }
0xc: {  	s12 =	smul.u32 $0x2800, s8;
	s8 =	sadd.s32 $0x503600, s1;
	s1 =	ssub.s32 s11, s17  }
0xd: {  	s24 =	sshrl.u32 s22, $0x3;
	s25 =	sshrl.u32 s23, $0x3;
	s17 =	smul.u32 $0xC00, s9  }
0xe: {  	s9 =	smul.u32 $0x6000, s9;
	s22 =	sadd.s32 $0x7F800, s13;
	s26 =	sadd.s32 s2, s25  }
0xf: {  	s7 =	sshrl.u32 s22, $0x3;
	s18 =	sadd.s32 s5, s12;
	s12 =	sshrl.u32 s19, $0x3  }
0x10: {  	[dreg:$0xa] =	wrdreg s26;
	s9 =	sshrl.u32 s9, $0x3;
	s7 =	sadd.s32 s2, s7  }
0x11: {  	s11 =	sshrl.u32 s18, $0x3;
	s20 =	sadd.s32 s2, s12;
	[dreg:$0x10] =	wrdreg s7  }
0x12: {  	s9 =	sadd.s32 s10, s9;
	s11 =	sadd.s32 s4, s11;
	[dreg:$0x7] =	wrdreg s20  }
0x13: {  	s18 =	sshrl.u32 s14, $0x3;
	s14 =	sadd.s32 $0x400, s9;
	[dreg:$0x6] =	wrdreg s11  }
0x14: {  	s19 =	sand.u32 $0x3, s15;
	s15 =	sadd.s32 $0x500, s9;
	[dreg:$0x14] =	wrdreg s14  }
0x15: {  	s21 =	sadd.s32 $0xF800, s13;
	s22 =	sadd.s32 $0xB00, s9;
	[dreg:$0x15] =	wrdreg s15  }
0x16: {  	s11 =	sshrl.u32 s21, $0x3;
	[dreg:$0x1b] =	wrdreg s22;
	s22 =	sadd.s32 $0x70000, s16  }
0x17: {  	s11 =	sadd.s32 s2, s11;
	[smem:$0x7F9] =	sst s22  }
0x18: {  	s12 =	sadd.s32 $0x3F800, s13;
	[dreg:$0x8] =	wrdreg s11;
	s11 =	sadd.s32 s2, s24  }
0x19: {  	s20 =	sadd.s32 $0x5F800, s13;
	s24 =	sadd.s32 $0x8F800, s13;
	[dreg:$0x9] =	wrdreg s11  }
0x1a: {  	s11 =	sshrl.u32 s12, $0x3;
	s12 =	sadd.s32 s10, s17;
	s17 =	sadd.s32 $0x600, s9  }
0x1b: {  	s10 =	sshrl.u32 s20, $0x3;
	s20 =	sadd.s32 $0x900, s9;
	[dreg:$0x16] =	wrdreg s17  }
0x1c: {  	s7 =	sshrl.u32 s24, $0x3;
	s24 =	sadd.s32 $0x108, s0;
	[dreg:$0x19] =	wrdreg s20  }
0x1d: {  	[dreg:$0x1d] =	wrdreg s24  }
0x1e: {  	s11 =	sadd.s32 s2, s11;
	[dreg:$0xd] =	wrdreg s12  }
0x1f: {  	s10 =	sadd.s32 s2, s10;
	[dreg:$0xb] =	wrdreg s11  }
0x20: {  	s7 =	sadd.s32 s2, s7;
	[dreg:$0xe] =	wrdreg s10  }
0x21: {  	s15 =	sadd.s32 $0x100, s12;
	[dreg:$0x11] =	wrdreg s7  }
0x22: {  	s17 =	sadd.s32 $0x200, s12;
	[smem:$0x7F3] =	sst s15  }
0x23: {  	s20 =	sadd.s32 $0x50000, s16;
	[smem:$0x7F4] =	sst s17  }
0x24: {  	s24 =	sadd.s32 $0x90000, s16;
	[smem:$0x7F7] =	sst s20  }
0x25: {  	s11 =	sadd.s32 s2, s18;
	[smem:$0x7FB] =	sst s24  }
0x26: {  	s25 =	sadd.s32 $0x9F800, s13;
	s18 =	sadd.s32 $0x700, s9;
	[dreg:$0xc] =	wrdreg s11  }
0x27: {  	s10 =	sshrl.u32 s25, $0x3;
	s25 =	sadd.s32 $0x10C, s0;
	[dreg:$0x17] =	wrdreg s18  }
0x28: {  	s6 =	sshll.u32 s6, $0x5;
	s10 =	sadd.s32 s2, s10;
	[dreg:$0x1e] =	wrdreg s25  }
0x29: {  	s11 =	sshll.u32 s19, $0x6;
	s19 =	sadd.s32 $0x800, s9;
	[dreg:$0x12] =	wrdreg s10  }
0x2a: {  	s21 =	sadd.s32 $0x6F800, s13;
	s18 =	sadd.s32 $0x300, s12;
	[dreg:$0x18] =	wrdreg s19  }
0x2b: {  	s25 =	sadd.s32 $0xA0000, s16;
	s6 =	sor.u32 s6, s11;
	[smem:$0x7F5] =	sst s18  }
0x2c: {  	s11 =	sshrl.u32 s21, $0x3;
	s21 =	sadd.s32 $0xA00, s9;
	[smem:$0x7FC] =	sst s25  }
0x2d: {  	s9 =	smax.u32 s1, $0x1;
	[dreg:$0x1a] =	wrdreg s21  }
0x2e: {  	s28 =	simm.s32 $0x1;
	s19 =	sadd.s32 $0x40000, s16;
	[smem:$0x7F0] =	sst s9  }
0x2f: {  	s26 =	sadd.s32 $0xAF800, s13;
	s23 =	sadd.s32 s2, s11;
	[smem:$0x7F6] =	sst s19  }
0x30: {  	s11 =	sshrl.u32 s26, $0x3;
	s26 =	sadd.s32 $0x110, s0;
	[dreg:$0xf] =	wrdreg s23  }
0x31: {  	v0 =	vimm.s32 $0xEDCBA987;
	v1 =	vimm.s32 $0x6543210F;
	s29 =	simm.s32 $0xA000;
	s10 =	sor.u32 $0x1, s6;
	[dreg:$0x1f] =	wrdreg s26  }
0x32: {  	s30 =	simm.s32 $0x2;
	v0 =	vunpack.c.l.s4.s8 v0;
	v1 =	vunpack.c.l.s4.s8 v1;
	s21 =	sadd.s32 $0x60000, s16;
	[smem:$0x7F1] =	sst s10  }
0x33: {  	v2 =	vimm.s32 $0x65432100;
	s31 =	simm.s32 $0x3;
	s13 =	sadd.s32 s2, s11;
	[smem:$0x7F8] =	sst s21  }
0x34: {  	v2 =	vunpack.c.l.s4.s8 v2;
	v0 =	vunpack.c.0.s8.s32 v0;
	v1 =	vunpack.c.0.s8.s32 v1;
	s14 =	sadd.s32 $0x118, s0;
	s23 =	sadd.s32 $0x104, s0;
	[dreg:$0x13] =	wrdreg s13  }
0x35: {  	s20 =	simm.s32 $0x5;
	s11 =	sor.u32 $0x4, s6;
	[dreg:$0x1c] =	wrdreg s23  }
0x36: {  	v2 =	vunpack.c.0.s8.s32 v2;
	v4 =	vcombine.low v1, v0;
	s1 =	simm.s32 $0x0;
	s26 =	sadd.s32 $0xB0000, s16;
	[smem:$0x7F2] =	sst s11  }
0x37: {  	vm0 =	vmmov $0x1;
	v3 =	vand.u32 $0xF, v0;
	s19 =	simm.s32 $0x4;
	s23 =	sadd.s32 $0x80000, s16;
	[smem:$0x7FD] =	sst s26  }
0x38: {  	v1 =	vlaneseq.u32;
	v0 =	vcombine.low v2, v3;
	v2 =	vand.u32 $0xF, v4;
	s13 =	sadd.s32 $0x114, s0;
	s26 =	sor.u32 $0xA000, s5;
	[smem:$0x7FA] =	sst s23  }
.LBB2_1:
0x39: {  	[smem:$0x7EF] =	sst s1  }
0x3a: {  	s0 =	rddreg [dreg:$0x6]  }
0x3b: {  	[tilespmem:s3], [sflag:$0x1] =	stream.linear.gather [hbm4b:s0+s3], $0xA000, $0x38;
	[tilespmem:$0x1A000] =	vst v63  }
0x3c: {  	s1 =	simm.s32 @!p0 $0x14000;
	s6 =	rddreg [dreg:$0x7];
	s0 =	simm.s32 @!p0 $0x0  }
0x3d: {  	[tilespmem:s1], [sflag:$0x5] =	stream.linear.gather @!p0 [hbm4b:s6+s0], $0x800, $0x38;
	[tilespmem:$0x1A000] =	vst v63  }
0x3e: {  	s1 =	simm.s32 @!p0 $0x14800;
	s6 =	rddreg [dreg:$0x8]  }
0x3f: {  	[tilespmem:s1], [sflag:$0x5] =	stream.linear.gather @!p0 [hbm4b:s6+s0], $0x800, $0x38;
	[tilespmem:$0x1A000] =	vst v63  }
0x40: {  	s1 =	simm.s32 @!p0 $0x15000;
	s6 =	rddreg [dreg:$0x9]  }
0x41: {  	[tilespmem:s1], [sflag:$0x5] =	stream.linear.gather @!p0 [hbm4b:s6+s0], $0x800, $0x38;
	[tilespmem:$0x1A000] =	vst v63  }
0x42: {  	s1 =	simm.s32 @!p0 $0x15800;
	s6 =	rddreg [dreg:$0xa]  }
0x43: {  	[tilespmem:s1], [sflag:$0x5] =	stream.linear.gather @!p0 [hbm4b:s6+s0], $0x800, $0x38;
	[tilespmem:$0x1A000] =	vst v63  }
0x44: {  	s1 =	simm.s32 @!p0 $0x16000;
	s6 =	rddreg [dreg:$0xb]  }
0x45: {  	[tilespmem:s1], [sflag:$0x5] =	stream.linear.gather @!p0 [hbm4b:s6+s0], $0x800, $0x38;
	[tilespmem:$0x1A000] =	vst v63  }
0x46: {  	s1 =	simm.s32 @!p0 $0x16800;
	s6 =	rddreg [dreg:$0xc]  }
0x47: {  	[tilespmem:s1], [sflag:$0x5] =	stream.linear.gather @!p0 [hbm4b:s6+s0], $0x800, $0x38;
	[tilespmem:$0x1A000] =	vst v63  }
0x48: {  	s1 =	simm.s32 @!p0 $0x17000;
	s6 =	rddreg [dreg:$0xe]  }
0x49: {  	[tilespmem:s1], [sflag:$0x5] =	stream.linear.gather @!p0 [hbm4b:s6+s0], $0x800, $0x38;
	[tilespmem:$0x1A000] =	vst v63  }
0x4a: {  	s1 =	simm.s32 @!p0 $0x17800;
	s6 =	rddreg [dreg:$0xf]  }
0x4b: {  	[tilespmem:s1], [sflag:$0x5] =	stream.linear.gather @!p0 [hbm4b:s6+s0], $0x800, $0x38;
	[tilespmem:$0x1A000] =	vst v63  }
0x4c: {  	s1 =	simm.s32 @!p0 $0x18000;
	s6 =	rddreg [dreg:$0x10]  }
0x4d: {  	[tilespmem:s1], [sflag:$0x5] =	stream.linear.gather @!p0 [hbm4b:s6+s0], $0x800, $0x38;
	[tilespmem:$0x1A000] =	vst v63  }
0x4e: {  	s1 =	simm.s32 @!p0 $0x18800;
	s6 =	rddreg [dreg:$0x11]  }
0x4f: {  	[tilespmem:s1], [sflag:$0x5] =	stream.linear.gather @!p0 [hbm4b:s6+s0], $0x800, $0x38;
	[tilespmem:$0x1A000] =	vst v63  }
0x50: {  	s1 =	simm.s32 @!p0 $0x19000;
	s6 =	rddreg [dreg:$0x12]  }
0x51: {  	[tilespmem:s1], [sflag:$0x5] =	stream.linear.gather @!p0 [hbm4b:s6+s0], $0x800, $0x38;
	[tilespmem:$0x1A000] =	vst v63  }
0x52: {  	s1 =	simm.s32 @!p0 $0x19800;
	s6 =	rddreg [dreg:$0x13]  }
0x53: {  	[tilespmem:s1], [sflag:$0x5] =	stream.linear.gather @!p0 [hbm4b:s6+s0], $0x800, $0x38;
	[tilespmem:$0x1A000] =	vst v63  }
0x54: {  	s0 =	simm.s32 @!p0 $0x5  }
0x55: {  	_ =	swait.ge @!p0 [sflag:s0], $0x800  }
0x56: {  	[sflag:s0] =	ssyncset.done @!p0 $0x0  }
0x57: {  	[sflag:s0] =	ssyncadd.s32 @!p0 $0xFFFFF800  }
0x58: {  	_ =	swait.ge @!p0 [sflag:s0], $0x800  }
0x59: {  	[sflag:s0] =	ssyncset.done @!p0 $0x0  }
0x5a: {  	[sflag:s0] =	ssyncadd.s32 @!p0 $0xFFFFF800  }
0x5b: {  	_ =	swait.ge @!p0 [sflag:s0], $0x800  }
0x5c: {  	[sflag:s0] =	ssyncset.done @!p0 $0x0  }
0x5d: {  	[sflag:s0] =	ssyncadd.s32 @!p0 $0xFFFFF800  }
0x5e: {  	_ =	swait.ge @!p0 [sflag:s0], $0x800  }
0x5f: {  	[sflag:s0] =	ssyncset.done @!p0 $0x0  }
0x60: {  	[sflag:s0] =	ssyncadd.s32 @!p0 $0xFFFFF800  }
0x61: {  	_ =	swait.ge @!p0 [sflag:s0], $0x800  }
0x62: {  	[sflag:s0] =	ssyncset.done @!p0 $0x0  }
0x63: {  	[sflag:s0] =	ssyncadd.s32 @!p0 $0xFFFFF800  }
0x64: {  	_ =	swait.ge @!p0 [sflag:s0], $0x800  }
0x65: {  	[sflag:s0] =	ssyncset.done @!p0 $0x0  }
0x66: {  	[sflag:s0] =	ssyncadd.s32 @!p0 $0xFFFFF800  }
0x67: {  	_ =	swait.ge @!p0 [sflag:s0], $0x800  }
0x68: {  	[sflag:s0] =	ssyncset.done @!p0 $0x0  }
0x69: {  	[sflag:s0] =	ssyncadd.s32 @!p0 $0xFFFFF800  }
0x6a: {  	_ =	swait.ge @!p0 [sflag:s0], $0x800  }
0x6b: {  	[sflag:s0] =	ssyncset.done @!p0 $0x0  }
0x6c: {  	[sflag:s0] =	ssyncadd.s32 @!p0 $0xFFFFF800  }
0x6d: {  	_ =	swait.ge @!p0 [sflag:s0], $0x800  }
0x6e: {  	[sflag:s0] =	ssyncset.done @!p0 $0x0  }
0x6f: {  	[sflag:s0] =	ssyncadd.s32 @!p0 $0xFFFFF800  }
0x70: {  	_ =	swait.ge @!p0 [sflag:s0], $0x800  }
0x71: {  	[sflag:s0] =	ssyncset.done @!p0 $0x0  }
0x72: {  	[sflag:s0] =	ssyncadd.s32 @!p0 $0xFFFFF800  }
0x73: {  	_ =	swait.ge @!p0 [sflag:s0], $0x800  }
0x74: {  	[sflag:s0] =	ssyncset.done @!p0 $0x0  }
0x75: {  	[sflag:s0] =	ssyncadd.s32 @!p0 $0xFFFFF800  }
0x76: {  	_ =	swait.ge @!p0 [sflag:s0], $0x800  }
0x77: {  	[sflag:s0] =	ssyncset.done @!p0 $0x0;
	s21 =	sld [smem:$0x7F2]  }
0x78: {  	s7 =	simm.s32 $0x0;
	s1 =	sld [smem:$0x7F1];
	[sflag:s0] =	ssyncadd.s32 @!p0 $0xFFFFF800  }
.LBB2_2:
0x79: {  	s22 =	smul.u32 $0x18, s7;
	_ =	swait.ge [sflag:s28], $0xA000  }
0x7a: {  	s0 =	rddreg [dreg:$0x1c]  }
0x7b: {  	p1 =	seq.s32 s7, $0x0;
	[sflag:s28] =	ssyncset.done $0x0;
	s0 =	sadd.s32 s22, s0  }
0x7c: {  	s6 =	simm.s32 @!p1 $0x4;
	[sflag:s28] =	ssyncadd.s32 $0xFFFF6000;
	s0 =	smul.u32 $0x2800, s0  }
0x7d: {  	_ =	swait.ge @!p1 [sflag:s6], $0xA000  }
0x7e: {  	s18 =	simm.s32 $0x0;
	s9 =	rddreg [dreg:$0x3];
	s0 =	sadd.s32 s5, s0  }
0x7f: {  	[sflag:s6] =	ssyncset.done @!p1 $0x0;
	s9 =	sadd.s32 s9, s22;
	s0 =	sshrl.u32 s0, $0x3  }
0x80: {  	[sflag:s6] =	ssyncadd.s32 @!p1 $0xFFFF6000;
	s9 =	smul.u32 $0x2800, s9;
	s17 =	sadd.s32 s4, s0  }
0x81: {  	[tilespmem:s29], [sflag:$0x2] =	stream.linear.gather [hbm4b:s17+s18], $0xA000, $0x38;
	[tilespmem:$0x1A000] =	vst v63  }
0x82: {  	s23 =	sadd.s32 s5, s9  }
0x83: {  	s6 =	sshrl.u32 s23, $0x3  }
0x84: {  	s6 =	sadd.s32 s8, s6  }
0x85: {  	[hbm4b:s6+s18] =	stream.linear.scatter [tilespmem:s18], [sflag:$0x3], $0xA000, $0x38;
	[tilespmem:$0x1A000] =	vst v63  }
0x86: {  	_ =	swait.ge [sflag:s30], $0xA000  }
0x87: {  	s24 =	rddreg [dreg:$0x1d]  }
0x88: {  	s6 =	sadd.s32 s22, s24  }
0x89: {  	[sflag:s30] =	ssyncset.done $0x0;
	s6 =	smul.u32 $0x2800, s6  }
0x8a: {  	[sflag:s30] =	ssyncadd.s32 $0xFFFF6000  }
0x8b: {  	_ =	swait.ge [sflag:s31], $0xA000;
	s6 =	sadd.s32 s5, s6  }
0x8c: {  	[sflag:s31] =	ssyncset.done $0x0;
	s6 =	sshrl.u32 s6, $0x3  }
0x8d: {  	[sflag:s31] =	ssyncadd.s32 $0xFFFF6000;
	s25 =	sadd.s32 s4, s6  }
0x8e: {  	[tilespmem:s18], [sflag:$0x1] =	stream.linear.gather [hbm4b:s25+s18], $0xA000, $0x38;
	[tilespmem:$0x1A000] =	vst v63  }
0x8f: {  	s0 =	sadd.s32 s8, s0  }
0x90: {  	[hbm4b:s0+s18] =	stream.linear.scatter [tilespmem:s29], [sflag:$0x4], $0xA000, $0x38;
	[tilespmem:$0x1A000] =	vst v63  }
0x91: {  	_ =	swait.ge [sflag:s28], $0xA000  }
0x92: {  	s10 =	rddreg [dreg:$0x1e]  }
0x93: {  	s0 =	sadd.s32 s22, s10  }
0x94: {  	[sflag:s28] =	ssyncset.done $0x0;
	s0 =	smul.u32 $0x2800, s0  }
0x95: {  	[sflag:s28] =	ssyncadd.s32 $0xFFFF6000  }
0x96: {  	_ =	swait.ge [sflag:s19], $0xA000;
	s0 =	sadd.s32 s5, s0  }
0x97: {  	[sflag:s19] =	ssyncset.done $0x0;
	s0 =	sshrl.u32 s0, $0x3  }
0x98: {  	[sflag:s19] =	ssyncadd.s32 $0xFFFF6000;
	s11 =	sadd.s32 s4, s0  }
0x99: {  	[tilespmem:s29], [sflag:$0x2] =	stream.linear.gather [hbm4b:s11+s18], $0xA000, $0x38;
	[tilespmem:$0x1A000] =	vst v63  }
0x9a: {  	s6 =	sadd.s32 s8, s6  }
0x9b: {  	[hbm4b:s6+s18] =	stream.linear.scatter [tilespmem:s18], [sflag:$0x3], $0xA000, $0x38;
	[tilespmem:$0x1A000] =	vst v63  }
0x9c: {  	_ =	swait.ge [sflag:s30], $0xA000  }
0x9d: {  	s12 =	rddreg [dreg:$0x1f]  }
0x9e: {  	s6 =	sadd.s32 s22, s12  }
0x9f: {  	[sflag:s30] =	ssyncset.done $0x0;
	s6 =	smul.u32 $0x2800, s6  }
0xa0: {  	[sflag:s30] =	ssyncadd.s32 $0xFFFF6000  }
0xa1: {  	_ =	swait.ge [sflag:s31], $0xA000;
	s6 =	sadd.s32 s5, s6  }
0xa2: {  	[sflag:s31] =	ssyncset.done $0x0;
	s6 =	sshrl.u32 s6, $0x3  }
0xa3: {  	[sflag:s31] =	ssyncadd.s32 $0xFFFF6000;
	s15 =	sadd.s32 s4, s6  }
0xa4: {  	[tilespmem:s18], [sflag:$0x1] =	stream.linear.gather [hbm4b:s15+s18], $0xA000, $0x38;
	[tilespmem:$0x1A000] =	vst v63  }
0xa5: {  	s0 =	sadd.s32 s8, s0  }
0xa6: {  	[hbm4b:s0+s18] =	stream.linear.scatter [tilespmem:s29], [sflag:$0x4], $0xA000, $0x38;
	[tilespmem:$0x1A000] =	vst v63  }
0xa7: {  	s16 =	sadd.s32 s22, s13;
	_ =	swait.ge [sflag:s28], $0xA000  }
0xa8: {  	s0 =	smul.u32 $0x2800, s16;
	[sflag:s28] =	ssyncset.done $0x0  }
0xa9: {  	[sflag:s28] =	ssyncadd.s32 $0xFFFF6000  }
0xaa: {  	s0 =	sadd.s32 s5, s0;
	_ =	swait.ge [sflag:s19], $0xA000  }
0xab: {  	s0 =	sshrl.u32 s0, $0x3;
	[sflag:s19] =	ssyncset.done $0x0  }
0xac: {  	s17 =	sadd.s32 s4, s0;
	[sflag:s19] =	ssyncadd.s32 $0xFFFF6000  }
0xad: {  	[tilespmem:s29], [sflag:$0x2] =	stream.linear.gather [hbm4b:s17+s18], $0xA000, $0x38;
	[tilespmem:$0x1A000] =	vst v63  }
0xae: {  	s23 =	sshll.u32 s7, $0x3;
	s6 =	sadd.s32 s8, s6;
	s24 =	rddreg [dreg:$0x5]  }
0xaf: {  	[hbm4b:s6+s18] =	stream.linear.scatter [tilespmem:s18], [sflag:$0x3], $0xA000, $0x38;
	[tilespmem:$0x1A000] =	vst v63  }
0xb0: {  	s16 =	sadd.s32 s24, s23;
	_ =	swait.ge [sflag:s30], $0xA000  }
0xb1: {  	s15 =	smul.u32 $0x2800, s16;
	[sflag:s30] =	ssyncset.done $0x0  }
0xb2: {  	[sflag:s30] =	ssyncadd.s32 $0xFFFF6000  }
0xb3: {  	s25 =	sadd.s32 s5, s15;
	_ =	swait.ge [sflag:s31], $0xA000  }
0xb4: {  	s23 =	sshrl.u32 s25, $0x3;
	[sflag:s31] =	ssyncset.done $0x0  }
0xb5: {  	p1 =	seq.s32 s16, $0x0;
	s6 =	sadd.s32 s4, s23;
	[sflag:s31] =	ssyncadd.s32 $0xFFFF6000  }
0xb6: {  	[tilespmem:s18], [sflag:$0x1] =	stream.linear.gather [hbm4b:s6+s18], $0xA000, $0x38;
	[tilespmem:$0x1A000] =	vst v63  }
.Ltmp0:
0xb7: {  	s0 =	sadd.s32 s8, s0;
	(pc) =	sbr.rel @p1 .LBB2_6-.Ltmp0, $4  }
0xb8: {  	[hbm4b:s0+s18] =	stream.linear.scatter [tilespmem:s29], [sflag:$0x4], $0xA000, $0x38;
	[tilespmem:$0x1A000] =	vst v63  }
0xb9: {  	_ =	swait.ge [sflag:s28], $0xA000  }
0xba: {  	[sflag:s28] =	ssyncset.done $0x0  }
0xbb: {  	s17 =	simm.s32 $0x14780;
	[sflag:s28] =	ssyncadd.s32 $0xFFFF6000  }
0xbc: {  	s0 =	simm.s32 $0x0  }
0xbd: {  	s0 =	smul.u32 $0x5000, s0  }
0xbe: {  	v3 =	vld [tilespmem:s17+$0xFFFFFC00]  }
0xbf: {  	s6 =	sand.u32 $0x380, s18;
	s0 =	sshra.s32 s0, $0x2  }
0xc0: {  	s0 =	sor.u32 s6, s0  }
0xc1: {  	v4 =	vld [tilespmem:s0+$0x0];
	_ =	sdelay $0x1  }
0xc2: {  	v3 =	vperm.xlane v3, v0  }
0xc3: {  	vm1 =	veq.s32 v1, $0x0  }
0xc4: {  	v3 =	vsel vm1, $0x0, v3  }
0xc5: {  	v3 =	vadd.f32 v3, v4;
	_ =	sdelay $0x1  }
0xc6: {  	[tilespmem:s0+$0x0] =	vst v3  }
0xc7: {  	v3 =	vld [tilespmem:s17+$0xFFFFFC00]  }
0xc8: {  	v4 =	vld.msk [tilespmem:s17+$0xFFFFFC10], $0x7fff;
	_ =	sdelay $0x2  }
0xc9: {  	v5 =	vld [tilespmem:s0+$0x10];
	_ =	sdelay $0x1  }
0xca: {  	v3 =	vperm.xlane v3, v2;
	v4 =	vperm.xlane v4, v2;
	_ =	sdelay $0x1  }
0xcb: {  	v3 =	vsel vm0, v3, v4  }
0xcc: {  	v3 =	vadd.f32 v3, v5;
	_ =	sdelay $0x1  }
0xcd: {  	[tilespmem:s0+$0x10] =	vst v3  }
0xce: {  	v3 =	vld [tilespmem:s17+$0xFFFFFC10]  }
0xcf: {  	v4 =	vld.msk [tilespmem:s17+$0xFFFFFC20], $0x7fff;
	_ =	sdelay $0x2  }
0xd0: {  	v5 =	vld [tilespmem:s0+$0x20];
	_ =	sdelay $0x1  }
0xd1: {  	v3 =	vperm.xlane v3, v2;
	v4 =	vperm.xlane v4, v2;
	_ =	sdelay $0x1  }
0xd2: {  	v3 =	vsel vm0, v3, v4  }
0xd3: {  	v3 =	vadd.f32 v3, v5;
	_ =	sdelay $0x1  }
0xd4: {  	[tilespmem:s0+$0x20] =	vst v3  }
0xd5: {  	v3 =	vld [tilespmem:s17+$0xFFFFFC20]  }
0xd6: {  	v4 =	vld.msk [tilespmem:s17+$0xFFFFFC30], $0x7fff;
	_ =	sdelay $0x2  }
0xd7: {  	v5 =	vld [tilespmem:s0+$0x30];
	_ =	sdelay $0x1  }
0xd8: {  	v3 =	vperm.xlane v3, v2;
	v4 =	vperm.xlane v4, v2;
	_ =	sdelay $0x1  }
0xd9: {  	v3 =	vsel vm0, v3, v4  }
0xda: {  	v3 =	vadd.f32 v3, v5;
	_ =	sdelay $0x1  }
0xdb: {  	[tilespmem:s0+$0x30] =	vst v3  }
0xdc: {  	v3 =	vld [tilespmem:s17+$0xFFFFFC30]  }
0xdd: {  	v4 =	vld.msk [tilespmem:s17+$0xFFFFFC40], $0x7fff;
	_ =	sdelay $0x2  }
0xde: {  	v5 =	vld [tilespmem:s0+$0x40];
	_ =	sdelay $0x1  }
0xdf: {  	v3 =	vperm.xlane v3, v2;
	v4 =	vperm.xlane v4, v2;
	_ =	sdelay $0x1  }
0xe0: {  	v3 =	vsel vm0, v3, v4  }
0xe1: {  	v3 =	vadd.f32 v3, v5;
	_ =	sdelay $0x1  }
0xe2: {  	[tilespmem:s0+$0x40] =	vst v3  }
0xe3: {  	v3 =	vld [tilespmem:s17+$0xFFFFFC40]  }
0xe4: {  	v4 =	vld.msk [tilespmem:s17+$0xFFFFFC50], $0x7fff;
	_ =	sdelay $0x2  }
0xe5: {  	v5 =	vld [tilespmem:s0+$0x50];
	_ =	sdelay $0x1  }
0xe6: {  	v3 =	vperm.xlane v3, v2;
	v4 =	vperm.xlane v4, v2;
	_ =	sdelay $0x1  }
0xe7: {  	v3 =	vsel vm0, v3, v4  }
0xe8: {  	v3 =	vadd.f32 v3, v5;
	_ =	sdelay $0x1  }
0xe9: {  	[tilespmem:s0+$0x50] =	vst v3  }
0xea: {  	v3 =	vld [tilespmem:s17+$0xFFFFFC50]  }
0xeb: {  	v5 =	vld.msk [tilespmem:s17+$0xFFFFFC60], $0x7fff;
	_ =	sdelay $0x2  }
0xec: {  	v4 =	vld [tilespmem:s0+$0x60];
	_ =	sdelay $0x1  }
0xed: {  	v3 =	vperm.xlane v3, v2;
	v5 =	vperm.xlane v5, v2;
	_ =	sdelay $0x1  }
0xee: {  	v3 =	vsel vm0, v3, v5  }
0xef: {  	v3 =	vadd.f32 v3, v4;
	_ =	sdelay $0x1  }
0xf0: {  	[tilespmem:s0+$0x60] =	vst v3  }
0xf1: {  	v3 =	vld [tilespmem:s17+$0xFFFFFC60]  }
0xf2: {  	v5 =	vld.msk [tilespmem:s17+$0xFFFFFC70], $0x7fff;
	_ =	sdelay $0x2  }
0xf3: {  	v4 =	vld [tilespmem:s0+$0x70];
	_ =	sdelay $0x1  }
0xf4: {  	v3 =	vperm.xlane v3, v2;
	v5 =	vperm.xlane v5, v2;
	_ =	sdelay $0x1  }
0xf5: {  	v3 =	vsel vm0, v3, v5  }
0xf6: {  	v3 =	vadd.f32 v3, v4;
	_ =	sdelay $0x1  }
0xf7: {  	[tilespmem:s0+$0x70] =	vst v3  }
0xf8: {  	v3 =	vld [tilespmem:s17+$0xFFFFFC70]  }
0xf9: {  	v5 =	vld.msk [tilespmem:s17+$0x0], $0x7fff;
	_ =	sdelay $0x2  }
0xfa: {  	v4 =	vld [tilespmem:s0+$0x400];
	_ =	sdelay $0x1  }
0xfb: {  	v3 =	vperm.xlane v3, v2;
	v5 =	vperm.xlane v5, v2;
	_ =	sdelay $0x1  }
0xfc: {  	v3 =	vsel vm0, v3, v5  }
0xfd: {  	v3 =	vadd.f32 v3, v4;
	_ =	sdelay $0x1  }
0xfe: {  	[tilespmem:s0+$0x400] =	vst v3  }
0xff: {  	v3 =	vld [tilespmem:s17+$0x0]  }
0x100: {  	v5 =	vld.msk [tilespmem:s17+$0x10], $0x7fff;
	_ =	sdelay $0x2  }
0x101: {  	v4 =	vld [tilespmem:s0+$0x410];
	_ =	sdelay $0x1  }
0x102: {  	v3 =	vperm.xlane v3, v2;
	v5 =	vperm.xlane v5, v2;
	_ =	sdelay $0x1  }
0x103: {  	v3 =	vsel vm0, v3, v5  }
0x104: {  	v3 =	vadd.f32 v3, v4;
	_ =	sdelay $0x1  }
0x105: {  	[tilespmem:s0+$0x410] =	vst v3  }
0x106: {  	v3 =	vld [tilespmem:s17+$0x10]  }
0x107: {  	v5 =	vld.msk [tilespmem:s17+$0x20], $0x7fff;
	_ =	sdelay $0x2  }
0x108: {  	v4 =	vld [tilespmem:s0+$0x420];
	_ =	sdelay $0x1  }
0x109: {  	v3 =	vperm.xlane v3, v2;
	v5 =	vperm.xlane v5, v2;
	_ =	sdelay $0x1  }
0x10a: {  	v3 =	vsel vm0, v3, v5  }
0x10b: {  	v3 =	vadd.f32 v3, v4;
	_ =	sdelay $0x1  }
0x10c: {  	[tilespmem:s0+$0x420] =	vst v3  }
0x10d: {  	v3 =	vld [tilespmem:s17+$0x20]  }
0x10e: {  	v5 =	vld.msk [tilespmem:s17+$0x30], $0x7fff;
	_ =	sdelay $0x2  }
0x10f: {  	v4 =	vld [tilespmem:s0+$0x430];
	_ =	sdelay $0x1  }
0x110: {  	v3 =	vperm.xlane v3, v2;
	v5 =	vperm.xlane v5, v2;
	_ =	sdelay $0x1  }
0x111: {  	v3 =	vsel vm0, v3, v5  }
0x112: {  	v3 =	vadd.f32 v3, v4;
	_ =	sdelay $0x1  }
0x113: {  	[tilespmem:s0+$0x430] =	vst v3  }
0x114: {  	v3 =	vld [tilespmem:s17+$0x30]  }
0x115: {  	v5 =	vld.msk [tilespmem:s17+$0x40], $0x7fff;
	_ =	sdelay $0x2  }
0x116: {  	v4 =	vld [tilespmem:s0+$0x440];
	_ =	sdelay $0x1  }
0x117: {  	v3 =	vperm.xlane v3, v2;
	v5 =	vperm.xlane v5, v2;
	_ =	sdelay $0x1  }
0x118: {  	v3 =	vsel vm0, v3, v5  }
0x119: {  	v3 =	vadd.f32 v3, v4;
	_ =	sdelay $0x1  }
0x11a: {  	[tilespmem:s0+$0x440] =	vst v3  }
0x11b: {  	v3 =	vld [tilespmem:s17+$0x40]  }
0x11c: {  	v5 =	vld.msk [tilespmem:s17+$0x50], $0x7fff;
	_ =	sdelay $0x2  }
0x11d: {  	v4 =	vld [tilespmem:s0+$0x450];
	_ =	sdelay $0x1  }
0x11e: {  	v3 =	vperm.xlane v3, v2;
	v5 =	vperm.xlane v5, v2;
	_ =	sdelay $0x1  }
0x11f: {  	v3 =	vsel vm0, v3, v5  }
0x120: {  	v3 =	vadd.f32 v3, v4;
	_ =	sdelay $0x1  }
0x121: {  	[tilespmem:s0+$0x450] =	vst v3  }
0x122: {  	v5 =	vld [tilespmem:s17+$0x50]  }
0x123: {  	v6 =	vld.msk [tilespmem:s17+$0x60], $0x7fff;
	_ =	sdelay $0x2  }
0x124: {  	v4 =	vld [tilespmem:s0+$0x460];
	_ =	sdelay $0x1  }
0x125: {  	s9 =	simm.s32 $0x1;
	s6 =	simm.s32 $0x14780;
	v3 =	vld [tilespmem:s0+$0x470];
	v5 =	vperm.xlane v5, v2;
	v6 =	vperm.xlane v6, v2  }
.LBB2_4:
0x126: {  	_ = 	snop  }
0x127: {  	p1 =	sne.s32 s9, $0xB;
	s18 =	sadd.s32 $0x80, s18;
	s17 =	sadd.s32 $0x800, s17;
	v5 =	vsel vm0, v5, v6  }
0x128: {  	s10 =	smov.u32 s9;
	s9 =	sadd.s32 $0x1, s9;
	v4 =	vadd.f32 v5, v4;
	_ =	sdelay $0x1  }
0x129: {  	[tilespmem:s0+$0x460] =	vst v4  }
0x12a: {  	v4 =	vld [tilespmem:s6+$0x60]  }
0x12b: {  	v5 =	vld.msk [tilespmem:s6+$0x70], $0x7fff;
	s6 =	smov.u32 s17;
	_ =	sdelay $0x3  }
0x12c: {  	v4 =	vperm.xlane v4, v2  }
0x12d: {  	v5 =	vperm.xlane v5, v2;
	_ =	sdelay $0x1  }
0x12e: {  	v4 =	vsel vm0, v4, v5  }
0x12f: {  	v3 =	vadd.f32 v4, v3  }
0x130: {  	s10 =	sshrl.u32 s10, $0x3  }
0x131: {  	s10 =	smul.u32 $0x5000, s10;
	[tilespmem:s0+$0x470] =	vst v3  }
0x132: {  	v3 =	vld [tilespmem:s17+$0xFFFFFC00]  }
0x133: {  	s10 =	sshra.s32 s10, $0x2;
	s0 =	sand.u32 $0x380, s18  }
0x134: {  	s0 =	sor.u32 s0, s10  }
0x135: {  	v4 =	vld [tilespmem:s0+$0x0];
	_ =	sdelay $0x1  }
0x136: {  	v3 =	vperm.xlane v3, v0;
	_ =	sdelay $0x1  }
0x137: {  	v3 =	vsel vm1, $0x0, v3  }
0x138: {  	v3 =	vadd.f32 v3, v4;
	_ =	sdelay $0x1  }
0x139: {  	[tilespmem:s0+$0x0] =	vst v3  }
0x13a: {  	v3 =	vld [tilespmem:s17+$0xFFFFFC00]  }
0x13b: {  	v4 =	vld.msk [tilespmem:s17+$0xFFFFFC10], $0x7fff;
	_ =	sdelay $0x1  }
0x13c: {  	v5 =	vld [tilespmem:s0+$0x10];
	_ =	sdelay $0x1  }
0x13d: {  	v3 =	vperm.xlane v3, v2  }
0x13e: {  	v4 =	vperm.xlane v4, v2;
	_ =	sdelay $0x1  }
0x13f: {  	v3 =	vsel vm0, v3, v4  }
0x140: {  	v3 =	vadd.f32 v3, v5;
	_ =	sdelay $0x1  }
0x141: {  	[tilespmem:s0+$0x10] =	vst v3  }
0x142: {  	v3 =	vld [tilespmem:s17+$0xFFFFFC10]  }
0x143: {  	v4 =	vld.msk [tilespmem:s17+$0xFFFFFC20], $0x7fff  }
0x144: {  	v5 =	vld [tilespmem:s0+$0x20];
	_ =	sdelay $0x2  }
0x145: {  	v3 =	vperm.xlane v3, v2  }
0x146: {  	v4 =	vperm.xlane v4, v2;
	_ =	sdelay $0x1  }
0x147: {  	v3 =	vsel vm0, v3, v4  }
0x148: {  	v3 =	vadd.f32 v3, v5;
	_ =	sdelay $0x1  }
0x149: {  	[tilespmem:s0+$0x20] =	vst v3;
	v3 =	vld [tilespmem:s0+$0x30]  }
0x14a: {  	v4 =	vld [tilespmem:s17+$0xFFFFFC20]  }
0x14b: {  	v5 =	vld.msk [tilespmem:s17+$0xFFFFFC30], $0x7fff;
	_ =	sdelay $0x3  }
0x14c: {  	v4 =	vperm.xlane v4, v2  }
0x14d: {  	v5 =	vperm.xlane v5, v2;
	_ =	sdelay $0x1  }
0x14e: {  	v4 =	vsel vm0, v4, v5  }
0x14f: {  	v3 =	vadd.f32 v4, v3;
	_ =	sdelay $0x1  }
0x150: {  	[tilespmem:s0+$0x30] =	vst v3;
	v3 =	vld [tilespmem:s0+$0x40]  }
0x151: {  	v4 =	vld [tilespmem:s17+$0xFFFFFC30]  }
0x152: {  	v5 =	vld.msk [tilespmem:s17+$0xFFFFFC40], $0x7fff;
	_ =	sdelay $0x3  }
0x153: {  	v4 =	vperm.xlane v4, v2  }
0x154: {  	v5 =	vperm.xlane v5, v2;
	_ =	sdelay $0x1  }
0x155: {  	v4 =	vsel vm0, v4, v5  }
0x156: {  	v3 =	vadd.f32 v4, v3;
	_ =	sdelay $0x1  }
0x157: {  	[tilespmem:s0+$0x40] =	vst v3;
	v3 =	vld [tilespmem:s0+$0x50]  }
0x158: {  	v4 =	vld [tilespmem:s17+$0xFFFFFC40]  }
0x159: {  	v5 =	vld.msk [tilespmem:s17+$0xFFFFFC50], $0x7fff;
	_ =	sdelay $0x3  }
0x15a: {  	v4 =	vperm.xlane v4, v2  }
0x15b: {  	v5 =	vperm.xlane v5, v2;
	_ =	sdelay $0x1  }
0x15c: {  	v4 =	vsel vm0, v4, v5  }
0x15d: {  	v3 =	vadd.f32 v4, v3  }
0x15e: {  	v4 =	vld [tilespmem:s0+$0x60]  }
0x15f: {  	[tilespmem:s0+$0x50] =	vst v3  }
0x160: {  	v3 =	vld [tilespmem:s17+$0xFFFFFC50]  }
0x161: {  	v5 =	vld.msk [tilespmem:s17+$0xFFFFFC60], $0x7fff;
	_ =	sdelay $0x3  }
0x162: {  	v3 =	vperm.xlane v3, v2  }
0x163: {  	v5 =	vperm.xlane v5, v2;
	_ =	sdelay $0x1  }
0x164: {  	v3 =	vsel vm0, v3, v5  }
0x165: {  	v3 =	vadd.f32 v3, v4;
	v4 =	vld [tilespmem:s0+$0x70];
	_ =	sdelay $0x1  }
0x166: {  	[tilespmem:s0+$0x60] =	vst v3  }
0x167: {  	v3 =	vld [tilespmem:s17+$0xFFFFFC60]  }
0x168: {  	v5 =	vld.msk [tilespmem:s17+$0xFFFFFC70], $0x7fff;
	_ =	sdelay $0x3  }
0x169: {  	v3 =	vperm.xlane v3, v2  }
0x16a: {  	v5 =	vperm.xlane v5, v2;
	_ =	sdelay $0x1  }
0x16b: {  	v3 =	vsel vm0, v3, v5;
	v5 =	vld [tilespmem:s0+$0x400]  }
0x16c: {  	v3 =	vadd.f32 v3, v4;
	_ =	sdelay $0x1  }
0x16d: {  	[tilespmem:s0+$0x70] =	vst v3  }
0x16e: {  	v3 =	vld [tilespmem:s17+$0xFFFFFC70]  }
0x16f: {  	v4 =	vld.msk [tilespmem:s17+$0x0], $0x7fff;
	_ =	sdelay $0x3  }
0x170: {  	v3 =	vperm.xlane v3, v2  }
0x171: {  	v4 =	vperm.xlane v4, v2  }
0x172: {  	v6 =	vld [tilespmem:s0+$0x410]  }
0x173: {  	v3 =	vsel vm0, v3, v4  }
0x174: {  	v3 =	vadd.f32 v3, v5;
	_ =	sdelay $0x1  }
0x175: {  	[tilespmem:s0+$0x400] =	vst v3  }
0x176: {  	v3 =	vld [tilespmem:s17+$0x0]  }
0x177: {  	v4 =	vld.msk [tilespmem:s17+$0x10], $0x7fff;
	_ =	sdelay $0x3  }
0x178: {  	v3 =	vperm.xlane v3, v2  }
0x179: {  	v4 =	vperm.xlane v4, v2;
	v5 =	vld [tilespmem:s0+$0x420];
	_ =	sdelay $0x1  }
0x17a: {  	v3 =	vsel vm0, v3, v4  }
0x17b: {  	v3 =	vadd.f32 v3, v6;
	_ =	sdelay $0x1  }
0x17c: {  	[tilespmem:s0+$0x410] =	vst v3  }
0x17d: {  	v3 =	vld [tilespmem:s17+$0x10]  }
0x17e: {  	v4 =	vld.msk [tilespmem:s17+$0x20], $0x7fff;
	_ =	sdelay $0x3  }
0x17f: {  	v3 =	vperm.xlane v3, v2;
	v6 =	vld [tilespmem:s0+$0x430]  }
0x180: {  	v4 =	vperm.xlane v4, v2;
	_ =	sdelay $0x1  }
0x181: {  	v3 =	vsel vm0, v3, v4  }
0x182: {  	v3 =	vadd.f32 v3, v5;
	_ =	sdelay $0x1  }
0x183: {  	[tilespmem:s0+$0x420] =	vst v3  }
0x184: {  	v3 =	vld [tilespmem:s17+$0x20]  }
0x185: {  	v4 =	vld.msk [tilespmem:s17+$0x30], $0x7fff;
	_ =	sdelay $0x2  }
0x186: {  	v5 =	vld [tilespmem:s0+$0x440]  }
0x187: {  	v3 =	vperm.xlane v3, v2  }
0x188: {  	v4 =	vperm.xlane v4, v2;
	_ =	sdelay $0x1  }
0x189: {  	v3 =	vsel vm0, v3, v4  }
0x18a: {  	v3 =	vadd.f32 v3, v6;
	_ =	sdelay $0x1  }
0x18b: {  	[tilespmem:s0+$0x430] =	vst v3  }
0x18c: {  	v3 =	vld [tilespmem:s17+$0x30]  }
0x18d: {  	v4 =	vld.msk [tilespmem:s17+$0x40], $0x7fff;
	_ =	sdelay $0x1  }
0x18e: {  	v6 =	vld [tilespmem:s0+$0x450];
	_ =	sdelay $0x1  }
0x18f: {  	v3 =	vperm.xlane v3, v2  }
0x190: {  	v4 =	vperm.xlane v4, v2;
	_ =	sdelay $0x1  }
0x191: {  	v3 =	vsel vm0, v3, v4  }
0x192: {  	v3 =	vadd.f32 v3, v5;
	_ =	sdelay $0x1  }
0x193: {  	[tilespmem:s0+$0x440] =	vst v3  }
0x194: {  	v3 =	vld [tilespmem:s17+$0x40]  }
0x195: {  	v5 =	vld.msk [tilespmem:s17+$0x50], $0x7fff  }
0x196: {  	v4 =	vld [tilespmem:s0+$0x460];
	_ =	sdelay $0x2  }
0x197: {  	v3 =	vperm.xlane v3, v2  }
0x198: {  	v5 =	vperm.xlane v5, v2;
	_ =	sdelay $0x1  }
0x199: {  	v3 =	vsel vm0, v3, v5  }
0x19a: {  	v3 =	vadd.f32 v3, v6;
	_ =	sdelay $0x1  }
0x19b: {  	[tilespmem:s0+$0x450] =	vst v3;
	v3 =	vld [tilespmem:s0+$0x470]  }
0x19c: {  	v5 =	vld [tilespmem:s17+$0x50]  }
0x19d: {  	v6 =	vld.msk [tilespmem:s17+$0x60], $0x7fff  }
.Ltmp1:
0x19e: {  	(pc) =	sbr.rel @p1 .LBB2_4-.Ltmp1, $3  }
0x19f: {  	_ =	sdelay $0x1  }
0x1a0: {  	v5 =	vperm.xlane v5, v2  }
0x1a1: {  	v6 =	vperm.xlane v6, v2  }
0x1a2: {  	_ = 	snop  }
0x1a3: {  	v5 =	vsel vm0, v5, v6  }
0x1a4: {  	v4 =	vadd.f32 v5, v4;
	_ =	sdelay $0x1  }
0x1a5: {  	[tilespmem:s0+$0x460] =	vst v4  }
0x1a6: {  	v4 =	vld [tilespmem:s6+$0x60]  }
0x1a7: {  	v63 =	vld.msk [tilespmem:s6+$0x70], $0x7fff;
	_ =	sdelay $0x4  }
0x1a8: {  	p1 =	seq.s32 s16, $0xF8;
	v4 =	vperm.xlane v4, v2;
	v5 =	vperm.xlane v63, v2  }
.Ltmp2:
0x1a9: {  	_ = 	snop;
	(pc) =	sbr.rel @!p1 .LBB2_6-.Ltmp2, $3  }
0x1aa: {  	v4 =	vsel vm0, v4, v5  }
0x1ab: {  	v3 =	vadd.f32 v4, v3;
	_ =	sdelay $0x1  }
0x1ac: {  	[tilespmem:s0+$0x470] =	vst v3  }
0x1ad: {  	s0 =	rddreg [dreg:$0xd]  }
0x1ae: {  	s6 =	simm.s32 $0x14000;
	s17 =	sld [smem:$0x7F3]  }
0x1af: {  	[tilespmem:s6], [sflag:$0x5] =	stream.linear.gather [hbm4b:s0+s3], $0x800, $0x38;
	[tilespmem:$0x1A000] =	vst v63  }
0x1b0: {  	s18 =	simm.s32 $0x14800;
	s24 =	sld [smem:$0x7F4]  }
0x1b1: {  	[tilespmem:s18], [sflag:$0x5] =	stream.linear.gather [hbm4b:s17+s3], $0x800, $0x38;
	[tilespmem:$0x1A000] =	vst v63  }
0x1b2: {  	s25 =	simm.s32 $0x15000;
	s9 =	sld [smem:$0x7F5]  }
0x1b3: {  	[tilespmem:s25], [sflag:$0x5] =	stream.linear.gather [hbm4b:s24+s3], $0x800, $0x38;
	[tilespmem:$0x1A000] =	vst v63  }
0x1b4: {  	s10 =	simm.s32 $0x15800  }
0x1b5: {  	[tilespmem:s10], [sflag:$0x5] =	stream.linear.gather [hbm4b:s9+s3], $0x800, $0x38;
	[tilespmem:$0x1A000] =	vst v63  }
0x1b6: {  	s11 =	rddreg [dreg:$0x14];
	s12 =	simm.s32 $0x16000  }
0x1b7: {  	[tilespmem:s12], [sflag:$0x5] =	stream.linear.gather [hbm4b:s11+s3], $0x800, $0x38;
	[tilespmem:$0x1A000] =	vst v63  }
0x1b8: {  	s17 =	rddreg [dreg:$0x15];
	s18 =	simm.s32 $0x16800  }
0x1b9: {  	[tilespmem:s18], [sflag:$0x5] =	stream.linear.gather [hbm4b:s17+s3], $0x800, $0x38;
	[tilespmem:$0x1A000] =	vst v63  }
0x1ba: {  	s24 =	rddreg [dreg:$0x16];
	s25 =	simm.s32 $0x17000  }
0x1bb: {  	[tilespmem:s25], [sflag:$0x5] =	stream.linear.gather [hbm4b:s24+s3], $0x800, $0x38;
	[tilespmem:$0x1A000] =	vst v63  }
0x1bc: {  	s9 =	rddreg [dreg:$0x17];
	s10 =	simm.s32 $0x17800  }
0x1bd: {  	[tilespmem:s10], [sflag:$0x5] =	stream.linear.gather [hbm4b:s9+s3], $0x800, $0x38;
	[tilespmem:$0x1A000] =	vst v63  }
0x1be: {  	s11 =	rddreg [dreg:$0x18];
	s12 =	simm.s32 $0x18000  }
0x1bf: {  	[tilespmem:s12], [sflag:$0x5] =	stream.linear.gather [hbm4b:s11+s3], $0x800, $0x38;
	[tilespmem:$0x1A000] =	vst v63  }
.Ltmp3:
0x1c0: {  	s0 =	rddreg [dreg:$0x1b];
	(pc) =	sbr.rel .LBB2_8-.Ltmp3, $4  }
0x1c1: {  	s17 =	rddreg [dreg:$0x19];
	s18 =	simm.s32 $0x18800  }
0x1c2: {  	[tilespmem:s18], [sflag:$0x5] =	stream.linear.gather [hbm4b:s17+s3], $0x800, $0x38;
	[tilespmem:$0x1A000] =	vst v63  }
0x1c3: {  	s24 =	rddreg [dreg:$0x1a];
	s25 =	simm.s32 $0x19000  }
0x1c4: {  	[tilespmem:s25], [sflag:$0x5] =	stream.linear.gather [hbm4b:s24+s3], $0x800, $0x38;
	[tilespmem:$0x1A000] =	vst v63  }
.LBB2_6:
0x1c5: {  	s0 =	sshll.u32 s16, $0x8;
	s6 =	rddreg [dreg:$0x4]  }
0x1c6: {  	s6 =	sor.u32 s6, s0  }
0x1c7: {  	s6 =	sshrl.u32 s6, $0x3  }
0x1c8: {  	s10 =	simm.s32 $0x14000;
	s9 =	sadd.s32 s2, s6;
	s12 =	sor.u32 $0x2000, s6  }
0x1c9: {  	[tilespmem:s10], [sflag:$0x5] =	stream.linear.gather [hbm4b:s9+s3], $0x800, $0x38;
	[tilespmem:$0x1A000] =	vst v63  }
0x1ca: {  	s17 =	simm.s32 $0x14800;
	s18 =	sor.u32 $0x4000, s6;
	s9 =	sadd.s32 s2, s12  }
0x1cb: {  	[tilespmem:s17], [sflag:$0x5] =	stream.linear.gather [hbm4b:s9+s3], $0x800, $0x38;
	[tilespmem:$0x1A000] =	vst v63  }
0x1cc: {  	s24 =	simm.s32 $0x15000;
	s9 =	sadd.s32 s2, s18  }
0x1cd: {  	[tilespmem:s24], [sflag:$0x5] =	stream.linear.gather [hbm4b:s9+s3], $0x800, $0x38;
	[tilespmem:$0x1A000] =	vst v63  }
0x1ce: {  	s6 =	sor.u32 $0x6000, s6;
	s9 =	sld [smem:$0x7F6]  }
0x1cf: {  	s25 =	simm.s32 $0x15800;
	s6 =	sadd.s32 s2, s6  }
0x1d0: {  	[tilespmem:s25], [sflag:$0x5] =	stream.linear.gather [hbm4b:s6+s3], $0x800, $0x38;
	[tilespmem:$0x1A000] =	vst v63  }
0x1d1: {  	s6 =	sadd.s32 s9, s0  }
0x1d2: {  	s11 =	sld [smem:$0x7F7];
	s6 =	sshrl.u32 s6, $0x3  }
0x1d3: {  	s10 =	simm.s32 $0x16000;
	s6 =	sadd.s32 s2, s6  }
0x1d4: {  	[tilespmem:s10], [sflag:$0x5] =	stream.linear.gather [hbm4b:s6+s3], $0x800, $0x38;
	[tilespmem:$0x1A000] =	vst v63  }
0x1d5: {  	s6 =	sadd.s32 s11, s0  }
0x1d6: {  	s17 =	sld [smem:$0x7F8];
	s6 =	sshrl.u32 s6, $0x3  }
0x1d7: {  	s12 =	simm.s32 $0x16800;
	s6 =	sadd.s32 s2, s6  }
0x1d8: {  	[tilespmem:s12], [sflag:$0x5] =	stream.linear.gather [hbm4b:s6+s3], $0x800, $0x38;
	[tilespmem:$0x1A000] =	vst v63  }
0x1d9: {  	s6 =	sadd.s32 s17, s0  }
0x1da: {  	s24 =	sld [smem:$0x7F9];
	s6 =	sshrl.u32 s6, $0x3  }
0x1db: {  	s18 =	simm.s32 $0x17000;
	s6 =	sadd.s32 s2, s6  }
0x1dc: {  	[tilespmem:s18], [sflag:$0x5] =	stream.linear.gather [hbm4b:s6+s3], $0x800, $0x38;
	[tilespmem:$0x1A000] =	vst v63  }
0x1dd: {  	s6 =	sadd.s32 s24, s0  }
0x1de: {  	s10 =	sld [smem:$0x7FA];
	s6 =	sshrl.u32 s6, $0x3  }
0x1df: {  	s25 =	simm.s32 $0x17800;
	s6 =	sadd.s32 s2, s6  }
0x1e0: {  	[tilespmem:s25], [sflag:$0x5] =	stream.linear.gather [hbm4b:s6+s3], $0x800, $0x38;
	[tilespmem:$0x1A000] =	vst v63  }
0x1e1: {  	s6 =	sadd.s32 s10, s0  }
0x1e2: {  	s12 =	sld [smem:$0x7FB];
	s6 =	sshrl.u32 s6, $0x3  }
0x1e3: {  	s11 =	simm.s32 $0x18000;
	s6 =	sadd.s32 s2, s6  }
0x1e4: {  	[tilespmem:s11], [sflag:$0x5] =	stream.linear.gather [hbm4b:s6+s3], $0x800, $0x38;
	[tilespmem:$0x1A000] =	vst v63  }
0x1e5: {  	s18 =	sld [smem:$0x7FC];
	s6 =	sadd.s32 s12, s0  }
0x1e6: {  	s25 =	sld [smem:$0x7FD];
	s6 =	sshrl.u32 s6, $0x3  }
0x1e7: {  	s17 =	simm.s32 $0x18800;
	s6 =	sadd.s32 s2, s6  }
0x1e8: {  	[tilespmem:s17], [sflag:$0x5] =	stream.linear.gather [hbm4b:s6+s3], $0x800, $0x38;
	[tilespmem:$0x1A000] =	vst v63  }
0x1e9: {  	s6 =	sadd.s32 s18, s0;
	s0 =	sadd.s32 s25, s0  }
0x1ea: {  	s6 =	sshrl.u32 s6, $0x3;
	s0 =	sshrl.u32 s0, $0x3  }
0x1eb: {  	s24 =	simm.s32 $0x19000;
	s6 =	sadd.s32 s2, s6;
	s0 =	sadd.s32 s2, s0  }
0x1ec: {  	[tilespmem:s24], [sflag:$0x5] =	stream.linear.gather [hbm4b:s6+s3], $0x800, $0x38;
	[tilespmem:$0x1A000] =	vst v63  }
.LBB2_8:
0x1ed: {  	s6 =	simm.s32 $0x19800  }
0x1ee: {  	[tilespmem:s6], [sflag:$0x5] =	stream.linear.gather [hbm4b:s0+s3], $0x800, $0x38;
	[tilespmem:$0x1A000] =	vst v63  }
0x1ef: {  	_ =	swait.ge [sflag:s20], $0x800  }
0x1f0: {  	[sflag:s20] =	ssyncset.done $0x0  }
0x1f1: {  	[sflag:s20] =	ssyncadd.s32 $0xFFFFF800  }
0x1f2: {  	_ =	swait.ge [sflag:s20], $0x800  }
0x1f3: {  	[sflag:s20] =	ssyncset.done $0x0  }
0x1f4: {  	[sflag:s20] =	ssyncadd.s32 $0xFFFFF800  }
0x1f5: {  	_ =	swait.ge [sflag:s20], $0x800  }
0x1f6: {  	[sflag:s20] =	ssyncset.done $0x0  }
0x1f7: {  	[sflag:s20] =	ssyncadd.s32 $0xFFFFF800  }
0x1f8: {  	_ =	swait.ge [sflag:s20], $0x800  }
0x1f9: {  	[sflag:s20] =	ssyncset.done $0x0  }
0x1fa: {  	[sflag:s20] =	ssyncadd.s32 $0xFFFFF800  }
0x1fb: {  	_ =	swait.ge [sflag:s20], $0x800  }
0x1fc: {  	[sflag:s20] =	ssyncset.done $0x0  }
0x1fd: {  	[sflag:s20] =	ssyncadd.s32 $0xFFFFF800  }
0x1fe: {  	_ =	swait.ge [sflag:s20], $0x800  }
0x1ff: {  	[sflag:s20] =	ssyncset.done $0x0  }
0x200: {  	[sflag:s20] =	ssyncadd.s32 $0xFFFFF800  }
0x201: {  	_ =	swait.ge [sflag:s20], $0x800  }
0x202: {  	[sflag:s20] =	ssyncset.done $0x0  }
0x203: {  	[sflag:s20] =	ssyncadd.s32 $0xFFFFF800  }
0x204: {  	_ =	swait.ge [sflag:s20], $0x800  }
0x205: {  	[sflag:s20] =	ssyncset.done $0x0  }
0x206: {  	[sflag:s20] =	ssyncadd.s32 $0xFFFFF800  }
0x207: {  	_ =	swait.ge [sflag:s20], $0x800  }
0x208: {  	[sflag:s20] =	ssyncset.done $0x0  }
0x209: {  	[sflag:s20] =	ssyncadd.s32 $0xFFFFF800  }
0x20a: {  	_ =	swait.ge [sflag:s20], $0x800  }
0x20b: {  	[sflag:s20] =	ssyncset.done $0x0  }
0x20c: {  	[sflag:s20] =	ssyncadd.s32 $0xFFFFF800  }
0x20d: {  	_ =	swait.ge [sflag:s20], $0x800  }
0x20e: {  	[sflag:s20] =	ssyncset.done $0x0  }
0x20f: {  	p1 =	seq.s32 s16, $0xF8;
	s16 =	sxor.u32 $0xFFFFFFFF, s16;
	[sflag:s20] =	ssyncadd.s32 $0xFFFFF800  }
0x210: {  	s16 =	simm.s32 @p1 $0xFFFFFF08;
	_ =	swait.ge [sflag:s20], $0x800  }
0x211: {  	s24 =	simm.s32 $0x1;
	s25 =	sadd.s32 s1, s16;
	[sflag:s20] =	ssyncset.done $0x0  }
0x212: {  	s18 =	sshll.u32 s25, $0x8;
	s17 =	sshll.u32 s25, $0x7;
	[sflag:s20] =	ssyncadd.s32 $0xFFFFF800  }
.LBB2_9:
0x213: {  	s0 =	sshll.u32 s18, $0x2;
	s6 =	sshll.u32 s17, $0x2  }
0x214: {  	s0 =	sand.u32 $0xFFFFE000, s0;
	s6 =	sand.u32 $0xE00, s6  }
0x215: {  	s12 =	smul.u32 $0xA000, s24;
	s9 =	simm.s32 $0x0;
	s0 =	sor.u32 s6, s0  }
0x216: {  	s10 =	smul.u32 $0x5000, s9;
	s0 =	sshra.s32 s0, $0x2  }
0x217: {  	s25 =	sadd.s32 $0x14400, s0  }
0x218: {  	s9 =	simm.s32 $0x0;
	s6 =	sshra.s32 s12, $0x2;
	s11 =	sshra.s32 s10, $0x2;
	v3 =	vld [tilespmem:s25+$0xFFFFFC00]  }
0x219: {  	s12 =	sand.u32 $0x380, s9;
	s0 =	sadd.s32 s11, s6  }
0x21a: {  	s0 =	sadd.s32 s12, s0  }
0x21b: {  	v4 =	vld [tilespmem:s0+$0x0];
	_ =	sdelay $0x1  }
0x21c: {  	v3 =	vperm.xlane v3, v0  }
0x21d: {  	vm1 =	veq.s32 v1, $0x0  }
0x21e: {  	v3 =	vsel vm1, $0x0, v3  }
0x21f: {  	v3 =	vadd.f32 v3, v4;
	_ =	sdelay $0x1  }
0x220: {  	[tilespmem:s0+$0x0] =	vst v3  }
0x221: {  	v3 =	vld [tilespmem:s25+$0xFFFFFC00]  }
0x222: {  	v4 =	vld.msk [tilespmem:s25+$0xFFFFFC10], $0x7fff;
	_ =	sdelay $0x2  }
0x223: {  	v5 =	vld [tilespmem:s0+$0x10];
	_ =	sdelay $0x1  }
0x224: {  	v3 =	vperm.xlane v3, v2;
	v4 =	vperm.xlane v4, v2;
	_ =	sdelay $0x1  }
0x225: {  	v3 =	vsel vm0, v3, v4  }
0x226: {  	v3 =	vadd.f32 v3, v5;
	_ =	sdelay $0x1  }
0x227: {  	[tilespmem:s0+$0x10] =	vst v3  }
0x228: {  	v3 =	vld [tilespmem:s25+$0xFFFFFC10]  }
0x229: {  	v4 =	vld.msk [tilespmem:s25+$0xFFFFFC20], $0x7fff;
	_ =	sdelay $0x2  }
0x22a: {  	v5 =	vld [tilespmem:s0+$0x20];
	_ =	sdelay $0x1  }
0x22b: {  	v3 =	vperm.xlane v3, v2;
	v4 =	vperm.xlane v4, v2;
	_ =	sdelay $0x1  }
0x22c: {  	v3 =	vsel vm0, v3, v4  }
0x22d: {  	v3 =	vadd.f32 v3, v5;
	_ =	sdelay $0x1  }
0x22e: {  	[tilespmem:s0+$0x20] =	vst v3  }
0x22f: {  	v3 =	vld [tilespmem:s25+$0xFFFFFC20]  }
0x230: {  	v4 =	vld.msk [tilespmem:s25+$0xFFFFFC30], $0x7fff;
	_ =	sdelay $0x2  }
0x231: {  	v5 =	vld [tilespmem:s0+$0x30];
	_ =	sdelay $0x1  }
0x232: {  	v3 =	vperm.xlane v3, v2;
	v4 =	vperm.xlane v4, v2;
	_ =	sdelay $0x1  }
0x233: {  	v3 =	vsel vm0, v3, v4  }
0x234: {  	v3 =	vadd.f32 v3, v5;
	_ =	sdelay $0x1  }
0x235: {  	[tilespmem:s0+$0x30] =	vst v3  }
0x236: {  	v3 =	vld [tilespmem:s25+$0xFFFFFC30]  }
0x237: {  	v4 =	vld.msk [tilespmem:s25+$0xFFFFFC40], $0x7fff;
	_ =	sdelay $0x2  }
0x238: {  	v5 =	vld [tilespmem:s0+$0x40];
	_ =	sdelay $0x1  }
0x239: {  	v3 =	vperm.xlane v3, v2;
	v4 =	vperm.xlane v4, v2;
	_ =	sdelay $0x1  }
0x23a: {  	v3 =	vsel vm0, v3, v4  }
0x23b: {  	v3 =	vadd.f32 v3, v5;
	_ =	sdelay $0x1  }
0x23c: {  	[tilespmem:s0+$0x40] =	vst v3  }
0x23d: {  	v3 =	vld [tilespmem:s25+$0xFFFFFC40]  }
0x23e: {  	v4 =	vld.msk [tilespmem:s25+$0xFFFFFC50], $0x7fff;
	_ =	sdelay $0x2  }
0x23f: {  	v5 =	vld [tilespmem:s0+$0x50];
	_ =	sdelay $0x1  }
0x240: {  	v3 =	vperm.xlane v3, v2;
	v4 =	vperm.xlane v4, v2;
	_ =	sdelay $0x1  }
0x241: {  	v3 =	vsel vm0, v3, v4  }
0x242: {  	v3 =	vadd.f32 v3, v5;
	_ =	sdelay $0x1  }
0x243: {  	[tilespmem:s0+$0x50] =	vst v3  }
0x244: {  	v3 =	vld [tilespmem:s25+$0xFFFFFC50]  }
0x245: {  	v5 =	vld.msk [tilespmem:s25+$0xFFFFFC60], $0x7fff;
	_ =	sdelay $0x2  }
0x246: {  	v4 =	vld [tilespmem:s0+$0x60];
	_ =	sdelay $0x1  }
0x247: {  	v3 =	vperm.xlane v3, v2;
	v5 =	vperm.xlane v5, v2;
	_ =	sdelay $0x1  }
0x248: {  	v3 =	vsel vm0, v3, v5  }
0x249: {  	v3 =	vadd.f32 v3, v4;
	_ =	sdelay $0x1  }
0x24a: {  	[tilespmem:s0+$0x60] =	vst v3  }
0x24b: {  	v3 =	vld [tilespmem:s25+$0xFFFFFC60]  }
0x24c: {  	v5 =	vld.msk [tilespmem:s25+$0xFFFFFC70], $0x7fff;
	_ =	sdelay $0x2  }
0x24d: {  	v4 =	vld [tilespmem:s0+$0x70];
	_ =	sdelay $0x1  }
0x24e: {  	v3 =	vperm.xlane v3, v2;
	v5 =	vperm.xlane v5, v2;
	_ =	sdelay $0x1  }
0x24f: {  	v3 =	vsel vm0, v3, v5  }
0x250: {  	v3 =	vadd.f32 v3, v4;
	_ =	sdelay $0x1  }
0x251: {  	[tilespmem:s0+$0x70] =	vst v3  }
0x252: {  	v3 =	vld [tilespmem:s25+$0xFFFFFC70]  }
0x253: {  	v4 =	vld.msk [tilespmem:s25+$0x0], $0x7fff;
	_ =	sdelay $0x2  }
0x254: {  	v5 =	vld [tilespmem:s0+$0x400];
	_ =	sdelay $0x1  }
0x255: {  	v3 =	vperm.xlane v3, v2;
	v4 =	vperm.xlane v4, v2;
	_ =	sdelay $0x1  }
0x256: {  	v3 =	vsel vm0, v3, v4  }
0x257: {  	v3 =	vadd.f32 v3, v5;
	_ =	sdelay $0x1  }
0x258: {  	[tilespmem:s0+$0x400] =	vst v3  }
0x259: {  	v3 =	vld [tilespmem:s25+$0x0]  }
0x25a: {  	v5 =	vld.msk [tilespmem:s25+$0x10], $0x7fff;
	_ =	sdelay $0x2  }
0x25b: {  	v4 =	vld [tilespmem:s0+$0x410];
	_ =	sdelay $0x1  }
0x25c: {  	v3 =	vperm.xlane v3, v2;
	v5 =	vperm.xlane v5, v2;
	_ =	sdelay $0x1  }
0x25d: {  	v3 =	vsel vm0, v3, v5  }
0x25e: {  	v3 =	vadd.f32 v3, v4;
	_ =	sdelay $0x1  }
0x25f: {  	[tilespmem:s0+$0x410] =	vst v3  }
0x260: {  	v3 =	vld [tilespmem:s25+$0x10]  }
0x261: {  	v5 =	vld.msk [tilespmem:s25+$0x20], $0x7fff;
	_ =	sdelay $0x2  }
0x262: {  	v4 =	vld [tilespmem:s0+$0x420];
	_ =	sdelay $0x1  }
0x263: {  	v3 =	vperm.xlane v3, v2;
	v5 =	vperm.xlane v5, v2;
	_ =	sdelay $0x1  }
0x264: {  	v3 =	vsel vm0, v3, v5  }
0x265: {  	v3 =	vadd.f32 v3, v4;
	_ =	sdelay $0x1  }
0x266: {  	[tilespmem:s0+$0x420] =	vst v3  }
0x267: {  	v3 =	vld [tilespmem:s25+$0x20]  }
0x268: {  	v5 =	vld.msk [tilespmem:s25+$0x30], $0x7fff;
	_ =	sdelay $0x2  }
0x269: {  	v4 =	vld [tilespmem:s0+$0x430];
	_ =	sdelay $0x1  }
0x26a: {  	v3 =	vperm.xlane v3, v2;
	v5 =	vperm.xlane v5, v2;
	_ =	sdelay $0x1  }
0x26b: {  	v3 =	vsel vm0, v3, v5  }
0x26c: {  	v3 =	vadd.f32 v3, v4;
	_ =	sdelay $0x1  }
0x26d: {  	[tilespmem:s0+$0x430] =	vst v3  }
0x26e: {  	v3 =	vld [tilespmem:s25+$0x30]  }
0x26f: {  	v5 =	vld.msk [tilespmem:s25+$0x40], $0x7fff;
	_ =	sdelay $0x2  }
0x270: {  	v4 =	vld [tilespmem:s0+$0x440];
	_ =	sdelay $0x1  }
0x271: {  	v3 =	vperm.xlane v3, v2;
	v5 =	vperm.xlane v5, v2;
	_ =	sdelay $0x1  }
0x272: {  	v3 =	vsel vm0, v3, v5  }
0x273: {  	v3 =	vadd.f32 v3, v4;
	_ =	sdelay $0x1  }
0x274: {  	[tilespmem:s0+$0x440] =	vst v3  }
0x275: {  	v3 =	vld [tilespmem:s25+$0x40]  }
0x276: {  	v5 =	vld.msk [tilespmem:s25+$0x50], $0x7fff;
	_ =	sdelay $0x2  }
0x277: {  	v4 =	vld [tilespmem:s0+$0x450];
	_ =	sdelay $0x1  }
0x278: {  	v3 =	vperm.xlane v3, v2;
	v5 =	vperm.xlane v5, v2;
	_ =	sdelay $0x1  }
0x279: {  	v3 =	vsel vm0, v3, v5  }
0x27a: {  	v3 =	vadd.f32 v3, v4;
	_ =	sdelay $0x1  }
0x27b: {  	[tilespmem:s0+$0x450] =	vst v3  }
0x27c: {  	v5 =	vld [tilespmem:s25+$0x50]  }
0x27d: {  	v6 =	vld.msk [tilespmem:s25+$0x60], $0x7fff;
	_ =	sdelay $0x2  }
0x27e: {  	v4 =	vld [tilespmem:s0+$0x460];
	_ =	sdelay $0x1  }
0x27f: {  	s11 =	simm.s32 $0x1;
	s10 =	smov.u32 s25;
	v3 =	vld [tilespmem:s0+$0x470];
	v5 =	vperm.xlane v5, v2;
	v6 =	vperm.xlane v6, v2  }
.LBB2_10:
0x280: {  	_ = 	snop  }
0x281: {  	p1 =	sne.s32 s11, $0xB;
	s9 =	sadd.s32 $0x80, s9;
	s25 =	sadd.s32 $0x800, s25;
	v5 =	vsel vm0, v5, v6  }
0x282: {  	s12 =	smov.u32 s11;
	s11 =	sadd.s32 $0x1, s11;
	v4 =	vadd.f32 v5, v4;
	_ =	sdelay $0x1  }
0x283: {  	[tilespmem:s0+$0x460] =	vst v4  }
0x284: {  	v4 =	vld [tilespmem:s10+$0x60]  }
0x285: {  	v5 =	vld.msk [tilespmem:s10+$0x70], $0x7fff;
	s10 =	smov.u32 s25;
	_ =	sdelay $0x3  }
0x286: {  	v4 =	vperm.xlane v4, v2  }
0x287: {  	v5 =	vperm.xlane v5, v2;
	_ =	sdelay $0x1  }
0x288: {  	v4 =	vsel vm0, v4, v5  }
0x289: {  	s12 =	sshrl.u32 s12, $0x3;
	v3 =	vadd.f32 v4, v3  }
0x28a: {  	s12 =	smul.u32 $0x5000, s12  }
0x28b: {  	[tilespmem:s0+$0x470] =	vst v3  }
0x28c: {  	s0 =	sshra.s32 s12, $0x2;
	v3 =	vld [tilespmem:s25+$0xFFFFFC00]  }
0x28d: {  	s12 =	sand.u32 $0x380, s9;
	s0 =	sadd.s32 s0, s6  }
0x28e: {  	s0 =	sadd.s32 s12, s0  }
0x28f: {  	v4 =	vld [tilespmem:s0+$0x0];
	_ =	sdelay $0x1  }
0x290: {  	v3 =	vperm.xlane v3, v0;
	_ =	sdelay $0x1  }
0x291: {  	v3 =	vsel vm1, $0x0, v3  }
0x292: {  	v3 =	vadd.f32 v3, v4;
	_ =	sdelay $0x1  }
0x293: {  	[tilespmem:s0+$0x0] =	vst v3  }
0x294: {  	v3 =	vld [tilespmem:s25+$0xFFFFFC00]  }
0x295: {  	v4 =	vld.msk [tilespmem:s25+$0xFFFFFC10], $0x7fff;
	_ =	sdelay $0x1  }
0x296: {  	v5 =	vld [tilespmem:s0+$0x10];
	_ =	sdelay $0x1  }
0x297: {  	v3 =	vperm.xlane v3, v2  }
0x298: {  	v4 =	vperm.xlane v4, v2;
	_ =	sdelay $0x1  }
0x299: {  	v3 =	vsel vm0, v3, v4  }
0x29a: {  	v3 =	vadd.f32 v3, v5;
	_ =	sdelay $0x1  }
0x29b: {  	[tilespmem:s0+$0x10] =	vst v3  }
0x29c: {  	v3 =	vld [tilespmem:s25+$0xFFFFFC10]  }
0x29d: {  	v4 =	vld.msk [tilespmem:s25+$0xFFFFFC20], $0x7fff  }
0x29e: {  	v5 =	vld [tilespmem:s0+$0x20];
	_ =	sdelay $0x2  }
0x29f: {  	v3 =	vperm.xlane v3, v2  }
0x2a0: {  	v4 =	vperm.xlane v4, v2;
	_ =	sdelay $0x1  }
0x2a1: {  	v3 =	vsel vm0, v3, v4  }
0x2a2: {  	v3 =	vadd.f32 v3, v5;
	_ =	sdelay $0x1  }
0x2a3: {  	[tilespmem:s0+$0x20] =	vst v3;
	v3 =	vld [tilespmem:s0+$0x30]  }
0x2a4: {  	v4 =	vld [tilespmem:s25+$0xFFFFFC20]  }
0x2a5: {  	v5 =	vld.msk [tilespmem:s25+$0xFFFFFC30], $0x7fff;
	_ =	sdelay $0x3  }
0x2a6: {  	v4 =	vperm.xlane v4, v2  }
0x2a7: {  	v5 =	vperm.xlane v5, v2;
	_ =	sdelay $0x1  }
0x2a8: {  	v4 =	vsel vm0, v4, v5  }
0x2a9: {  	v3 =	vadd.f32 v4, v3;
	_ =	sdelay $0x1  }
0x2aa: {  	[tilespmem:s0+$0x30] =	vst v3;
	v3 =	vld [tilespmem:s0+$0x40]  }
0x2ab: {  	v4 =	vld [tilespmem:s25+$0xFFFFFC30]  }
0x2ac: {  	v5 =	vld.msk [tilespmem:s25+$0xFFFFFC40], $0x7fff;
	_ =	sdelay $0x3  }
0x2ad: {  	v4 =	vperm.xlane v4, v2  }
0x2ae: {  	v5 =	vperm.xlane v5, v2;
	_ =	sdelay $0x1  }
0x2af: {  	v4 =	vsel vm0, v4, v5  }
0x2b0: {  	v3 =	vadd.f32 v4, v3;
	_ =	sdelay $0x1  }
0x2b1: {  	[tilespmem:s0+$0x40] =	vst v3;
	v3 =	vld [tilespmem:s0+$0x50]  }
0x2b2: {  	v4 =	vld [tilespmem:s25+$0xFFFFFC40]  }
0x2b3: {  	v5 =	vld.msk [tilespmem:s25+$0xFFFFFC50], $0x7fff;
	_ =	sdelay $0x3  }
0x2b4: {  	v4 =	vperm.xlane v4, v2  }
0x2b5: {  	v5 =	vperm.xlane v5, v2;
	_ =	sdelay $0x1  }
0x2b6: {  	v4 =	vsel vm0, v4, v5  }
0x2b7: {  	v3 =	vadd.f32 v4, v3  }
0x2b8: {  	v4 =	vld [tilespmem:s0+$0x60]  }
0x2b9: {  	[tilespmem:s0+$0x50] =	vst v3  }
0x2ba: {  	v3 =	vld [tilespmem:s25+$0xFFFFFC50]  }
0x2bb: {  	v5 =	vld.msk [tilespmem:s25+$0xFFFFFC60], $0x7fff;
	_ =	sdelay $0x3  }
0x2bc: {  	v3 =	vperm.xlane v3, v2  }
0x2bd: {  	v5 =	vperm.xlane v5, v2;
	_ =	sdelay $0x1  }
0x2be: {  	v3 =	vsel vm0, v3, v5  }
0x2bf: {  	v3 =	vadd.f32 v3, v4;
	v4 =	vld [tilespmem:s0+$0x70];
	_ =	sdelay $0x1  }
0x2c0: {  	[tilespmem:s0+$0x60] =	vst v3  }
0x2c1: {  	v3 =	vld [tilespmem:s25+$0xFFFFFC60]  }
0x2c2: {  	v5 =	vld.msk [tilespmem:s25+$0xFFFFFC70], $0x7fff;
	_ =	sdelay $0x3  }
0x2c3: {  	v3 =	vperm.xlane v3, v2  }
0x2c4: {  	v5 =	vperm.xlane v5, v2;
	_ =	sdelay $0x1  }
0x2c5: {  	v3 =	vsel vm0, v3, v5;
	v5 =	vld [tilespmem:s0+$0x400]  }
0x2c6: {  	v3 =	vadd.f32 v3, v4;
	_ =	sdelay $0x1  }
0x2c7: {  	[tilespmem:s0+$0x70] =	vst v3  }
0x2c8: {  	v3 =	vld [tilespmem:s25+$0xFFFFFC70]  }
0x2c9: {  	v4 =	vld.msk [tilespmem:s25+$0x0], $0x7fff;
	_ =	sdelay $0x3  }
0x2ca: {  	v3 =	vperm.xlane v3, v2  }
0x2cb: {  	v4 =	vperm.xlane v4, v2  }
0x2cc: {  	v6 =	vld [tilespmem:s0+$0x410]  }
0x2cd: {  	v3 =	vsel vm0, v3, v4  }
0x2ce: {  	v3 =	vadd.f32 v3, v5;
	_ =	sdelay $0x1  }
0x2cf: {  	[tilespmem:s0+$0x400] =	vst v3  }
0x2d0: {  	v3 =	vld [tilespmem:s25+$0x0]  }
0x2d1: {  	v4 =	vld.msk [tilespmem:s25+$0x10], $0x7fff;
	_ =	sdelay $0x3  }
0x2d2: {  	v3 =	vperm.xlane v3, v2  }
0x2d3: {  	v4 =	vperm.xlane v4, v2;
	v5 =	vld [tilespmem:s0+$0x420];
	_ =	sdelay $0x1  }
0x2d4: {  	v3 =	vsel vm0, v3, v4  }
0x2d5: {  	v3 =	vadd.f32 v3, v6;
	_ =	sdelay $0x1  }
0x2d6: {  	[tilespmem:s0+$0x410] =	vst v3  }
0x2d7: {  	v3 =	vld [tilespmem:s25+$0x10]  }
0x2d8: {  	v4 =	vld.msk [tilespmem:s25+$0x20], $0x7fff;
	_ =	sdelay $0x3  }
0x2d9: {  	v3 =	vperm.xlane v3, v2;
	v6 =	vld [tilespmem:s0+$0x430]  }
0x2da: {  	v4 =	vperm.xlane v4, v2;
	_ =	sdelay $0x1  }
0x2db: {  	v3 =	vsel vm0, v3, v4  }
0x2dc: {  	v3 =	vadd.f32 v3, v5;
	_ =	sdelay $0x1  }
0x2dd: {  	[tilespmem:s0+$0x420] =	vst v3  }
0x2de: {  	v3 =	vld [tilespmem:s25+$0x20]  }
0x2df: {  	v4 =	vld.msk [tilespmem:s25+$0x30], $0x7fff;
	_ =	sdelay $0x2  }
0x2e0: {  	v5 =	vld [tilespmem:s0+$0x440]  }
0x2e1: {  	v3 =	vperm.xlane v3, v2  }
0x2e2: {  	v4 =	vperm.xlane v4, v2;
	_ =	sdelay $0x1  }
0x2e3: {  	v3 =	vsel vm0, v3, v4  }
0x2e4: {  	v3 =	vadd.f32 v3, v6;
	_ =	sdelay $0x1  }
0x2e5: {  	[tilespmem:s0+$0x430] =	vst v3  }
0x2e6: {  	v3 =	vld [tilespmem:s25+$0x30]  }
0x2e7: {  	v4 =	vld.msk [tilespmem:s25+$0x40], $0x7fff;
	_ =	sdelay $0x1  }
0x2e8: {  	v6 =	vld [tilespmem:s0+$0x450];
	_ =	sdelay $0x1  }
0x2e9: {  	v3 =	vperm.xlane v3, v2  }
0x2ea: {  	v4 =	vperm.xlane v4, v2;
	_ =	sdelay $0x1  }
0x2eb: {  	v3 =	vsel vm0, v3, v4  }
0x2ec: {  	v3 =	vadd.f32 v3, v5;
	_ =	sdelay $0x1  }
0x2ed: {  	[tilespmem:s0+$0x440] =	vst v3  }
0x2ee: {  	v3 =	vld [tilespmem:s25+$0x40]  }
0x2ef: {  	v5 =	vld.msk [tilespmem:s25+$0x50], $0x7fff  }
0x2f0: {  	v4 =	vld [tilespmem:s0+$0x460];
	_ =	sdelay $0x2  }
0x2f1: {  	v3 =	vperm.xlane v3, v2  }
0x2f2: {  	v5 =	vperm.xlane v5, v2;
	_ =	sdelay $0x1  }
0x2f3: {  	v3 =	vsel vm0, v3, v5  }
0x2f4: {  	v3 =	vadd.f32 v3, v6;
	_ =	sdelay $0x1  }
0x2f5: {  	[tilespmem:s0+$0x450] =	vst v3;
	v3 =	vld [tilespmem:s0+$0x470]  }
0x2f6: {  	v5 =	vld [tilespmem:s25+$0x50]  }
0x2f7: {  	v6 =	vld.msk [tilespmem:s25+$0x60], $0x7fff  }
.Ltmp4:
0x2f8: {  	(pc) =	sbr.rel @p1 .LBB2_10-.Ltmp4, $3  }
0x2f9: {  	_ =	sdelay $0x1  }
0x2fa: {  	v5 =	vperm.xlane v5, v2  }
0x2fb: {  	v6 =	vperm.xlane v6, v2  }
0x2fc: {  	_ = 	snop  }
0x2fd: {  	v5 =	vsel vm0, v5, v6  }
0x2fe: {  	v4 =	vadd.f32 v5, v4;
	_ =	sdelay $0x1  }
0x2ff: {  	[tilespmem:s0+$0x460] =	vst v4  }
0x300: {  	v4 =	vld [tilespmem:s10+$0x60]  }
0x301: {  	v63 =	vld.msk [tilespmem:s10+$0x70], $0x7fff;
	_ =	sdelay $0x3  }
0x302: {  	s24 =	sadd.s32 $0x1, s24  }
0x303: {  	p1 =	sne.s32 s24, $0x4;
	v4 =	vperm.xlane v4, v2;
	v5 =	vperm.xlane v63, v2  }
.Ltmp5:
0x304: {  	_ = 	snop;
	(pc) =	sbr.rel @p1 .LBB2_9-.Ltmp5, $3  }
0x305: {  	v4 =	vsel vm0, v4, v5  }
0x306: {  	v3 =	vadd.f32 v4, v3;
	_ =	sdelay $0x1  }
0x307: {  	s18 =	sadd.s32 $0x100, s18;
	s17 =	sadd.s32 $0x80, s17;
	[tilespmem:s0+$0x470] =	vst v3  }
0x308: {  	_ =	swait.ge [sflag:s19], $0xA000;
	s0 =	sadd.s32 s15, s26  }
0x309: {  	[sflag:s19] =	ssyncset.done $0x0;
	s15 =	sshrl.u32 s0, $0x3  }
0x30a: {  	s18 =	simm.s32 $0x0;
	[sflag:s19] =	ssyncadd.s32 $0xFFFF6000;
	s0 =	sadd.s32 s4, s15  }
0x30b: {  	[tilespmem:s29], [sflag:$0x2] =	stream.linear.gather [hbm4b:s0+s18], $0xA000, $0x38;
	[tilespmem:$0x1A000] =	vst v63  }
0x30c: {  	s24 =	sadd.s32 s8, s23  }
0x30d: {  	[hbm4b:s24+s18] =	stream.linear.scatter [tilespmem:s18], [sflag:$0x3], $0xA000, $0x38;
	[tilespmem:$0x1A000] =	vst v63  }
0x30e: {  	_ =	swait.ge [sflag:s30], $0xA000  }
0x30f: {  	s25 =	sadd.s32 s21, s16;
	s17 =	simm.s32 $0x0;
	[sflag:s30] =	ssyncset.done $0x0  }
0x310: {  	s16 =	sshll.u32 s25, $0x8;
	s23 =	sshll.u32 s25, $0x7;
	[sflag:s30] =	ssyncadd.s32 $0xFFFF6000  }
.LBB2_13:
0x311: {  	s0 =	sshll.u32 s16, $0x2;
	s6 =	sshll.u32 s23, $0x2  }
0x312: {  	s0 =	sand.u32 $0xFFFFE000, s0;
	s6 =	sand.u32 $0xE00, s6  }
0x313: {  	s10 =	smul.u32 $0xA000, s17;
	s9 =	simm.s32 $0x0;
	s0 =	sor.u32 s6, s0  }
0x314: {  	s9 =	smul.u32 $0x5000, s9;
	s0 =	sshra.s32 s0, $0x2  }
0x315: {  	s11 =	sshra.s32 s10, $0x2;
	s24 =	sadd.s32 $0x14400, s0  }
0x316: {  	s6 =	sadd.s32 $0xA000, s11;
	s12 =	sshra.s32 s9, $0x2;
	v3 =	vld [tilespmem:s24+$0xFFFFFC00]  }
0x317: {  	s25 =	sand.u32 $0x380, s18;
	s0 =	sadd.s32 s12, s6  }
0x318: {  	s25 =	sadd.s32 s25, s0  }
0x319: {  	v4 =	vld [tilespmem:s25+$0x0];
	_ =	sdelay $0x1  }
0x31a: {  	v3 =	vperm.xlane v3, v0  }
0x31b: {  	vm1 =	veq.s32 v1, $0x0  }
0x31c: {  	v3 =	vsel vm1, $0x0, v3  }
0x31d: {  	v3 =	vadd.f32 v3, v4;
	_ =	sdelay $0x1  }
0x31e: {  	[tilespmem:s25+$0x0] =	vst v3  }
0x31f: {  	v3 =	vld [tilespmem:s24+$0xFFFFFC00]  }
0x320: {  	v4 =	vld.msk [tilespmem:s24+$0xFFFFFC10], $0x7fff;
	_ =	sdelay $0x2  }
0x321: {  	v5 =	vld [tilespmem:s25+$0x10];
	_ =	sdelay $0x1  }
0x322: {  	v3 =	vperm.xlane v3, v2;
	v4 =	vperm.xlane v4, v2;
	_ =	sdelay $0x1  }
0x323: {  	v3 =	vsel vm0, v3, v4  }
0x324: {  	v3 =	vadd.f32 v3, v5;
	_ =	sdelay $0x1  }
0x325: {  	[tilespmem:s25+$0x10] =	vst v3  }
0x326: {  	v3 =	vld [tilespmem:s24+$0xFFFFFC10]  }
0x327: {  	v4 =	vld.msk [tilespmem:s24+$0xFFFFFC20], $0x7fff;
	_ =	sdelay $0x2  }
0x328: {  	v5 =	vld [tilespmem:s25+$0x20];
	_ =	sdelay $0x1  }
0x329: {  	v3 =	vperm.xlane v3, v2;
	v4 =	vperm.xlane v4, v2;
	_ =	sdelay $0x1  }
0x32a: {  	v3 =	vsel vm0, v3, v4  }
0x32b: {  	v3 =	vadd.f32 v3, v5;
	_ =	sdelay $0x1  }
0x32c: {  	[tilespmem:s25+$0x20] =	vst v3  }
0x32d: {  	v3 =	vld [tilespmem:s24+$0xFFFFFC20]  }
0x32e: {  	v4 =	vld.msk [tilespmem:s24+$0xFFFFFC30], $0x7fff;
	_ =	sdelay $0x2  }
0x32f: {  	v5 =	vld [tilespmem:s25+$0x30];
	_ =	sdelay $0x1  }
0x330: {  	v3 =	vperm.xlane v3, v2;
	v4 =	vperm.xlane v4, v2;
	_ =	sdelay $0x1  }
0x331: {  	v3 =	vsel vm0, v3, v4  }
0x332: {  	v3 =	vadd.f32 v3, v5;
	_ =	sdelay $0x1  }
0x333: {  	[tilespmem:s25+$0x30] =	vst v3  }
0x334: {  	v3 =	vld [tilespmem:s24+$0xFFFFFC30]  }
0x335: {  	v4 =	vld.msk [tilespmem:s24+$0xFFFFFC40], $0x7fff;
	_ =	sdelay $0x2  }
0x336: {  	v5 =	vld [tilespmem:s25+$0x40];
	_ =	sdelay $0x1  }
0x337: {  	v3 =	vperm.xlane v3, v2;
	v4 =	vperm.xlane v4, v2;
	_ =	sdelay $0x1  }
0x338: {  	v3 =	vsel vm0, v3, v4  }
0x339: {  	v3 =	vadd.f32 v3, v5;
	_ =	sdelay $0x1  }
0x33a: {  	[tilespmem:s25+$0x40] =	vst v3  }
0x33b: {  	v3 =	vld [tilespmem:s24+$0xFFFFFC40]  }
0x33c: {  	v4 =	vld.msk [tilespmem:s24+$0xFFFFFC50], $0x7fff;
	_ =	sdelay $0x2  }
0x33d: {  	v5 =	vld [tilespmem:s25+$0x50];
	_ =	sdelay $0x1  }
0x33e: {  	v3 =	vperm.xlane v3, v2;
	v4 =	vperm.xlane v4, v2;
	_ =	sdelay $0x1  }
0x33f: {  	v3 =	vsel vm0, v3, v4  }
0x340: {  	v3 =	vadd.f32 v3, v5;
	_ =	sdelay $0x1  }
0x341: {  	[tilespmem:s25+$0x50] =	vst v3  }
0x342: {  	v3 =	vld [tilespmem:s24+$0xFFFFFC50]  }
0x343: {  	v5 =	vld.msk [tilespmem:s24+$0xFFFFFC60], $0x7fff;
	_ =	sdelay $0x2  }
0x344: {  	v4 =	vld [tilespmem:s25+$0x60];
	_ =	sdelay $0x1  }
0x345: {  	v3 =	vperm.xlane v3, v2;
	v5 =	vperm.xlane v5, v2;
	_ =	sdelay $0x1  }
0x346: {  	v3 =	vsel vm0, v3, v5  }
0x347: {  	v3 =	vadd.f32 v3, v4;
	_ =	sdelay $0x1  }
0x348: {  	[tilespmem:s25+$0x60] =	vst v3  }
0x349: {  	v3 =	vld [tilespmem:s24+$0xFFFFFC60]  }
0x34a: {  	v5 =	vld.msk [tilespmem:s24+$0xFFFFFC70], $0x7fff;
	_ =	sdelay $0x2  }
0x34b: {  	v4 =	vld [tilespmem:s25+$0x70];
	_ =	sdelay $0x1  }
0x34c: {  	v3 =	vperm.xlane v3, v2;
	v5 =	vperm.xlane v5, v2;
	_ =	sdelay $0x1  }
0x34d: {  	v3 =	vsel vm0, v3, v5  }
0x34e: {  	v3 =	vadd.f32 v3, v4;
	_ =	sdelay $0x1  }
0x34f: {  	[tilespmem:s25+$0x70] =	vst v3  }
0x350: {  	v3 =	vld [tilespmem:s24+$0xFFFFFC70]  }
0x351: {  	v4 =	vld.msk [tilespmem:s24+$0x0], $0x7fff;
	_ =	sdelay $0x2  }
0x352: {  	v5 =	vld [tilespmem:s25+$0x400];
	_ =	sdelay $0x1  }
0x353: {  	v3 =	vperm.xlane v3, v2;
	v4 =	vperm.xlane v4, v2;
	_ =	sdelay $0x1  }
0x354: {  	v3 =	vsel vm0, v3, v4  }
0x355: {  	v3 =	vadd.f32 v3, v5;
	_ =	sdelay $0x1  }
0x356: {  	[tilespmem:s25+$0x400] =	vst v3  }
0x357: {  	v3 =	vld [tilespmem:s24+$0x0]  }
0x358: {  	v5 =	vld.msk [tilespmem:s24+$0x10], $0x7fff;
	_ =	sdelay $0x2  }
0x359: {  	v4 =	vld [tilespmem:s25+$0x410];
	_ =	sdelay $0x1  }
0x35a: {  	v3 =	vperm.xlane v3, v2;
	v5 =	vperm.xlane v5, v2;
	_ =	sdelay $0x1  }
0x35b: {  	v3 =	vsel vm0, v3, v5  }
0x35c: {  	v3 =	vadd.f32 v3, v4;
	_ =	sdelay $0x1  }
0x35d: {  	[tilespmem:s25+$0x410] =	vst v3  }
0x35e: {  	v3 =	vld [tilespmem:s24+$0x10]  }
0x35f: {  	v5 =	vld.msk [tilespmem:s24+$0x20], $0x7fff;
	_ =	sdelay $0x2  }
0x360: {  	v4 =	vld [tilespmem:s25+$0x420];
	_ =	sdelay $0x1  }
0x361: {  	v3 =	vperm.xlane v3, v2;
	v5 =	vperm.xlane v5, v2;
	_ =	sdelay $0x1  }
0x362: {  	v3 =	vsel vm0, v3, v5  }
0x363: {  	v3 =	vadd.f32 v3, v4;
	_ =	sdelay $0x1  }
0x364: {  	[tilespmem:s25+$0x420] =	vst v3  }
0x365: {  	v3 =	vld [tilespmem:s24+$0x20]  }
0x366: {  	v5 =	vld.msk [tilespmem:s24+$0x30], $0x7fff;
	_ =	sdelay $0x2  }
0x367: {  	v4 =	vld [tilespmem:s25+$0x430];
	_ =	sdelay $0x1  }
0x368: {  	v3 =	vperm.xlane v3, v2;
	v5 =	vperm.xlane v5, v2;
	_ =	sdelay $0x1  }
0x369: {  	v3 =	vsel vm0, v3, v5  }
0x36a: {  	v3 =	vadd.f32 v3, v4;
	_ =	sdelay $0x1  }
0x36b: {  	[tilespmem:s25+$0x430] =	vst v3  }
0x36c: {  	v3 =	vld [tilespmem:s24+$0x30]  }
0x36d: {  	v5 =	vld.msk [tilespmem:s24+$0x40], $0x7fff;
	_ =	sdelay $0x2  }
0x36e: {  	v4 =	vld [tilespmem:s25+$0x440];
	_ =	sdelay $0x1  }
0x36f: {  	v3 =	vperm.xlane v3, v2;
	v5 =	vperm.xlane v5, v2;
	_ =	sdelay $0x1  }
0x370: {  	v3 =	vsel vm0, v3, v5  }
0x371: {  	v3 =	vadd.f32 v3, v4;
	_ =	sdelay $0x1  }
0x372: {  	[tilespmem:s25+$0x440] =	vst v3  }
0x373: {  	v3 =	vld [tilespmem:s24+$0x40]  }
0x374: {  	v5 =	vld.msk [tilespmem:s24+$0x50], $0x7fff;
	_ =	sdelay $0x2  }
0x375: {  	v4 =	vld [tilespmem:s25+$0x450];
	_ =	sdelay $0x1  }
0x376: {  	v3 =	vperm.xlane v3, v2;
	v5 =	vperm.xlane v5, v2;
	_ =	sdelay $0x1  }
0x377: {  	v3 =	vsel vm0, v3, v5  }
0x378: {  	v3 =	vadd.f32 v3, v4;
	_ =	sdelay $0x1  }
0x379: {  	[tilespmem:s25+$0x450] =	vst v3  }
0x37a: {  	v5 =	vld [tilespmem:s24+$0x50]  }
0x37b: {  	v6 =	vld.msk [tilespmem:s24+$0x60], $0x7fff;
	_ =	sdelay $0x2  }
0x37c: {  	v4 =	vld [tilespmem:s25+$0x460];
	_ =	sdelay $0x1  }
0x37d: {  	s10 =	simm.s32 $0x0;
	s0 =	simm.s32 $0x1;
	s9 =	smov.u32 s24;
	v3 =	vld [tilespmem:s25+$0x470];
	v5 =	vperm.xlane v5, v2;
	v6 =	vperm.xlane v6, v2  }
.LBB2_14:
0x37e: {  	_ = 	snop  }
0x37f: {  	p1 =	sne.s32 s0, $0xB;
	s10 =	sadd.s32 $0x80, s10;
	s24 =	sadd.s32 $0x800, s24;
	v5 =	vsel vm0, v5, v6  }
0x380: {  	s11 =	smov.u32 s0;
	s0 =	sadd.s32 $0x1, s0;
	v4 =	vadd.f32 v5, v4;
	_ =	sdelay $0x1  }
0x381: {  	[tilespmem:s25+$0x460] =	vst v4  }
0x382: {  	v4 =	vld [tilespmem:s9+$0x60]  }
0x383: {  	v5 =	vld.msk [tilespmem:s9+$0x70], $0x7fff;
	s9 =	smov.u32 s24;
	_ =	sdelay $0x3  }
0x384: {  	v4 =	vperm.xlane v4, v2  }
0x385: {  	v5 =	vperm.xlane v5, v2;
	_ =	sdelay $0x1  }
0x386: {  	v4 =	vsel vm0, v4, v5  }
0x387: {  	s11 =	sshrl.u32 s11, $0x3;
	v3 =	vadd.f32 v4, v3  }
0x388: {  	s11 =	smul.u32 $0x5000, s11  }
0x389: {  	[tilespmem:s25+$0x470] =	vst v3  }
0x38a: {  	s11 =	sshra.s32 s11, $0x2;
	v3 =	vld [tilespmem:s24+$0xFFFFFC00]  }
0x38b: {  	s12 =	sand.u32 $0x380, s10;
	s11 =	sadd.s32 s11, s6  }
0x38c: {  	s25 =	sadd.s32 s12, s11  }
0x38d: {  	v4 =	vld [tilespmem:s25+$0x0];
	_ =	sdelay $0x1  }
0x38e: {  	v3 =	vperm.xlane v3, v0;
	_ =	sdelay $0x1  }
0x38f: {  	v3 =	vsel vm1, $0x0, v3  }
0x390: {  	v3 =	vadd.f32 v3, v4;
	_ =	sdelay $0x1  }
0x391: {  	[tilespmem:s25+$0x0] =	vst v3  }
0x392: {  	v3 =	vld [tilespmem:s24+$0xFFFFFC00]  }
0x393: {  	v4 =	vld.msk [tilespmem:s24+$0xFFFFFC10], $0x7fff;
	_ =	sdelay $0x1  }
0x394: {  	v5 =	vld [tilespmem:s25+$0x10];
	_ =	sdelay $0x1  }
0x395: {  	v3 =	vperm.xlane v3, v2  }
0x396: {  	v4 =	vperm.xlane v4, v2;
	_ =	sdelay $0x1  }
0x397: {  	v3 =	vsel vm0, v3, v4  }
0x398: {  	v3 =	vadd.f32 v3, v5;
	_ =	sdelay $0x1  }
0x399: {  	[tilespmem:s25+$0x10] =	vst v3  }
0x39a: {  	v3 =	vld [tilespmem:s24+$0xFFFFFC10]  }
0x39b: {  	v4 =	vld.msk [tilespmem:s24+$0xFFFFFC20], $0x7fff  }
0x39c: {  	v5 =	vld [tilespmem:s25+$0x20];
	_ =	sdelay $0x2  }
0x39d: {  	v3 =	vperm.xlane v3, v2  }
0x39e: {  	v4 =	vperm.xlane v4, v2;
	_ =	sdelay $0x1  }
0x39f: {  	v3 =	vsel vm0, v3, v4  }
0x3a0: {  	v3 =	vadd.f32 v3, v5;
	_ =	sdelay $0x1  }
0x3a1: {  	[tilespmem:s25+$0x20] =	vst v3;
	v3 =	vld [tilespmem:s25+$0x30]  }
0x3a2: {  	v4 =	vld [tilespmem:s24+$0xFFFFFC20]  }
0x3a3: {  	v5 =	vld.msk [tilespmem:s24+$0xFFFFFC30], $0x7fff;
	_ =	sdelay $0x3  }
0x3a4: {  	v4 =	vperm.xlane v4, v2  }
0x3a5: {  	v5 =	vperm.xlane v5, v2;
	_ =	sdelay $0x1  }
0x3a6: {  	v4 =	vsel vm0, v4, v5  }
0x3a7: {  	v3 =	vadd.f32 v4, v3;
	_ =	sdelay $0x1  }
0x3a8: {  	[tilespmem:s25+$0x30] =	vst v3;
	v3 =	vld [tilespmem:s25+$0x40]  }
0x3a9: {  	v4 =	vld [tilespmem:s24+$0xFFFFFC30]  }
0x3aa: {  	v5 =	vld.msk [tilespmem:s24+$0xFFFFFC40], $0x7fff;
	_ =	sdelay $0x3  }
0x3ab: {  	v4 =	vperm.xlane v4, v2  }
0x3ac: {  	v5 =	vperm.xlane v5, v2;
	_ =	sdelay $0x1  }
0x3ad: {  	v4 =	vsel vm0, v4, v5  }
0x3ae: {  	v3 =	vadd.f32 v4, v3;
	_ =	sdelay $0x1  }
0x3af: {  	[tilespmem:s25+$0x40] =	vst v3;
	v3 =	vld [tilespmem:s25+$0x50]  }
0x3b0: {  	v4 =	vld [tilespmem:s24+$0xFFFFFC40]  }
0x3b1: {  	v5 =	vld.msk [tilespmem:s24+$0xFFFFFC50], $0x7fff;
	_ =	sdelay $0x3  }
0x3b2: {  	v4 =	vperm.xlane v4, v2  }
0x3b3: {  	v5 =	vperm.xlane v5, v2;
	_ =	sdelay $0x1  }
0x3b4: {  	v4 =	vsel vm0, v4, v5  }
0x3b5: {  	v3 =	vadd.f32 v4, v3  }
0x3b6: {  	v4 =	vld [tilespmem:s25+$0x60]  }
0x3b7: {  	[tilespmem:s25+$0x50] =	vst v3  }
0x3b8: {  	v3 =	vld [tilespmem:s24+$0xFFFFFC50]  }
0x3b9: {  	v5 =	vld.msk [tilespmem:s24+$0xFFFFFC60], $0x7fff;
	_ =	sdelay $0x3  }
0x3ba: {  	v3 =	vperm.xlane v3, v2  }
0x3bb: {  	v5 =	vperm.xlane v5, v2;
	_ =	sdelay $0x1  }
0x3bc: {  	v3 =	vsel vm0, v3, v5  }
0x3bd: {  	v3 =	vadd.f32 v3, v4;
	v4 =	vld [tilespmem:s25+$0x70];
	_ =	sdelay $0x1  }
0x3be: {  	[tilespmem:s25+$0x60] =	vst v3  }
0x3bf: {  	v3 =	vld [tilespmem:s24+$0xFFFFFC60]  }
0x3c0: {  	v5 =	vld.msk [tilespmem:s24+$0xFFFFFC70], $0x7fff;
	_ =	sdelay $0x3  }
0x3c1: {  	v3 =	vperm.xlane v3, v2  }
0x3c2: {  	v5 =	vperm.xlane v5, v2;
	_ =	sdelay $0x1  }
0x3c3: {  	v3 =	vsel vm0, v3, v5;
	v5 =	vld [tilespmem:s25+$0x400]  }
0x3c4: {  	v3 =	vadd.f32 v3, v4;
	_ =	sdelay $0x1  }
0x3c5: {  	[tilespmem:s25+$0x70] =	vst v3  }
0x3c6: {  	v3 =	vld [tilespmem:s24+$0xFFFFFC70]  }
0x3c7: {  	v4 =	vld.msk [tilespmem:s24+$0x0], $0x7fff;
	_ =	sdelay $0x3  }
0x3c8: {  	v3 =	vperm.xlane v3, v2  }
0x3c9: {  	v4 =	vperm.xlane v4, v2  }
0x3ca: {  	v6 =	vld [tilespmem:s25+$0x410]  }
0x3cb: {  	v3 =	vsel vm0, v3, v4  }
0x3cc: {  	v3 =	vadd.f32 v3, v5;
	_ =	sdelay $0x1  }
0x3cd: {  	[tilespmem:s25+$0x400] =	vst v3  }
0x3ce: {  	v3 =	vld [tilespmem:s24+$0x0]  }
0x3cf: {  	v4 =	vld.msk [tilespmem:s24+$0x10], $0x7fff;
	_ =	sdelay $0x3  }
0x3d0: {  	v3 =	vperm.xlane v3, v2  }
0x3d1: {  	v4 =	vperm.xlane v4, v2;
	v5 =	vld [tilespmem:s25+$0x420];
	_ =	sdelay $0x1  }
0x3d2: {  	v3 =	vsel vm0, v3, v4  }
0x3d3: {  	v3 =	vadd.f32 v3, v6;
	_ =	sdelay $0x1  }
0x3d4: {  	[tilespmem:s25+$0x410] =	vst v3  }
0x3d5: {  	v3 =	vld [tilespmem:s24+$0x10]  }
0x3d6: {  	v4 =	vld.msk [tilespmem:s24+$0x20], $0x7fff;
	_ =	sdelay $0x3  }
0x3d7: {  	v3 =	vperm.xlane v3, v2;
	v6 =	vld [tilespmem:s25+$0x430]  }
0x3d8: {  	v4 =	vperm.xlane v4, v2;
	_ =	sdelay $0x1  }
0x3d9: {  	v3 =	vsel vm0, v3, v4  }
0x3da: {  	v3 =	vadd.f32 v3, v5;
	_ =	sdelay $0x1  }
0x3db: {  	[tilespmem:s25+$0x420] =	vst v3  }
0x3dc: {  	v3 =	vld [tilespmem:s24+$0x20]  }
0x3dd: {  	v4 =	vld.msk [tilespmem:s24+$0x30], $0x7fff;
	_ =	sdelay $0x2  }
0x3de: {  	v5 =	vld [tilespmem:s25+$0x440]  }
0x3df: {  	v3 =	vperm.xlane v3, v2  }
0x3e0: {  	v4 =	vperm.xlane v4, v2;
	_ =	sdelay $0x1  }
0x3e1: {  	v3 =	vsel vm0, v3, v4  }
0x3e2: {  	v3 =	vadd.f32 v3, v6;
	_ =	sdelay $0x1  }
0x3e3: {  	[tilespmem:s25+$0x430] =	vst v3  }
0x3e4: {  	v3 =	vld [tilespmem:s24+$0x30]  }
0x3e5: {  	v4 =	vld.msk [tilespmem:s24+$0x40], $0x7fff;
	_ =	sdelay $0x1  }
0x3e6: {  	v6 =	vld [tilespmem:s25+$0x450];
	_ =	sdelay $0x1  }
0x3e7: {  	v3 =	vperm.xlane v3, v2  }
0x3e8: {  	v4 =	vperm.xlane v4, v2;
	_ =	sdelay $0x1  }
0x3e9: {  	v3 =	vsel vm0, v3, v4  }
0x3ea: {  	v3 =	vadd.f32 v3, v5;
	_ =	sdelay $0x1  }
0x3eb: {  	[tilespmem:s25+$0x440] =	vst v3  }
0x3ec: {  	v3 =	vld [tilespmem:s24+$0x40]  }
0x3ed: {  	v5 =	vld.msk [tilespmem:s24+$0x50], $0x7fff  }
0x3ee: {  	v4 =	vld [tilespmem:s25+$0x460];
	_ =	sdelay $0x2  }
0x3ef: {  	v3 =	vperm.xlane v3, v2  }
0x3f0: {  	v5 =	vperm.xlane v5, v2;
	_ =	sdelay $0x1  }
0x3f1: {  	v3 =	vsel vm0, v3, v5  }
0x3f2: {  	v3 =	vadd.f32 v3, v6;
	_ =	sdelay $0x1  }
0x3f3: {  	[tilespmem:s25+$0x450] =	vst v3;
	v3 =	vld [tilespmem:s25+$0x470]  }
0x3f4: {  	v5 =	vld [tilespmem:s24+$0x50]  }
0x3f5: {  	v6 =	vld.msk [tilespmem:s24+$0x60], $0x7fff  }
.Ltmp6:
0x3f6: {  	(pc) =	sbr.rel @p1 .LBB2_14-.Ltmp6, $3  }
0x3f7: {  	_ =	sdelay $0x1  }
0x3f8: {  	v5 =	vperm.xlane v5, v2  }
0x3f9: {  	v6 =	vperm.xlane v6, v2  }
0x3fa: {  	_ = 	snop  }
0x3fb: {  	v5 =	vsel vm0, v5, v6  }
0x3fc: {  	v4 =	vadd.f32 v5, v4;
	_ =	sdelay $0x1  }
0x3fd: {  	[tilespmem:s25+$0x460] =	vst v4  }
0x3fe: {  	v4 =	vld [tilespmem:s9+$0x60]  }
0x3ff: {  	v63 =	vld.msk [tilespmem:s9+$0x70], $0x7fff;
	_ =	sdelay $0x3  }
0x400: {  	s17 =	sadd.s32 $0x1, s17  }
0x401: {  	p1 =	sne.s32 s17, $0x4;
	v4 =	vperm.xlane v4, v2;
	v5 =	vperm.xlane v63, v2  }
.Ltmp7:
0x402: {  	_ = 	snop;
	(pc) =	sbr.rel @p1 .LBB2_13-.Ltmp7, $3  }
0x403: {  	v4 =	vsel vm0, v4, v5  }
0x404: {  	v3 =	vadd.f32 v4, v3;
	_ =	sdelay $0x1  }
0x405: {  	s16 =	sadd.s32 $0x100, s16;
	s23 =	sadd.s32 $0x80, s23;
	[tilespmem:s25+$0x470] =	vst v3  }
0x406: {  	p1 =	seq.s32 s7, $0x3  }
0x407: {  	s0 =	sadd.s32 @!p1 s22, s14  }
0x408: {  	s0 =	smul.u32 @!p1 $0x2800, s0;
	_ =	sdelay $0x1  }
0x409: {  	_ =	swait.ge [sflag:s31], $0xA000;
	s0 =	sadd.s32 @!p1 s5, s0  }
0x40a: {  	s7 =	sadd.s32 $0x1, s7;
	[sflag:s31] =	ssyncset.done $0x0;
	s0 =	sshrl.u32 @!p1 s0, $0x3  }
0x40b: {  	s6 =	simm.s32 @!p1 $0x0;
	[sflag:s31] =	ssyncadd.s32 $0xFFFF6000;
	s0 =	sadd.s32 @!p1 s4, s0  }
0x40c: {  	[tilespmem:s6], [sflag:$0x1] =	stream.linear.gather @!p1 [hbm4b:s0+s6], $0xA000, $0x38;
	[tilespmem:$0x1A000] =	vst v63  }
0x40d: {  	p1 =	sne.s32 s7, $0x4  }
.Ltmp8:
0x40e: {  	_ = 	snop;
	(pc) =	sbr.rel @p1 .LBB2_2-.Ltmp8, $3  }
0x40f: {  	_ =	sdelay $0x1  }
0x410: {  	s25 =	sadd.s32 s8, s15;
	s1 =	sadd.s32 $0x8, s1;
	s21 =	sadd.s32 $0x8, s21  }
0x411: {  	[hbm4b:s25+s3] =	stream.linear.scatter [tilespmem:s29], [sflag:$0x4], $0xA000, $0x38;
	[tilespmem:$0x1A000] =	vst v63  }
0x412: {  	_ =	swait.ge [sflag:s19], $0xA000  }
0x413: {  	s1 =	sld [smem:$0x7EF]  }
0x414: {  	s0 =	sld [smem:$0x7F0];
	_ =	sdelay $0x1  }
0x415: {  	s1 =	sadd.s32 $0x1, s1  }
0x416: {  	p1 =	sne.s32 s1, s0  }
.Ltmp9:
0x417: {  	_ = 	snop;
	(pc) =	sbr.rel @p1 .LBB2_1-.Ltmp9, $3  }
0x418: {  	_ =	sdelay $0x1  }
0x419: {  	[sflag:s19] =	ssyncset.done $0x0  }
0x41a: {  	[sflag:s19] =	ssyncadd.s32 $0xFFFF6000  }
0x41b: {  	_ =	sfence.sel $0x180000  }
0x41c: {  	[bflag:$0x0] =	sbarrier.arrive $0xFFFF  }
0x41d: {  	_ =	strace $0x90000047  }
0x41e: {  	s0 =	stileid.u32;
	[bflag:$0x2] =	sbarrier.arrive $0xFFFF  }
0x41f: {  	p0 =	sne.s32 s0, $0x0;
	s0 =	rddreg [dreg:$0x2]  }
0x420: {  	s0 =	sadd.s32 @!p0 $0x100000, s0  }
0x421: {  	[sflag:s0] =	ssyncadd.tile.s32 @!p0 $0x1;
	_ =	shalt  }
.Lfunc_end2:
_tile_overlayer_lowered:
.L_overlay_start_2:
0x422: {  	(tag) =	ssettag $0x2  }
0x423: {  	s0 =	rddreg [dreg:$0x0];
	s2 =	stileid.u32  }
0x424: {  	s1 =	rddreg [dreg:$0x1];
	p0 =	sne.s32 s2, $0x0  }
0x425: {  	s3 =	rddreg [dreg:$0x2];
	[bflag:$0x3] =	sbarrier.arrive $0xFFFF;
	s2 =	simm.s32 @!p0 $0x1C06  }
0x426: {  	[timem:s3], [sflag:s2] =	dma.local @!p0 [hbm:s0], s1  }
0x427: {  	s0 =	simm.s32 @!p0 $0x6  }
0x428: {  	_ =	swait.ge @!p0 [sflag:s0], s1  }
0x429: {  	s1 =	ssub.s32 @!p0 $0x0, s1;
	[sflag:s0] =	ssyncset.done @!p0 $0x0  }
0x42a: {  	[sflag:s0] =	ssyncadd.s32 @!p0 s1  }
0x42b: {  	[bflag:$0x3] =	sbarrier.arrive $0xFFFF  }
0x42c: {  	_ =	shalt  }

</sc_bundles>
